<compile_context>
chip_gen: v7x
topology: tpu7x:2x2x1
jax: 0.10.2.dev20260603
libtpu: 0.0.44.dev20260713+nightly
codegen_flags: <defaults>
</compile_context>

<pallas_src>
import dataclasses
import functools

import jax
import jax.numpy as jnp
from jax import lax
from jax.experimental import pallas as pl
from jax.experimental.pallas import tpu as pltpu
from jax.experimental.pallas import tpu_sc as plsc

_N = 10000
_D = 128
_E = 320000
_NP = 10240
_CHUNK = 64
_NSUB = 16
_NCORE = 2
_NW = _NSUB * _NCORE
_EP = 327680
_EROWS = _EP // _CHUNK
_ROWS_W = _EROWS // _NW
_NBUF = 4
_NPHASE = 4
_ACC_W = _NP // _NSUB
_BN_EPS = 1e-5
_BM = 1024
_G = _NP // _BM


def _sc_mesh():
    return plsc.VectorSubcoreMesh(core_axis_name="c", subcore_axis_name="s")


def _sc_compiler_params():
    cp = pltpu.CompilerParams()
    if "needs_layout_passes" in pltpu.CompilerParams.__dataclass_fields__:
        cp = dataclasses.replace(cp, needs_layout_passes=False)
    return cp


def _sc_degree(dst_rows):

    @functools.partial(
        pl.kernel,
        out_type=jax.ShapeDtypeStruct((_NW, _NP), jnp.float32),
        mesh=_sc_mesh(),
        compiler_params=_sc_compiler_params(),
        scratch_types=[
            pltpu.VMEM((_ROWS_W, _CHUNK), jnp.int32),
            pltpu.VMEM((_NP,), jnp.float32),
            pltpu.SemaphoreType.DMA,
            pltpu.SemaphoreType.DMA,
        ],
    )
    def k(dst_hbm, out_hbm, didx, hist, s0, s1):
        c = lax.axis_index("c")
        s = lax.axis_index("s")
        wid = c * _NSUB + s
        pltpu.async_copy(dst_hbm.at[pl.ds(wid * _ROWS_W, _ROWS_W)], didx,
                         s0).wait()

        @pl.loop(0, _NP // 16)
        def _(i):
            hist[pl.ds(i * 16, 16)] = jnp.zeros((16,), jnp.float32)

        @pl.loop(0, _ROWS_W)
        def _(j):
            @pl.loop(0, _CHUNK // 16)
            def _(kk):
                iv = didx[j, pl.ds(kk * 16, 16)]
                plsc.addupdate_scatter(hist, [iv],
                                       jnp.ones((16,), jnp.float32))

        pltpu.async_copy(hist, out_hbm.at[wid], s1).wait()

    return k(dst_rows)


def _tc_deg_reduce(deg_parts):

    def body(d_ref, o_ref):
        o_ref[...] = lax.rsqrt(
            jnp.sum(d_ref[...], axis=0, keepdims=True) + 1.0)

    return pl.pallas_call(
        body,
        grid=(_G,),
        in_specs=[pl.BlockSpec((_NW, _BM), lambda i: (0, i))],
        out_specs=pl.BlockSpec((1, _BM), lambda i: (0, i)),
        out_shape=jax.ShapeDtypeStruct((1, _NP), jnp.float32),
    )(deg_parts)


def _sc_aggregate(hp, src_rows, dst_rows):

    nbuf = _NBUF
    nphase = _NPHASE
    phr = _ROWS_W // nphase

    @functools.partial(
        pl.kernel,
        out_type=jax.ShapeDtypeStruct((2 * _NP, _D), jnp.float32),
        mesh=_sc_mesh(),
        scratch_types=(
            [pltpu.VMEM((phr, _CHUNK), jnp.int32),
             pltpu.VMEM((phr, _CHUNK), jnp.int32)]
            + [pltpu.VMEM((_CHUNK, _D), jnp.float32)] * nbuf
            + [pltpu.VMEM_SHARED((_NP, _D), jnp.float32)]
            + [pltpu.SemaphoreType.DMA] * (2 * nbuf)
        ),
    )
    def k(hp_hbm, src_hbm, dst_hbm, out_hbm, sidx, didx, *rest):
        bufs = rest[:nbuf]
        acc = rest[nbuf]
        gsem = rest[nbuf + 1:2 * nbuf + 1]
        ssem = rest[2 * nbuf + 1:]
        c = lax.axis_index("c")
        s = lax.axis_index("s")
        wid = c * _NSUB + s
        row0 = wid * _ROWS_W
        r0 = s * _ACC_W

        for ph in range(nphase):
            pltpu.sync_copy(
                src_hbm.at[pl.ds(row0 + ph * phr, phr)], sidx)
            pltpu.sync_copy(
                dst_hbm.at[pl.ds(row0 + ph * phr, phr)], didx)
            for b in range(nbuf):
                pltpu.async_copy(hp_hbm.at[sidx.at[b]], bufs[b], gsem[b])
            if ph == 0:
                pltpu.sync_copy(hp_hbm.at[pl.ds(r0, _ACC_W)],
                                acc.at[pl.ds(r0, _ACC_W)])
                plsc.subcore_barrier()

            @pl.loop(0, phr, step=nbuf)
            def _(j, ph=ph):
                for b in range(nbuf):
                    pltpu.make_async_copy(hp_hbm.at[sidx.at[j + b]],
                                          bufs[b], gsem[b]).wait()
                    pltpu.async_copy(bufs[b], acc.at[didx.at[j + b]],
                                     ssem[b], add=True)

                    @pl.when(j + b + nbuf < phr)
                    def _(b=b, j=j):
                        pltpu.make_async_copy(
                            bufs[b], acc.at[didx.at[j + b]],
                            ssem[b]).wait()
                        pltpu.async_copy(hp_hbm.at[sidx.at[j + b + nbuf]],
                                         bufs[b], gsem[b])

            for b in range(nbuf):
                last = phr - nbuf + b
                pltpu.make_async_copy(bufs[b], acc.at[didx.at[last]],
                                      ssem[b]).wait()

        plsc.subcore_barrier()
        pltpu.sync_copy(acc.at[pl.ds(r0, _ACC_W)],
                        out_hbm.at[pl.ds(c * _NP + r0, _ACC_W)])

    return k(hp, src_rows, dst_rows)


def _tc_matmul_scale(x, w, dis):

    def body(x_ref, w_ref, dis_ref, o_ref):
        o_ref[...] = jnp.dot(x_ref[...], w_ref[...],
                             preferred_element_type=jnp.float32) \
            * dis_ref[...]

    return pl.pallas_call(
        body,
        grid=(_G,),
        in_specs=[pl.BlockSpec((_BM, _D), lambda i: (i, 0)),
                  pl.BlockSpec((_D, _D), lambda i: (0, 0)),
                  pl.BlockSpec((_BM, 1), lambda i: (i, 0))],
        out_specs=pl.BlockSpec((_BM, _D), lambda i: (i, 0)),
        out_shape=jax.ShapeDtypeStruct((_NP, _D), jnp.float32),
    )(x, w, dis)


def _tc_combine_stats(parts, hp, dis, b):

    def body(p0_ref, p1_ref, hp_ref, dis_ref, b_ref, conv_ref, stats_ref,
             acc_ref):
        i = pl.program_id(0)

        @pl.when(i == 0)
        def _():
            acc_ref[...] = jnp.zeros_like(acc_ref)

        conv = (p0_ref[...] + p1_ref[...] - hp_ref[...]) * dis_ref[...] \
            + b_ref[...]
        conv_ref[...] = conv
        rows = i * _BM + lax.broadcasted_iota(jnp.int32, (_BM, 1), 0)
        cm = jnp.where(rows < _N, conv, 0.0)
        acc_ref[0:1, :] += jnp.sum(cm, axis=0, keepdims=True)
        acc_ref[1:2, :] += jnp.sum(cm * conv, axis=0, keepdims=True)

        @pl.when(i == _G - 1)
        def _():
            stats_ref[...] = acc_ref[...]

    return pl.pallas_call(
        body,
        grid=(_G,),
        in_specs=[pl.BlockSpec((_BM, _D), lambda i: (i, 0)),
                  pl.BlockSpec((_BM, _D), lambda i: (i + _G, 0)),
                  pl.BlockSpec((_BM, _D), lambda i: (i, 0)),
                  pl.BlockSpec((_BM, 1), lambda i: (i, 0)),
                  pl.BlockSpec((1, _D), lambda i: (0, 0))],
        out_specs=[pl.BlockSpec((_BM, _D), lambda i: (i, 0)),
                   pl.BlockSpec((2, _D), lambda i: (0, 0))],
        out_shape=[jax.ShapeDtypeStruct((_NP, _D), jnp.float32),
                   jax.ShapeDtypeStruct((2, _D), jnp.float32)],
        scratch_shapes=[pltpu.VMEM((2, _D), jnp.float32)],
    )(parts, parts, hp, dis, b)


def _tc_bn_matmul(conv, stats, gamma, beta, w2, dis):

    def body(conv_ref, stats_ref, g_ref, be_ref, w_ref, dis_ref, o_ref):
        mean = stats_ref[0:1, :] * (1.0 / _N)
        var = stats_ref[1:2, :] * (1.0 / _N) - mean * mean
        istd = lax.rsqrt(var + _BN_EPS)
        y = (conv_ref[...] - mean) * (istd * g_ref[...]) + be_ref[...]
        y = jnp.maximum(y, 0.0)
        h2 = jnp.dot(y, w_ref[...], preferred_element_type=jnp.float32)
        o_ref[...] = h2 * dis_ref[...]

    return pl.pallas_call(
        body,
        grid=(_G,),
        in_specs=[pl.BlockSpec((_BM, _D), lambda i: (i, 0)),
                  pl.BlockSpec((2, _D), lambda i: (0, 0)),
                  pl.BlockSpec((1, _D), lambda i: (0, 0)),
                  pl.BlockSpec((1, _D), lambda i: (0, 0)),
                  pl.BlockSpec((_D, _D), lambda i: (0, 0)),
                  pl.BlockSpec((_BM, 1), lambda i: (i, 0))],
        out_specs=pl.BlockSpec((_BM, _D), lambda i: (i, 0)),
        out_shape=jax.ShapeDtypeStruct((_NP, _D), jnp.float32),
    )(conv, stats, gamma, beta, w2, dis)


def _tc_final(parts, hp, dis, b):

    def body(p0_ref, p1_ref, hp_ref, dis_ref, b_ref, o_ref):
        o_ref[...] = (p0_ref[...] + p1_ref[...] - hp_ref[...]) \
            * dis_ref[...] + b_ref[...]

    return pl.pallas_call(
        body,
        grid=(_G,),
        in_specs=[pl.BlockSpec((_BM, _D), lambda i: (i, 0)),
                  pl.BlockSpec((_BM, _D), lambda i: (i + _G, 0)),
                  pl.BlockSpec((_BM, _D), lambda i: (i, 0)),
                  pl.BlockSpec((_BM, 1), lambda i: (i, 0)),
                  pl.BlockSpec((1, _D), lambda i: (0, 0))],
        out_specs=pl.BlockSpec((_BM, _D), lambda i: (i, 0)),
        out_shape=jax.ShapeDtypeStruct((_NP, _D), jnp.float32),
    )(parts, parts, hp, dis, b)


def kernel(node_feat, edge_index, W1, b1, gamma, beta, W2, b2):
    src = edge_index[0]
    dst = edge_index[1]
    pad = _N + (jnp.arange(_EP - _E, dtype=jnp.int32) % (_NP - _N))
    src_rows = jnp.concatenate([src, pad]).reshape(_EROWS, _CHUNK)
    dst_rows = jnp.concatenate([dst, pad]).reshape(_EROWS, _CHUNK)
    x_pad = jnp.zeros((_NP, _D), jnp.float32).at[:_N].set(node_feat)
    b1r = b1.reshape(1, _D)
    b2r = b2.reshape(1, _D)
    gr = gamma.reshape(1, _D)
    ber = beta.reshape(1, _D)

    degp = _sc_degree(dst_rows)
    dis = _tc_deg_reduce(degp).reshape(_NP, 1)
    h1p = _tc_matmul_scale(x_pad, W1, dis)
    parts1 = _sc_aggregate(h1p, src_rows, dst_rows)
    conv1, stats = _tc_combine_stats(parts1, h1p, dis, b1r)
    h2p = _tc_bn_matmul(conv1, stats, gr, ber, W2, dis)
    parts2 = _sc_aggregate(h2p, src_rows, dst_rows)
    out = _tc_final(parts2, h2p, dis, b2r)
    return out[:_N]

# --- scband reference (transcript-rebuilt; emitter-appended) ---
"""Pipeline reference for scband-gcn-7129645711835 (READ-ONLY COPY).

The authoritative reference and input builder live on the scoring server;
editing this copy changes nothing except your own understanding.
"""

import jax, jax.numpy as jnp
import numpy as np

N = 10000
E = 320000
D_IN = 128
D_HID = 128
D_OUT = 128
BN_EPS = 1e-5


def setup_inputs(seed: int = 0) -> dict:
    key = jax.random.key(seed)
    ks = jax.random.split(key, 8)
    node_feat = jax.random.normal(ks[0], (N, D_IN), dtype=jnp.float32)
    edge_index = jax.random.randint(ks[1], (2, E), 0, N, dtype=jnp.int32)
    glorot1 = float(np.sqrt(6.0 / (D_IN + D_HID)))
    glorot2 = float(np.sqrt(6.0 / (D_HID + D_OUT)))
    W1 = jax.random.uniform(ks[2], (D_IN, D_HID), dtype=jnp.float32, minval=-glorot1, maxval=glorot1)
    b1 = jnp.zeros((D_HID,), dtype=jnp.float32)
    gamma = jnp.ones((D_HID,), dtype=jnp.float32)
    beta = jnp.zeros((D_HID,), dtype=jnp.float32)
    W2 = jax.random.uniform(ks[3], (D_HID, D_OUT), dtype=jnp.float32, minval=-glorot2, maxval=glorot2)
    b2 = jnp.zeros((D_OUT,), dtype=jnp.float32)
    return {"node_feat": node_feat, "edge_index": edge_index, "W1": W1, "b1": b1,
            "gamma": gamma, "beta": beta, "W2": W2, "b2": b2}


def _gcn_conv(x, edge_index, W, b):
    # GCNConv with add_self_loops=True, normalize=True (save_mem=False)
    src = edge_index[0]
    dst = edge_index[1]
    loop = jnp.arange(N, dtype=src.dtype)
    s = jnp.concatenate([src, loop])
    d = jnp.concatenate([dst, loop])
    deg = jnp.zeros((N,), dtype=x.dtype).at[d].add(1.0)
    deg_inv_sqrt = jnp.where(deg > 0, jax.lax.rsqrt(jnp.maximum(deg, 1.0)), 0.0)
    norm = deg_inv_sqrt[s] * deg_inv_sqrt[d]
    h = x @ W
    msg = h[s] * norm[:, None]
    out = jnp.zeros((N, W.shape[1]), dtype=x.dtype).at[d].add(msg)
    return out + b


def reference(node_feat, edge_index, W1, b1, gamma, beta, W2, b2):
    x = _gcn_conv(node_feat, edge_index, W1, b1)
    # BatchNorm1d over nodes (batch statistics, biased variance as in torch training fwd)
    mean = jnp.mean(x, axis=0)
    var = jnp.mean((x - mean) ** 2, axis=0)
    x = (x - mean) / jnp.sqrt(var + BN_EPS) * gamma + beta
    x = jax.nn.relu(x)
    # dropout is identity in deterministic/eval reference
    x = _gcn_conv(x, edge_index, W2, b2)
    return x

if __name__ == "__main__":
    import jax
    _d = setup_inputs()
    print(jax.jit(kernel)(*tuple(_d.values())))

</pallas_src>

<mosaic_0001>
#map = affine_map<(d0, d1) -> (0, 0)>
module attributes {stable_mosaic.version = 14 : i64} {
  func.func @k(%arg0: i32, %arg1: i32, %arg2: memref<10240x128xf32, #tpu.memory_space<hbm>>, %arg3: memref<5120x64xi32, #tpu.memory_space<hbm>>, %arg4: memref<5120x64xi32, #tpu.memory_space<hbm>>, %arg5: memref<20480x128xf32, #tpu.memory_space<hbm>>, %arg6: memref<40x64xi32, #tpu.memory_space<vmem>>, %arg7: memref<40x64xi32, #tpu.memory_space<vmem>>, %arg8: memref<64x128xf32, #tpu.memory_space<vmem>>, %arg9: memref<64x128xf32, #tpu.memory_space<vmem>>, %arg10: memref<64x128xf32, #tpu.memory_space<vmem>>, %arg11: memref<64x128xf32, #tpu.memory_space<vmem>>, %arg12: memref<10240x128xf32, #tpu.memory_space<vmem_shared>>, %arg13: memref<!tpu.dma_semaphore, #tpu.memory_space<semaphore_mem>>, %arg14: memref<!tpu.dma_semaphore, #tpu.memory_space<semaphore_mem>>, %arg15: memref<!tpu.dma_semaphore, #tpu.memory_space<semaphore_mem>>, %arg16: memref<!tpu.dma_semaphore, #tpu.memory_space<semaphore_mem>>, %arg17: memref<!tpu.dma_semaphore, #tpu.memory_space<semaphore_mem>>, %arg18: memref<!tpu.dma_semaphore, #tpu.memory_space<semaphore_mem>>, %arg19: memref<!tpu.dma_semaphore, #tpu.memory_space<semaphore_mem>>, %arg20: memref<!tpu.dma_semaphore, #tpu.memory_space<semaphore_mem>>) attributes {dimension_semantics = [#tpu.dimension_semantics<core_parallel>, #tpu.dimension_semantics<subcore_parallel>], iteration_bounds = array<i64: 2, 16>, scalar_prefetch = 0 : i64, scratch_operands = 15 : i64, tpu.core_type = #tpu.core_type<sc_vector_subcore>, window_params = [{transform_indices = #map}, {transform_indices = #map}, {transform_indices = #map}, {transform_indices = #map}]} {
    %mul3A = arith.constant 16 : i32
    %mul3A_0 = arith.muli %arg0, %mul3A : i32
    %add3A = arith.addi %mul3A_0, %arg1 : i32
    %mul3A_1 = arith.constant 160 : i32
    %mul3A_2 = arith.muli %add3A, %mul3A_1 : i32
    %mul3A_3 = arith.constant 640 : i32
    %mul3A_4 = arith.muli %arg1, %mul3A_3 : i32
    %add3A_5 = arith.constant 0 : i32
    %add3A_6 = arith.addi %mul3A_2, %add3A_5 : i32
    "tpu.region"() ({
      %run_scoped3A = tpu.sem_alloc : memref<!tpu.dma_semaphore, #tpu.memory_space<semaphore_mem>>
      %dma_start3A_266 = arith.constant 0 : i32
      %dma_start3A_267 = tpu.memref_slice %arg3[%add3A_6, %dma_start3A_266] : memref<5120x64xi32, #tpu.memory_space<hbm>> -> memref<40x64xi32, #tpu.memory_space<hbm>>
      %dma_start3A_268 = arith.constant 0 : i32
      %dma_start3A_269 = tpu.memref_slice %arg3[%add3A_6, %dma_start3A_268] : memref<5120x64xi32, #tpu.memory_space<hbm>> -> memref<40x64xi32, #tpu.memory_space<hbm>>
      tpu.enqueue_dma source(%dma_start3A_269 : memref<40x64xi32, #tpu.memory_space<hbm>>) target(%arg6 : memref<40x64xi32, #tpu.memory_space<vmem>>) target_semaphore(%run_scoped3A : memref<!tpu.dma_semaphore, #tpu.memory_space<semaphore_mem>>)
      %dma_wait3A_270 = arith.constant 0 : i32
      %dma_wait3A_271 = tpu.memref_slice %arg3[%add3A_6, %dma_wait3A_270] : memref<5120x64xi32, #tpu.memory_space<hbm>> -> memref<40x64xi32, #tpu.memory_space<hbm>>
      %dma_wait3A_272 = arith.constant 0 : i32
      %dma_wait3A_273 = tpu.memref_slice %arg3[%add3A_6, %dma_wait3A_272] : memref<5120x64xi32, #tpu.memory_space<hbm>> -> memref<40x64xi32, #tpu.memory_space<hbm>>
      tpu.wait_dma2 semaphore(%run_scoped3A : memref<!tpu.dma_semaphore, #tpu.memory_space<semaphore_mem>>) src(%dma_wait3A_273 : memref<40x64xi32, #tpu.memory_space<hbm>>) dst(%arg6 : memref<40x64xi32, #tpu.memory_space<vmem>>)
      tpu.yield
    }) : () -> ()
    %add3A_7 = arith.constant 0 : i32
    %add3A_8 = arith.addi %mul3A_2, %add3A_7 : i32
    "tpu.region"() ({
      %run_scoped3A = tpu.sem_alloc : memref<!tpu.dma_semaphore, #tpu.memory_space<semaphore_mem>>
      %dma_start3A_266 = arith.constant 0 : i32
      %dma_start3A_267 = tpu.memref_slice %arg4[%add3A_8, %dma_start3A_266] : memref<5120x64xi32, #tpu.memory_space<hbm>> -> memref<40x64xi32, #tpu.memory_space<hbm>>
      %dma_start3A_268 = arith.constant 0 : i32
      %dma_start3A_269 = tpu.memref_slice %arg4[%add3A_8, %dma_start3A_268] : memref<5120x64xi32, #tpu.memory_space<hbm>> -> memref<40x64xi32, #tpu.memory_space<hbm>>
      tpu.enqueue_dma source(%dma_start3A_269 : memref<40x64xi32, #tpu.memory_space<hbm>>) target(%arg7 : memref<40x64xi32, #tpu.memory_space<vmem>>) target_semaphore(%run_scoped3A : memref<!tpu.dma_semaphore, #tpu.memory_space<semaphore_mem>>)
      %dma_wait3A_270 = arith.constant 0 : i32
      %dma_wait3A_271 = tpu.memref_slice %arg4[%add3A_8, %dma_wait3A_270] : memref<5120x64xi32, #tpu.memory_space<hbm>> -> memref<40x64xi32, #tpu.memory_space<hbm>>
      %dma_wait3A_272 = arith.constant 0 : i32
      %dma_wait3A_273 = tpu.memref_slice %arg4[%add3A_8, %dma_wait3A_272] : memref<5120x64xi32, #tpu.memory_space<hbm>> -> memref<40x64xi32, #tpu.memory_space<hbm>>
      tpu.wait_dma2 semaphore(%run_scoped3A : memref<!tpu.dma_semaphore, #tpu.memory_space<semaphore_mem>>) src(%dma_wait3A_273 : memref<40x64xi32, #tpu.memory_space<hbm>>) dst(%arg7 : memref<40x64xi32, #tpu.memory_space<vmem>>)
      tpu.yield
    }) : () -> ()
    %dma_start3A = arith.constant 0 : i32
    %dma_start3A_9 = arith.constant 0 : i32
    %dma_start3A_10 = tpu.memref_slice %arg6[%dma_start3A, %dma_start3A_9] : memref<40x64xi32, #tpu.memory_space<vmem>> -> memref<1x64xi32, #tpu.memory_space<vmem>>
    %dma_start3A_11 = tpu.memref_squeeze %dma_start3A_10 : memref<1x64xi32, #tpu.memory_space<vmem>> -> memref<64xi32, #tpu.memory_space<vmem>>
    %dma_start3A_12 = arith.constant 0 : i32
    %dma_start3A_13 = arith.constant 0 : i32
    %dma_start3A_14 = tpu.memref_slice %arg2[%dma_start3A_12, %dma_start3A_13] : memref<10240x128xf32, #tpu.memory_space<hbm>> -> memref<10240x128xf32, #tpu.memory_space<hbm>>
    tpu.enqueue_indirect_dma source(%dma_start3A_14 : memref<10240x128xf32, #tpu.memory_space<hbm>>) target(%arg8 : memref<64x128xf32, #tpu.memory_space<vmem>>) offsets(%dma_start3A_11 : memref<64xi32, #tpu.memory_space<vmem>>) semaphore(%arg13 : memref<!tpu.dma_semaphore, #tpu.memory_space<semaphore_mem>>)
    %dma_start3A_15 = arith.constant 1 : i32
    %dma_start3A_16 = arith.constant 0 : i32
    %dma_start3A_17 = tpu.memref_slice %arg6[%dma_start3A_15, %dma_start3A_16] : memref<40x64xi32, #tpu.memory_space<vmem>> -> memref<1x64xi32, #tpu.memory_space<vmem>>
    %dma_start3A_18 = tpu.memref_squeeze %dma_start3A_17 : memref<1x64xi32, #tpu.memory_space<vmem>> -> memref<64xi32, #tpu.memory_space<vmem>>
    %dma_start3A_19 = arith.constant 0 : i32
    %dma_start3A_20 = arith.constant 0 : i32
    %dma_start3A_21 = tpu.memref_slice %arg2[%dma_start3A_19, %dma_start3A_20] : memref<10240x128xf32, #tpu.memory_space<hbm>> -> memref<10240x128xf32, #tpu.memory_space<hbm>>
    tpu.enqueue_indirect_dma source(%dma_start3A_21 : memref<10240x128xf32, #tpu.memory_space<hbm>>) target(%arg9 : memref<64x128xf32, #tpu.memory_space<vmem>>) offsets(%dma_start3A_18 : memref<64xi32, #tpu.memory_space<vmem>>) semaphore(%arg14 : memref<!tpu.dma_semaphore, #tpu.memory_space<semaphore_mem>>)
    %dma_start3A_22 = arith.constant 2 : i32
    %dma_start3A_23 = arith.constant 0 : i32
    %dma_start3A_24 = tpu.memref_slice %arg6[%dma_start3A_22, %dma_start3A_23] : memref<40x64xi32, #tpu.memory_space<vmem>> -> memref<1x64xi32, #tpu.memory_space<vmem>>
    %dma_start3A_25 = tpu.memref_squeeze %dma_start3A_24 : memref<1x64xi32, #tpu.memory_space<vmem>> -> memref<64xi32, #tpu.memory_space<vmem>>
    %dma_start3A_26 = arith.constant 0 : i32
    %dma_start3A_27 = arith.constant 0 : i32
    %dma_start3A_28 = tpu.memref_slice %arg2[%dma_start3A_26, %dma_start3A_27] : memref<10240x128xf32, #tpu.memory_space<hbm>> -> memref<10240x128xf32, #tpu.memory_space<hbm>>
    tpu.enqueue_indirect_dma source(%dma_start3A_28 : memref<10240x128xf32, #tpu.memory_space<hbm>>) target(%arg10 : memref<64x128xf32, #tpu.memory_space<vmem>>) offsets(%dma_start3A_25 : memref<64xi32, #tpu.memory_space<vmem>>) semaphore(%arg15 : memref<!tpu.dma_semaphore, #tpu.memory_space<semaphore_mem>>)
    %dma_start3A_29 = arith.constant 3 : i32
    %dma_start3A_30 = arith.constant 0 : i32
    %dma_start3A_31 = tpu.memref_slice %arg6[%dma_start3A_29, %dma_start3A_30] : memref<40x64xi32, #tpu.memory_space<vmem>> -> memref<1x64xi32, #tpu.memory_space<vmem>>
    %dma_start3A_32 = tpu.memref_squeeze %dma_start3A_31 : memref<1x64xi32, #tpu.memory_space<vmem>> -> memref<64xi32, #tpu.memory_space<vmem>>
    %dma_start3A_33 = arith.constant 0 : i32
    %dma_start3A_34 = arith.constant 0 : i32
    %dma_start3A_35 = tpu.memref_slice %arg2[%dma_start3A_33, %dma_start3A_34] : memref<10240x128xf32, #tpu.memory_space<hbm>> -> memref<10240x128xf32, #tpu.memory_space<hbm>>
    tpu.enqueue_indirect_dma source(%dma_start3A_35 : memref<10240x128xf32, #tpu.memory_space<hbm>>) target(%arg11 : memref<64x128xf32, #tpu.memory_space<vmem>>) offsets(%dma_start3A_32 : memref<64xi32, #tpu.memory_space<vmem>>) semaphore(%arg16 : memref<!tpu.dma_semaphore, #tpu.memory_space<semaphore_mem>>)
    "tpu.region"() ({
      %run_scoped3A = tpu.sem_alloc : memref<!tpu.dma_semaphore, #tpu.memory_space<semaphore_mem>>
      %dma_start3A_266 = arith.constant 0 : i32
      %dma_start3A_267 = tpu.memref_slice %arg12[%mul3A_4, %dma_start3A_266] : memref<10240x128xf32, #tpu.memory_space<vmem_shared>> -> memref<640x128xf32, #tpu.memory_space<vmem_shared>>
      %dma_start3A_268 = arith.constant 0 : i32
      %dma_start3A_269 = tpu.memref_slice %arg2[%mul3A_4, %dma_start3A_268] : memref<10240x128xf32, #tpu.memory_space<hbm>> -> memref<640x128xf32, #tpu.memory_space<hbm>>
      tpu.enqueue_dma source(%dma_start3A_269 : memref<640x128xf32, #tpu.memory_space<hbm>>) target(%dma_start3A_267 : memref<640x128xf32, #tpu.memory_space<vmem_shared>>) target_semaphore(%run_scoped3A : memref<!tpu.dma_semaphore, #tpu.memory_space<semaphore_mem>>)
      %dma_wait3A_270 = arith.constant 0 : i32
      %dma_wait3A_271 = tpu.memref_slice %arg12[%mul3A_4, %dma_wait3A_270] : memref<10240x128xf32, #tpu.memory_space<vmem_shared>> -> memref<640x128xf32, #tpu.memory_space<vmem_shared>>
      %dma_wait3A_272 = arith.constant 0 : i32
      %dma_wait3A_273 = tpu.memref_slice %arg2[%mul3A_4, %dma_wait3A_272] : memref<10240x128xf32, #tpu.memory_space<hbm>> -> memref<640x128xf32, #tpu.memory_space<hbm>>
      tpu.wait_dma2 semaphore(%run_scoped3A : memref<!tpu.dma_semaphore, #tpu.memory_space<semaphore_mem>>) src(%dma_wait3A_273 : memref<640x128xf32, #tpu.memory_space<hbm>>) dst(%dma_wait3A_271 : memref<640x128xf32, #tpu.memory_space<vmem_shared>>)
      tpu.yield
    }) : () -> ()
    %barrier3A = arith.constant 0 : index
    tpu.barrier barrier_id(%barrier3A)
    %scan3A = arith.constant 0 : i32
    %scan3A_36 = arith.constant 10 : i32
    %scan3A_37 = arith.addi %scan3A, %scan3A_36 : i32
    %scan3A_38 = arith.constant 1 : i32
    scf.for %scan3A_266 = %scan3A to %scan3A_37 step %scan3A_38  : i32 {
      %mul3A_267 = arith.constant 4 : i32
      %mul3A_268 = arith.muli %scan3A_266, %mul3A_267 : i32
      %add3A_269 = arith.constant 0 : i32
      %add3A_270 = arith.addi %add3A_269, %mul3A_268 : i32
      %add3A_271 = arith.constant 0 : i32
      %add3A_272 = arith.addi %add3A_270, %add3A_271 : i32
      %dma_wait3A_273 = arith.constant 0 : i32
      %dma_wait3A_274 = tpu.memref_slice %arg6[%add3A_272, %dma_wait3A_273] : memref<40x64xi32, #tpu.memory_space<vmem>> -> memref<1x64xi32, #tpu.memory_space<vmem>>
      %dma_wait3A_275 = tpu.memref_squeeze %dma_wait3A_274 : memref<1x64xi32, #tpu.memory_space<vmem>> -> memref<64xi32, #tpu.memory_space<vmem>>
      %dma_wait3A_276 = arith.constant 0 : i32
      %dma_wait3A_277 = arith.constant 0 : i32
      %dma_wait3A_278 = tpu.memref_slice %arg2[%dma_wait3A_276, %dma_wait3A_277] : memref<10240x128xf32, #tpu.memory_space<hbm>> -> memref<10240x128xf32, #tpu.memory_space<hbm>>
      tpu.wait_indirect_dma semaphore(%arg13 : memref<!tpu.dma_semaphore, #tpu.memory_space<semaphore_mem>>) src(%dma_wait3A_278 : memref<10240x128xf32, #tpu.memory_space<hbm>>) dst(%arg8 : memref<64x128xf32, #tpu.memory_space<vmem>>)
      %add3A_279 = arith.constant 0 : i32
      %add3A_280 = arith.addi %add3A_270, %add3A_279 : i32
      %dma_start3A_281 = arith.constant 0 : i32
      %dma_start3A_282 = tpu.memref_slice %arg7[%add3A_280, %dma_start3A_281] : memref<40x64xi32, #tpu.memory_space<vmem>> -> memref<1x64xi32, #tpu.memory_space<vmem>>
      %dma_start3A_283 = tpu.memref_squeeze %dma_start3A_282 : memref<1x64xi32, #tpu.memory_space<vmem>> -> memref<64xi32, #tpu.memory_space<vmem>>
      %dma_start3A_284 = arith.constant 0 : i32
      %dma_start3A_285 = arith.constant 0 : i32
      %dma_start3A_286 = tpu.memref_slice %arg12[%dma_start3A_284, %dma_start3A_285] : memref<10240x128xf32, #tpu.memory_space<vmem_shared>> -> memref<10240x128xf32, #tpu.memory_space<vmem_shared>>
      tpu.enqueue_indirect_dma source(%arg8 : memref<64x128xf32, #tpu.memory_space<vmem>>) target(%dma_start3A_286 : memref<10240x128xf32, #tpu.memory_space<vmem_shared>>) offsets(%dma_start3A_283 : memref<64xi32, #tpu.memory_space<vmem>>) semaphore(%arg17 : memref<!tpu.dma_semaphore, #tpu.memory_space<semaphore_mem>>) {add = true}
      %add3A_287 = arith.constant 0 : i32
      %add3A_288 = arith.addi %add3A_270, %add3A_287 : i32
      %add3A_289 = arith.constant 4 : i32
      %add3A_290 = arith.addi %add3A_288, %add3A_289 : i32
      %lt3A = arith.constant 40 : i32
      %lt3A_291 = arith.cmpi slt, %add3A_290, %lt3A : i32
      %convert_element_type3A = arith.extui %lt3A_291 : i1 to i32
      %cond3A = arith.constant 0 : i32
      %cond3A_292 = arith.cmpi ne, %convert_element_type3A, %cond3A : i32
      scf.if %cond3A_292 {
        %add3A_368 = arith.constant 0 : i32
        %add3A_369 = arith.addi %add3A_270, %add3A_368 : i32
        %dma_wait3A_370 = arith.constant 0 : i32
        %dma_wait3A_371 = tpu.memref_slice %arg7[%add3A_369, %dma_wait3A_370] : memref<40x64xi32, #tpu.memory_space<vmem>> -> memref<1x64xi32, #tpu.memory_space<vmem>>
        %dma_wait3A_372 = tpu.memref_squeeze %dma_wait3A_371 : memref<1x64xi32, #tpu.memory_space<vmem>> -> memref<64xi32, #tpu.memory_space<vmem>>
        %dma_wait3A_373 = arith.constant 0 : i32
        %dma_wait3A_374 = arith.constant 0 : i32
        %dma_wait3A_375 = tpu.memref_slice %arg12[%dma_wait3A_373, %dma_wait3A_374] : memref<10240x128xf32, #tpu.memory_space<vmem_shared>> -> memref<10240x128xf32, #tpu.memory_space<vmem_shared>>
        tpu.wait_indirect_dma semaphore(%arg17 : memref<!tpu.dma_semaphore, #tpu.memory_space<semaphore_mem>>) src(%arg8 : memref<64x128xf32, #tpu.memory_space<vmem>>) dst(%dma_wait3A_375 : memref<10240x128xf32, #tpu.memory_space<vmem_shared>>)
        %add3A_376 = arith.constant 0 : i32
        %add3A_377 = arith.addi %add3A_270, %add3A_376 : i32
        %add3A_378 = arith.constant 4 : i32
        %add3A_379 = arith.addi %add3A_377, %add3A_378 : i32
        %dma_start3A_380 = arith.constant 0 : i32
        %dma_start3A_381 = tpu.memref_slice %arg6[%add3A_379, %dma_start3A_380] : memref<40x64xi32, #tpu.memory_space<vmem>> -> memref<1x64xi32, #tpu.memory_space<vmem>>
        %dma_start3A_382 = tpu.memref_squeeze %dma_start3A_381 : memref<1x64xi32, #tpu.memory_space<vmem>> -> memref<64xi32, #tpu.memory_space<vmem>>
        %dma_start3A_383 = arith.constant 0 : i32
        %dma_start3A_384 = arith.constant 0 : i32
        %dma_start3A_385 = tpu.memref_slice %arg2[%dma_start3A_383, %dma_start3A_384] : memref<10240x128xf32, #tpu.memory_space<hbm>> -> memref<10240x128xf32, #tpu.memory_space<hbm>>
        tpu.enqueue_indirect_dma source(%dma_start3A_385 : memref<10240x128xf32, #tpu.memory_space<hbm>>) target(%arg8 : memref<64x128xf32, #tpu.memory_space<vmem>>) offsets(%dma_start3A_382 : memref<64xi32, #tpu.memory_space<vmem>>) semaphore(%arg13 : memref<!tpu.dma_semaphore, #tpu.memory_space<semaphore_mem>>)
      } else {
      }
      %add3A_293 = arith.constant 1 : i32
      %add3A_294 = arith.addi %add3A_270, %add3A_293 : i32
      %dma_wait3A_295 = arith.constant 0 : i32
      %dma_wait3A_296 = tpu.memref_slice %arg6[%add3A_294, %dma_wait3A_295] : memref<40x64xi32, #tpu.memory_space<vmem>> -> memref<1x64xi32, #tpu.memory_space<vmem>>
      %dma_wait3A_297 = tpu.memref_squeeze %dma_wait3A_296 : memref<1x64xi32, #tpu.memory_space<vmem>> -> memref<64xi32, #tpu.memory_space<vmem>>
      %dma_wait3A_298 = arith.constant 0 : i32
      %dma_wait3A_299 = arith.constant 0 : i32
      %dma_wait3A_300 = tpu.memref_slice %arg2[%dma_wait3A_298, %dma_wait3A_299] : memref<10240x128xf32, #tpu.memory_space<hbm>> -> memref<10240x128xf32, #tpu.memory_space<hbm>>
      tpu.wait_indirect_dma semaphore(%arg14 : memref<!tpu.dma_semaphore, #tpu.memory_space<semaphore_mem>>) src(%dma_wait3A_300 : memref<10240x128xf32, #tpu.memory_space<hbm>>) dst(%arg9 : memref<64x128xf32, #tpu.memory_space<vmem>>)
      %add3A_301 = arith.constant 1 : i32
      %add3A_302 = arith.addi %add3A_270, %add3A_301 : i32
      %dma_start3A_303 = arith.constant 0 : i32
      %dma_start3A_304 = tpu.memref_slice %arg7[%add3A_302, %dma_start3A_303] : memref<40x64xi32, #tpu.memory_space<vmem>> -> memref<1x64xi32, #tpu.memory_space<vmem>>
      %dma_start3A_305 = tpu.memref_squeeze %dma_start3A_304 : memref<1x64xi32, #tpu.memory_space<vmem>> -> memref<64xi32, #tpu.memory_space<vmem>>
      %dma_start3A_306 = arith.constant 0 : i32
      %dma_start3A_307 = arith.constant 0 : i32
      %dma_start3A_308 = tpu.memref_slice %arg12[%dma_start3A_306, %dma_start3A_307] : memref<10240x128xf32, #tpu.memory_space<vmem_shared>> -> memref<10240x128xf32, #tpu.memory_space<vmem_shared>>
      tpu.enqueue_indirect_dma source(%arg9 : memref<64x128xf32, #tpu.memory_space<vmem>>) target(%dma_start3A_308 : memref<10240x128xf32, #tpu.memory_space<vmem_shared>>) offsets(%dma_start3A_305 : memref<64xi32, #tpu.memory_space<vmem>>) semaphore(%arg18 : memref<!tpu.dma_semaphore, #tpu.memory_space<semaphore_mem>>) {add = true}
      %add3A_309 = arith.constant 1 : i32
      %add3A_310 = arith.addi %add3A_270, %add3A_309 : i32
      %add3A_311 = arith.constant 4 : i32
      %add3A_312 = arith.addi %add3A_310, %add3A_311 : i32
      %lt3A_313 = arith.constant 40 : i32
      %lt3A_314 = arith.cmpi slt, %add3A_312, %lt3A_313 : i32
      %convert_element_type3A_315 = arith.extui %lt3A_314 : i1 to i32
      %cond3A_316 = arith.constant 0 : i32
      %cond3A_317 = arith.cmpi ne, %convert_element_type3A_315, %cond3A_316 : i32
      scf.if %cond3A_317 {
        %add3A_368 = arith.constant 1 : i32
        %add3A_369 = arith.addi %add3A_270, %add3A_368 : i32
        %dma_wait3A_370 = arith.constant 0 : i32
        %dma_wait3A_371 = tpu.memref_slice %arg7[%add3A_369, %dma_wait3A_370] : memref<40x64xi32, #tpu.memory_space<vmem>> -> memref<1x64xi32, #tpu.memory_space<vmem>>
        %dma_wait3A_372 = tpu.memref_squeeze %dma_wait3A_371 : memref<1x64xi32, #tpu.memory_space<vmem>> -> memref<64xi32, #tpu.memory_space<vmem>>
        %dma_wait3A_373 = arith.constant 0 : i32
        %dma_wait3A_374 = arith.constant 0 : i32
        %dma_wait3A_375 = tpu.memref_slice %arg12[%dma_wait3A_373, %dma_wait3A_374] : memref<10240x128xf32, #tpu.memory_space<vmem_shared>> -> memref<10240x128xf32, #tpu.memory_space<vmem_shared>>
        tpu.wait_indirect_dma semaphore(%arg18 : memref<!tpu.dma_semaphore, #tpu.memory_space<semaphore_mem>>) src(%arg9 : memref<64x128xf32, #tpu.memory_space<vmem>>) dst(%dma_wait3A_375 : memref<10240x128xf32, #tpu.memory_space<vmem_shared>>)
        %add3A_376 = arith.constant 1 : i32
        %add3A_377 = arith.addi %add3A_270, %add3A_376 : i32
        %add3A_378 = arith.constant 4 : i32
        %add3A_379 = arith.addi %add3A_377, %add3A_378 : i32
        %dma_start3A_380 = arith.constant 0 : i32
        %dma_start3A_381 = tpu.memref_slice %arg6[%add3A_379, %dma_start3A_380] : memref<40x64xi32, #tpu.memory_space<vmem>> -> memref<1x64xi32, #tpu.memory_space<vmem>>
        %dma_start3A_382 = tpu.memref_squeeze %dma_start3A_381 : memref<1x64xi32, #tpu.memory_space<vmem>> -> memref<64xi32, #tpu.memory_space<vmem>>
        %dma_start3A_383 = arith.constant 0 : i32
        %dma_start3A_384 = arith.constant 0 : i32
        %dma_start3A_385 = tpu.memref_slice %arg2[%dma_start3A_383, %dma_start3A_384] : memref<10240x128xf32, #tpu.memory_space<hbm>> -> memref<10240x128xf32, #tpu.memory_space<hbm>>
        tpu.enqueue_indirect_dma source(%dma_start3A_385 : memref<10240x128xf32, #tpu.memory_space<hbm>>) target(%arg9 : memref<64x128xf32, #tpu.memory_space<vmem>>) offsets(%dma_start3A_382 : memref<64xi32, #tpu.memory_space<vmem>>) semaphore(%arg14 : memref<!tpu.dma_semaphore, #tpu.memory_space<semaphore_mem>>)
      } else {
      }
      %add3A_318 = arith.constant 2 : i32
      %add3A_319 = arith.addi %add3A_270, %add3A_318 : i32
      %dma_wait3A_320 = arith.constant 0 : i32
      %dma_wait3A_321 = tpu.memref_slice %arg6[%add3A_319, %dma_wait3A_320] : memref<40x64xi32, #tpu.memory_space<vmem>> -> memref<1x64xi32, #tpu.memory_space<vmem>>
      %dma_wait3A_322 = tpu.memref_squeeze %dma_wait3A_321 : memref<1x64xi32, #tpu.memory_space<vmem>> -> memref<64xi32, #tpu.memory_space<vmem>>
      %dma_wait3A_323 = arith.constant 0 : i32
      %dma_wait3A_324 = arith.constant 0 : i32
      %dma_wait3A_325 = tpu.memref_slice %arg2[%dma_wait3A_323, %dma_wait3A_324] : memref<10240x128xf32, #tpu.memory_space<hbm>> -> memref<10240x128xf32, #tpu.memory_space<hbm>>
      tpu.wait_indirect_dma semaphore(%arg15 : memref<!tpu.dma_semaphore, #tpu.memory_space<semaphore_mem>>) src(%dma_wait3A_325 : memref<10240x128xf32, #tpu.memory_space<hbm>>) dst(%arg10 : memref<64x128xf32, #tpu.memory_space<vmem>>)
      %add3A_326 = arith.constant 2 : i32
      %add3A_327 = arith.addi %add3A_270, %add3A_326 : i32
      %dma_start3A_328 = arith.constant 0 : i32
      %dma_start3A_329 = tpu.memref_slice %arg7[%add3A_327, %dma_start3A_328] : memref<40x64xi32, #tpu.memory_space<vmem>> -> memref<1x64xi32, #tpu.memory_space<vmem>>
      %dma_start3A_330 = tpu.memref_squeeze %dma_start3A_329 : memref<1x64xi32, #tpu.memory_space<vmem>> -> memref<64xi32, #tpu.memory_space<vmem>>
      %dma_start3A_331 = arith.constant 0 : i32
      %dma_start3A_332 = arith.constant 0 : i32
      %dma_start3A_333 = tpu.memref_slice %arg12[%dma_start3A_331, %dma_start3A_332] : memref<10240x128xf32, #tpu.memory_space<vmem_shared>> -> memref<10240x128xf32, #tpu.memory_space<vmem_shared>>
      tpu.enqueue_indirect_dma source(%arg10 : memref<64x128xf32, #tpu.memory_space<vmem>>) target(%dma_start3A_333 : memref<10240x128xf32, #tpu.memory_space<vmem_shared>>) offsets(%dma_start3A_330 : memref<64xi32, #tpu.memory_space<vmem>>) semaphore(%arg19 : memref<!tpu.dma_semaphore, #tpu.memory_space<semaphore_mem>>) {add = true}
      %add3A_334 = arith.constant 2 : i32
      %add3A_335 = arith.addi %add3A_270, %add3A_334 : i32
      %add3A_336 = arith.constant 4 : i32
      %add3A_337 = arith.addi %add3A_335, %add3A_336 : i32
      %lt3A_338 = arith.constant 40 : i32
      %lt3A_339 = arith.cmpi slt, %add3A_337, %lt3A_338 : i32
      %convert_element_type3A_340 = arith.extui %lt3A_339 : i1 to i32
      %cond3A_341 = arith.constant 0 : i32
      %cond3A_342 = arith.cmpi ne, %convert_element_type3A_340, %cond3A_341 : i32
      scf.if %cond3A_342 {
        %add3A_368 = arith.constant 2 : i32
        %add3A_369 = arith.addi %add3A_270, %add3A_368 : i32
        %dma_wait3A_370 = arith.constant 0 : i32
        %dma_wait3A_371 = tpu.memref_slice %arg7[%add3A_369, %dma_wait3A_370] : memref<40x64xi32, #tpu.memory_space<vmem>> -> memref<1x64xi32, #tpu.memory_space<vmem>>
        %dma_wait3A_372 = tpu.memref_squeeze %dma_wait3A_371 : memref<1x64xi32, #tpu.memory_space<vmem>> -> memref<64xi32, #tpu.memory_space<vmem>>
        %dma_wait3A_373 = arith.constant 0 : i32
        %dma_wait3A_374 = arith.constant 0 : i32
        %dma_wait3A_375 = tpu.memref_slice %arg12[%dma_wait3A_373, %dma_wait3A_374] : memref<10240x128xf32, #tpu.memory_space<vmem_shared>> -> memref<10240x128xf32, #tpu.memory_space<vmem_shared>>
        tpu.wait_indirect_dma semaphore(%arg19 : memref<!tpu.dma_semaphore, #tpu.memory_space<semaphore_mem>>) src(%arg10 : memref<64x128xf32, #tpu.memory_space<vmem>>) dst(%dma_wait3A_375 : memref<10240x128xf32, #tpu.memory_space<vmem_shared>>)
        %add3A_376 = arith.constant 2 : i32
        %add3A_377 = arith.addi %add3A_270, %add3A_376 : i32
        %add3A_378 = arith.constant 4 : i32
        %add3A_379 = arith.addi %add3A_377, %add3A_378 : i32
        %dma_start3A_380 = arith.constant 0 : i32
        %dma_start3A_381 = tpu.memref_slice %arg6[%add3A_379, %dma_start3A_380] : memref<40x64xi32, #tpu.memory_space<vmem>> -> memref<1x64xi32, #tpu.memory_space<vmem>>
        %dma_start3A_382 = tpu.memref_squeeze %dma_start3A_381 : memref<1x64xi32, #tpu.memory_space<vmem>> -> memref<64xi32, #tpu.memory_space<vmem>>
        %dma_start3A_383 = arith.constant 0 : i32
        %dma_start3A_384 = arith.constant 0 : i32
        %dma_start3A_385 = tpu.memref_slice %arg2[%dma_start3A_383, %dma_start3A_384] : memref<10240x128xf32, #tpu.memory_space<hbm>> -> memref<10240x128xf32, #tpu.memory_space<hbm>>
        tpu.enqueue_indirect_dma source(%dma_start3A_385 : memref<10240x128xf32, #tpu.memory_space<hbm>>) target(%arg10 : memref<64x128xf32, #tpu.memory_space<vmem>>) offsets(%dma_start3A_382 : memref<64xi32, #tpu.memory_space<vmem>>) semaphore(%arg15 : memref<!tpu.dma_semaphore, #tpu.memory_space<semaphore_mem>>)
      } else {
      }
      %add3A_343 = arith.constant 3 : i32
      %add3A_344 = arith.addi %add3A_270, %add3A_343 : i32
      %dma_wait3A_345 = arith.constant 0 : i32
      %dma_wait3A_346 = tpu.memref_slice %arg6[%add3A_344, %dma_wait3A_345] : memref<40x64xi32, #tpu.memory_space<vmem>> -> memref<1x64xi32, #tpu.memory_space<vmem>>
      %dma_wait3A_347 = tpu.memref_squeeze %dma_wait3A_346 : memref<1x64xi32, #tpu.memory_space<vmem>> -> memref<64xi32, #tpu.memory_space<vmem>>
      %dma_wait3A_348 = arith.constant 0 : i32
      %dma_wait3A_349 = arith.constant 0 : i32
      %dma_wait3A_350 = tpu.memref_slice %arg2[%dma_wait3A_348, %dma_wait3A_349] : memref<10240x128xf32, #tpu.memory_space<hbm>> -> memref<10240x128xf32, #tpu.memory_space<hbm>>
      tpu.wait_indirect_dma semaphore(%arg16 : memref<!tpu.dma_semaphore, #tpu.memory_space<semaphore_mem>>) src(%dma_wait3A_350 : memref<10240x128xf32, #tpu.memory_space<hbm>>) dst(%arg11 : memref<64x128xf32, #tpu.memory_space<vmem>>)
      %add3A_351 = arith.constant 3 : i32
      %add3A_352 = arith.addi %add3A_270, %add3A_351 : i32
      %dma_start3A_353 = arith.constant 0 : i32
      %dma_start3A_354 = tpu.memref_slice %arg7[%add3A_352, %dma_start3A_353] : memref<40x64xi32, #tpu.memory_space<vmem>> -> memref<1x64xi32, #tpu.memory_space<vmem>>
      %dma_start3A_355 = tpu.memref_squeeze %dma_start3A_354 : memref<1x64xi32, #tpu.memory_space<vmem>> -> memref<64xi32, #tpu.memory_space<vmem>>
      %dma_start3A_356 = arith.constant 0 : i32
      %dma_start3A_357 = arith.constant 0 : i32
      %dma_start3A_358 = tpu.memref_slice %arg12[%dma_start3A_356, %dma_start3A_357] : memref<10240x128xf32, #tpu.memory_space<vmem_shared>> -> memref<10240x128xf32, #tpu.memory_space<vmem_shared>>
      tpu.enqueue_indirect_dma source(%arg11 : memref<64x128xf32, #tpu.memory_space<vmem>>) target(%dma_start3A_358 : memref<10240x128xf32, #tpu.memory_space<vmem_shared>>) offsets(%dma_start3A_355 : memref<64xi32, #tpu.memory_space<vmem>>) semaphore(%arg20 : memref<!tpu.dma_semaphore, #tpu.memory_space<semaphore_mem>>) {add = true}
      %add3A_359 = arith.constant 3 : i32
      %add3A_360 = arith.addi %add3A_270, %add3A_359 : i32
      %add3A_361 = arith.constant 4 : i32
      %add3A_362 = arith.addi %add3A_360, %add3A_361 : i32
      %lt3A_363 = arith.constant 40 : i32
      %lt3A_364 = arith.cmpi slt, %add3A_362, %lt3A_363 : i32
      %convert_element_type3A_365 = arith.extui %lt3A_364 : i1 to i32
      %cond3A_366 = arith.constant 0 : i32
      %cond3A_367 = arith.cmpi ne, %convert_element_type3A_365, %cond3A_366 : i32
      scf.if %cond3A_367 {
        %add3A_368 = arith.constant 3 : i32
        %add3A_369 = arith.addi %add3A_270, %add3A_368 : i32
        %dma_wait3A_370 = arith.constant 0 : i32
        %dma_wait3A_371 = tpu.memref_slice %arg7[%add3A_369, %dma_wait3A_370] : memref<40x64xi32, #tpu.memory_space<vmem>> -> memref<1x64xi32, #tpu.memory_space<vmem>>
        %dma_wait3A_372 = tpu.memref_squeeze %dma_wait3A_371 : memref<1x64xi32, #tpu.memory_space<vmem>> -> memref<64xi32, #tpu.memory_space<vmem>>
        %dma_wait3A_373 = arith.constant 0 : i32
        %dma_wait3A_374 = arith.constant 0 : i32
        %dma_wait3A_375 = tpu.memref_slice %arg12[%dma_wait3A_373, %dma_wait3A_374] : memref<10240x128xf32, #tpu.memory_space<vmem_shared>> -> memref<10240x128xf32, #tpu.memory_space<vmem_shared>>
        tpu.wait_indirect_dma semaphore(%arg20 : memref<!tpu.dma_semaphore, #tpu.memory_space<semaphore_mem>>) src(%arg11 : memref<64x128xf32, #tpu.memory_space<vmem>>) dst(%dma_wait3A_375 : memref<10240x128xf32, #tpu.memory_space<vmem_shared>>)
        %add3A_376 = arith.constant 3 : i32
        %add3A_377 = arith.addi %add3A_270, %add3A_376 : i32
        %add3A_378 = arith.constant 4 : i32
        %add3A_379 = arith.addi %add3A_377, %add3A_378 : i32
        %dma_start3A_380 = arith.constant 0 : i32
        %dma_start3A_381 = tpu.memref_slice %arg6[%add3A_379, %dma_start3A_380] : memref<40x64xi32, #tpu.memory_space<vmem>> -> memref<1x64xi32, #tpu.memory_space<vmem>>
        %dma_start3A_382 = tpu.memref_squeeze %dma_start3A_381 : memref<1x64xi32, #tpu.memory_space<vmem>> -> memref<64xi32, #tpu.memory_space<vmem>>
        %dma_start3A_383 = arith.constant 0 : i32
        %dma_start3A_384 = arith.constant 0 : i32
        %dma_start3A_385 = tpu.memref_slice %arg2[%dma_start3A_383, %dma_start3A_384] : memref<10240x128xf32, #tpu.memory_space<hbm>> -> memref<10240x128xf32, #tpu.memory_space<hbm>>
        tpu.enqueue_indirect_dma source(%dma_start3A_385 : memref<10240x128xf32, #tpu.memory_space<hbm>>) target(%arg11 : memref<64x128xf32, #tpu.memory_space<vmem>>) offsets(%dma_start3A_382 : memref<64xi32, #tpu.memory_space<vmem>>) semaphore(%arg16 : memref<!tpu.dma_semaphore, #tpu.memory_space<semaphore_mem>>)
      } else {
      }
    }
    %scan3A_39 = arith.constant 10 : i32
    %dma_wait3A = arith.constant 36 : i32
    %dma_wait3A_40 = arith.constant 0 : i32
    %dma_wait3A_41 = tpu.memref_slice %arg7[%dma_wait3A, %dma_wait3A_40] : memref<40x64xi32, #tpu.memory_space<vmem>> -> memref<1x64xi32, #tpu.memory_space<vmem>>
    %dma_wait3A_42 = tpu.memref_squeeze %dma_wait3A_41 : memref<1x64xi32, #tpu.memory_space<vmem>> -> memref<64xi32, #tpu.memory_space<vmem>>
    %dma_wait3A_43 = arith.constant 0 : i32
    %dma_wait3A_44 = arith.constant 0 : i32
    %dma_wait3A_45 = tpu.memref_slice %arg12[%dma_wait3A_43, %dma_wait3A_44] : memref<10240x128xf32, #tpu.memory_space<vmem_shared>> -> memref<10240x128xf32, #tpu.memory_space<vmem_shared>>
    tpu.wait_indirect_dma semaphore(%arg17 : memref<!tpu.dma_semaphore, #tpu.memory_space<semaphore_mem>>) src(%arg8 : memref<64x128xf32, #tpu.memory_space<vmem>>) dst(%dma_wait3A_45 : memref<10240x128xf32, #tpu.memory_space<vmem_shared>>)
    %dma_wait3A_46 = arith.constant 37 : i32
    %dma_wait3A_47 = arith.constant 0 : i32
    %dma_wait3A_48 = tpu.memref_slice %arg7[%dma_wait3A_46, %dma_wait3A_47] : memref<40x64xi32, #tpu.memory_space<vmem>> -> memref<1x64xi32, #tpu.memory_space<vmem>>
    %dma_wait3A_49 = tpu.memref_squeeze %dma_wait3A_48 : memref<1x64xi32, #tpu.memory_space<vmem>> -> memref<64xi32, #tpu.memory_space<vmem>>
    %dma_wait3A_50 = arith.constant 0 : i32
    %dma_wait3A_51 = arith.constant 0 : i32
    %dma_wait3A_52 = tpu.memref_slice %arg12[%dma_wait3A_50, %dma_wait3A_51] : memref<10240x128xf32, #tpu.memory_space<vmem_shared>> -> memref<10240x128xf32, #tpu.memory_space<vmem_shared>>
    tpu.wait_indirect_dma semaphore(%arg18 : memref<!tpu.dma_semaphore, #tpu.memory_space<semaphore_mem>>) src(%arg9 : memref<64x128xf32, #tpu.memory_space<vmem>>) dst(%dma_wait3A_52 : memref<10240x128xf32, #tpu.memory_space<vmem_shared>>)
    %dma_wait3A_53 = arith.constant 38 : i32
    %dma_wait3A_54 = arith.constant 0 : i32
    %dma_wait3A_55 = tpu.memref_slice %arg7[%dma_wait3A_53, %dma_wait3A_54] : memref<40x64xi32, #tpu.memory_space<vmem>> -> memref<1x64xi32, #tpu.memory_space<vmem>>
    %dma_wait3A_56 = tpu.memref_squeeze %dma_wait3A_55 : memref<1x64xi32, #tpu.memory_space<vmem>> -> memref<64xi32, #tpu.memory_space<vmem>>
    %dma_wait3A_57 = arith.constant 0 : i32
    %dma_wait3A_58 = arith.constant 0 : i32
    %dma_wait3A_59 = tpu.memref_slice %arg12[%dma_wait3A_57, %dma_wait3A_58] : memref<10240x128xf32, #tpu.memory_space<vmem_shared>> -> memref<10240x128xf32, #tpu.memory_space<vmem_shared>>
    tpu.wait_indirect_dma semaphore(%arg19 : memref<!tpu.dma_semaphore, #tpu.memory_space<semaphore_mem>>) src(%arg10 : memref<64x128xf32, #tpu.memory_space<vmem>>) dst(%dma_wait3A_59 : memref<10240x128xf32, #tpu.memory_space<vmem_shared>>)
    %dma_wait3A_60 = arith.constant 39 : i32
    %dma_wait3A_61 = arith.constant 0 : i32
    %dma_wait3A_62 = tpu.memref_slice %arg7[%dma_wait3A_60, %dma_wait3A_61] : memref<40x64xi32, #tpu.memory_space<vmem>> -> memref<1x64xi32, #tpu.memory_space<vmem>>
    %dma_wait3A_63 = tpu.memref_squeeze %dma_wait3A_62 : memref<1x64xi32, #tpu.memory_space<vmem>> -> memref<64xi32, #tpu.memory_space<vmem>>
    %dma_wait3A_64 = arith.constant 0 : i32
    %dma_wait3A_65 = arith.constant 0 : i32
    %dma_wait3A_66 = tpu.memref_slice %arg12[%dma_wait3A_64, %dma_wait3A_65] : memref<10240x128xf32, #tpu.memory_space<vmem_shared>> -> memref<10240x128xf32, #tpu.memory_space<vmem_shared>>
    tpu.wait_indirect_dma semaphore(%arg20 : memref<!tpu.dma_semaphore, #tpu.memory_space<semaphore_mem>>) src(%arg11 : memref<64x128xf32, #tpu.memory_space<vmem>>) dst(%dma_wait3A_66 : memref<10240x128xf32, #tpu.memory_space<vmem_shared>>)
    %add3A_67 = arith.constant 40 : i32
    %add3A_68 = arith.addi %mul3A_2, %add3A_67 : i32
    "tpu.region"() ({
      %run_scoped3A = tpu.sem_alloc : memref<!tpu.dma_semaphore, #tpu.memory_space<semaphore_mem>>
      %dma_start3A_266 = arith.constant 0 : i32
      %dma_start3A_267 = tpu.memref_slice %arg3[%add3A_68, %dma_start3A_266] : memref<5120x64xi32, #tpu.memory_space<hbm>> -> memref<40x64xi32, #tpu.memory_space<hbm>>
      %dma_start3A_268 = arith.constant 0 : i32
      %dma_start3A_269 = tpu.memref_slice %arg3[%add3A_68, %dma_start3A_268] : memref<5120x64xi32, #tpu.memory_space<hbm>> -> memref<40x64xi32, #tpu.memory_space<hbm>>
      tpu.enqueue_dma source(%dma_start3A_269 : memref<40x64xi32, #tpu.memory_space<hbm>>) target(%arg6 : memref<40x64xi32, #tpu.memory_space<vmem>>) target_semaphore(%run_scoped3A : memref<!tpu.dma_semaphore, #tpu.memory_space<semaphore_mem>>)
      %dma_wait3A_270 = arith.constant 0 : i32
      %dma_wait3A_271 = tpu.memref_slice %arg3[%add3A_68, %dma_wait3A_270] : memref<5120x64xi32, #tpu.memory_space<hbm>> -> memref<40x64xi32, #tpu.memory_space<hbm>>
      %dma_wait3A_272 = arith.constant 0 : i32
      %dma_wait3A_273 = tpu.memref_slice %arg3[%add3A_68, %dma_wait3A_272] : memref<5120x64xi32, #tpu.memory_space<hbm>> -> memref<40x64xi32, #tpu.memory_space<hbm>>
      tpu.wait_dma2 semaphore(%run_scoped3A : memref<!tpu.dma_semaphore, #tpu.memory_space<semaphore_mem>>) src(%dma_wait3A_273 : memref<40x64xi32, #tpu.memory_space<hbm>>) dst(%arg6 : memref<40x64xi32, #tpu.memory_space<vmem>>)
      tpu.yield
    }) : () -> ()
    %add3A_69 = arith.constant 40 : i32
    %add3A_70 = arith.addi %mul3A_2, %add3A_69 : i32
    "tpu.region"() ({
      %run_scoped3A = tpu.sem_alloc : memref<!tpu.dma_semaphore, #tpu.memory_space<semaphore_mem>>
      %dma_start3A_266 = arith.constant 0 : i32
      %dma_start3A_267 = tpu.memref_slice %arg4[%add3A_70, %dma_start3A_266] : memref<5120x64xi32, #tpu.memory_space<hbm>> -> memref<40x64xi32, #tpu.memory_space<hbm>>
      %dma_start3A_268 = arith.constant 0 : i32
      %dma_start3A_269 = tpu.memref_slice %arg4[%add3A_70, %dma_start3A_268] : memref<5120x64xi32, #tpu.memory_space<hbm>> -> memref<40x64xi32, #tpu.memory_space<hbm>>
      tpu.enqueue_dma source(%dma_start3A_269 : memref<40x64xi32, #tpu.memory_space<hbm>>) target(%arg7 : memref<40x64xi32, #tpu.memory_space<vmem>>) target_semaphore(%run_scoped3A : memref<!tpu.dma_semaphore, #tpu.memory_space<semaphore_mem>>)
      %dma_wait3A_270 = arith.constant 0 : i32
      %dma_wait3A_271 = tpu.memref_slice %arg4[%add3A_70, %dma_wait3A_270] : memref<5120x64xi32, #tpu.memory_space<hbm>> -> memref<40x64xi32, #tpu.memory_space<hbm>>
      %dma_wait3A_272 = arith.constant 0 : i32
      %dma_wait3A_273 = tpu.memref_slice %arg4[%add3A_70, %dma_wait3A_272] : memref<5120x64xi32, #tpu.memory_space<hbm>> -> memref<40x64xi32, #tpu.memory_space<hbm>>
      tpu.wait_dma2 semaphore(%run_scoped3A : memref<!tpu.dma_semaphore, #tpu.memory_space<semaphore_mem>>) src(%dma_wait3A_273 : memref<40x64xi32, #tpu.memory_space<hbm>>) dst(%arg7 : memref<40x64xi32, #tpu.memory_space<vmem>>)
      tpu.yield
    }) : () -> ()
    %dma_start3A_71 = arith.constant 0 : i32
    %dma_start3A_72 = arith.constant 0 : i32
    %dma_start3A_73 = tpu.memref_slice %arg6[%dma_start3A_71, %dma_start3A_72] : memref<40x64xi32, #tpu.memory_space<vmem>> -> memref<1x64xi32, #tpu.memory_space<vmem>>
    %dma_start3A_74 = tpu.memref_squeeze %dma_start3A_73 : memref<1x64xi32, #tpu.memory_space<vmem>> -> memref<64xi32, #tpu.memory_space<vmem>>
    %dma_start3A_75 = arith.constant 0 : i32
    %dma_start3A_76 = arith.constant 0 : i32
    %dma_start3A_77 = tpu.memref_slice %arg2[%dma_start3A_75, %dma_start3A_76] : memref<10240x128xf32, #tpu.memory_space<hbm>> -> memref<10240x128xf32, #tpu.memory_space<hbm>>
    tpu.enqueue_indirect_dma source(%dma_start3A_77 : memref<10240x128xf32, #tpu.memory_space<hbm>>) target(%arg8 : memref<64x128xf32, #tpu.memory_space<vmem>>) offsets(%dma_start3A_74 : memref<64xi32, #tpu.memory_space<vmem>>) semaphore(%arg13 : memref<!tpu.dma_semaphore, #tpu.memory_space<semaphore_mem>>)
    %dma_start3A_78 = arith.constant 1 : i32
    %dma_start3A_79 = arith.constant 0 : i32
    %dma_start3A_80 = tpu.memref_slice %arg6[%dma_start3A_78, %dma_start3A_79] : memref<40x64xi32, #tpu.memory_space<vmem>> -> memref<1x64xi32, #tpu.memory_space<vmem>>
    %dma_start3A_81 = tpu.memref_squeeze %dma_start3A_80 : memref<1x64xi32, #tpu.memory_space<vmem>> -> memref<64xi32, #tpu.memory_space<vmem>>
    %dma_start3A_82 = arith.constant 0 : i32
    %dma_start3A_83 = arith.constant 0 : i32
    %dma_start3A_84 = tpu.memref_slice %arg2[%dma_start3A_82, %dma_start3A_83] : memref<10240x128xf32, #tpu.memory_space<hbm>> -> memref<10240x128xf32, #tpu.memory_space<hbm>>
    tpu.enqueue_indirect_dma source(%dma_start3A_84 : memref<10240x128xf32, #tpu.memory_space<hbm>>) target(%arg9 : memref<64x128xf32, #tpu.memory_space<vmem>>) offsets(%dma_start3A_81 : memref<64xi32, #tpu.memory_space<vmem>>) semaphore(%arg14 : memref<!tpu.dma_semaphore, #tpu.memory_space<semaphore_mem>>)
    %dma_start3A_85 = arith.constant 2 : i32
    %dma_start3A_86 = arith.constant 0 : i32
    %dma_start3A_87 = tpu.memref_slice %arg6[%dma_start3A_85, %dma_start3A_86] : memref<40x64xi32, #tpu.memory_space<vmem>> -> memref<1x64xi32, #tpu.memory_space<vmem>>
    %dma_start3A_88 = tpu.memref_squeeze %dma_start3A_87 : memref<1x64xi32, #tpu.memory_space<vmem>> -> memref<64xi32, #tpu.memory_space<vmem>>
    %dma_start3A_89 = arith.constant 0 : i32
    %dma_start3A_90 = arith.constant 0 : i32
    %dma_start3A_91 = tpu.memref_slice %arg2[%dma_start3A_89, %dma_start3A_90] : memref<10240x128xf32, #tpu.memory_space<hbm>> -> memref<10240x128xf32, #tpu.memory_space<hbm>>
    tpu.enqueue_indirect_dma source(%dma_start3A_91 : memref<10240x128xf32, #tpu.memory_space<hbm>>) target(%arg10 : memref<64x128xf32, #tpu.memory_space<vmem>>) offsets(%dma_start3A_88 : memref<64xi32, #tpu.memory_space<vmem>>) semaphore(%arg15 : memref<!tpu.dma_semaphore, #tpu.memory_space<semaphore_mem>>)
    %dma_start3A_92 = arith.constant 3 : i32
    %dma_start3A_93 = arith.constant 0 : i32
    %dma_start3A_94 = tpu.memref_slice %arg6[%dma_start3A_92, %dma_start3A_93] : memref<40x64xi32, #tpu.memory_space<vmem>> -> memref<1x64xi32, #tpu.memory_space<vmem>>
    %dma_start3A_95 = tpu.memref_squeeze %dma_start3A_94 : memref<1x64xi32, #tpu.memory_space<vmem>> -> memref<64xi32, #tpu.memory_space<vmem>>
    %dma_start3A_96 = arith.constant 0 : i32
    %dma_start3A_97 = arith.constant 0 : i32
    %dma_start3A_98 = tpu.memref_slice %arg2[%dma_start3A_96, %dma_start3A_97] : memref<10240x128xf32, #tpu.memory_space<hbm>> -> memref<10240x128xf32, #tpu.memory_space<hbm>>
    tpu.enqueue_indirect_dma source(%dma_start3A_98 : memref<10240x128xf32, #tpu.memory_space<hbm>>) target(%arg11 : memref<64x128xf32, #tpu.memory_space<vmem>>) offsets(%dma_start3A_95 : memref<64xi32, #tpu.memory_space<vmem>>) semaphore(%arg16 : memref<!tpu.dma_semaphore, #tpu.memory_space<semaphore_mem>>)
    %scan3A_99 = arith.constant 0 : i32
    %scan3A_100 = arith.constant 10 : i32
    %scan3A_101 = arith.addi %scan3A_99, %scan3A_100 : i32
    %scan3A_102 = arith.constant 1 : i32
    scf.for %scan3A_266 = %scan3A_99 to %scan3A_101 step %scan3A_102  : i32 {
      %mul3A_267 = arith.constant 4 : i32
      %mul3A_268 = arith.muli %scan3A_266, %mul3A_267 : i32
      %add3A_269 = arith.constant 0 : i32
      %add3A_270 = arith.addi %add3A_269, %mul3A_268 : i32
      %add3A_271 = arith.constant 0 : i32
      %add3A_272 = arith.addi %add3A_270, %add3A_271 : i32
      %dma_wait3A_273 = arith.constant 0 : i32
      %dma_wait3A_274 = tpu.memref_slice %arg6[%add3A_272, %dma_wait3A_273] : memref<40x64xi32, #tpu.memory_space<vmem>> -> memref<1x64xi32, #tpu.memory_space<vmem>>
      %dma_wait3A_275 = tpu.memref_squeeze %dma_wait3A_274 : memref<1x64xi32, #tpu.memory_space<vmem>> -> memref<64xi32, #tpu.memory_space<vmem>>
      %dma_wait3A_276 = arith.constant 0 : i32
      %dma_wait3A_277 = arith.constant 0 : i32
      %dma_wait3A_278 = tpu.memref_slice %arg2[%dma_wait3A_276, %dma_wait3A_277] : memref<10240x128xf32, #tpu.memory_space<hbm>> -> memref<10240x128xf32, #tpu.memory_space<hbm>>
      tpu.wait_indirect_dma semaphore(%arg13 : memref<!tpu.dma_semaphore, #tpu.memory_space<semaphore_mem>>) src(%dma_wait3A_278 : memref<10240x128xf32, #tpu.memory_space<hbm>>) dst(%arg8 : memref<64x128xf32, #tpu.memory_space<vmem>>)
      %add3A_279 = arith.constant 0 : i32
      %add3A_280 = arith.addi %add3A_270, %add3A_279 : i32
      %dma_start3A_281 = arith.constant 0 : i32
      %dma_start3A_282 = tpu.memref_slice %arg7[%add3A_280, %dma_start3A_281] : memref<40x64xi32, #tpu.memory_space<vmem>> -> memref<1x64xi32, #tpu.memory_space<vmem>>
      %dma_start3A_283 = tpu.memref_squeeze %dma_start3A_282 : memref<1x64xi32, #tpu.memory_space<vmem>> -> memref<64xi32, #tpu.memory_space<vmem>>
      %dma_start3A_284 = arith.constant 0 : i32
      %dma_start3A_285 = arith.constant 0 : i32
      %dma_start3A_286 = tpu.memref_slice %arg12[%dma_start3A_284, %dma_start3A_285] : memref<10240x128xf32, #tpu.memory_space<vmem_shared>> -> memref<10240x128xf32, #tpu.memory_space<vmem_shared>>
      tpu.enqueue_indirect_dma source(%arg8 : memref<64x128xf32, #tpu.memory_space<vmem>>) target(%dma_start3A_286 : memref<10240x128xf32, #tpu.memory_space<vmem_shared>>) offsets(%dma_start3A_283 : memref<64xi32, #tpu.memory_space<vmem>>) semaphore(%arg17 : memref<!tpu.dma_semaphore, #tpu.memory_space<semaphore_mem>>) {add = true}
      %add3A_287 = arith.constant 0 : i32
      %add3A_288 = arith.addi %add3A_270, %add3A_287 : i32
      %add3A_289 = arith.constant 4 : i32
      %add3A_290 = arith.addi %add3A_288, %add3A_289 : i32
      %lt3A = arith.constant 40 : i32
      %lt3A_291 = arith.cmpi slt, %add3A_290, %lt3A : i32
      %convert_element_type3A = arith.extui %lt3A_291 : i1 to i32
      %cond3A = arith.constant 0 : i32
      %cond3A_292 = arith.cmpi ne, %convert_element_type3A, %cond3A : i32
      scf.if %cond3A_292 {
        %add3A_368 = arith.constant 0 : i32
        %add3A_369 = arith.addi %add3A_270, %add3A_368 : i32
        %dma_wait3A_370 = arith.constant 0 : i32
        %dma_wait3A_371 = tpu.memref_slice %arg7[%add3A_369, %dma_wait3A_370] : memref<40x64xi32, #tpu.memory_space<vmem>> -> memref<1x64xi32, #tpu.memory_space<vmem>>
        %dma_wait3A_372 = tpu.memref_squeeze %dma_wait3A_371 : memref<1x64xi32, #tpu.memory_space<vmem>> -> memref<64xi32, #tpu.memory_space<vmem>>
        %dma_wait3A_373 = arith.constant 0 : i32
        %dma_wait3A_374 = arith.constant 0 : i32
        %dma_wait3A_375 = tpu.memref_slice %arg12[%dma_wait3A_373, %dma_wait3A_374] : memref<10240x128xf32, #tpu.memory_space<vmem_shared>> -> memref<10240x128xf32, #tpu.memory_space<vmem_shared>>
        tpu.wait_indirect_dma semaphore(%arg17 : memref<!tpu.dma_semaphore, #tpu.memory_space<semaphore_mem>>) src(%arg8 : memref<64x128xf32, #tpu.memory_space<vmem>>) dst(%dma_wait3A_375 : memref<10240x128xf32, #tpu.memory_space<vmem_shared>>)
        %add3A_376 = arith.constant 0 : i32
        %add3A_377 = arith.addi %add3A_270, %add3A_376 : i32
        %add3A_378 = arith.constant 4 : i32
        %add3A_379 = arith.addi %add3A_377, %add3A_378 : i32
        %dma_start3A_380 = arith.constant 0 : i32
        %dma_start3A_381 = tpu.memref_slice %arg6[%add3A_379, %dma_start3A_380] : memref<40x64xi32, #tpu.memory_space<vmem>> -> memref<1x64xi32, #tpu.memory_space<vmem>>
        %dma_start3A_382 = tpu.memref_squeeze %dma_start3A_381 : memref<1x64xi32, #tpu.memory_space<vmem>> -> memref<64xi32, #tpu.memory_space<vmem>>
        %dma_start3A_383 = arith.constant 0 : i32
        %dma_start3A_384 = arith.constant 0 : i32
        %dma_start3A_385 = tpu.memref_slice %arg2[%dma_start3A_383, %dma_start3A_384] : memref<10240x128xf32, #tpu.memory_space<hbm>> -> memref<10240x128xf32, #tpu.memory_space<hbm>>
        tpu.enqueue_indirect_dma source(%dma_start3A_385 : memref<10240x128xf32, #tpu.memory_space<hbm>>) target(%arg8 : memref<64x128xf32, #tpu.memory_space<vmem>>) offsets(%dma_start3A_382 : memref<64xi32, #tpu.memory_space<vmem>>) semaphore(%arg13 : memref<!tpu.dma_semaphore, #tpu.memory_space<semaphore_mem>>)
      } else {
      }
      %add3A_293 = arith.constant 1 : i32
      %add3A_294 = arith.addi %add3A_270, %add3A_293 : i32
      %dma_wait3A_295 = arith.constant 0 : i32
      %dma_wait3A_296 = tpu.memref_slice %arg6[%add3A_294, %dma_wait3A_295] : memref<40x64xi32, #tpu.memory_space<vmem>> -> memref<1x64xi32, #tpu.memory_space<vmem>>
      %dma_wait3A_297 = tpu.memref_squeeze %dma_wait3A_296 : memref<1x64xi32, #tpu.memory_space<vmem>> -> memref<64xi32, #tpu.memory_space<vmem>>
      %dma_wait3A_298 = arith.constant 0 : i32
      %dma_wait3A_299 = arith.constant 0 : i32
      %dma_wait3A_300 = tpu.memref_slice %arg2[%dma_wait3A_298, %dma_wait3A_299] : memref<10240x128xf32, #tpu.memory_space<hbm>> -> memref<10240x128xf32, #tpu.memory_space<hbm>>
      tpu.wait_indirect_dma semaphore(%arg14 : memref<!tpu.dma_semaphore, #tpu.memory_space<semaphore_mem>>) src(%dma_wait3A_300 : memref<10240x128xf32, #tpu.memory_space<hbm>>) dst(%arg9 : memref<64x128xf32, #tpu.memory_space<vmem>>)
      %add3A_301 = arith.constant 1 : i32
      %add3A_302 = arith.addi %add3A_270, %add3A_301 : i32
      %dma_start3A_303 = arith.constant 0 : i32
      %dma_start3A_304 = tpu.memref_slice %arg7[%add3A_302, %dma_start3A_303] : memref<40x64xi32, #tpu.memory_space<vmem>> -> memref<1x64xi32, #tpu.memory_space<vmem>>
      %dma_start3A_305 = tpu.memref_squeeze %dma_start3A_304 : memref<1x64xi32, #tpu.memory_space<vmem>> -> memref<64xi32, #tpu.memory_space<vmem>>
      %dma_start3A_306 = arith.constant 0 : i32
      %dma_start3A_307 = arith.constant 0 : i32
      %dma_start3A_308 = tpu.memref_slice %arg12[%dma_start3A_306, %dma_start3A_307] : memref<10240x128xf32, #tpu.memory_space<vmem_shared>> -> memref<10240x128xf32, #tpu.memory_space<vmem_shared>>
      tpu.enqueue_indirect_dma source(%arg9 : memref<64x128xf32, #tpu.memory_space<vmem>>) target(%dma_start3A_308 : memref<10240x128xf32, #tpu.memory_space<vmem_shared>>) offsets(%dma_start3A_305 : memref<64xi32, #tpu.memory_space<vmem>>) semaphore(%arg18 : memref<!tpu.dma_semaphore, #tpu.memory_space<semaphore_mem>>) {add = true}
      %add3A_309 = arith.constant 1 : i32
      %add3A_310 = arith.addi %add3A_270, %add3A_309 : i32
      %add3A_311 = arith.constant 4 : i32
      %add3A_312 = arith.addi %add3A_310, %add3A_311 : i32
      %lt3A_313 = arith.constant 40 : i32
      %lt3A_314 = arith.cmpi slt, %add3A_312, %lt3A_313 : i32
      %convert_element_type3A_315 = arith.extui %lt3A_314 : i1 to i32
      %cond3A_316 = arith.constant 0 : i32
      %cond3A_317 = arith.cmpi ne, %convert_element_type3A_315, %cond3A_316 : i32
      scf.if %cond3A_317 {
        %add3A_368 = arith.constant 1 : i32
        %add3A_369 = arith.addi %add3A_270, %add3A_368 : i32
        %dma_wait3A_370 = arith.constant 0 : i32
        %dma_wait3A_371 = tpu.memref_slice %arg7[%add3A_369, %dma_wait3A_370] : memref<40x64xi32, #tpu.memory_space<vmem>> -> memref<1x64xi32, #tpu.memory_space<vmem>>
        %dma_wait3A_372 = tpu.memref_squeeze %dma_wait3A_371 : memref<1x64xi32, #tpu.memory_space<vmem>> -> memref<64xi32, #tpu.memory_space<vmem>>
        %dma_wait3A_373 = arith.constant 0 : i32
        %dma_wait3A_374 = arith.constant 0 : i32
        %dma_wait3A_375 = tpu.memref_slice %arg12[%dma_wait3A_373, %dma_wait3A_374] : memref<10240x128xf32, #tpu.memory_space<vmem_shared>> -> memref<10240x128xf32, #tpu.memory_space<vmem_shared>>
        tpu.wait_indirect_dma semaphore(%arg18 : memref<!tpu.dma_semaphore, #tpu.memory_space<semaphore_mem>>) src(%arg9 : memref<64x128xf32, #tpu.memory_space<vmem>>) dst(%dma_wait3A_375 : memref<10240x128xf32, #tpu.memory_space<vmem_shared>>)
        %add3A_376 = arith.constant 1 : i32
        %add3A_377 = arith.addi %add3A_270, %add3A_376 : i32
        %add3A_378 = arith.constant 4 : i32
        %add3A_379 = arith.addi %add3A_377, %add3A_378 : i32
        %dma_start3A_380 = arith.constant 0 : i32
        %dma_start3A_381 = tpu.memref_slice %arg6[%add3A_379, %dma_start3A_380] : memref<40x64xi32, #tpu.memory_space<vmem>> -> memref<1x64xi32, #tpu.memory_space<vmem>>
        %dma_start3A_382 = tpu.memref_squeeze %dma_start3A_381 : memref<1x64xi32, #tpu.memory_space<vmem>> -> memref<64xi32, #tpu.memory_space<vmem>>
        %dma_start3A_383 = arith.constant 0 : i32
        %dma_start3A_384 = arith.constant 0 : i32
        %dma_start3A_385 = tpu.memref_slice %arg2[%dma_start3A_383, %dma_start3A_384] : memref<10240x128xf32, #tpu.memory_space<hbm>> -> memref<10240x128xf32, #tpu.memory_space<hbm>>
        tpu.enqueue_indirect_dma source(%dma_start3A_385 : memref<10240x128xf32, #tpu.memory_space<hbm>>) target(%arg9 : memref<64x128xf32, #tpu.memory_space<vmem>>) offsets(%dma_start3A_382 : memref<64xi32, #tpu.memory_space<vmem>>) semaphore(%arg14 : memref<!tpu.dma_semaphore, #tpu.memory_space<semaphore_mem>>)
      } else {
      }
      %add3A_318 = arith.constant 2 : i32
      %add3A_319 = arith.addi %add3A_270, %add3A_318 : i32
      %dma_wait3A_320 = arith.constant 0 : i32
      %dma_wait3A_321 = tpu.memref_slice %arg6[%add3A_319, %dma_wait3A_320] : memref<40x64xi32, #tpu.memory_space<vmem>> -> memref<1x64xi32, #tpu.memory_space<vmem>>
      %dma_wait3A_322 = tpu.memref_squeeze %dma_wait3A_321 : memref<1x64xi32, #tpu.memory_space<vmem>> -> memref<64xi32, #tpu.memory_space<vmem>>
      %dma_wait3A_323 = arith.constant 0 : i32
      %dma_wait3A_324 = arith.constant 0 : i32
      %dma_wait3A_325 = tpu.memref_slice %arg2[%dma_wait3A_323, %dma_wait3A_324] : memref<10240x128xf32, #tpu.memory_space<hbm>> -> memref<10240x128xf32, #tpu.memory_space<hbm>>
      tpu.wait_indirect_dma semaphore(%arg15 : memref<!tpu.dma_semaphore, #tpu.memory_space<semaphore_mem>>) src(%dma_wait3A_325 : memref<10240x128xf32, #tpu.memory_space<hbm>>) dst(%arg10 : memref<64x128xf32, #tpu.memory_space<vmem>>)
      %add3A_326 = arith.constant 2 : i32
      %add3A_327 = arith.addi %add3A_270, %add3A_326 : i32
      %dma_start3A_328 = arith.constant 0 : i32
      %dma_start3A_329 = tpu.memref_slice %arg7[%add3A_327, %dma_start3A_328] : memref<40x64xi32, #tpu.memory_space<vmem>> -> memref<1x64xi32, #tpu.memory_space<vmem>>
      %dma_start3A_330 = tpu.memref_squeeze %dma_start3A_329 : memref<1x64xi32, #tpu.memory_space<vmem>> -> memref<64xi32, #tpu.memory_space<vmem>>
      %dma_start3A_331 = arith.constant 0 : i32
      %dma_start3A_332 = arith.constant 0 : i32
      %dma_start3A_333 = tpu.memref_slice %arg12[%dma_start3A_331, %dma_start3A_332] : memref<10240x128xf32, #tpu.memory_space<vmem_shared>> -> memref<10240x128xf32, #tpu.memory_space<vmem_shared>>
      tpu.enqueue_indirect_dma source(%arg10 : memref<64x128xf32, #tpu.memory_space<vmem>>) target(%dma_start3A_333 : memref<10240x128xf32, #tpu.memory_space<vmem_shared>>) offsets(%dma_start3A_330 : memref<64xi32, #tpu.memory_space<vmem>>) semaphore(%arg19 : memref<!tpu.dma_semaphore, #tpu.memory_space<semaphore_mem>>) {add = true}
      %add3A_334 = arith.constant 2 : i32
      %add3A_335 = arith.addi %add3A_270, %add3A_334 : i32
      %add3A_336 = arith.constant 4 : i32
      %add3A_337 = arith.addi %add3A_335, %add3A_336 : i32
      %lt3A_338 = arith.constant 40 : i32
      %lt3A_339 = arith.cmpi slt, %add3A_337, %lt3A_338 : i32
      %convert_element_type3A_340 = arith.extui %lt3A_339 : i1 to i32
      %cond3A_341 = arith.constant 0 : i32
      %cond3A_342 = arith.cmpi ne, %convert_element_type3A_340, %cond3A_341 : i32
      scf.if %cond3A_342 {
        %add3A_368 = arith.constant 2 : i32
        %add3A_369 = arith.addi %add3A_270, %add3A_368 : i32
        %dma_wait3A_370 = arith.constant 0 : i32
        %dma_wait3A_371 = tpu.memref_slice %arg7[%add3A_369, %dma_wait3A_370] : memref<40x64xi32, #tpu.memory_space<vmem>> -> memref<1x64xi32, #tpu.memory_space<vmem>>
        %dma_wait3A_372 = tpu.memref_squeeze %dma_wait3A_371 : memref<1x64xi32, #tpu.memory_space<vmem>> -> memref<64xi32, #tpu.memory_space<vmem>>
        %dma_wait3A_373 = arith.constant 0 : i32
        %dma_wait3A_374 = arith.constant 0 : i32
        %dma_wait3A_375 = tpu.memref_slice %arg12[%dma_wait3A_373, %dma_wait3A_374] : memref<10240x128xf32, #tpu.memory_space<vmem_shared>> -> memref<10240x128xf32, #tpu.memory_space<vmem_shared>>
        tpu.wait_indirect_dma semaphore(%arg19 : memref<!tpu.dma_semaphore, #tpu.memory_space<semaphore_mem>>) src(%arg10 : memref<64x128xf32, #tpu.memory_space<vmem>>) dst(%dma_wait3A_375 : memref<10240x128xf32, #tpu.memory_space<vmem_shared>>)
        %add3A_376 = arith.constant 2 : i32
        %add3A_377 = arith.addi %add3A_270, %add3A_376 : i32
        %add3A_378 = arith.constant 4 : i32
        %add3A_379 = arith.addi %add3A_377, %add3A_378 : i32
        %dma_start3A_380 = arith.constant 0 : i32
        %dma_start3A_381 = tpu.memref_slice %arg6[%add3A_379, %dma_start3A_380] : memref<40x64xi32, #tpu.memory_space<vmem>> -> memref<1x64xi32, #tpu.memory_space<vmem>>
        %dma_start3A_382 = tpu.memref_squeeze %dma_start3A_381 : memref<1x64xi32, #tpu.memory_space<vmem>> -> memref<64xi32, #tpu.memory_space<vmem>>
        %dma_start3A_383 = arith.constant 0 : i32
        %dma_start3A_384 = arith.constant 0 : i32
        %dma_start3A_385 = tpu.memref_slice %arg2[%dma_start3A_383, %dma_start3A_384] : memref<10240x128xf32, #tpu.memory_space<hbm>> -> memref<10240x128xf32, #tpu.memory_space<hbm>>
        tpu.enqueue_indirect_dma source(%dma_start3A_385 : memref<10240x128xf32, #tpu.memory_space<hbm>>) target(%arg10 : memref<64x128xf32, #tpu.memory_space<vmem>>) offsets(%dma_start3A_382 : memref<64xi32, #tpu.memory_space<vmem>>) semaphore(%arg15 : memref<!tpu.dma_semaphore, #tpu.memory_space<semaphore_mem>>)
      } else {
      }
      %add3A_343 = arith.constant 3 : i32
      %add3A_344 = arith.addi %add3A_270, %add3A_343 : i32
      %dma_wait3A_345 = arith.constant 0 : i32
      %dma_wait3A_346 = tpu.memref_slice %arg6[%add3A_344, %dma_wait3A_345] : memref<40x64xi32, #tpu.memory_space<vmem>> -> memref<1x64xi32, #tpu.memory_space<vmem>>
      %dma_wait3A_347 = tpu.memref_squeeze %dma_wait3A_346 : memref<1x64xi32, #tpu.memory_space<vmem>> -> memref<64xi32, #tpu.memory_space<vmem>>
      %dma_wait3A_348 = arith.constant 0 : i32
      %dma_wait3A_349 = arith.constant 0 : i32
      %dma_wait3A_350 = tpu.memref_slice %arg2[%dma_wait3A_348, %dma_wait3A_349] : memref<10240x128xf32, #tpu.memory_space<hbm>> -> memref<10240x128xf32, #tpu.memory_space<hbm>>
      tpu.wait_indirect_dma semaphore(%arg16 : memref<!tpu.dma_semaphore, #tpu.memory_space<semaphore_mem>>) src(%dma_wait3A_350 : memref<10240x128xf32, #tpu.memory_space<hbm>>) dst(%arg11 : memref<64x128xf32, #tpu.memory_space<vmem>>)
      %add3A_351 = arith.constant 3 : i32
      %add3A_352 = arith.addi %add3A_270, %add3A_351 : i32
      %dma_start3A_353 = arith.constant 0 : i32
      %dma_start3A_354 = tpu.memref_slice %arg7[%add3A_352, %dma_start3A_353] : memref<40x64xi32, #tpu.memory_space<vmem>> -> memref<1x64xi32, #tpu.memory_space<vmem>>
      %dma_start3A_355 = tpu.memref_squeeze %dma_start3A_354 : memref<1x64xi32, #tpu.memory_space<vmem>> -> memref<64xi32, #tpu.memory_space<vmem>>
      %dma_start3A_356 = arith.constant 0 : i32
      %dma_start3A_357 = arith.constant 0 : i32
      %dma_start3A_358 = tpu.memref_slice %arg12[%dma_start3A_356, %dma_start3A_357] : memref<10240x128xf32, #tpu.memory_space<vmem_shared>> -> memref<10240x128xf32, #tpu.memory_space<vmem_shared>>
      tpu.enqueue_indirect_dma source(%arg11 : memref<64x128xf32, #tpu.memory_space<vmem>>) target(%dma_start3A_358 : memref<10240x128xf32, #tpu.memory_space<vmem_shared>>) offsets(%dma_start3A_355 : memref<64xi32, #tpu.memory_space<vmem>>) semaphore(%arg20 : memref<!tpu.dma_semaphore, #tpu.memory_space<semaphore_mem>>) {add = true}
      %add3A_359 = arith.constant 3 : i32
      %add3A_360 = arith.addi %add3A_270, %add3A_359 : i32
      %add3A_361 = arith.constant 4 : i32
      %add3A_362 = arith.addi %add3A_360, %add3A_361 : i32
      %lt3A_363 = arith.constant 40 : i32
      %lt3A_364 = arith.cmpi slt, %add3A_362, %lt3A_363 : i32
      %convert_element_type3A_365 = arith.extui %lt3A_364 : i1 to i32
      %cond3A_366 = arith.constant 0 : i32
      %cond3A_367 = arith.cmpi ne, %convert_element_type3A_365, %cond3A_366 : i32
      scf.if %cond3A_367 {
        %add3A_368 = arith.constant 3 : i32
        %add3A_369 = arith.addi %add3A_270, %add3A_368 : i32
        %dma_wait3A_370 = arith.constant 0 : i32
        %dma_wait3A_371 = tpu.memref_slice %arg7[%add3A_369, %dma_wait3A_370] : memref<40x64xi32, #tpu.memory_space<vmem>> -> memref<1x64xi32, #tpu.memory_space<vmem>>
        %dma_wait3A_372 = tpu.memref_squeeze %dma_wait3A_371 : memref<1x64xi32, #tpu.memory_space<vmem>> -> memref<64xi32, #tpu.memory_space<vmem>>
        %dma_wait3A_373 = arith.constant 0 : i32
        %dma_wait3A_374 = arith.constant 0 : i32
        %dma_wait3A_375 = tpu.memref_slice %arg12[%dma_wait3A_373, %dma_wait3A_374] : memref<10240x128xf32, #tpu.memory_space<vmem_shared>> -> memref<10240x128xf32, #tpu.memory_space<vmem_shared>>
        tpu.wait_indirect_dma semaphore(%arg20 : memref<!tpu.dma_semaphore, #tpu.memory_space<semaphore_mem>>) src(%arg11 : memref<64x128xf32, #tpu.memory_space<vmem>>) dst(%dma_wait3A_375 : memref<10240x128xf32, #tpu.memory_space<vmem_shared>>)
        %add3A_376 = arith.constant 3 : i32
        %add3A_377 = arith.addi %add3A_270, %add3A_376 : i32
        %add3A_378 = arith.constant 4 : i32
        %add3A_379 = arith.addi %add3A_377, %add3A_378 : i32
        %dma_start3A_380 = arith.constant 0 : i32
        %dma_start3A_381 = tpu.memref_slice %arg6[%add3A_379, %dma_start3A_380] : memref<40x64xi32, #tpu.memory_space<vmem>> -> memref<1x64xi32, #tpu.memory_space<vmem>>
        %dma_start3A_382 = tpu.memref_squeeze %dma_start3A_381 : memref<1x64xi32, #tpu.memory_space<vmem>> -> memref<64xi32, #tpu.memory_space<vmem>>
        %dma_start3A_383 = arith.constant 0 : i32
        %dma_start3A_384 = arith.constant 0 : i32
        %dma_start3A_385 = tpu.memref_slice %arg2[%dma_start3A_383, %dma_start3A_384] : memref<10240x128xf32, #tpu.memory_space<hbm>> -> memref<10240x128xf32, #tpu.memory_space<hbm>>
        tpu.enqueue_indirect_dma source(%dma_start3A_385 : memref<10240x128xf32, #tpu.memory_space<hbm>>) target(%arg11 : memref<64x128xf32, #tpu.memory_space<vmem>>) offsets(%dma_start3A_382 : memref<64xi32, #tpu.memory_space<vmem>>) semaphore(%arg16 : memref<!tpu.dma_semaphore, #tpu.memory_space<semaphore_mem>>)
      } else {
      }
    }
    %scan3A_103 = arith.constant 10 : i32
    %dma_wait3A_104 = arith.constant 36 : i32
    %dma_wait3A_105 = arith.constant 0 : i32
    %dma_wait3A_106 = tpu.memref_slice %arg7[%dma_wait3A_104, %dma_wait3A_105] : memref<40x64xi32, #tpu.memory_space<vmem>> -> memref<1x64xi32, #tpu.memory_space<vmem>>
    %dma_wait3A_107 = tpu.memref_squeeze %dma_wait3A_106 : memref<1x64xi32, #tpu.memory_space<vmem>> -> memref<64xi32, #tpu.memory_space<vmem>>
    %dma_wait3A_108 = arith.constant 0 : i32
    %dma_wait3A_109 = arith.constant 0 : i32
    %dma_wait3A_110 = tpu.memref_slice %arg12[%dma_wait3A_108, %dma_wait3A_109] : memref<10240x128xf32, #tpu.memory_space<vmem_shared>> -> memref<10240x128xf32, #tpu.memory_space<vmem_shared>>
    tpu.wait_indirect_dma semaphore(%arg17 : memref<!tpu.dma_semaphore, #tpu.memory_space<semaphore_mem>>) src(%arg8 : memref<64x128xf32, #tpu.memory_space<vmem>>) dst(%dma_wait3A_110 : memref<10240x128xf32, #tpu.memory_space<vmem_shared>>)
    %dma_wait3A_111 = arith.constant 37 : i32
    %dma_wait3A_112 = arith.constant 0 : i32
    %dma_wait3A_113 = tpu.memref_slice %arg7[%dma_wait3A_111, %dma_wait3A_112] : memref<40x64xi32, #tpu.memory_space<vmem>> -> memref<1x64xi32, #tpu.memory_space<vmem>>
    %dma_wait3A_114 = tpu.memref_squeeze %dma_wait3A_113 : memref<1x64xi32, #tpu.memory_space<vmem>> -> memref<64xi32, #tpu.memory_space<vmem>>
    %dma_wait3A_115 = arith.constant 0 : i32
    %dma_wait3A_116 = arith.constant 0 : i32
    %dma_wait3A_117 = tpu.memref_slice %arg12[%dma_wait3A_115, %dma_wait3A_116] : memref<10240x128xf32, #tpu.memory_space<vmem_shared>> -> memref<10240x128xf32, #tpu.memory_space<vmem_shared>>
    tpu.wait_indirect_dma semaphore(%arg18 : memref<!tpu.dma_semaphore, #tpu.memory_space<semaphore_mem>>) src(%arg9 : memref<64x128xf32, #tpu.memory_space<vmem>>) dst(%dma_wait3A_117 : memref<10240x128xf32, #tpu.memory_space<vmem_shared>>)
    %dma_wait3A_118 = arith.constant 38 : i32
    %dma_wait3A_119 = arith.constant 0 : i32
    %dma_wait3A_120 = tpu.memref_slice %arg7[%dma_wait3A_118, %dma_wait3A_119] : memref<40x64xi32, #tpu.memory_space<vmem>> -> memref<1x64xi32, #tpu.memory_space<vmem>>
    %dma_wait3A_121 = tpu.memref_squeeze %dma_wait3A_120 : memref<1x64xi32, #tpu.memory_space<vmem>> -> memref<64xi32, #tpu.memory_space<vmem>>
    %dma_wait3A_122 = arith.constant 0 : i32
    %dma_wait3A_123 = arith.constant 0 : i32
    %dma_wait3A_124 = tpu.memref_slice %arg12[%dma_wait3A_122, %dma_wait3A_123] : memref<10240x128xf32, #tpu.memory_space<vmem_shared>> -> memref<10240x128xf32, #tpu.memory_space<vmem_shared>>
    tpu.wait_indirect_dma semaphore(%arg19 : memref<!tpu.dma_semaphore, #tpu.memory_space<semaphore_mem>>) src(%arg10 : memref<64x128xf32, #tpu.memory_space<vmem>>) dst(%dma_wait3A_124 : memref<10240x128xf32, #tpu.memory_space<vmem_shared>>)
    %dma_wait3A_125 = arith.constant 39 : i32
    %dma_wait3A_126 = arith.constant 0 : i32
    %dma_wait3A_127 = tpu.memref_slice %arg7[%dma_wait3A_125, %dma_wait3A_126] : memref<40x64xi32, #tpu.memory_space<vmem>> -> memref<1x64xi32, #tpu.memory_space<vmem>>
    %dma_wait3A_128 = tpu.memref_squeeze %dma_wait3A_127 : memref<1x64xi32, #tpu.memory_space<vmem>> -> memref<64xi32, #tpu.memory_space<vmem>>
    %dma_wait3A_129 = arith.constant 0 : i32
    %dma_wait3A_130 = arith.constant 0 : i32
    %dma_wait3A_131 = tpu.memref_slice %arg12[%dma_wait3A_129, %dma_wait3A_130] : memref<10240x128xf32, #tpu.memory_space<vmem_shared>> -> memref<10240x128xf32, #tpu.memory_space<vmem_shared>>
    tpu.wait_indirect_dma semaphore(%arg20 : memref<!tpu.dma_semaphore, #tpu.memory_space<semaphore_mem>>) src(%arg11 : memref<64x128xf32, #tpu.memory_space<vmem>>) dst(%dma_wait3A_131 : memref<10240x128xf32, #tpu.memory_space<vmem_shared>>)
    %add3A_132 = arith.constant 80 : i32
    %add3A_133 = arith.addi %mul3A_2, %add3A_132 : i32
    "tpu.region"() ({
      %run_scoped3A = tpu.sem_alloc : memref<!tpu.dma_semaphore, #tpu.memory_space<semaphore_mem>>
      %dma_start3A_266 = arith.constant 0 : i32
      %dma_start3A_267 = tpu.memref_slice %arg3[%add3A_133, %dma_start3A_266] : memref<5120x64xi32, #tpu.memory_space<hbm>> -> memref<40x64xi32, #tpu.memory_space<hbm>>
      %dma_start3A_268 = arith.constant 0 : i32
      %dma_start3A_269 = tpu.memref_slice %arg3[%add3A_133, %dma_start3A_268] : memref<5120x64xi32, #tpu.memory_space<hbm>> -> memref<40x64xi32, #tpu.memory_space<hbm>>
      tpu.enqueue_dma source(%dma_start3A_269 : memref<40x64xi32, #tpu.memory_space<hbm>>) target(%arg6 : memref<40x64xi32, #tpu.memory_space<vmem>>) target_semaphore(%run_scoped3A : memref<!tpu.dma_semaphore, #tpu.memory_space<semaphore_mem>>)
      %dma_wait3A_270 = arith.constant 0 : i32
      %dma_wait3A_271 = tpu.memref_slice %arg3[%add3A_133, %dma_wait3A_270] : memref<5120x64xi32, #tpu.memory_space<hbm>> -> memref<40x64xi32, #tpu.memory_space<hbm>>
      %dma_wait3A_272 = arith.constant 0 : i32
      %dma_wait3A_273 = tpu.memref_slice %arg3[%add3A_133, %dma_wait3A_272] : memref<5120x64xi32, #tpu.memory_space<hbm>> -> memref<40x64xi32, #tpu.memory_space<hbm>>
      tpu.wait_dma2 semaphore(%run_scoped3A : memref<!tpu.dma_semaphore, #tpu.memory_space<semaphore_mem>>) src(%dma_wait3A_273 : memref<40x64xi32, #tpu.memory_space<hbm>>) dst(%arg6 : memref<40x64xi32, #tpu.memory_space<vmem>>)
      tpu.yield
    }) : () -> ()
    %add3A_134 = arith.constant 80 : i32
    %add3A_135 = arith.addi %mul3A_2, %add3A_134 : i32
    "tpu.region"() ({
      %run_scoped3A = tpu.sem_alloc : memref<!tpu.dma_semaphore, #tpu.memory_space<semaphore_mem>>
      %dma_start3A_266 = arith.constant 0 : i32
      %dma_start3A_267 = tpu.memref_slice %arg4[%add3A_135, %dma_start3A_266] : memref<5120x64xi32, #tpu.memory_space<hbm>> -> memref<40x64xi32, #tpu.memory_space<hbm>>
      %dma_start3A_268 = arith.constant 0 : i32
      %dma_start3A_269 = tpu.memref_slice %arg4[%add3A_135, %dma_start3A_268] : memref<5120x64xi32, #tpu.memory_space<hbm>> -> memref<40x64xi32, #tpu.memory_space<hbm>>
      tpu.enqueue_dma source(%dma_start3A_269 : memref<40x64xi32, #tpu.memory_space<hbm>>) target(%arg7 : memref<40x64xi32, #tpu.memory_space<vmem>>) target_semaphore(%run_scoped3A : memref<!tpu.dma_semaphore, #tpu.memory_space<semaphore_mem>>)
      %dma_wait3A_270 = arith.constant 0 : i32
      %dma_wait3A_271 = tpu.memref_slice %arg4[%add3A_135, %dma_wait3A_270] : memref<5120x64xi32, #tpu.memory_space<hbm>> -> memref<40x64xi32, #tpu.memory_space<hbm>>
      %dma_wait3A_272 = arith.constant 0 : i32
      %dma_wait3A_273 = tpu.memref_slice %arg4[%add3A_135, %dma_wait3A_272] : memref<5120x64xi32, #tpu.memory_space<hbm>> -> memref<40x64xi32, #tpu.memory_space<hbm>>
      tpu.wait_dma2 semaphore(%run_scoped3A : memref<!tpu.dma_semaphore, #tpu.memory_space<semaphore_mem>>) src(%dma_wait3A_273 : memref<40x64xi32, #tpu.memory_space<hbm>>) dst(%arg7 : memref<40x64xi32, #tpu.memory_space<vmem>>)
      tpu.yield
    }) : () -> ()
    %dma_start3A_136 = arith.constant 0 : i32
    %dma_start3A_137 = arith.constant 0 : i32
    %dma_start3A_138 = tpu.memref_slice %arg6[%dma_start3A_136, %dma_start3A_137] : memref<40x64xi32, #tpu.memory_space<vmem>> -> memref<1x64xi32, #tpu.memory_space<vmem>>
    %dma_start3A_139 = tpu.memref_squeeze %dma_start3A_138 : memref<1x64xi32, #tpu.memory_space<vmem>> -> memref<64xi32, #tpu.memory_space<vmem>>
    %dma_start3A_140 = arith.constant 0 : i32
    %dma_start3A_141 = arith.constant 0 : i32
    %dma_start3A_142 = tpu.memref_slice %arg2[%dma_start3A_140, %dma_start3A_141] : memref<10240x128xf32, #tpu.memory_space<hbm>> -> memref<10240x128xf32, #tpu.memory_space<hbm>>
    tpu.enqueue_indirect_dma source(%dma_start3A_142 : memref<10240x128xf32, #tpu.memory_space<hbm>>) target(%arg8 : memref<64x128xf32, #tpu.memory_space<vmem>>) offsets(%dma_start3A_139 : memref<64xi32, #tpu.memory_space<vmem>>) semaphore(%arg13 : memref<!tpu.dma_semaphore, #tpu.memory_space<semaphore_mem>>)
    %dma_start3A_143 = arith.constant 1 : i32
    %dma_start3A_144 = arith.constant 0 : i32
    %dma_start3A_145 = tpu.memref_slice %arg6[%dma_start3A_143, %dma_start3A_144] : memref<40x64xi32, #tpu.memory_space<vmem>> -> memref<1x64xi32, #tpu.memory_space<vmem>>
    %dma_start3A_146 = tpu.memref_squeeze %dma_start3A_145 : memref<1x64xi32, #tpu.memory_space<vmem>> -> memref<64xi32, #tpu.memory_space<vmem>>
    %dma_start3A_147 = arith.constant 0 : i32
    %dma_start3A_148 = arith.constant 0 : i32
    %dma_start3A_149 = tpu.memref_slice %arg2[%dma_start3A_147, %dma_start3A_148] : memref<10240x128xf32, #tpu.memory_space<hbm>> -> memref<10240x128xf32, #tpu.memory_space<hbm>>
    tpu.enqueue_indirect_dma source(%dma_start3A_149 : memref<10240x128xf32, #tpu.memory_space<hbm>>) target(%arg9 : memref<64x128xf32, #tpu.memory_space<vmem>>) offsets(%dma_start3A_146 : memref<64xi32, #tpu.memory_space<vmem>>) semaphore(%arg14 : memref<!tpu.dma_semaphore, #tpu.memory_space<semaphore_mem>>)
    %dma_start3A_150 = arith.constant 2 : i32
    %dma_start3A_151 = arith.constant 0 : i32
    %dma_start3A_152 = tpu.memref_slice %arg6[%dma_start3A_150, %dma_start3A_151] : memref<40x64xi32, #tpu.memory_space<vmem>> -> memref<1x64xi32, #tpu.memory_space<vmem>>
    %dma_start3A_153 = tpu.memref_squeeze %dma_start3A_152 : memref<1x64xi32, #tpu.memory_space<vmem>> -> memref<64xi32, #tpu.memory_space<vmem>>
    %dma_start3A_154 = arith.constant 0 : i32
    %dma_start3A_155 = arith.constant 0 : i32
    %dma_start3A_156 = tpu.memref_slice %arg2[%dma_start3A_154, %dma_start3A_155] : memref<10240x128xf32, #tpu.memory_space<hbm>> -> memref<10240x128xf32, #tpu.memory_space<hbm>>
    tpu.enqueue_indirect_dma source(%dma_start3A_156 : memref<10240x128xf32, #tpu.memory_space<hbm>>) target(%arg10 : memref<64x128xf32, #tpu.memory_space<vmem>>) offsets(%dma_start3A_153 : memref<64xi32, #tpu.memory_space<vmem>>) semaphore(%arg15 : memref<!tpu.dma_semaphore, #tpu.memory_space<semaphore_mem>>)
    %dma_start3A_157 = arith.constant 3 : i32
    %dma_start3A_158 = arith.constant 0 : i32
    %dma_start3A_159 = tpu.memref_slice %arg6[%dma_start3A_157, %dma_start3A_158] : memref<40x64xi32, #tpu.memory_space<vmem>> -> memref<1x64xi32, #tpu.memory_space<vmem>>
    %dma_start3A_160 = tpu.memref_squeeze %dma_start3A_159 : memref<1x64xi32, #tpu.memory_space<vmem>> -> memref<64xi32, #tpu.memory_space<vmem>>
    %dma_start3A_161 = arith.constant 0 : i32
    %dma_start3A_162 = arith.constant 0 : i32
    %dma_start3A_163 = tpu.memref_slice %arg2[%dma_start3A_161, %dma_start3A_162] : memref<10240x128xf32, #tpu.memory_space<hbm>> -> memref<10240x128xf32, #tpu.memory_space<hbm>>
    tpu.enqueue_indirect_dma source(%dma_start3A_163 : memref<10240x128xf32, #tpu.memory_space<hbm>>) target(%arg11 : memref<64x128xf32, #tpu.memory_space<vmem>>) offsets(%dma_start3A_160 : memref<64xi32, #tpu.memory_space<vmem>>) semaphore(%arg16 : memref<!tpu.dma_semaphore, #tpu.memory_space<semaphore_mem>>)
    %scan3A_164 = arith.constant 0 : i32
    %scan3A_165 = arith.constant 10 : i32
    %scan3A_166 = arith.addi %scan3A_164, %scan3A_165 : i32
    %scan3A_167 = arith.constant 1 : i32
    scf.for %scan3A_266 = %scan3A_164 to %scan3A_166 step %scan3A_167  : i32 {
      %mul3A_267 = arith.constant 4 : i32
      %mul3A_268 = arith.muli %scan3A_266, %mul3A_267 : i32
      %add3A_269 = arith.constant 0 : i32
      %add3A_270 = arith.addi %add3A_269, %mul3A_268 : i32
      %add3A_271 = arith.constant 0 : i32
      %add3A_272 = arith.addi %add3A_270, %add3A_271 : i32
      %dma_wait3A_273 = arith.constant 0 : i32
      %dma_wait3A_274 = tpu.memref_slice %arg6[%add3A_272, %dma_wait3A_273] : memref<40x64xi32, #tpu.memory_space<vmem>> -> memref<1x64xi32, #tpu.memory_space<vmem>>
      %dma_wait3A_275 = tpu.memref_squeeze %dma_wait3A_274 : memref<1x64xi32, #tpu.memory_space<vmem>> -> memref<64xi32, #tpu.memory_space<vmem>>
      %dma_wait3A_276 = arith.constant 0 : i32
      %dma_wait3A_277 = arith.constant 0 : i32
      %dma_wait3A_278 = tpu.memref_slice %arg2[%dma_wait3A_276, %dma_wait3A_277] : memref<10240x128xf32, #tpu.memory_space<hbm>> -> memref<10240x128xf32, #tpu.memory_space<hbm>>
      tpu.wait_indirect_dma semaphore(%arg13 : memref<!tpu.dma_semaphore, #tpu.memory_space<semaphore_mem>>) src(%dma_wait3A_278 : memref<10240x128xf32, #tpu.memory_space<hbm>>) dst(%arg8 : memref<64x128xf32, #tpu.memory_space<vmem>>)
      %add3A_279 = arith.constant 0 : i32
      %add3A_280 = arith.addi %add3A_270, %add3A_279 : i32
      %dma_start3A_281 = arith.constant 0 : i32
      %dma_start3A_282 = tpu.memref_slice %arg7[%add3A_280, %dma_start3A_281] : memref<40x64xi32, #tpu.memory_space<vmem>> -> memref<1x64xi32, #tpu.memory_space<vmem>>
      %dma_start3A_283 = tpu.memref_squeeze %dma_start3A_282 : memref<1x64xi32, #tpu.memory_space<vmem>> -> memref<64xi32, #tpu.memory_space<vmem>>
      %dma_start3A_284 = arith.constant 0 : i32
      %dma_start3A_285 = arith.constant 0 : i32
      %dma_start3A_286 = tpu.memref_slice %arg12[%dma_start3A_284, %dma_start3A_285] : memref<10240x128xf32, #tpu.memory_space<vmem_shared>> -> memref<10240x128xf32, #tpu.memory_space<vmem_shared>>
      tpu.enqueue_indirect_dma source(%arg8 : memref<64x128xf32, #tpu.memory_space<vmem>>) target(%dma_start3A_286 : memref<10240x128xf32, #tpu.memory_space<vmem_shared>>) offsets(%dma_start3A_283 : memref<64xi32, #tpu.memory_space<vmem>>) semaphore(%arg17 : memref<!tpu.dma_semaphore, #tpu.memory_space<semaphore_mem>>) {add = true}
      %add3A_287 = arith.constant 0 : i32
      %add3A_288 = arith.addi %add3A_270, %add3A_287 : i32
      %add3A_289 = arith.constant 4 : i32
      %add3A_290 = arith.addi %add3A_288, %add3A_289 : i32
      %lt3A = arith.constant 40 : i32
      %lt3A_291 = arith.cmpi slt, %add3A_290, %lt3A : i32
      %convert_element_type3A = arith.extui %lt3A_291 : i1 to i32
      %cond3A = arith.constant 0 : i32
      %cond3A_292 = arith.cmpi ne, %convert_element_type3A, %cond3A : i32
      scf.if %cond3A_292 {
        %add3A_368 = arith.constant 0 : i32
        %add3A_369 = arith.addi %add3A_270, %add3A_368 : i32
        %dma_wait3A_370 = arith.constant 0 : i32
        %dma_wait3A_371 = tpu.memref_slice %arg7[%add3A_369, %dma_wait3A_370] : memref<40x64xi32, #tpu.memory_space<vmem>> -> memref<1x64xi32, #tpu.memory_space<vmem>>
        %dma_wait3A_372 = tpu.memref_squeeze %dma_wait3A_371 : memref<1x64xi32, #tpu.memory_space<vmem>> -> memref<64xi32, #tpu.memory_space<vmem>>
        %dma_wait3A_373 = arith.constant 0 : i32
        %dma_wait3A_374 = arith.constant 0 : i32
        %dma_wait3A_375 = tpu.memref_slice %arg12[%dma_wait3A_373, %dma_wait3A_374] : memref<10240x128xf32, #tpu.memory_space<vmem_shared>> -> memref<10240x128xf32, #tpu.memory_space<vmem_shared>>
        tpu.wait_indirect_dma semaphore(%arg17 : memref<!tpu.dma_semaphore, #tpu.memory_space<semaphore_mem>>) src(%arg8 : memref<64x128xf32, #tpu.memory_space<vmem>>) dst(%dma_wait3A_375 : memref<10240x128xf32, #tpu.memory_space<vmem_shared>>)
        %add3A_376 = arith.constant 0 : i32
        %add3A_377 = arith.addi %add3A_270, %add3A_376 : i32
        %add3A_378 = arith.constant 4 : i32
        %add3A_379 = arith.addi %add3A_377, %add3A_378 : i32
        %dma_start3A_380 = arith.constant 0 : i32
        %dma_start3A_381 = tpu.memref_slice %arg6[%add3A_379, %dma_start3A_380] : memref<40x64xi32, #tpu.memory_space<vmem>> -> memref<1x64xi32, #tpu.memory_space<vmem>>
        %dma_start3A_382 = tpu.memref_squeeze %dma_start3A_381 : memref<1x64xi32, #tpu.memory_space<vmem>> -> memref<64xi32, #tpu.memory_space<vmem>>
        %dma_start3A_383 = arith.constant 0 : i32
        %dma_start3A_384 = arith.constant 0 : i32
        %dma_start3A_385 = tpu.memref_slice %arg2[%dma_start3A_383, %dma_start3A_384] : memref<10240x128xf32, #tpu.memory_space<hbm>> -> memref<10240x128xf32, #tpu.memory_space<hbm>>
        tpu.enqueue_indirect_dma source(%dma_start3A_385 : memref<10240x128xf32, #tpu.memory_space<hbm>>) target(%arg8 : memref<64x128xf32, #tpu.memory_space<vmem>>) offsets(%dma_start3A_382 : memref<64xi32, #tpu.memory_space<vmem>>) semaphore(%arg13 : memref<!tpu.dma_semaphore, #tpu.memory_space<semaphore_mem>>)
      } else {
      }
      %add3A_293 = arith.constant 1 : i32
      %add3A_294 = arith.addi %add3A_270, %add3A_293 : i32
      %dma_wait3A_295 = arith.constant 0 : i32
      %dma_wait3A_296 = tpu.memref_slice %arg6[%add3A_294, %dma_wait3A_295] : memref<40x64xi32, #tpu.memory_space<vmem>> -> memref<1x64xi32, #tpu.memory_space<vmem>>
      %dma_wait3A_297 = tpu.memref_squeeze %dma_wait3A_296 : memref<1x64xi32, #tpu.memory_space<vmem>> -> memref<64xi32, #tpu.memory_space<vmem>>
      %dma_wait3A_298 = arith.constant 0 : i32
      %dma_wait3A_299 = arith.constant 0 : i32
      %dma_wait3A_300 = tpu.memref_slice %arg2[%dma_wait3A_298, %dma_wait3A_299] : memref<10240x128xf32, #tpu.memory_space<hbm>> -> memref<10240x128xf32, #tpu.memory_space<hbm>>
      tpu.wait_indirect_dma semaphore(%arg14 : memref<!tpu.dma_semaphore, #tpu.memory_space<semaphore_mem>>) src(%dma_wait3A_300 : memref<10240x128xf32, #tpu.memory_space<hbm>>) dst(%arg9 : memref<64x128xf32, #tpu.memory_space<vmem>>)
      %add3A_301 = arith.constant 1 : i32
      %add3A_302 = arith.addi %add3A_270, %add3A_301 : i32
      %dma_start3A_303 = arith.constant 0 : i32
      %dma_start3A_304 = tpu.memref_slice %arg7[%add3A_302, %dma_start3A_303] : memref<40x64xi32, #tpu.memory_space<vmem>> -> memref<1x64xi32, #tpu.memory_space<vmem>>
      %dma_start3A_305 = tpu.memref_squeeze %dma_start3A_304 : memref<1x64xi32, #tpu.memory_space<vmem>> -> memref<64xi32, #tpu.memory_space<vmem>>
      %dma_start3A_306 = arith.constant 0 : i32
      %dma_start3A_307 = arith.constant 0 : i32
      %dma_start3A_308 = tpu.memref_slice %arg12[%dma_start3A_306, %dma_start3A_307] : memref<10240x128xf32, #tpu.memory_space<vmem_shared>> -> memref<10240x128xf32, #tpu.memory_space<vmem_shared>>
      tpu.enqueue_indirect_dma source(%arg9 : memref<64x128xf32, #tpu.memory_space<vmem>>) target(%dma_start3A_308 : memref<10240x128xf32, #tpu.memory_space<vmem_shared>>) offsets(%dma_start3A_305 : memref<64xi32, #tpu.memory_space<vmem>>) semaphore(%arg18 : memref<!tpu.dma_semaphore, #tpu.memory_space<semaphore_mem>>) {add = true}
      %add3A_309 = arith.constant 1 : i32
      %add3A_310 = arith.addi %add3A_270, %add3A_309 : i32
      %add3A_311 = arith.constant 4 : i32
      %add3A_312 = arith.addi %add3A_310, %add3A_311 : i32
      %lt3A_313 = arith.constant 40 : i32
      %lt3A_314 = arith.cmpi slt, %add3A_312, %lt3A_313 : i32
      %convert_element_type3A_315 = arith.extui %lt3A_314 : i1 to i32
      %cond3A_316 = arith.constant 0 : i32
      %cond3A_317 = arith.cmpi ne, %convert_element_type3A_315, %cond3A_316 : i32
      scf.if %cond3A_317 {
        %add3A_368 = arith.constant 1 : i32
        %add3A_369 = arith.addi %add3A_270, %add3A_368 : i32
        %dma_wait3A_370 = arith.constant 0 : i32
        %dma_wait3A_371 = tpu.memref_slice %arg7[%add3A_369, %dma_wait3A_370] : memref<40x64xi32, #tpu.memory_space<vmem>> -> memref<1x64xi32, #tpu.memory_space<vmem>>
        %dma_wait3A_372 = tpu.memref_squeeze %dma_wait3A_371 : memref<1x64xi32, #tpu.memory_space<vmem>> -> memref<64xi32, #tpu.memory_space<vmem>>
        %dma_wait3A_373 = arith.constant 0 : i32
        %dma_wait3A_374 = arith.constant 0 : i32
        %dma_wait3A_375 = tpu.memref_slice %arg12[%dma_wait3A_373, %dma_wait3A_374] : memref<10240x128xf32, #tpu.memory_space<vmem_shared>> -> memref<10240x128xf32, #tpu.memory_space<vmem_shared>>
        tpu.wait_indirect_dma semaphore(%arg18 : memref<!tpu.dma_semaphore, #tpu.memory_space<semaphore_mem>>) src(%arg9 : memref<64x128xf32, #tpu.memory_space<vmem>>) dst(%dma_wait3A_375 : memref<10240x128xf32, #tpu.memory_space<vmem_shared>>)
        %add3A_376 = arith.constant 1 : i32
        %add3A_377 = arith.addi %add3A_270, %add3A_376 : i32
        %add3A_378 = arith.constant 4 : i32
        %add3A_379 = arith.addi %add3A_377, %add3A_378 : i32
        %dma_start3A_380 = arith.constant 0 : i32
        %dma_start3A_381 = tpu.memref_slice %arg6[%add3A_379, %dma_start3A_380] : memref<40x64xi32, #tpu.memory_space<vmem>> -> memref<1x64xi32, #tpu.memory_space<vmem>>
        %dma_start3A_382 = tpu.memref_squeeze %dma_start3A_381 : memref<1x64xi32, #tpu.memory_space<vmem>> -> memref<64xi32, #tpu.memory_space<vmem>>
        %dma_start3A_383 = arith.constant 0 : i32
        %dma_start3A_384 = arith.constant 0 : i32
        %dma_start3A_385 = tpu.memref_slice %arg2[%dma_start3A_383, %dma_start3A_384] : memref<10240x128xf32, #tpu.memory_space<hbm>> -> memref<10240x128xf32, #tpu.memory_space<hbm>>
        tpu.enqueue_indirect_dma source(%dma_start3A_385 : memref<10240x128xf32, #tpu.memory_space<hbm>>) target(%arg9 : memref<64x128xf32, #tpu.memory_space<vmem>>) offsets(%dma_start3A_382 : memref<64xi32, #tpu.memory_space<vmem>>) semaphore(%arg14 : memref<!tpu.dma_semaphore, #tpu.memory_space<semaphore_mem>>)
      } else {
      }
      %add3A_318 = arith.constant 2 : i32
      %add3A_319 = arith.addi %add3A_270, %add3A_318 : i32
      %dma_wait3A_320 = arith.constant 0 : i32
      %dma_wait3A_321 = tpu.memref_slice %arg6[%add3A_319, %dma_wait3A_320] : memref<40x64xi32, #tpu.memory_space<vmem>> -> memref<1x64xi32, #tpu.memory_space<vmem>>
      %dma_wait3A_322 = tpu.memref_squeeze %dma_wait3A_321 : memref<1x64xi32, #tpu.memory_space<vmem>> -> memref<64xi32, #tpu.memory_space<vmem>>
      %dma_wait3A_323 = arith.constant 0 : i32
      %dma_wait3A_324 = arith.constant 0 : i32
      %dma_wait3A_325 = tpu.memref_slice %arg2[%dma_wait3A_323, %dma_wait3A_324] : memref<10240x128xf32, #tpu.memory_space<hbm>> -> memref<10240x128xf32, #tpu.memory_space<hbm>>
      tpu.wait_indirect_dma semaphore(%arg15 : memref<!tpu.dma_semaphore, #tpu.memory_space<semaphore_mem>>) src(%dma_wait3A_325 : memref<10240x128xf32, #tpu.memory_space<hbm>>) dst(%arg10 : memref<64x128xf32, #tpu.memory_space<vmem>>)
      %add3A_326 = arith.constant 2 : i32
      %add3A_327 = arith.addi %add3A_270, %add3A_326 : i32
      %dma_start3A_328 = arith.constant 0 : i32
      %dma_start3A_329 = tpu.memref_slice %arg7[%add3A_327, %dma_start3A_328] : memref<40x64xi32, #tpu.memory_space<vmem>> -> memref<1x64xi32, #tpu.memory_space<vmem>>
      %dma_start3A_330 = tpu.memref_squeeze %dma_start3A_329 : memref<1x64xi32, #tpu.memory_space<vmem>> -> memref<64xi32, #tpu.memory_space<vmem>>
      %dma_start3A_331 = arith.constant 0 : i32
      %dma_start3A_332 = arith.constant 0 : i32
      %dma_start3A_333 = tpu.memref_slice %arg12[%dma_start3A_331, %dma_start3A_332] : memref<10240x128xf32, #tpu.memory_space<vmem_shared>> -> memref<10240x128xf32, #tpu.memory_space<vmem_shared>>
      tpu.enqueue_indirect_dma source(%arg10 : memref<64x128xf32, #tpu.memory_space<vmem>>) target(%dma_start3A_333 : memref<10240x128xf32, #tpu.memory_space<vmem_shared>>) offsets(%dma_start3A_330 : memref<64xi32, #tpu.memory_space<vmem>>) semaphore(%arg19 : memref<!tpu.dma_semaphore, #tpu.memory_space<semaphore_mem>>) {add = true}
      %add3A_334 = arith.constant 2 : i32
      %add3A_335 = arith.addi %add3A_270, %add3A_334 : i32
      %add3A_336 = arith.constant 4 : i32
      %add3A_337 = arith.addi %add3A_335, %add3A_336 : i32
      %lt3A_338 = arith.constant 40 : i32
      %lt3A_339 = arith.cmpi slt, %add3A_337, %lt3A_338 : i32
      %convert_element_type3A_340 = arith.extui %lt3A_339 : i1 to i32
      %cond3A_341 = arith.constant 0 : i32
      %cond3A_342 = arith.cmpi ne, %convert_element_type3A_340, %cond3A_341 : i32
      scf.if %cond3A_342 {
        %add3A_368 = arith.constant 2 : i32
        %add3A_369 = arith.addi %add3A_270, %add3A_368 : i32
        %dma_wait3A_370 = arith.constant 0 : i32
        %dma_wait3A_371 = tpu.memref_slice %arg7[%add3A_369, %dma_wait3A_370] : memref<40x64xi32, #tpu.memory_space<vmem>> -> memref<1x64xi32, #tpu.memory_space<vmem>>
        %dma_wait3A_372 = tpu.memref_squeeze %dma_wait3A_371 : memref<1x64xi32, #tpu.memory_space<vmem>> -> memref<64xi32, #tpu.memory_space<vmem>>
        %dma_wait3A_373 = arith.constant 0 : i32
        %dma_wait3A_374 = arith.constant 0 : i32
        %dma_wait3A_375 = tpu.memref_slice %arg12[%dma_wait3A_373, %dma_wait3A_374] : memref<10240x128xf32, #tpu.memory_space<vmem_shared>> -> memref<10240x128xf32, #tpu.memory_space<vmem_shared>>
        tpu.wait_indirect_dma semaphore(%arg19 : memref<!tpu.dma_semaphore, #tpu.memory_space<semaphore_mem>>) src(%arg10 : memref<64x128xf32, #tpu.memory_space<vmem>>) dst(%dma_wait3A_375 : memref<10240x128xf32, #tpu.memory_space<vmem_shared>>)
        %add3A_376 = arith.constant 2 : i32
        %add3A_377 = arith.addi %add3A_270, %add3A_376 : i32
        %add3A_378 = arith.constant 4 : i32
        %add3A_379 = arith.addi %add3A_377, %add3A_378 : i32
        %dma_start3A_380 = arith.constant 0 : i32
        %dma_start3A_381 = tpu.memref_slice %arg6[%add3A_379, %dma_start3A_380] : memref<40x64xi32, #tpu.memory_space<vmem>> -> memref<1x64xi32, #tpu.memory_space<vmem>>
        %dma_start3A_382 = tpu.memref_squeeze %dma_start3A_381 : memref<1x64xi32, #tpu.memory_space<vmem>> -> memref<64xi32, #tpu.memory_space<vmem>>
        %dma_start3A_383 = arith.constant 0 : i32
        %dma_start3A_384 = arith.constant 0 : i32
        %dma_start3A_385 = tpu.memref_slice %arg2[%dma_start3A_383, %dma_start3A_384] : memref<10240x128xf32, #tpu.memory_space<hbm>> -> memref<10240x128xf32, #tpu.memory_space<hbm>>
        tpu.enqueue_indirect_dma source(%dma_start3A_385 : memref<10240x128xf32, #tpu.memory_space<hbm>>) target(%arg10 : memref<64x128xf32, #tpu.memory_space<vmem>>) offsets(%dma_start3A_382 : memref<64xi32, #tpu.memory_space<vmem>>) semaphore(%arg15 : memref<!tpu.dma_semaphore, #tpu.memory_space<semaphore_mem>>)
      } else {
      }
      %add3A_343 = arith.constant 3 : i32
      %add3A_344 = arith.addi %add3A_270, %add3A_343 : i32
      %dma_wait3A_345 = arith.constant 0 : i32
      %dma_wait3A_346 = tpu.memref_slice %arg6[%add3A_344, %dma_wait3A_345] : memref<40x64xi32, #tpu.memory_space<vmem>> -> memref<1x64xi32, #tpu.memory_space<vmem>>
      %dma_wait3A_347 = tpu.memref_squeeze %dma_wait3A_346 : memref<1x64xi32, #tpu.memory_space<vmem>> -> memref<64xi32, #tpu.memory_space<vmem>>
      %dma_wait3A_348 = arith.constant 0 : i32
      %dma_wait3A_349 = arith.constant 0 : i32
      %dma_wait3A_350 = tpu.memref_slice %arg2[%dma_wait3A_348, %dma_wait3A_349] : memref<10240x128xf32, #tpu.memory_space<hbm>> -> memref<10240x128xf32, #tpu.memory_space<hbm>>
      tpu.wait_indirect_dma semaphore(%arg16 : memref<!tpu.dma_semaphore, #tpu.memory_space<semaphore_mem>>) src(%dma_wait3A_350 : memref<10240x128xf32, #tpu.memory_space<hbm>>) dst(%arg11 : memref<64x128xf32, #tpu.memory_space<vmem>>)
      %add3A_351 = arith.constant 3 : i32
      %add3A_352 = arith.addi %add3A_270, %add3A_351 : i32
      %dma_start3A_353 = arith.constant 0 : i32
      %dma_start3A_354 = tpu.memref_slice %arg7[%add3A_352, %dma_start3A_353] : memref<40x64xi32, #tpu.memory_space<vmem>> -> memref<1x64xi32, #tpu.memory_space<vmem>>
      %dma_start3A_355 = tpu.memref_squeeze %dma_start3A_354 : memref<1x64xi32, #tpu.memory_space<vmem>> -> memref<64xi32, #tpu.memory_space<vmem>>
      %dma_start3A_356 = arith.constant 0 : i32
      %dma_start3A_357 = arith.constant 0 : i32
      %dma_start3A_358 = tpu.memref_slice %arg12[%dma_start3A_356, %dma_start3A_357] : memref<10240x128xf32, #tpu.memory_space<vmem_shared>> -> memref<10240x128xf32, #tpu.memory_space<vmem_shared>>
      tpu.enqueue_indirect_dma source(%arg11 : memref<64x128xf32, #tpu.memory_space<vmem>>) target(%dma_start3A_358 : memref<10240x128xf32, #tpu.memory_space<vmem_shared>>) offsets(%dma_start3A_355 : memref<64xi32, #tpu.memory_space<vmem>>) semaphore(%arg20 : memref<!tpu.dma_semaphore, #tpu.memory_space<semaphore_mem>>) {add = true}
      %add3A_359 = arith.constant 3 : i32
      %add3A_360 = arith.addi %add3A_270, %add3A_359 : i32
      %add3A_361 = arith.constant 4 : i32
      %add3A_362 = arith.addi %add3A_360, %add3A_361 : i32
      %lt3A_363 = arith.constant 40 : i32
      %lt3A_364 = arith.cmpi slt, %add3A_362, %lt3A_363 : i32
      %convert_element_type3A_365 = arith.extui %lt3A_364 : i1 to i32
      %cond3A_366 = arith.constant 0 : i32
      %cond3A_367 = arith.cmpi ne, %convert_element_type3A_365, %cond3A_366 : i32
      scf.if %cond3A_367 {
        %add3A_368 = arith.constant 3 : i32
        %add3A_369 = arith.addi %add3A_270, %add3A_368 : i32
        %dma_wait3A_370 = arith.constant 0 : i32
        %dma_wait3A_371 = tpu.memref_slice %arg7[%add3A_369, %dma_wait3A_370] : memref<40x64xi32, #tpu.memory_space<vmem>> -> memref<1x64xi32, #tpu.memory_space<vmem>>
        %dma_wait3A_372 = tpu.memref_squeeze %dma_wait3A_371 : memref<1x64xi32, #tpu.memory_space<vmem>> -> memref<64xi32, #tpu.memory_space<vmem>>
        %dma_wait3A_373 = arith.constant 0 : i32
        %dma_wait3A_374 = arith.constant 0 : i32
        %dma_wait3A_375 = tpu.memref_slice %arg12[%dma_wait3A_373, %dma_wait3A_374] : memref<10240x128xf32, #tpu.memory_space<vmem_shared>> -> memref<10240x128xf32, #tpu.memory_space<vmem_shared>>
        tpu.wait_indirect_dma semaphore(%arg20 : memref<!tpu.dma_semaphore, #tpu.memory_space<semaphore_mem>>) src(%arg11 : memref<64x128xf32, #tpu.memory_space<vmem>>) dst(%dma_wait3A_375 : memref<10240x128xf32, #tpu.memory_space<vmem_shared>>)
        %add3A_376 = arith.constant 3 : i32
        %add3A_377 = arith.addi %add3A_270, %add3A_376 : i32
        %add3A_378 = arith.constant 4 : i32
        %add3A_379 = arith.addi %add3A_377, %add3A_378 : i32
        %dma_start3A_380 = arith.constant 0 : i32
        %dma_start3A_381 = tpu.memref_slice %arg6[%add3A_379, %dma_start3A_380] : memref<40x64xi32, #tpu.memory_space<vmem>> -> memref<1x64xi32, #tpu.memory_space<vmem>>
        %dma_start3A_382 = tpu.memref_squeeze %dma_start3A_381 : memref<1x64xi32, #tpu.memory_space<vmem>> -> memref<64xi32, #tpu.memory_space<vmem>>
        %dma_start3A_383 = arith.constant 0 : i32
        %dma_start3A_384 = arith.constant 0 : i32
        %dma_start3A_385 = tpu.memref_slice %arg2[%dma_start3A_383, %dma_start3A_384] : memref<10240x128xf32, #tpu.memory_space<hbm>> -> memref<10240x128xf32, #tpu.memory_space<hbm>>
        tpu.enqueue_indirect_dma source(%dma_start3A_385 : memref<10240x128xf32, #tpu.memory_space<hbm>>) target(%arg11 : memref<64x128xf32, #tpu.memory_space<vmem>>) offsets(%dma_start3A_382 : memref<64xi32, #tpu.memory_space<vmem>>) semaphore(%arg16 : memref<!tpu.dma_semaphore, #tpu.memory_space<semaphore_mem>>)
      } else {
      }
    }
    %scan3A_168 = arith.constant 10 : i32
    %dma_wait3A_169 = arith.constant 36 : i32
    %dma_wait3A_170 = arith.constant 0 : i32
    %dma_wait3A_171 = tpu.memref_slice %arg7[%dma_wait3A_169, %dma_wait3A_170] : memref<40x64xi32, #tpu.memory_space<vmem>> -> memref<1x64xi32, #tpu.memory_space<vmem>>
    %dma_wait3A_172 = tpu.memref_squeeze %dma_wait3A_171 : memref<1x64xi32, #tpu.memory_space<vmem>> -> memref<64xi32, #tpu.memory_space<vmem>>
    %dma_wait3A_173 = arith.constant 0 : i32
    %dma_wait3A_174 = arith.constant 0 : i32
    %dma_wait3A_175 = tpu.memref_slice %arg12[%dma_wait3A_173, %dma_wait3A_174] : memref<10240x128xf32, #tpu.memory_space<vmem_shared>> -> memref<10240x128xf32, #tpu.memory_space<vmem_shared>>
    tpu.wait_indirect_dma semaphore(%arg17 : memref<!tpu.dma_semaphore, #tpu.memory_space<semaphore_mem>>) src(%arg8 : memref<64x128xf32, #tpu.memory_space<vmem>>) dst(%dma_wait3A_175 : memref<10240x128xf32, #tpu.memory_space<vmem_shared>>)
    %dma_wait3A_176 = arith.constant 37 : i32
    %dma_wait3A_177 = arith.constant 0 : i32
    %dma_wait3A_178 = tpu.memref_slice %arg7[%dma_wait3A_176, %dma_wait3A_177] : memref<40x64xi32, #tpu.memory_space<vmem>> -> memref<1x64xi32, #tpu.memory_space<vmem>>
    %dma_wait3A_179 = tpu.memref_squeeze %dma_wait3A_178 : memref<1x64xi32, #tpu.memory_space<vmem>> -> memref<64xi32, #tpu.memory_space<vmem>>
    %dma_wait3A_180 = arith.constant 0 : i32
    %dma_wait3A_181 = arith.constant 0 : i32
    %dma_wait3A_182 = tpu.memref_slice %arg12[%dma_wait3A_180, %dma_wait3A_181] : memref<10240x128xf32, #tpu.memory_space<vmem_shared>> -> memref<10240x128xf32, #tpu.memory_space<vmem_shared>>
    tpu.wait_indirect_dma semaphore(%arg18 : memref<!tpu.dma_semaphore, #tpu.memory_space<semaphore_mem>>) src(%arg9 : memref<64x128xf32, #tpu.memory_space<vmem>>) dst(%dma_wait3A_182 : memref<10240x128xf32, #tpu.memory_space<vmem_shared>>)
    %dma_wait3A_183 = arith.constant 38 : i32
    %dma_wait3A_184 = arith.constant 0 : i32
    %dma_wait3A_185 = tpu.memref_slice %arg7[%dma_wait3A_183, %dma_wait3A_184] : memref<40x64xi32, #tpu.memory_space<vmem>> -> memref<1x64xi32, #tpu.memory_space<vmem>>
    %dma_wait3A_186 = tpu.memref_squeeze %dma_wait3A_185 : memref<1x64xi32, #tpu.memory_space<vmem>> -> memref<64xi32, #tpu.memory_space<vmem>>
    %dma_wait3A_187 = arith.constant 0 : i32
    %dma_wait3A_188 = arith.constant 0 : i32
    %dma_wait3A_189 = tpu.memref_slice %arg12[%dma_wait3A_187, %dma_wait3A_188] : memref<10240x128xf32, #tpu.memory_space<vmem_shared>> -> memref<10240x128xf32, #tpu.memory_space<vmem_shared>>
    tpu.wait_indirect_dma semaphore(%arg19 : memref<!tpu.dma_semaphore, #tpu.memory_space<semaphore_mem>>) src(%arg10 : memref<64x128xf32, #tpu.memory_space<vmem>>) dst(%dma_wait3A_189 : memref<10240x128xf32, #tpu.memory_space<vmem_shared>>)
    %dma_wait3A_190 = arith.constant 39 : i32
    %dma_wait3A_191 = arith.constant 0 : i32
    %dma_wait3A_192 = tpu.memref_slice %arg7[%dma_wait3A_190, %dma_wait3A_191] : memref<40x64xi32, #tpu.memory_space<vmem>> -> memref<1x64xi32, #tpu.memory_space<vmem>>
    %dma_wait3A_193 = tpu.memref_squeeze %dma_wait3A_192 : memref<1x64xi32, #tpu.memory_space<vmem>> -> memref<64xi32, #tpu.memory_space<vmem>>
    %dma_wait3A_194 = arith.constant 0 : i32
    %dma_wait3A_195 = arith.constant 0 : i32
    %dma_wait3A_196 = tpu.memref_slice %arg12[%dma_wait3A_194, %dma_wait3A_195] : memref<10240x128xf32, #tpu.memory_space<vmem_shared>> -> memref<10240x128xf32, #tpu.memory_space<vmem_shared>>
    tpu.wait_indirect_dma semaphore(%arg20 : memref<!tpu.dma_semaphore, #tpu.memory_space<semaphore_mem>>) src(%arg11 : memref<64x128xf32, #tpu.memory_space<vmem>>) dst(%dma_wait3A_196 : memref<10240x128xf32, #tpu.memory_space<vmem_shared>>)
    %add3A_197 = arith.constant 120 : i32
    %add3A_198 = arith.addi %mul3A_2, %add3A_197 : i32
    "tpu.region"() ({
      %run_scoped3A = tpu.sem_alloc : memref<!tpu.dma_semaphore, #tpu.memory_space<semaphore_mem>>
      %dma_start3A_266 = arith.constant 0 : i32
      %dma_start3A_267 = tpu.memref_slice %arg3[%add3A_198, %dma_start3A_266] : memref<5120x64xi32, #tpu.memory_space<hbm>> -> memref<40x64xi32, #tpu.memory_space<hbm>>
      %dma_start3A_268 = arith.constant 0 : i32
      %dma_start3A_269 = tpu.memref_slice %arg3[%add3A_198, %dma_start3A_268] : memref<5120x64xi32, #tpu.memory_space<hbm>> -> memref<40x64xi32, #tpu.memory_space<hbm>>
      tpu.enqueue_dma source(%dma_start3A_269 : memref<40x64xi32, #tpu.memory_space<hbm>>) target(%arg6 : memref<40x64xi32, #tpu.memory_space<vmem>>) target_semaphore(%run_scoped3A : memref<!tpu.dma_semaphore, #tpu.memory_space<semaphore_mem>>)
      %dma_wait3A_270 = arith.constant 0 : i32
      %dma_wait3A_271 = tpu.memref_slice %arg3[%add3A_198, %dma_wait3A_270] : memref<5120x64xi32, #tpu.memory_space<hbm>> -> memref<40x64xi32, #tpu.memory_space<hbm>>
      %dma_wait3A_272 = arith.constant 0 : i32
      %dma_wait3A_273 = tpu.memref_slice %arg3[%add3A_198, %dma_wait3A_272] : memref<5120x64xi32, #tpu.memory_space<hbm>> -> memref<40x64xi32, #tpu.memory_space<hbm>>
      tpu.wait_dma2 semaphore(%run_scoped3A : memref<!tpu.dma_semaphore, #tpu.memory_space<semaphore_mem>>) src(%dma_wait3A_273 : memref<40x64xi32, #tpu.memory_space<hbm>>) dst(%arg6 : memref<40x64xi32, #tpu.memory_space<vmem>>)
      tpu.yield
    }) : () -> ()
    %add3A_199 = arith.constant 120 : i32
    %add3A_200 = arith.addi %mul3A_2, %add3A_199 : i32
    "tpu.region"() ({
      %run_scoped3A = tpu.sem_alloc : memref<!tpu.dma_semaphore, #tpu.memory_space<semaphore_mem>>
      %dma_start3A_266 = arith.constant 0 : i32
      %dma_start3A_267 = tpu.memref_slice %arg4[%add3A_200, %dma_start3A_266] : memref<5120x64xi32, #tpu.memory_space<hbm>> -> memref<40x64xi32, #tpu.memory_space<hbm>>
      %dma_start3A_268 = arith.constant 0 : i32
      %dma_start3A_269 = tpu.memref_slice %arg4[%add3A_200, %dma_start3A_268] : memref<5120x64xi32, #tpu.memory_space<hbm>> -> memref<40x64xi32, #tpu.memory_space<hbm>>
      tpu.enqueue_dma source(%dma_start3A_269 : memref<40x64xi32, #tpu.memory_space<hbm>>) target(%arg7 : memref<40x64xi32, #tpu.memory_space<vmem>>) target_semaphore(%run_scoped3A : memref<!tpu.dma_semaphore, #tpu.memory_space<semaphore_mem>>)
      %dma_wait3A_270 = arith.constant 0 : i32
      %dma_wait3A_271 = tpu.memref_slice %arg4[%add3A_200, %dma_wait3A_270] : memref<5120x64xi32, #tpu.memory_space<hbm>> -> memref<40x64xi32, #tpu.memory_space<hbm>>
      %dma_wait3A_272 = arith.constant 0 : i32
      %dma_wait3A_273 = tpu.memref_slice %arg4[%add3A_200, %dma_wait3A_272] : memref<5120x64xi32, #tpu.memory_space<hbm>> -> memref<40x64xi32, #tpu.memory_space<hbm>>
      tpu.wait_dma2 semaphore(%run_scoped3A : memref<!tpu.dma_semaphore, #tpu.memory_space<semaphore_mem>>) src(%dma_wait3A_273 : memref<40x64xi32, #tpu.memory_space<hbm>>) dst(%arg7 : memref<40x64xi32, #tpu.memory_space<vmem>>)
      tpu.yield
    }) : () -> ()
    %dma_start3A_201 = arith.constant 0 : i32
    %dma_start3A_202 = arith.constant 0 : i32
    %dma_start3A_203 = tpu.memref_slice %arg6[%dma_start3A_201, %dma_start3A_202] : memref<40x64xi32, #tpu.memory_space<vmem>> -> memref<1x64xi32, #tpu.memory_space<vmem>>
    %dma_start3A_204 = tpu.memref_squeeze %dma_start3A_203 : memref<1x64xi32, #tpu.memory_space<vmem>> -> memref<64xi32, #tpu.memory_space<vmem>>
    %dma_start3A_205 = arith.constant 0 : i32
    %dma_start3A_206 = arith.constant 0 : i32
    %dma_start3A_207 = tpu.memref_slice %arg2[%dma_start3A_205, %dma_start3A_206] : memref<10240x128xf32, #tpu.memory_space<hbm>> -> memref<10240x128xf32, #tpu.memory_space<hbm>>
    tpu.enqueue_indirect_dma source(%dma_start3A_207 : memref<10240x128xf32, #tpu.memory_space<hbm>>) target(%arg8 : memref<64x128xf32, #tpu.memory_space<vmem>>) offsets(%dma_start3A_204 : memref<64xi32, #tpu.memory_space<vmem>>) semaphore(%arg13 : memref<!tpu.dma_semaphore, #tpu.memory_space<semaphore_mem>>)
    %dma_start3A_208 = arith.constant 1 : i32
    %dma_start3A_209 = arith.constant 0 : i32
    %dma_start3A_210 = tpu.memref_slice %arg6[%dma_start3A_208, %dma_start3A_209] : memref<40x64xi32, #tpu.memory_space<vmem>> -> memref<1x64xi32, #tpu.memory_space<vmem>>
    %dma_start3A_211 = tpu.memref_squeeze %dma_start3A_210 : memref<1x64xi32, #tpu.memory_space<vmem>> -> memref<64xi32, #tpu.memory_space<vmem>>
    %dma_start3A_212 = arith.constant 0 : i32
    %dma_start3A_213 = arith.constant 0 : i32
    %dma_start3A_214 = tpu.memref_slice %arg2[%dma_start3A_212, %dma_start3A_213] : memref<10240x128xf32, #tpu.memory_space<hbm>> -> memref<10240x128xf32, #tpu.memory_space<hbm>>
    tpu.enqueue_indirect_dma source(%dma_start3A_214 : memref<10240x128xf32, #tpu.memory_space<hbm>>) target(%arg9 : memref<64x128xf32, #tpu.memory_space<vmem>>) offsets(%dma_start3A_211 : memref<64xi32, #tpu.memory_space<vmem>>) semaphore(%arg14 : memref<!tpu.dma_semaphore, #tpu.memory_space<semaphore_mem>>)
    %dma_start3A_215 = arith.constant 2 : i32
    %dma_start3A_216 = arith.constant 0 : i32
    %dma_start3A_217 = tpu.memref_slice %arg6[%dma_start3A_215, %dma_start3A_216] : memref<40x64xi32, #tpu.memory_space<vmem>> -> memref<1x64xi32, #tpu.memory_space<vmem>>
    %dma_start3A_218 = tpu.memref_squeeze %dma_start3A_217 : memref<1x64xi32, #tpu.memory_space<vmem>> -> memref<64xi32, #tpu.memory_space<vmem>>
    %dma_start3A_219 = arith.constant 0 : i32
    %dma_start3A_220 = arith.constant 0 : i32
    %dma_start3A_221 = tpu.memref_slice %arg2[%dma_start3A_219, %dma_start3A_220] : memref<10240x128xf32, #tpu.memory_space<hbm>> -> memref<10240x128xf32, #tpu.memory_space<hbm>>
    tpu.enqueue_indirect_dma source(%dma_start3A_221 : memref<10240x128xf32, #tpu.memory_space<hbm>>) target(%arg10 : memref<64x128xf32, #tpu.memory_space<vmem>>) offsets(%dma_start3A_218 : memref<64xi32, #tpu.memory_space<vmem>>) semaphore(%arg15 : memref<!tpu.dma_semaphore, #tpu.memory_space<semaphore_mem>>)
    %dma_start3A_222 = arith.constant 3 : i32
    %dma_start3A_223 = arith.constant 0 : i32
    %dma_start3A_224 = tpu.memref_slice %arg6[%dma_start3A_222, %dma_start3A_223] : memref<40x64xi32, #tpu.memory_space<vmem>> -> memref<1x64xi32, #tpu.memory_space<vmem>>
    %dma_start3A_225 = tpu.memref_squeeze %dma_start3A_224 : memref<1x64xi32, #tpu.memory_space<vmem>> -> memref<64xi32, #tpu.memory_space<vmem>>
    %dma_start3A_226 = arith.constant 0 : i32
    %dma_start3A_227 = arith.constant 0 : i32
    %dma_start3A_228 = tpu.memref_slice %arg2[%dma_start3A_226, %dma_start3A_227] : memref<10240x128xf32, #tpu.memory_space<hbm>> -> memref<10240x128xf32, #tpu.memory_space<hbm>>
    tpu.enqueue_indirect_dma source(%dma_start3A_228 : memref<10240x128xf32, #tpu.memory_space<hbm>>) target(%arg11 : memref<64x128xf32, #tpu.memory_space<vmem>>) offsets(%dma_start3A_225 : memref<64xi32, #tpu.memory_space<vmem>>) semaphore(%arg16 : memref<!tpu.dma_semaphore, #tpu.memory_space<semaphore_mem>>)
    %scan3A_229 = arith.constant 0 : i32
    %scan3A_230 = arith.constant 10 : i32
    %scan3A_231 = arith.addi %scan3A_229, %scan3A_230 : i32
    %scan3A_232 = arith.constant 1 : i32
    scf.for %scan3A_266 = %scan3A_229 to %scan3A_231 step %scan3A_232  : i32 {
      %mul3A_267 = arith.constant 4 : i32
      %mul3A_268 = arith.muli %scan3A_266, %mul3A_267 : i32
      %add3A_269 = arith.constant 0 : i32
      %add3A_270 = arith.addi %add3A_269, %mul3A_268 : i32
      %add3A_271 = arith.constant 0 : i32
      %add3A_272 = arith.addi %add3A_270, %add3A_271 : i32
      %dma_wait3A_273 = arith.constant 0 : i32
      %dma_wait3A_274 = tpu.memref_slice %arg6[%add3A_272, %dma_wait3A_273] : memref<40x64xi32, #tpu.memory_space<vmem>> -> memref<1x64xi32, #tpu.memory_space<vmem>>
      %dma_wait3A_275 = tpu.memref_squeeze %dma_wait3A_274 : memref<1x64xi32, #tpu.memory_space<vmem>> -> memref<64xi32, #tpu.memory_space<vmem>>
      %dma_wait3A_276 = arith.constant 0 : i32
      %dma_wait3A_277 = arith.constant 0 : i32
      %dma_wait3A_278 = tpu.memref_slice %arg2[%dma_wait3A_276, %dma_wait3A_277] : memref<10240x128xf32, #tpu.memory_space<hbm>> -> memref<10240x128xf32, #tpu.memory_space<hbm>>
      tpu.wait_indirect_dma semaphore(%arg13 : memref<!tpu.dma_semaphore, #tpu.memory_space<semaphore_mem>>) src(%dma_wait3A_278 : memref<10240x128xf32, #tpu.memory_space<hbm>>) dst(%arg8 : memref<64x128xf32, #tpu.memory_space<vmem>>)
      %add3A_279 = arith.constant 0 : i32
      %add3A_280 = arith.addi %add3A_270, %add3A_279 : i32
      %dma_start3A_281 = arith.constant 0 : i32
      %dma_start3A_282 = tpu.memref_slice %arg7[%add3A_280, %dma_start3A_281] : memref<40x64xi32, #tpu.memory_space<vmem>> -> memref<1x64xi32, #tpu.memory_space<vmem>>
      %dma_start3A_283 = tpu.memref_squeeze %dma_start3A_282 : memref<1x64xi32, #tpu.memory_space<vmem>> -> memref<64xi32, #tpu.memory_space<vmem>>
      %dma_start3A_284 = arith.constant 0 : i32
      %dma_start3A_285 = arith.constant 0 : i32
      %dma_start3A_286 = tpu.memref_slice %arg12[%dma_start3A_284, %dma_start3A_285] : memref<10240x128xf32, #tpu.memory_space<vmem_shared>> -> memref<10240x128xf32, #tpu.memory_space<vmem_shared>>
      tpu.enqueue_indirect_dma source(%arg8 : memref<64x128xf32, #tpu.memory_space<vmem>>) target(%dma_start3A_286 : memref<10240x128xf32, #tpu.memory_space<vmem_shared>>) offsets(%dma_start3A_283 : memref<64xi32, #tpu.memory_space<vmem>>) semaphore(%arg17 : memref<!tpu.dma_semaphore, #tpu.memory_space<semaphore_mem>>) {add = true}
      %add3A_287 = arith.constant 0 : i32
      %add3A_288 = arith.addi %add3A_270, %add3A_287 : i32
      %add3A_289 = arith.constant 4 : i32
      %add3A_290 = arith.addi %add3A_288, %add3A_289 : i32
      %lt3A = arith.constant 40 : i32
      %lt3A_291 = arith.cmpi slt, %add3A_290, %lt3A : i32
      %convert_element_type3A = arith.extui %lt3A_291 : i1 to i32
      %cond3A = arith.constant 0 : i32
      %cond3A_292 = arith.cmpi ne, %convert_element_type3A, %cond3A : i32
      scf.if %cond3A_292 {
        %add3A_368 = arith.constant 0 : i32
        %add3A_369 = arith.addi %add3A_270, %add3A_368 : i32
        %dma_wait3A_370 = arith.constant 0 : i32
        %dma_wait3A_371 = tpu.memref_slice %arg7[%add3A_369, %dma_wait3A_370] : memref<40x64xi32, #tpu.memory_space<vmem>> -> memref<1x64xi32, #tpu.memory_space<vmem>>
        %dma_wait3A_372 = tpu.memref_squeeze %dma_wait3A_371 : memref<1x64xi32, #tpu.memory_space<vmem>> -> memref<64xi32, #tpu.memory_space<vmem>>
        %dma_wait3A_373 = arith.constant 0 : i32
        %dma_wait3A_374 = arith.constant 0 : i32
        %dma_wait3A_375 = tpu.memref_slice %arg12[%dma_wait3A_373, %dma_wait3A_374] : memref<10240x128xf32, #tpu.memory_space<vmem_shared>> -> memref<10240x128xf32, #tpu.memory_space<vmem_shared>>
        tpu.wait_indirect_dma semaphore(%arg17 : memref<!tpu.dma_semaphore, #tpu.memory_space<semaphore_mem>>) src(%arg8 : memref<64x128xf32, #tpu.memory_space<vmem>>) dst(%dma_wait3A_375 : memref<10240x128xf32, #tpu.memory_space<vmem_shared>>)
        %add3A_376 = arith.constant 0 : i32
        %add3A_377 = arith.addi %add3A_270, %add3A_376 : i32
        %add3A_378 = arith.constant 4 : i32
        %add3A_379 = arith.addi %add3A_377, %add3A_378 : i32
        %dma_start3A_380 = arith.constant 0 : i32
        %dma_start3A_381 = tpu.memref_slice %arg6[%add3A_379, %dma_start3A_380] : memref<40x64xi32, #tpu.memory_space<vmem>> -> memref<1x64xi32, #tpu.memory_space<vmem>>
        %dma_start3A_382 = tpu.memref_squeeze %dma_start3A_381 : memref<1x64xi32, #tpu.memory_space<vmem>> -> memref<64xi32, #tpu.memory_space<vmem>>
        %dma_start3A_383 = arith.constant 0 : i32
        %dma_start3A_384 = arith.constant 0 : i32
        %dma_start3A_385 = tpu.memref_slice %arg2[%dma_start3A_383, %dma_start3A_384] : memref<10240x128xf32, #tpu.memory_space<hbm>> -> memref<10240x128xf32, #tpu.memory_space<hbm>>
        tpu.enqueue_indirect_dma source(%dma_start3A_385 : memref<10240x128xf32, #tpu.memory_space<hbm>>) target(%arg8 : memref<64x128xf32, #tpu.memory_space<vmem>>) offsets(%dma_start3A_382 : memref<64xi32, #tpu.memory_space<vmem>>) semaphore(%arg13 : memref<!tpu.dma_semaphore, #tpu.memory_space<semaphore_mem>>)
      } else {
      }
      %add3A_293 = arith.constant 1 : i32
      %add3A_294 = arith.addi %add3A_270, %add3A_293 : i32
      %dma_wait3A_295 = arith.constant 0 : i32
      %dma_wait3A_296 = tpu.memref_slice %arg6[%add3A_294, %dma_wait3A_295] : memref<40x64xi32, #tpu.memory_space<vmem>> -> memref<1x64xi32, #tpu.memory_space<vmem>>
      %dma_wait3A_297 = tpu.memref_squeeze %dma_wait3A_296 : memref<1x64xi32, #tpu.memory_space<vmem>> -> memref<64xi32, #tpu.memory_space<vmem>>
      %dma_wait3A_298 = arith.constant 0 : i32
      %dma_wait3A_299 = arith.constant 0 : i32
      %dma_wait3A_300 = tpu.memref_slice %arg2[%dma_wait3A_298, %dma_wait3A_299] : memref<10240x128xf32, #tpu.memory_space<hbm>> -> memref<10240x128xf32, #tpu.memory_space<hbm>>
      tpu.wait_indirect_dma semaphore(%arg14 : memref<!tpu.dma_semaphore, #tpu.memory_space<semaphore_mem>>) src(%dma_wait3A_300 : memref<10240x128xf32, #tpu.memory_space<hbm>>) dst(%arg9 : memref<64x128xf32, #tpu.memory_space<vmem>>)
      %add3A_301 = arith.constant 1 : i32
      %add3A_302 = arith.addi %add3A_270, %add3A_301 : i32
      %dma_start3A_303 = arith.constant 0 : i32
      %dma_start3A_304 = tpu.memref_slice %arg7[%add3A_302, %dma_start3A_303] : memref<40x64xi32, #tpu.memory_space<vmem>> -> memref<1x64xi32, #tpu.memory_space<vmem>>
      %dma_start3A_305 = tpu.memref_squeeze %dma_start3A_304 : memref<1x64xi32, #tpu.memory_space<vmem>> -> memref<64xi32, #tpu.memory_space<vmem>>
      %dma_start3A_306 = arith.constant 0 : i32
      %dma_start3A_307 = arith.constant 0 : i32
      %dma_start3A_308 = tpu.memref_slice %arg12[%dma_start3A_306, %dma_start3A_307] : memref<10240x128xf32, #tpu.memory_space<vmem_shared>> -> memref<10240x128xf32, #tpu.memory_space<vmem_shared>>
      tpu.enqueue_indirect_dma source(%arg9 : memref<64x128xf32, #tpu.memory_space<vmem>>) target(%dma_start3A_308 : memref<10240x128xf32, #tpu.memory_space<vmem_shared>>) offsets(%dma_start3A_305 : memref<64xi32, #tpu.memory_space<vmem>>) semaphore(%arg18 : memref<!tpu.dma_semaphore, #tpu.memory_space<semaphore_mem>>) {add = true}
      %add3A_309 = arith.constant 1 : i32
      %add3A_310 = arith.addi %add3A_270, %add3A_309 : i32
      %add3A_311 = arith.constant 4 : i32
      %add3A_312 = arith.addi %add3A_310, %add3A_311 : i32
      %lt3A_313 = arith.constant 40 : i32
      %lt3A_314 = arith.cmpi slt, %add3A_312, %lt3A_313 : i32
      %convert_element_type3A_315 = arith.extui %lt3A_314 : i1 to i32
      %cond3A_316 = arith.constant 0 : i32
      %cond3A_317 = arith.cmpi ne, %convert_element_type3A_315, %cond3A_316 : i32
      scf.if %cond3A_317 {
        %add3A_368 = arith.constant 1 : i32
        %add3A_369 = arith.addi %add3A_270, %add3A_368 : i32
        %dma_wait3A_370 = arith.constant 0 : i32
        %dma_wait3A_371 = tpu.memref_slice %arg7[%add3A_369, %dma_wait3A_370] : memref<40x64xi32, #tpu.memory_space<vmem>> -> memref<1x64xi32, #tpu.memory_space<vmem>>
        %dma_wait3A_372 = tpu.memref_squeeze %dma_wait3A_371 : memref<1x64xi32, #tpu.memory_space<vmem>> -> memref<64xi32, #tpu.memory_space<vmem>>
        %dma_wait3A_373 = arith.constant 0 : i32
        %dma_wait3A_374 = arith.constant 0 : i32
        %dma_wait3A_375 = tpu.memref_slice %arg12[%dma_wait3A_373, %dma_wait3A_374] : memref<10240x128xf32, #tpu.memory_space<vmem_shared>> -> memref<10240x128xf32, #tpu.memory_space<vmem_shared>>
        tpu.wait_indirect_dma semaphore(%arg18 : memref<!tpu.dma_semaphore, #tpu.memory_space<semaphore_mem>>) src(%arg9 : memref<64x128xf32, #tpu.memory_space<vmem>>) dst(%dma_wait3A_375 : memref<10240x128xf32, #tpu.memory_space<vmem_shared>>)
        %add3A_376 = arith.constant 1 : i32
        %add3A_377 = arith.addi %add3A_270, %add3A_376 : i32
        %add3A_378 = arith.constant 4 : i32
        %add3A_379 = arith.addi %add3A_377, %add3A_378 : i32
        %dma_start3A_380 = arith.constant 0 : i32
        %dma_start3A_381 = tpu.memref_slice %arg6[%add3A_379, %dma_start3A_380] : memref<40x64xi32, #tpu.memory_space<vmem>> -> memref<1x64xi32, #tpu.memory_space<vmem>>
        %dma_start3A_382 = tpu.memref_squeeze %dma_start3A_381 : memref<1x64xi32, #tpu.memory_space<vmem>> -> memref<64xi32, #tpu.memory_space<vmem>>
        %dma_start3A_383 = arith.constant 0 : i32
        %dma_start3A_384 = arith.constant 0 : i32
        %dma_start3A_385 = tpu.memref_slice %arg2[%dma_start3A_383, %dma_start3A_384] : memref<10240x128xf32, #tpu.memory_space<hbm>> -> memref<10240x128xf32, #tpu.memory_space<hbm>>
        tpu.enqueue_indirect_dma source(%dma_start3A_385 : memref<10240x128xf32, #tpu.memory_space<hbm>>) target(%arg9 : memref<64x128xf32, #tpu.memory_space<vmem>>) offsets(%dma_start3A_382 : memref<64xi32, #tpu.memory_space<vmem>>) semaphore(%arg14 : memref<!tpu.dma_semaphore, #tpu.memory_space<semaphore_mem>>)
      } else {
      }
      %add3A_318 = arith.constant 2 : i32
      %add3A_319 = arith.addi %add3A_270, %add3A_318 : i32
      %dma_wait3A_320 = arith.constant 0 : i32
      %dma_wait3A_321 = tpu.memref_slice %arg6[%add3A_319, %dma_wait3A_320] : memref<40x64xi32, #tpu.memory_space<vmem>> -> memref<1x64xi32, #tpu.memory_space<vmem>>
      %dma_wait3A_322 = tpu.memref_squeeze %dma_wait3A_321 : memref<1x64xi32, #tpu.memory_space<vmem>> -> memref<64xi32, #tpu.memory_space<vmem>>
      %dma_wait3A_323 = arith.constant 0 : i32
      %dma_wait3A_324 = arith.constant 0 : i32
      %dma_wait3A_325 = tpu.memref_slice %arg2[%dma_wait3A_323, %dma_wait3A_324] : memref<10240x128xf32, #tpu.memory_space<hbm>> -> memref<10240x128xf32, #tpu.memory_space<hbm>>
      tpu.wait_indirect_dma semaphore(%arg15 : memref<!tpu.dma_semaphore, #tpu.memory_space<semaphore_mem>>) src(%dma_wait3A_325 : memref<10240x128xf32, #tpu.memory_space<hbm>>) dst(%arg10 : memref<64x128xf32, #tpu.memory_space<vmem>>)
      %add3A_326 = arith.constant 2 : i32
      %add3A_327 = arith.addi %add3A_270, %add3A_326 : i32
      %dma_start3A_328 = arith.constant 0 : i32
      %dma_start3A_329 = tpu.memref_slice %arg7[%add3A_327, %dma_start3A_328] : memref<40x64xi32, #tpu.memory_space<vmem>> -> memref<1x64xi32, #tpu.memory_space<vmem>>
      %dma_start3A_330 = tpu.memref_squeeze %dma_start3A_329 : memref<1x64xi32, #tpu.memory_space<vmem>> -> memref<64xi32, #tpu.memory_space<vmem>>
      %dma_start3A_331 = arith.constant 0 : i32
      %dma_start3A_332 = arith.constant 0 : i32
      %dma_start3A_333 = tpu.memref_slice %arg12[%dma_start3A_331, %dma_start3A_332] : memref<10240x128xf32, #tpu.memory_space<vmem_shared>> -> memref<10240x128xf32, #tpu.memory_space<vmem_shared>>
      tpu.enqueue_indirect_dma source(%arg10 : memref<64x128xf32, #tpu.memory_space<vmem>>) target(%dma_start3A_333 : memref<10240x128xf32, #tpu.memory_space<vmem_shared>>) offsets(%dma_start3A_330 : memref<64xi32, #tpu.memory_space<vmem>>) semaphore(%arg19 : memref<!tpu.dma_semaphore, #tpu.memory_space<semaphore_mem>>) {add = true}
      %add3A_334 = arith.constant 2 : i32
      %add3A_335 = arith.addi %add3A_270, %add3A_334 : i32
      %add3A_336 = arith.constant 4 : i32
      %add3A_337 = arith.addi %add3A_335, %add3A_336 : i32
      %lt3A_338 = arith.constant 40 : i32
      %lt3A_339 = arith.cmpi slt, %add3A_337, %lt3A_338 : i32
      %convert_element_type3A_340 = arith.extui %lt3A_339 : i1 to i32
      %cond3A_341 = arith.constant 0 : i32
      %cond3A_342 = arith.cmpi ne, %convert_element_type3A_340, %cond3A_341 : i32
      scf.if %cond3A_342 {
        %add3A_368 = arith.constant 2 : i32
        %add3A_369 = arith.addi %add3A_270, %add3A_368 : i32
        %dma_wait3A_370 = arith.constant 0 : i32
        %dma_wait3A_371 = tpu.memref_slice %arg7[%add3A_369, %dma_wait3A_370] : memref<40x64xi32, #tpu.memory_space<vmem>> -> memref<1x64xi32, #tpu.memory_space<vmem>>
        %dma_wait3A_372 = tpu.memref_squeeze %dma_wait3A_371 : memref<1x64xi32, #tpu.memory_space<vmem>> -> memref<64xi32, #tpu.memory_space<vmem>>
        %dma_wait3A_373 = arith.constant 0 : i32
        %dma_wait3A_374 = arith.constant 0 : i32
        %dma_wait3A_375 = tpu.memref_slice %arg12[%dma_wait3A_373, %dma_wait3A_374] : memref<10240x128xf32, #tpu.memory_space<vmem_shared>> -> memref<10240x128xf32, #tpu.memory_space<vmem_shared>>
        tpu.wait_indirect_dma semaphore(%arg19 : memref<!tpu.dma_semaphore, #tpu.memory_space<semaphore_mem>>) src(%arg10 : memref<64x128xf32, #tpu.memory_space<vmem>>) dst(%dma_wait3A_375 : memref<10240x128xf32, #tpu.memory_space<vmem_shared>>)
        %add3A_376 = arith.constant 2 : i32
        %add3A_377 = arith.addi %add3A_270, %add3A_376 : i32
        %add3A_378 = arith.constant 4 : i32
        %add3A_379 = arith.addi %add3A_377, %add3A_378 : i32
        %dma_start3A_380 = arith.constant 0 : i32
        %dma_start3A_381 = tpu.memref_slice %arg6[%add3A_379, %dma_start3A_380] : memref<40x64xi32, #tpu.memory_space<vmem>> -> memref<1x64xi32, #tpu.memory_space<vmem>>
        %dma_start3A_382 = tpu.memref_squeeze %dma_start3A_381 : memref<1x64xi32, #tpu.memory_space<vmem>> -> memref<64xi32, #tpu.memory_space<vmem>>
        %dma_start3A_383 = arith.constant 0 : i32
        %dma_start3A_384 = arith.constant 0 : i32
        %dma_start3A_385 = tpu.memref_slice %arg2[%dma_start3A_383, %dma_start3A_384] : memref<10240x128xf32, #tpu.memory_space<hbm>> -> memref<10240x128xf32, #tpu.memory_space<hbm>>
        tpu.enqueue_indirect_dma source(%dma_start3A_385 : memref<10240x128xf32, #tpu.memory_space<hbm>>) target(%arg10 : memref<64x128xf32, #tpu.memory_space<vmem>>) offsets(%dma_start3A_382 : memref<64xi32, #tpu.memory_space<vmem>>) semaphore(%arg15 : memref<!tpu.dma_semaphore, #tpu.memory_space<semaphore_mem>>)
      } else {
      }
      %add3A_343 = arith.constant 3 : i32
      %add3A_344 = arith.addi %add3A_270, %add3A_343 : i32
      %dma_wait3A_345 = arith.constant 0 : i32
      %dma_wait3A_346 = tpu.memref_slice %arg6[%add3A_344, %dma_wait3A_345] : memref<40x64xi32, #tpu.memory_space<vmem>> -> memref<1x64xi32, #tpu.memory_space<vmem>>
      %dma_wait3A_347 = tpu.memref_squeeze %dma_wait3A_346 : memref<1x64xi32, #tpu.memory_space<vmem>> -> memref<64xi32, #tpu.memory_space<vmem>>
      %dma_wait3A_348 = arith.constant 0 : i32
      %dma_wait3A_349 = arith.constant 0 : i32
      %dma_wait3A_350 = tpu.memref_slice %arg2[%dma_wait3A_348, %dma_wait3A_349] : memref<10240x128xf32, #tpu.memory_space<hbm>> -> memref<10240x128xf32, #tpu.memory_space<hbm>>
      tpu.wait_indirect_dma semaphore(%arg16 : memref<!tpu.dma_semaphore, #tpu.memory_space<semaphore_mem>>) src(%dma_wait3A_350 : memref<10240x128xf32, #tpu.memory_space<hbm>>) dst(%arg11 : memref<64x128xf32, #tpu.memory_space<vmem>>)
      %add3A_351 = arith.constant 3 : i32
      %add3A_352 = arith.addi %add3A_270, %add3A_351 : i32
      %dma_start3A_353 = arith.constant 0 : i32
      %dma_start3A_354 = tpu.memref_slice %arg7[%add3A_352, %dma_start3A_353] : memref<40x64xi32, #tpu.memory_space<vmem>> -> memref<1x64xi32, #tpu.memory_space<vmem>>
      %dma_start3A_355 = tpu.memref_squeeze %dma_start3A_354 : memref<1x64xi32, #tpu.memory_space<vmem>> -> memref<64xi32, #tpu.memory_space<vmem>>
      %dma_start3A_356 = arith.constant 0 : i32
      %dma_start3A_357 = arith.constant 0 : i32
      %dma_start3A_358 = tpu.memref_slice %arg12[%dma_start3A_356, %dma_start3A_357] : memref<10240x128xf32, #tpu.memory_space<vmem_shared>> -> memref<10240x128xf32, #tpu.memory_space<vmem_shared>>
      tpu.enqueue_indirect_dma source(%arg11 : memref<64x128xf32, #tpu.memory_space<vmem>>) target(%dma_start3A_358 : memref<10240x128xf32, #tpu.memory_space<vmem_shared>>) offsets(%dma_start3A_355 : memref<64xi32, #tpu.memory_space<vmem>>) semaphore(%arg20 : memref<!tpu.dma_semaphore, #tpu.memory_space<semaphore_mem>>) {add = true}
      %add3A_359 = arith.constant 3 : i32
      %add3A_360 = arith.addi %add3A_270, %add3A_359 : i32
      %add3A_361 = arith.constant 4 : i32
      %add3A_362 = arith.addi %add3A_360, %add3A_361 : i32
      %lt3A_363 = arith.constant 40 : i32
      %lt3A_364 = arith.cmpi slt, %add3A_362, %lt3A_363 : i32
      %convert_element_type3A_365 = arith.extui %lt3A_364 : i1 to i32
      %cond3A_366 = arith.constant 0 : i32
      %cond3A_367 = arith.cmpi ne, %convert_element_type3A_365, %cond3A_366 : i32
      scf.if %cond3A_367 {
        %add3A_368 = arith.constant 3 : i32
        %add3A_369 = arith.addi %add3A_270, %add3A_368 : i32
        %dma_wait3A_370 = arith.constant 0 : i32
        %dma_wait3A_371 = tpu.memref_slice %arg7[%add3A_369, %dma_wait3A_370] : memref<40x64xi32, #tpu.memory_space<vmem>> -> memref<1x64xi32, #tpu.memory_space<vmem>>
        %dma_wait3A_372 = tpu.memref_squeeze %dma_wait3A_371 : memref<1x64xi32, #tpu.memory_space<vmem>> -> memref<64xi32, #tpu.memory_space<vmem>>
        %dma_wait3A_373 = arith.constant 0 : i32
        %dma_wait3A_374 = arith.constant 0 : i32
        %dma_wait3A_375 = tpu.memref_slice %arg12[%dma_wait3A_373, %dma_wait3A_374] : memref<10240x128xf32, #tpu.memory_space<vmem_shared>> -> memref<10240x128xf32, #tpu.memory_space<vmem_shared>>
        tpu.wait_indirect_dma semaphore(%arg20 : memref<!tpu.dma_semaphore, #tpu.memory_space<semaphore_mem>>) src(%arg11 : memref<64x128xf32, #tpu.memory_space<vmem>>) dst(%dma_wait3A_375 : memref<10240x128xf32, #tpu.memory_space<vmem_shared>>)
        %add3A_376 = arith.constant 3 : i32
        %add3A_377 = arith.addi %add3A_270, %add3A_376 : i32
        %add3A_378 = arith.constant 4 : i32
        %add3A_379 = arith.addi %add3A_377, %add3A_378 : i32
        %dma_start3A_380 = arith.constant 0 : i32
        %dma_start3A_381 = tpu.memref_slice %arg6[%add3A_379, %dma_start3A_380] : memref<40x64xi32, #tpu.memory_space<vmem>> -> memref<1x64xi32, #tpu.memory_space<vmem>>
        %dma_start3A_382 = tpu.memref_squeeze %dma_start3A_381 : memref<1x64xi32, #tpu.memory_space<vmem>> -> memref<64xi32, #tpu.memory_space<vmem>>
        %dma_start3A_383 = arith.constant 0 : i32
        %dma_start3A_384 = arith.constant 0 : i32
        %dma_start3A_385 = tpu.memref_slice %arg2[%dma_start3A_383, %dma_start3A_384] : memref<10240x128xf32, #tpu.memory_space<hbm>> -> memref<10240x128xf32, #tpu.memory_space<hbm>>
        tpu.enqueue_indirect_dma source(%dma_start3A_385 : memref<10240x128xf32, #tpu.memory_space<hbm>>) target(%arg11 : memref<64x128xf32, #tpu.memory_space<vmem>>) offsets(%dma_start3A_382 : memref<64xi32, #tpu.memory_space<vmem>>) semaphore(%arg16 : memref<!tpu.dma_semaphore, #tpu.memory_space<semaphore_mem>>)
      } else {
      }
    }
    %scan3A_233 = arith.constant 10 : i32
    %dma_wait3A_234 = arith.constant 36 : i32
    %dma_wait3A_235 = arith.constant 0 : i32
    %dma_wait3A_236 = tpu.memref_slice %arg7[%dma_wait3A_234, %dma_wait3A_235] : memref<40x64xi32, #tpu.memory_space<vmem>> -> memref<1x64xi32, #tpu.memory_space<vmem>>
    %dma_wait3A_237 = tpu.memref_squeeze %dma_wait3A_236 : memref<1x64xi32, #tpu.memory_space<vmem>> -> memref<64xi32, #tpu.memory_space<vmem>>
    %dma_wait3A_238 = arith.constant 0 : i32
    %dma_wait3A_239 = arith.constant 0 : i32
    %dma_wait3A_240 = tpu.memref_slice %arg12[%dma_wait3A_238, %dma_wait3A_239] : memref<10240x128xf32, #tpu.memory_space<vmem_shared>> -> memref<10240x128xf32, #tpu.memory_space<vmem_shared>>
    tpu.wait_indirect_dma semaphore(%arg17 : memref<!tpu.dma_semaphore, #tpu.memory_space<semaphore_mem>>) src(%arg8 : memref<64x128xf32, #tpu.memory_space<vmem>>) dst(%dma_wait3A_240 : memref<10240x128xf32, #tpu.memory_space<vmem_shared>>)
    %dma_wait3A_241 = arith.constant 37 : i32
    %dma_wait3A_242 = arith.constant 0 : i32
    %dma_wait3A_243 = tpu.memref_slice %arg7[%dma_wait3A_241, %dma_wait3A_242] : memref<40x64xi32, #tpu.memory_space<vmem>> -> memref<1x64xi32, #tpu.memory_space<vmem>>
    %dma_wait3A_244 = tpu.memref_squeeze %dma_wait3A_243 : memref<1x64xi32, #tpu.memory_space<vmem>> -> memref<64xi32, #tpu.memory_space<vmem>>
    %dma_wait3A_245 = arith.constant 0 : i32
    %dma_wait3A_246 = arith.constant 0 : i32
    %dma_wait3A_247 = tpu.memref_slice %arg12[%dma_wait3A_245, %dma_wait3A_246] : memref<10240x128xf32, #tpu.memory_space<vmem_shared>> -> memref<10240x128xf32, #tpu.memory_space<vmem_shared>>
    tpu.wait_indirect_dma semaphore(%arg18 : memref<!tpu.dma_semaphore, #tpu.memory_space<semaphore_mem>>) src(%arg9 : memref<64x128xf32, #tpu.memory_space<vmem>>) dst(%dma_wait3A_247 : memref<10240x128xf32, #tpu.memory_space<vmem_shared>>)
    %dma_wait3A_248 = arith.constant 38 : i32
    %dma_wait3A_249 = arith.constant 0 : i32
    %dma_wait3A_250 = tpu.memref_slice %arg7[%dma_wait3A_248, %dma_wait3A_249] : memref<40x64xi32, #tpu.memory_space<vmem>> -> memref<1x64xi32, #tpu.memory_space<vmem>>
    %dma_wait3A_251 = tpu.memref_squeeze %dma_wait3A_250 : memref<1x64xi32, #tpu.memory_space<vmem>> -> memref<64xi32, #tpu.memory_space<vmem>>
    %dma_wait3A_252 = arith.constant 0 : i32
    %dma_wait3A_253 = arith.constant 0 : i32
    %dma_wait3A_254 = tpu.memref_slice %arg12[%dma_wait3A_252, %dma_wait3A_253] : memref<10240x128xf32, #tpu.memory_space<vmem_shared>> -> memref<10240x128xf32, #tpu.memory_space<vmem_shared>>
    tpu.wait_indirect_dma semaphore(%arg19 : memref<!tpu.dma_semaphore, #tpu.memory_space<semaphore_mem>>) src(%arg10 : memref<64x128xf32, #tpu.memory_space<vmem>>) dst(%dma_wait3A_254 : memref<10240x128xf32, #tpu.memory_space<vmem_shared>>)
    %dma_wait3A_255 = arith.constant 39 : i32
    %dma_wait3A_256 = arith.constant 0 : i32
    %dma_wait3A_257 = tpu.memref_slice %arg7[%dma_wait3A_255, %dma_wait3A_256] : memref<40x64xi32, #tpu.memory_space<vmem>> -> memref<1x64xi32, #tpu.memory_space<vmem>>
    %dma_wait3A_258 = tpu.memref_squeeze %dma_wait3A_257 : memref<1x64xi32, #tpu.memory_space<vmem>> -> memref<64xi32, #tpu.memory_space<vmem>>
    %dma_wait3A_259 = arith.constant 0 : i32
    %dma_wait3A_260 = arith.constant 0 : i32
    %dma_wait3A_261 = tpu.memref_slice %arg12[%dma_wait3A_259, %dma_wait3A_260] : memref<10240x128xf32, #tpu.memory_space<vmem_shared>> -> memref<10240x128xf32, #tpu.memory_space<vmem_shared>>
    tpu.wait_indirect_dma semaphore(%arg20 : memref<!tpu.dma_semaphore, #tpu.memory_space<semaphore_mem>>) src(%arg11 : memref<64x128xf32, #tpu.memory_space<vmem>>) dst(%dma_wait3A_261 : memref<10240x128xf32, #tpu.memory_space<vmem_shared>>)
    %barrier3A_262 = arith.constant 0 : index
    tpu.barrier barrier_id(%barrier3A_262)
    %mul3A_263 = arith.constant 10240 : i32
    %mul3A_264 = arith.muli %arg0, %mul3A_263 : i32
    %add3A_265 = arith.addi %mul3A_264, %mul3A_4 : i32
    "tpu.region"() ({
      %run_scoped3A = tpu.sem_alloc : memref<!tpu.dma_semaphore, #tpu.memory_space<semaphore_mem>>
      %dma_start3A_266 = arith.constant 0 : i32
      %dma_start3A_267 = tpu.memref_slice %arg5[%add3A_265, %dma_start3A_266] : memref<20480x128xf32, #tpu.memory_space<hbm>> -> memref<640x128xf32, #tpu.memory_space<hbm>>
      %dma_start3A_268 = arith.constant 0 : i32
      %dma_start3A_269 = tpu.memref_slice %arg12[%mul3A_4, %dma_start3A_268] : memref<10240x128xf32, #tpu.memory_space<vmem_shared>> -> memref<640x128xf32, #tpu.memory_space<vmem_shared>>
      tpu.enqueue_dma source(%dma_start3A_269 : memref<640x128xf32, #tpu.memory_space<vmem_shared>>) target(%dma_start3A_267 : memref<640x128xf32, #tpu.memory_space<hbm>>) target_semaphore(%run_scoped3A : memref<!tpu.dma_semaphore, #tpu.memory_space<semaphore_mem>>)
      %dma_wait3A_270 = arith.constant 0 : i32
      %dma_wait3A_271 = tpu.memref_slice %arg5[%add3A_265, %dma_wait3A_270] : memref<20480x128xf32, #tpu.memory_space<hbm>> -> memref<640x128xf32, #tpu.memory_space<hbm>>
      %dma_wait3A_272 = arith.constant 0 : i32
      %dma_wait3A_273 = tpu.memref_slice %arg12[%mul3A_4, %dma_wait3A_272] : memref<10240x128xf32, #tpu.memory_space<vmem_shared>> -> memref<640x128xf32, #tpu.memory_space<vmem_shared>>
      tpu.wait_dma2 semaphore(%run_scoped3A : memref<!tpu.dma_semaphore, #tpu.memory_space<semaphore_mem>>) src(%dma_wait3A_273 : memref<640x128xf32, #tpu.memory_space<vmem_shared>>) dst(%dma_wait3A_271 : memref<640x128xf32, #tpu.memory_space<hbm>>)
      tpu.yield
    }) : () -> ()
    return
  }
}

#map = affine_map<(d0, d1) -> (0, 0)>
module attributes {stable_mosaic.version = 14 : i64} {
  func.func @k(%arg0: i32, %arg1: i32, %arg2: memref<5120x64xi32, #tpu.memory_space<hbm>>, %arg3: memref<32x10240xf32, #tpu.memory_space<hbm>>, %arg4: memref<160x64xi32, #tpu.memory_space<vmem>>, %arg5: memref<10240xf32, #tpu.memory_space<vmem>>, %arg6: memref<!tpu.dma_semaphore, #tpu.memory_space<semaphore_mem>>, %arg7: memref<!tpu.dma_semaphore, #tpu.memory_space<semaphore_mem>>) attributes {dimension_semantics = [#tpu.dimension_semantics<core_parallel>, #tpu.dimension_semantics<subcore_parallel>], iteration_bounds = array<i64: 2, 16>, scalar_prefetch = 0 : i64, scratch_operands = 4 : i64, tpu.core_type = #tpu.core_type<sc_vector_subcore>, window_params = [{transform_indices = #map}, {transform_indices = #map}]} {
    %mul3A = arith.constant 16 : i32
    %mul3A_0 = arith.muli %arg0, %mul3A : i32
    %add3A = arith.addi %mul3A_0, %arg1 : i32
    %mul3A_1 = arith.constant 160 : i32
    %mul3A_2 = arith.muli %add3A, %mul3A_1 : i32
    %dma_start3A = arith.constant 0 : i32
    %dma_start3A_3 = tpu.memref_slice %arg2[%mul3A_2, %dma_start3A] : memref<5120x64xi32, #tpu.memory_space<hbm>> -> memref<160x64xi32, #tpu.memory_space<hbm>>
    %dma_start3A_4 = arith.constant 0 : i32
    %dma_start3A_5 = tpu.memref_slice %arg2[%mul3A_2, %dma_start3A_4] : memref<5120x64xi32, #tpu.memory_space<hbm>> -> memref<160x64xi32, #tpu.memory_space<hbm>>
    tpu.enqueue_dma source(%dma_start3A_5 : memref<160x64xi32, #tpu.memory_space<hbm>>) target(%arg4 : memref<160x64xi32, #tpu.memory_space<vmem>>) target_semaphore(%arg6 : memref<!tpu.dma_semaphore, #tpu.memory_space<semaphore_mem>>)
    %dma_wait3A = arith.constant 0 : i32
    %dma_wait3A_6 = tpu.memref_slice %arg2[%mul3A_2, %dma_wait3A] : memref<5120x64xi32, #tpu.memory_space<hbm>> -> memref<160x64xi32, #tpu.memory_space<hbm>>
    %dma_wait3A_7 = arith.constant 0 : i32
    %dma_wait3A_8 = tpu.memref_slice %arg2[%mul3A_2, %dma_wait3A_7] : memref<5120x64xi32, #tpu.memory_space<hbm>> -> memref<160x64xi32, #tpu.memory_space<hbm>>
    tpu.wait_dma2 semaphore(%arg6 : memref<!tpu.dma_semaphore, #tpu.memory_space<semaphore_mem>>) src(%dma_wait3A_8 : memref<160x64xi32, #tpu.memory_space<hbm>>) dst(%arg4 : memref<160x64xi32, #tpu.memory_space<vmem>>)
    %scan3A = arith.constant 0 : i32
    %scan3A_9 = arith.constant 640 : i32
    %scan3A_10 = arith.addi %scan3A, %scan3A_9 : i32
    %scan3A_11 = arith.constant 1 : i32
    scf.for %scan3A_30 = %scan3A to %scan3A_10 step %scan3A_11  : i32 {
      %mul3A_31 = arith.constant 1 : i32
      %mul3A_32 = arith.muli %scan3A_30, %mul3A_31 : i32
      %add3A_33 = arith.constant 0 : i32
      %add3A_34 = arith.addi %add3A_33, %mul3A_32 : i32
      %broadcast_in_dim3A = arith.constant 0.000000e+00 : f32
      %broadcast_in_dim3A_35 = vector.broadcast %broadcast_in_dim3A : f32 to vector<16xf32>
      %mul3A_36 = arith.constant 16 : i32
      %mul3A_37 = arith.muli %add3A_34, %mul3A_36 : i32
      %swap3A = arith.index_cast %mul3A_37 : i32 to index
      %swap3A_38 = tpu.vector_load %arg5[%swap3A] {strides = array<i32>} : memref<10240xf32, #tpu.memory_space<vmem>>, vector<16xf32>,
      tpu.vector_store %arg5[%swap3A], %broadcast_in_dim3A_35 {strides = array<i32>} : memref<10240xf32, #tpu.memory_space<vmem>>, vector<16xf32>,
    }
    %scan3A_12 = arith.constant 640 : i32
    %scan3A_13 = arith.constant 0 : i32
    %scan3A_14 = arith.constant 160 : i32
    %scan3A_15 = arith.addi %scan3A_13, %scan3A_14 : i32
    %scan3A_16 = arith.constant 1 : i32
    scf.for %scan3A_30 = %scan3A_13 to %scan3A_15 step %scan3A_16  : i32 {
      %mul3A_31 = arith.constant 1 : i32
      %mul3A_32 = arith.muli %scan3A_30, %mul3A_31 : i32
      %add3A_33 = arith.constant 0 : i32
      %add3A_34 = arith.addi %add3A_33, %mul3A_32 : i32
      %scan3A_35 = arith.constant 0 : i32
      %scan3A_36 = arith.constant 4 : i32
      %scan3A_37 = arith.addi %scan3A_35, %scan3A_36 : i32
      %scan3A_38 = arith.constant 1 : i32
      scf.for %scan3A_40 = %scan3A_35 to %scan3A_37 step %scan3A_38  : i32 {
        %mul3A_41 = arith.constant 1 : i32
        %mul3A_42 = arith.muli %scan3A_40, %mul3A_41 : i32
        %add3A_43 = arith.constant 0 : i32
        %add3A_44 = arith.addi %add3A_43, %mul3A_42 : i32
        %mul3A_45 = arith.constant 16 : i32
        %mul3A_46 = arith.muli %add3A_44, %mul3A_45 : i32
        %get3A = arith.index_cast %add3A_34 : i32 to index
        %get3A_47 = arith.index_cast %mul3A_46 : i32 to index
        %get3A_48 = tpu.vector_load %arg4[%get3A, %get3A_47] {strides = array<i32>} : memref<160x64xi32, #tpu.memory_space<vmem>>, vector<16xi32>,
        %broadcast_in_dim3A = arith.constant 1.000000e+00 : f32
        %broadcast_in_dim3A_49 = vector.broadcast %broadcast_in_dim3A : f32 to vector<16xf32>
        tpu.vector_store_idx %arg5[%get3A_48], %broadcast_in_dim3A_49 {add = true} : memref<10240xf32, #tpu.memory_space<vmem>>[vector<16xi32>], vector<16xf32>,
      }
      %scan3A_39 = arith.constant 4 : i32
    }
    %scan3A_17 = arith.constant 160 : i32
    %dma_start3A_18 = arith.constant 0 : i32
    %dma_start3A_19 = tpu.memref_slice %arg3[%add3A, %dma_start3A_18] : memref<32x10240xf32, #tpu.memory_space<hbm>> -> memref<1x10240xf32, #tpu.memory_space<hbm>>
    %dma_start3A_20 = tpu.memref_squeeze %dma_start3A_19 : memref<1x10240xf32, #tpu.memory_space<hbm>> -> memref<10240xf32, #tpu.memory_space<hbm>>
    %dma_start3A_21 = arith.constant 0 : i32
    %dma_start3A_22 = tpu.memref_slice %arg3[%add3A, %dma_start3A_21] : memref<32x10240xf32, #tpu.memory_space<hbm>> -> memref<1x10240xf32, #tpu.memory_space<hbm>>
    %dma_start3A_23 = tpu.memref_squeeze %dma_start3A_22 : memref<1x10240xf32, #tpu.memory_space<hbm>> -> memref<10240xf32, #tpu.memory_space<hbm>>
    tpu.enqueue_dma source(%arg5 : memref<10240xf32, #tpu.memory_space<vmem>>) target(%dma_start3A_23 : memref<10240xf32, #tpu.memory_space<hbm>>) target_semaphore(%arg7 : memref<!tpu.dma_semaphore, #tpu.memory_space<semaphore_mem>>)
    %dma_wait3A_24 = arith.constant 0 : i32
    %dma_wait3A_25 = tpu.memref_slice %arg3[%add3A, %dma_wait3A_24] : memref<32x10240xf32, #tpu.memory_space<hbm>> -> memref<1x10240xf32, #tpu.memory_space<hbm>>
    %dma_wait3A_26 = tpu.memref_squeeze %dma_wait3A_25 : memref<1x10240xf32, #tpu.memory_space<hbm>> -> memref<10240xf32, #tpu.memory_space<hbm>>
    %dma_wait3A_27 = arith.constant 0 : i32
    %dma_wait3A_28 = tpu.memref_slice %arg3[%add3A, %dma_wait3A_27] : memref<32x10240xf32, #tpu.memory_space<hbm>> -> memref<1x10240xf32, #tpu.memory_space<hbm>>
    %dma_wait3A_29 = tpu.memref_squeeze %dma_wait3A_28 : memref<1x10240xf32, #tpu.memory_space<hbm>> -> memref<10240xf32, #tpu.memory_space<hbm>>
    tpu.wait_dma2 semaphore(%arg7 : memref<!tpu.dma_semaphore, #tpu.memory_space<semaphore_mem>>) src(%arg5 : memref<10240xf32, #tpu.memory_space<vmem>>) dst(%dma_wait3A_29 : memref<10240xf32, #tpu.memory_space<hbm>>)
    return
  }
}

#map = affine_map<(d0, d1) -> (0, 0)>
module attributes {stable_mosaic.version = 14 : i64} {
  func.func @k(%arg0: i32, %arg1: i32, %arg2: memref<10240x128xf32, #tpu.memory_space<hbm>>, %arg3: memref<5120x64xi32, #tpu.memory_space<hbm>>, %arg4: memref<5120x64xi32, #tpu.memory_space<hbm>>, %arg5: memref<20480x128xf32, #tpu.memory_space<hbm>>, %arg6: memref<40x64xi32, #tpu.memory_space<vmem>>, %arg7: memref<40x64xi32, #tpu.memory_space<vmem>>, %arg8: memref<64x128xf32, #tpu.memory_space<vmem>>, %arg9: memref<64x128xf32, #tpu.memory_space<vmem>>, %arg10: memref<64x128xf32, #tpu.memory_space<vmem>>, %arg11: memref<64x128xf32, #tpu.memory_space<vmem>>, %arg12: memref<10240x128xf32, #tpu.memory_space<vmem_shared>>, %arg13: memref<!tpu.dma_semaphore, #tpu.memory_space<semaphore_mem>>, %arg14: memref<!tpu.dma_semaphore, #tpu.memory_space<semaphore_mem>>, %arg15: memref<!tpu.dma_semaphore, #tpu.memory_space<semaphore_mem>>, %arg16: memref<!tpu.dma_semaphore, #tpu.memory_space<semaphore_mem>>, %arg17: memref<!tpu.dma_semaphore, #tpu.memory_space<semaphore_mem>>, %arg18: memref<!tpu.dma_semaphore, #tpu.memory_space<semaphore_mem>>, %arg19: memref<!tpu.dma_semaphore, #tpu.memory_space<semaphore_mem>>, %arg20: memref<!tpu.dma_semaphore, #tpu.memory_space<semaphore_mem>>) attributes {dimension_semantics = [#tpu.dimension_semantics<core_parallel>, #tpu.dimension_semantics<subcore_parallel>], iteration_bounds = array<i64: 2, 16>, scalar_prefetch = 0 : i64, scratch_operands = 15 : i64, tpu.core_type = #tpu.core_type<sc_vector_subcore>, window_params = [{transform_indices = #map}, {transform_indices = #map}, {transform_indices = #map}, {transform_indices = #map}]} {
    %mul3A = arith.constant 16 : i32
    %mul3A_0 = arith.muli %arg0, %mul3A : i32
    %add3A = arith.addi %mul3A_0, %arg1 : i32
    %mul3A_1 = arith.constant 160 : i32
    %mul3A_2 = arith.muli %add3A, %mul3A_1 : i32
    %mul3A_3 = arith.constant 640 : i32
    %mul3A_4 = arith.muli %arg1, %mul3A_3 : i32
    %add3A_5 = arith.constant 0 : i32
    %add3A_6 = arith.addi %mul3A_2, %add3A_5 : i32
    "tpu.region"() ({
      %run_scoped3A = tpu.sem_alloc : memref<!tpu.dma_semaphore, #tpu.memory_space<semaphore_mem>>
      %dma_start3A_266 = arith.constant 0 : i32
      %dma_start3A_267 = tpu.memref_slice %arg3[%add3A_6, %dma_start3A_266] : memref<5120x64xi32, #tpu.memory_space<hbm>> -> memref<40x64xi32, #tpu.memory_space<hbm>>
      %dma_start3A_268 = arith.constant 0 : i32
      %dma_start3A_269 = tpu.memref_slice %arg3[%add3A_6, %dma_start3A_268] : memref<5120x64xi32, #tpu.memory_space<hbm>> -> memref<40x64xi32, #tpu.memory_space<hbm>>
      tpu.enqueue_dma source(%dma_start3A_269 : memref<40x64xi32, #tpu.memory_space<hbm>>) target(%arg6 : memref<40x64xi32, #tpu.memory_space<vmem>>) target_semaphore(%run_scoped3A : memref<!tpu.dma_semaphore, #tpu.memory_space<semaphore_mem>>)
      %dma_wait3A_270 = arith.constant 0 : i32
      %dma_wait3A_271 = tpu.memref_slice %arg3[%add3A_6, %dma_wait3A_270] : memref<5120x64xi32, #tpu.memory_space<hbm>> -> memref<40x64xi32, #tpu.memory_space<hbm>>
      %dma_wait3A_272 = arith.constant 0 : i32
      %dma_wait3A_273 = tpu.memref_slice %arg3[%add3A_6, %dma_wait3A_272] : memref<5120x64xi32, #tpu.memory_space<hbm>> -> memref<40x64xi32, #tpu.memory_space<hbm>>
      tpu.wait_dma2 semaphore(%run_scoped3A : memref<!tpu.dma_semaphore, #tpu.memory_space<semaphore_mem>>) src(%dma_wait3A_273 : memref<40x64xi32, #tpu.memory_space<hbm>>) dst(%arg6 : memref<40x64xi32, #tpu.memory_space<vmem>>)
      tpu.yield
    }) : () -> ()
    %add3A_7 = arith.constant 0 : i32
    %add3A_8 = arith.addi %mul3A_2, %add3A_7 : i32
    "tpu.region"() ({
      %run_scoped3A = tpu.sem_alloc : memref<!tpu.dma_semaphore, #tpu.memory_space<semaphore_mem>>
      %dma_start3A_266 = arith.constant 0 : i32
      %dma_start3A_267 = tpu.memref_slice %arg4[%add3A_8, %dma_start3A_266] : memref<5120x64xi32, #tpu.memory_space<hbm>> -> memref<40x64xi32, #tpu.memory_space<hbm>>
      %dma_start3A_268 = arith.constant 0 : i32
      %dma_start3A_269 = tpu.memref_slice %arg4[%add3A_8, %dma_start3A_268] : memref<5120x64xi32, #tpu.memory_space<hbm>> -> memref<40x64xi32, #tpu.memory_space<hbm>>
      tpu.enqueue_dma source(%dma_start3A_269 : memref<40x64xi32, #tpu.memory_space<hbm>>) target(%arg7 : memref<40x64xi32, #tpu.memory_space<vmem>>) target_semaphore(%run_scoped3A : memref<!tpu.dma_semaphore, #tpu.memory_space<semaphore_mem>>)
      %dma_wait3A_270 = arith.constant 0 : i32
      %dma_wait3A_271 = tpu.memref_slice %arg4[%add3A_8, %dma_wait3A_270] : memref<5120x64xi32, #tpu.memory_space<hbm>> -> memref<40x64xi32, #tpu.memory_space<hbm>>
      %dma_wait3A_272 = arith.constant 0 : i32
      %dma_wait3A_273 = tpu.memref_slice %arg4[%add3A_8, %dma_wait3A_272] : memref<5120x64xi32, #tpu.memory_space<hbm>> -> memref<40x64xi32, #tpu.memory_space<hbm>>
      tpu.wait_dma2 semaphore(%run_scoped3A : memref<!tpu.dma_semaphore, #tpu.memory_space<semaphore_mem>>) src(%dma_wait3A_273 : memref<40x64xi32, #tpu.memory_space<hbm>>) dst(%arg7 : memref<40x64xi32, #tpu.memory_space<vmem>>)
      tpu.yield
    }) : () -> ()
    %dma_start3A = arith.constant 0 : i32
    %dma_start3A_9 = arith.constant 0 : i32
    %dma_start3A_10 = tpu.memref_slice %arg6[%dma_start3A, %dma_start3A_9] : memref<40x64xi32, #tpu.memory_space<vmem>> -> memref<1x64xi32, #tpu.memory_space<vmem>>
    %dma_start3A_11 = tpu.memref_squeeze %dma_start3A_10 : memref<1x64xi32, #tpu.memory_space<vmem>> -> memref<64xi32, #tpu.memory_space<vmem>>
    %dma_start3A_12 = arith.constant 0 : i32
    %dma_start3A_13 = arith.constant 0 : i32
    %dma_start3A_14 = tpu.memref_slice %arg2[%dma_start3A_12, %dma_start3A_13] : memref<10240x128xf32, #tpu.memory_space<hbm>> -> memref<10240x128xf32, #tpu.memory_space<hbm>>
    tpu.enqueue_indirect_dma source(%dma_start3A_14 : memref<10240x128xf32, #tpu.memory_space<hbm>>) target(%arg8 : memref<64x128xf32, #tpu.memory_space<vmem>>) offsets(%dma_start3A_11 : memref<64xi32, #tpu.memory_space<vmem>>) semaphore(%arg13 : memref<!tpu.dma_semaphore, #tpu.memory_space<semaphore_mem>>)
    %dma_start3A_15 = arith.constant 1 : i32
    %dma_start3A_16 = arith.constant 0 : i32
    %dma_start3A_17 = tpu.memref_slice %arg6[%dma_start3A_15, %dma_start3A_16] : memref<40x64xi32, #tpu.memory_space<vmem>> -> memref<1x64xi32, #tpu.memory_space<vmem>>
    %dma_start3A_18 = tpu.memref_squeeze %dma_start3A_17 : memref<1x64xi32, #tpu.memory_space<vmem>> -> memref<64xi32, #tpu.memory_space<vmem>>
    %dma_start3A_19 = arith.constant 0 : i32
    %dma_start3A_20 = arith.constant 0 : i32
    %dma_start3A_21 = tpu.memref_slice %arg2[%dma_start3A_19, %dma_start3A_20] : memref<10240x128xf32, #tpu.memory_space<hbm>> -> memref<10240x128xf32, #tpu.memory_space<hbm>>
    tpu.enqueue_indirect_dma source(%dma_start3A_21 : memref<10240x128xf32, #tpu.memory_space<hbm>>) target(%arg9 : memref<64x128xf32, #tpu.memory_space<vmem>>) offsets(%dma_start3A_18 : memref<64xi32, #tpu.memory_space<vmem>>) semaphore(%arg14 : memref<!tpu.dma_semaphore, #tpu.memory_space<semaphore_mem>>)
    %dma_start3A_22 = arith.constant 2 : i32
    %dma_start3A_23 = arith.constant 0 : i32
    %dma_start3A_24 = tpu.memref_slice %arg6[%dma_start3A_22, %dma_start3A_23] : memref<40x64xi32, #tpu.memory_space<vmem>> -> memref<1x64xi32, #tpu.memory_space<vmem>>
    %dma_start3A_25 = tpu.memref_squeeze %dma_start3A_24 : memref<1x64xi32, #tpu.memory_space<vmem>> -> memref<64xi32, #tpu.memory_space<vmem>>
    %dma_start3A_26 = arith.constant 0 : i32
    %dma_start3A_27 = arith.constant 0 : i32
    %dma_start3A_28 = tpu.memref_slice %arg2[%dma_start3A_26, %dma_start3A_27] : memref<10240x128xf32, #tpu.memory_space<hbm>> -> memref<10240x128xf32, #tpu.memory_space<hbm>>
    tpu.enqueue_indirect_dma source(%dma_start3A_28 : memref<10240x128xf32, #tpu.memory_space<hbm>>) target(%arg10 : memref<64x128xf32, #tpu.memory_space<vmem>>) offsets(%dma_start3A_25 : memref<64xi32, #tpu.memory_space<vmem>>) semaphore(%arg15 : memref<!tpu.dma_semaphore, #tpu.memory_space<semaphore_mem>>)
    %dma_start3A_29 = arith.constant 3 : i32
    %dma_start3A_30 = arith.constant 0 : i32
    %dma_start3A_31 = tpu.memref_slice %arg6[%dma_start3A_29, %dma_start3A_30] : memref<40x64xi32, #tpu.memory_space<vmem>> -> memref<1x64xi32, #tpu.memory_space<vmem>>
    %dma_start3A_32 = tpu.memref_squeeze %dma_start3A_31 : memref<1x64xi32, #tpu.memory_space<vmem>> -> memref<64xi32, #tpu.memory_space<vmem>>
    %dma_start3A_33 = arith.constant 0 : i32
    %dma_start3A_34 = arith.constant 0 : i32
    %dma_start3A_35 = tpu.memref_slice %arg2[%dma_start3A_33, %dma_start3A_34] : memref<10240x128xf32, #tpu.memory_space<hbm>> -> memref<10240x128xf32, #tpu.memory_space<hbm>>
    tpu.enqueue_indirect_dma source(%dma_start3A_35 : memref<10240x128xf32, #tpu.memory_space<hbm>>) target(%arg11 : memref<64x128xf32, #tpu.memory_space<vmem>>) offsets(%dma_start3A_32 : memref<64xi32, #tpu.memory_space<vmem>>) semaphore(%arg16 : memref<!tpu.dma_semaphore, #tpu.memory_space<semaphore_mem>>)
    "tpu.region"() ({
      %run_scoped3A = tpu.sem_alloc : memref<!tpu.dma_semaphore, #tpu.memory_space<semaphore_mem>>
      %dma_start3A_266 = arith.constant 0 : i32
      %dma_start3A_267 = tpu.memref_slice %arg12[%mul3A_4, %dma_start3A_266] : memref<10240x128xf32, #tpu.memory_space<vmem_shared>> -> memref<640x128xf32, #tpu.memory_space<vmem_shared>>
      %dma_start3A_268 = arith.constant 0 : i32
      %dma_start3A_269 = tpu.memref_slice %arg2[%mul3A_4, %dma_start3A_268] : memref<10240x128xf32, #tpu.memory_space<hbm>> -> memref<640x128xf32, #tpu.memory_space<hbm>>
      tpu.enqueue_dma source(%dma_start3A_269 : memref<640x128xf32, #tpu.memory_space<hbm>>) target(%dma_start3A_267 : memref<640x128xf32, #tpu.memory_space<vmem_shared>>) target_semaphore(%run_scoped3A : memref<!tpu.dma_semaphore, #tpu.memory_space<semaphore_mem>>)
      %dma_wait3A_270 = arith.constant 0 : i32
      %dma_wait3A_271 = tpu.memref_slice %arg12[%mul3A_4, %dma_wait3A_270] : memref<10240x128xf32, #tpu.memory_space<vmem_shared>> -> memref<640x128xf32, #tpu.memory_space<vmem_shared>>
      %dma_wait3A_272 = arith.constant 0 : i32
      %dma_wait3A_273 = tpu.memref_slice %arg2[%mul3A_4, %dma_wait3A_272] : memref<10240x128xf32, #tpu.memory_space<hbm>> -> memref<640x128xf32, #tpu.memory_space<hbm>>
      tpu.wait_dma2 semaphore(%run_scoped3A : memref<!tpu.dma_semaphore, #tpu.memory_space<semaphore_mem>>) src(%dma_wait3A_273 : memref<640x128xf32, #tpu.memory_space<hbm>>) dst(%dma_wait3A_271 : memref<640x128xf32, #tpu.memory_space<vmem_shared>>)
      tpu.yield
    }) : () -> ()
    %barrier3A = arith.constant 0 : index
    tpu.barrier barrier_id(%barrier3A)
    %scan3A = arith.constant 0 : i32
    %scan3A_36 = arith.constant 10 : i32
    %scan3A_37 = arith.addi %scan3A, %scan3A_36 : i32
    %scan3A_38 = arith.constant 1 : i32
    scf.for %scan3A_266 = %scan3A to %scan3A_37 step %scan3A_38  : i32 {
      %mul3A_267 = arith.constant 4 : i32
      %mul3A_268 = arith.muli %scan3A_266, %mul3A_267 : i32
      %add3A_269 = arith.constant 0 : i32
      %add3A_270 = arith.addi %add3A_269, %mul3A_268 : i32
      %add3A_271 = arith.constant 0 : i32
      %add3A_272 = arith.addi %add3A_270, %add3A_271 : i32
      %dma_wait3A_273 = arith.constant 0 : i32
      %dma_wait3A_274 = tpu.memref_slice %arg6[%add3A_272, %dma_wait3A_273] : memref<40x64xi32, #tpu.memory_space<vmem>> -> memref<1x64xi32, #tpu.memory_space<vmem>>
      %dma_wait3A_275 = tpu.memref_squeeze %dma_wait3A_274 : memref<1x64xi32, #tpu.memory_space<vmem>> -> memref<64xi32, #tpu.memory_space<vmem>>
      %dma_wait3A_276 = arith.constant 0 : i32
      %dma_wait3A_277 = arith.constant 0 : i32
      %dma_wait3A_278 = tpu.memref_slice %arg2[%dma_wait3A_276, %dma_wait3A_277] : memref<10240x128xf32, #tpu.memory_space<hbm>> -> memref<10240x128xf32, #tpu.memory_space<hbm>>
      tpu.wait_indirect_dma semaphore(%arg13 : memref<!tpu.dma_semaphore, #tpu.memory_space<semaphore_mem>>) src(%dma_wait3A_278 : memref<10240x128xf32, #tpu.memory_space<hbm>>) dst(%arg8 : memref<64x128xf32, #tpu.memory_space<vmem>>)
      %add3A_279 = arith.constant 0 : i32
      %add3A_280 = arith.addi %add3A_270, %add3A_279 : i32
      %dma_start3A_281 = arith.constant 0 : i32
      %dma_start3A_282 = tpu.memref_slice %arg7[%add3A_280, %dma_start3A_281] : memref<40x64xi32, #tpu.memory_space<vmem>> -> memref<1x64xi32, #tpu.memory_space<vmem>>
      %dma_start3A_283 = tpu.memref_squeeze %dma_start3A_282 : memref<1x64xi32, #tpu.memory_space<vmem>> -> memref<64xi32, #tpu.memory_space<vmem>>
      %dma_start3A_284 = arith.constant 0 : i32
      %dma_start3A_285 = arith.constant 0 : i32
      %dma_start3A_286 = tpu.memref_slice %arg12[%dma_start3A_284, %dma_start3A_285] : memref<10240x128xf32, #tpu.memory_space<vmem_shared>> -> memref<10240x128xf32, #tpu.memory_space<vmem_shared>>
      tpu.enqueue_indirect_dma source(%arg8 : memref<64x128xf32, #tpu.memory_space<vmem>>) target(%dma_start3A_286 : memref<10240x128xf32, #tpu.memory_space<vmem_shared>>) offsets(%dma_start3A_283 : memref<64xi32, #tpu.memory_space<vmem>>) semaphore(%arg17 : memref<!tpu.dma_semaphore, #tpu.memory_space<semaphore_mem>>) {add = true}
      %add3A_287 = arith.constant 0 : i32
      %add3A_288 = arith.addi %add3A_270, %add3A_287 : i32
      %add3A_289 = arith.constant 4 : i32
      %add3A_290 = arith.addi %add3A_288, %add3A_289 : i32
      %lt3A = arith.constant 40 : i32
      %lt3A_291 = arith.cmpi slt, %add3A_290, %lt3A : i32
      %convert_element_type3A = arith.extui %lt3A_291 : i1 to i32
      %cond3A = arith.constant 0 : i32
      %cond3A_292 = arith.cmpi ne, %convert_element_type3A, %cond3A : i32
      scf.if %cond3A_292 {
        %add3A_368 = arith.constant 0 : i32
        %add3A_369 = arith.addi %add3A_270, %add3A_368 : i32
        %dma_wait3A_370 = arith.constant 0 : i32
        %dma_wait3A_371 = tpu.memref_slice %arg7[%add3A_369, %dma_wait3A_370] : memref<40x64xi32, #tpu.memory_space<vmem>> -> memref<1x64xi32, #tpu.memory_space<vmem>>
        %dma_wait3A_372 = tpu.memref_squeeze %dma_wait3A_371 : memref<1x64xi32, #tpu.memory_space<vmem>> -> memref<64xi32, #tpu.memory_space<vmem>>
        %dma_wait3A_373 = arith.constant 0 : i32
        %dma_wait3A_374 = arith.constant 0 : i32
        %dma_wait3A_375 = tpu.memref_slice %arg12[%dma_wait3A_373, %dma_wait3A_374] : memref<10240x128xf32, #tpu.memory_space<vmem_shared>> -> memref<10240x128xf32, #tpu.memory_space<vmem_shared>>
        tpu.wait_indirect_dma semaphore(%arg17 : memref<!tpu.dma_semaphore, #tpu.memory_space<semaphore_mem>>) src(%arg8 : memref<64x128xf32, #tpu.memory_space<vmem>>) dst(%dma_wait3A_375 : memref<10240x128xf32, #tpu.memory_space<vmem_shared>>)
        %add3A_376 = arith.constant 0 : i32
        %add3A_377 = arith.addi %add3A_270, %add3A_376 : i32
        %add3A_378 = arith.constant 4 : i32
        %add3A_379 = arith.addi %add3A_377, %add3A_378 : i32
        %dma_start3A_380 = arith.constant 0 : i32
        %dma_start3A_381 = tpu.memref_slice %arg6[%add3A_379, %dma_start3A_380] : memref<40x64xi32, #tpu.memory_space<vmem>> -> memref<1x64xi32, #tpu.memory_space<vmem>>
        %dma_start3A_382 = tpu.memref_squeeze %dma_start3A_381 : memref<1x64xi32, #tpu.memory_space<vmem>> -> memref<64xi32, #tpu.memory_space<vmem>>
        %dma_start3A_383 = arith.constant 0 : i32
        %dma_start3A_384 = arith.constant 0 : i32
        %dma_start3A_385 = tpu.memref_slice %arg2[%dma_start3A_383, %dma_start3A_384] : memref<10240x128xf32, #tpu.memory_space<hbm>> -> memref<10240x128xf32, #tpu.memory_space<hbm>>
        tpu.enqueue_indirect_dma source(%dma_start3A_385 : memref<10240x128xf32, #tpu.memory_space<hbm>>) target(%arg8 : memref<64x128xf32, #tpu.memory_space<vmem>>) offsets(%dma_start3A_382 : memref<64xi32, #tpu.memory_space<vmem>>) semaphore(%arg13 : memref<!tpu.dma_semaphore, #tpu.memory_space<semaphore_mem>>)
      } else {
      }
      %add3A_293 = arith.constant 1 : i32
      %add3A_294 = arith.addi %add3A_270, %add3A_293 : i32
      %dma_wait3A_295 = arith.constant 0 : i32
      %dma_wait3A_296 = tpu.memref_slice %arg6[%add3A_294, %dma_wait3A_295] : memref<40x64xi32, #tpu.memory_space<vmem>> -> memref<1x64xi32, #tpu.memory_space<vmem>>
      %dma_wait3A_297 = tpu.memref_squeeze %dma_wait3A_296 : memref<1x64xi32, #tpu.memory_space<vmem>> -> memref<64xi32, #tpu.memory_space<vmem>>
      %dma_wait3A_298 = arith.constant 0 : i32
      %dma_wait3A_299 = arith.constant 0 : i32
      %dma_wait3A_300 = tpu.memref_slice %arg2[%dma_wait3A_298, %dma_wait3A_299] : memref<10240x128xf32, #tpu.memory_space<hbm>> -> memref<10240x128xf32, #tpu.memory_space<hbm>>
      tpu.wait_indirect_dma semaphore(%arg14 : memref<!tpu.dma_semaphore, #tpu.memory_space<semaphore_mem>>) src(%dma_wait3A_300 : memref<10240x128xf32, #tpu.memory_space<hbm>>) dst(%arg9 : memref<64x128xf32, #tpu.memory_space<vmem>>)
      %add3A_301 = arith.constant 1 : i32
      %add3A_302 = arith.addi %add3A_270, %add3A_301 : i32
      %dma_start3A_303 = arith.constant 0 : i32
      %dma_start3A_304 = tpu.memref_slice %arg7[%add3A_302, %dma_start3A_303] : memref<40x64xi32, #tpu.memory_space<vmem>> -> memref<1x64xi32, #tpu.memory_space<vmem>>
      %dma_start3A_305 = tpu.memref_squeeze %dma_start3A_304 : memref<1x64xi32, #tpu.memory_space<vmem>> -> memref<64xi32, #tpu.memory_space<vmem>>
      %dma_start3A_306 = arith.constant 0 : i32
      %dma_start3A_307 = arith.constant 0 : i32
      %dma_start3A_308 = tpu.memref_slice %arg12[%dma_start3A_306, %dma_start3A_307] : memref<10240x128xf32, #tpu.memory_space<vmem_shared>> -> memref<10240x128xf32, #tpu.memory_space<vmem_shared>>
      tpu.enqueue_indirect_dma source(%arg9 : memref<64x128xf32, #tpu.memory_space<vmem>>) target(%dma_start3A_308 : memref<10240x128xf32, #tpu.memory_space<vmem_shared>>) offsets(%dma_start3A_305 : memref<64xi32, #tpu.memory_space<vmem>>) semaphore(%arg18 : memref<!tpu.dma_semaphore, #tpu.memory_space<semaphore_mem>>) {add = true}
      %add3A_309 = arith.constant 1 : i32
      %add3A_310 = arith.addi %add3A_270, %add3A_309 : i32
      %add3A_311 = arith.constant 4 : i32
      %add3A_312 = arith.addi %add3A_310, %add3A_311 : i32
      %lt3A_313 = arith.constant 40 : i32
      %lt3A_314 = arith.cmpi slt, %add3A_312, %lt3A_313 : i32
      %convert_element_type3A_315 = arith.extui %lt3A_314 : i1 to i32
      %cond3A_316 = arith.constant 0 : i32
      %cond3A_317 = arith.cmpi ne, %convert_element_type3A_315, %cond3A_316 : i32
      scf.if %cond3A_317 {
        %add3A_368 = arith.constant 1 : i32
        %add3A_369 = arith.addi %add3A_270, %add3A_368 : i32
        %dma_wait3A_370 = arith.constant 0 : i32
        %dma_wait3A_371 = tpu.memref_slice %arg7[%add3A_369, %dma_wait3A_370] : memref<40x64xi32, #tpu.memory_space<vmem>> -> memref<1x64xi32, #tpu.memory_space<vmem>>
        %dma_wait3A_372 = tpu.memref_squeeze %dma_wait3A_371 : memref<1x64xi32, #tpu.memory_space<vmem>> -> memref<64xi32, #tpu.memory_space<vmem>>
        %dma_wait3A_373 = arith.constant 0 : i32
        %dma_wait3A_374 = arith.constant 0 : i32
        %dma_wait3A_375 = tpu.memref_slice %arg12[%dma_wait3A_373, %dma_wait3A_374] : memref<10240x128xf32, #tpu.memory_space<vmem_shared>> -> memref<10240x128xf32, #tpu.memory_space<vmem_shared>>
        tpu.wait_indirect_dma semaphore(%arg18 : memref<!tpu.dma_semaphore, #tpu.memory_space<semaphore_mem>>) src(%arg9 : memref<64x128xf32, #tpu.memory_space<vmem>>) dst(%dma_wait3A_375 : memref<10240x128xf32, #tpu.memory_space<vmem_shared>>)
        %add3A_376 = arith.constant 1 : i32
        %add3A_377 = arith.addi %add3A_270, %add3A_376 : i32
        %add3A_378 = arith.constant 4 : i32
        %add3A_379 = arith.addi %add3A_377, %add3A_378 : i32
        %dma_start3A_380 = arith.constant 0 : i32
        %dma_start3A_381 = tpu.memref_slice %arg6[%add3A_379, %dma_start3A_380] : memref<40x64xi32, #tpu.memory_space<vmem>> -> memref<1x64xi32, #tpu.memory_space<vmem>>
        %dma_start3A_382 = tpu.memref_squeeze %dma_start3A_381 : memref<1x64xi32, #tpu.memory_space<vmem>> -> memref<64xi32, #tpu.memory_space<vmem>>
        %dma_start3A_383 = arith.constant 0 : i32
        %dma_start3A_384 = arith.constant 0 : i32
        %dma_start3A_385 = tpu.memref_slice %arg2[%dma_start3A_383, %dma_start3A_384] : memref<10240x128xf32, #tpu.memory_space<hbm>> -> memref<10240x128xf32, #tpu.memory_space<hbm>>
        tpu.enqueue_indirect_dma source(%dma_start3A_385 : memref<10240x128xf32, #tpu.memory_space<hbm>>) target(%arg9 : memref<64x128xf32, #tpu.memory_space<vmem>>) offsets(%dma_start3A_382 : memref<64xi32, #tpu.memory_space<vmem>>) semaphore(%arg14 : memref<!tpu.dma_semaphore, #tpu.memory_space<semaphore_mem>>)
      } else {
      }
      %add3A_318 = arith.constant 2 : i32
      %add3A_319 = arith.addi %add3A_270, %add3A_318 : i32
      %dma_wait3A_320 = arith.constant 0 : i32
      %dma_wait3A_321 = tpu.memref_slice %arg6[%add3A_319, %dma_wait3A_320] : memref<40x64xi32, #tpu.memory_space<vmem>> -> memref<1x64xi32, #tpu.memory_space<vmem>>
      %dma_wait3A_322 = tpu.memref_squeeze %dma_wait3A_321 : memref<1x64xi32, #tpu.memory_space<vmem>> -> memref<64xi32, #tpu.memory_space<vmem>>
      %dma_wait3A_323 = arith.constant 0 : i32
      %dma_wait3A_324 = arith.constant 0 : i32
      %dma_wait3A_325 = tpu.memref_slice %arg2[%dma_wait3A_323, %dma_wait3A_324] : memref<10240x128xf32, #tpu.memory_space<hbm>> -> memref<10240x128xf32, #tpu.memory_space<hbm>>
      tpu.wait_indirect_dma semaphore(%arg15 : memref<!tpu.dma_semaphore, #tpu.memory_space<semaphore_mem>>) src(%dma_wait3A_325 : memref<10240x128xf32, #tpu.memory_space<hbm>>) dst(%arg10 : memref<64x128xf32, #tpu.memory_space<vmem>>)
      %add3A_326 = arith.constant 2 : i32
      %add3A_327 = arith.addi %add3A_270, %add3A_326 : i32
      %dma_start3A_328 = arith.constant 0 : i32
      %dma_start3A_329 = tpu.memref_slice %arg7[%add3A_327, %dma_start3A_328] : memref<40x64xi32, #tpu.memory_space<vmem>> -> memref<1x64xi32, #tpu.memory_space<vmem>>
      %dma_start3A_330 = tpu.memref_squeeze %dma_start3A_329 : memref<1x64xi32, #tpu.memory_space<vmem>> -> memref<64xi32, #tpu.memory_space<vmem>>
      %dma_start3A_331 = arith.constant 0 : i32
      %dma_start3A_332 = arith.constant 0 : i32
      %dma_start3A_333 = tpu.memref_slice %arg12[%dma_start3A_331, %dma_start3A_332] : memref<10240x128xf32, #tpu.memory_space<vmem_shared>> -> memref<10240x128xf32, #tpu.memory_space<vmem_shared>>
      tpu.enqueue_indirect_dma source(%arg10 : memref<64x128xf32, #tpu.memory_space<vmem>>) target(%dma_start3A_333 : memref<10240x128xf32, #tpu.memory_space<vmem_shared>>) offsets(%dma_start3A_330 : memref<64xi32, #tpu.memory_space<vmem>>) semaphore(%arg19 : memref<!tpu.dma_semaphore, #tpu.memory_space<semaphore_mem>>) {add = true}
      %add3A_334 = arith.constant 2 : i32
      %add3A_335 = arith.addi %add3A_270, %add3A_334 : i32
      %add3A_336 = arith.constant 4 : i32
      %add3A_337 = arith.addi %add3A_335, %add3A_336 : i32
      %lt3A_338 = arith.constant 40 : i32
      %lt3A_339 = arith.cmpi slt, %add3A_337, %lt3A_338 : i32
      %convert_element_type3A_340 = arith.extui %lt3A_339 : i1 to i32
      %cond3A_341 = arith.constant 0 : i32
      %cond3A_342 = arith.cmpi ne, %convert_element_type3A_340, %cond3A_341 : i32
      scf.if %cond3A_342 {
        %add3A_368 = arith.constant 2 : i32
        %add3A_369 = arith.addi %add3A_270, %add3A_368 : i32
        %dma_wait3A_370 = arith.constant 0 : i32
        %dma_wait3A_371 = tpu.memref_slice %arg7[%add3A_369, %dma_wait3A_370] : memref<40x64xi32, #tpu.memory_space<vmem>> -> memref<1x64xi32, #tpu.memory_space<vmem>>
        %dma_wait3A_372 = tpu.memref_squeeze %dma_wait3A_371 : memref<1x64xi32, #tpu.memory_space<vmem>> -> memref<64xi32, #tpu.memory_space<vmem>>
        %dma_wait3A_373 = arith.constant 0 : i32
        %dma_wait3A_374 = arith.constant 0 : i32
        %dma_wait3A_375 = tpu.memref_slice %arg12[%dma_wait3A_373, %dma_wait3A_374] : memref<10240x128xf32, #tpu.memory_space<vmem_shared>> -> memref<10240x128xf32, #tpu.memory_space<vmem_shared>>
        tpu.wait_indirect_dma semaphore(%arg19 : memref<!tpu.dma_semaphore, #tpu.memory_space<semaphore_mem>>) src(%arg10 : memref<64x128xf32, #tpu.memory_space<vmem>>) dst(%dma_wait3A_375 : memref<10240x128xf32, #tpu.memory_space<vmem_shared>>)
        %add3A_376 = arith.constant 2 : i32
        %add3A_377 = arith.addi %add3A_270, %add3A_376 : i32
        %add3A_378 = arith.constant 4 : i32
        %add3A_379 = arith.addi %add3A_377, %add3A_378 : i32
        %dma_start3A_380 = arith.constant 0 : i32
        %dma_start3A_381 = tpu.memref_slice %arg6[%add3A_379, %dma_start3A_380] : memref<40x64xi32, #tpu.memory_space<vmem>> -> memref<1x64xi32, #tpu.memory_space<vmem>>
        %dma_start3A_382 = tpu.memref_squeeze %dma_start3A_381 : memref<1x64xi32, #tpu.memory_space<vmem>> -> memref<64xi32, #tpu.memory_space<vmem>>
        %dma_start3A_383 = arith.constant 0 : i32
        %dma_start3A_384 = arith.constant 0 : i32
        %dma_start3A_385 = tpu.memref_slice %arg2[%dma_start3A_383, %dma_start3A_384] : memref<10240x128xf32, #tpu.memory_space<hbm>> -> memref<10240x128xf32, #tpu.memory_space<hbm>>
        tpu.enqueue_indirect_dma source(%dma_start3A_385 : memref<10240x128xf32, #tpu.memory_space<hbm>>) target(%arg10 : memref<64x128xf32, #tpu.memory_space<vmem>>) offsets(%dma_start3A_382 : memref<64xi32, #tpu.memory_space<vmem>>) semaphore(%arg15 : memref<!tpu.dma_semaphore, #tpu.memory_space<semaphore_mem>>)
      } else {
      }
      %add3A_343 = arith.constant 3 : i32
      %add3A_344 = arith.addi %add3A_270, %add3A_343 : i32
      %dma_wait3A_345 = arith.constant 0 : i32
      %dma_wait3A_346 = tpu.memref_slice %arg6[%add3A_344, %dma_wait3A_345] : memref<40x64xi32, #tpu.memory_space<vmem>> -> memref<1x64xi32, #tpu.memory_space<vmem>>
      %dma_wait3A_347 = tpu.memref_squeeze %dma_wait3A_346 : memref<1x64xi32, #tpu.memory_space<vmem>> -> memref<64xi32, #tpu.memory_space<vmem>>
      %dma_wait3A_348 = arith.constant 0 : i32
      %dma_wait3A_349 = arith.constant 0 : i32
      %dma_wait3A_350 = tpu.memref_slice %arg2[%dma_wait3A_348, %dma_wait3A_349] : memref<10240x128xf32, #tpu.memory_space<hbm>> -> memref<10240x128xf32, #tpu.memory_space<hbm>>
      tpu.wait_indirect_dma semaphore(%arg16 : memref<!tpu.dma_semaphore, #tpu.memory_space<semaphore_mem>>) src(%dma_wait3A_350 : memref<10240x128xf32, #tpu.memory_space<hbm>>) dst(%arg11 : memref<64x128xf32, #tpu.memory_space<vmem>>)
      %add3A_351 = arith.constant 3 : i32
      %add3A_352 = arith.addi %add3A_270, %add3A_351 : i32
      %dma_start3A_353 = arith.constant 0 : i32
      %dma_start3A_354 = tpu.memref_slice %arg7[%add3A_352, %dma_start3A_353] : memref<40x64xi32, #tpu.memory_space<vmem>> -> memref<1x64xi32, #tpu.memory_space<vmem>>
      %dma_start3A_355 = tpu.memref_squeeze %dma_start3A_354 : memref<1x64xi32, #tpu.memory_space<vmem>> -> memref<64xi32, #tpu.memory_space<vmem>>
      %dma_start3A_356 = arith.constant 0 : i32
      %dma_start3A_357 = arith.constant 0 : i32
      %dma_start3A_358 = tpu.memref_slice %arg12[%dma_start3A_356, %dma_start3A_357] : memref<10240x128xf32, #tpu.memory_space<vmem_shared>> -> memref<10240x128xf32, #tpu.memory_space<vmem_shared>>
      tpu.enqueue_indirect_dma source(%arg11 : memref<64x128xf32, #tpu.memory_space<vmem>>) target(%dma_start3A_358 : memref<10240x128xf32, #tpu.memory_space<vmem_shared>>) offsets(%dma_start3A_355 : memref<64xi32, #tpu.memory_space<vmem>>) semaphore(%arg20 : memref<!tpu.dma_semaphore, #tpu.memory_space<semaphore_mem>>) {add = true}
      %add3A_359 = arith.constant 3 : i32
      %add3A_360 = arith.addi %add3A_270, %add3A_359 : i32
      %add3A_361 = arith.constant 4 : i32
      %add3A_362 = arith.addi %add3A_360, %add3A_361 : i32
      %lt3A_363 = arith.constant 40 : i32
      %lt3A_364 = arith.cmpi slt, %add3A_362, %lt3A_363 : i32
      %convert_element_type3A_365 = arith.extui %lt3A_364 : i1 to i32
      %cond3A_366 = arith.constant 0 : i32
      %cond3A_367 = arith.cmpi ne, %convert_element_type3A_365, %cond3A_366 : i32
      scf.if %cond3A_367 {
        %add3A_368 = arith.constant 3 : i32
        %add3A_369 = arith.addi %add3A_270, %add3A_368 : i32
        %dma_wait3A_370 = arith.constant 0 : i32
        %dma_wait3A_371 = tpu.memref_slice %arg7[%add3A_369, %dma_wait3A_370] : memref<40x64xi32, #tpu.memory_space<vmem>> -> memref<1x64xi32, #tpu.memory_space<vmem>>
        %dma_wait3A_372 = tpu.memref_squeeze %dma_wait3A_371 : memref<1x64xi32, #tpu.memory_space<vmem>> -> memref<64xi32, #tpu.memory_space<vmem>>
        %dma_wait3A_373 = arith.constant 0 : i32
        %dma_wait3A_374 = arith.constant 0 : i32
        %dma_wait3A_375 = tpu.memref_slice %arg12[%dma_wait3A_373, %dma_wait3A_374] : memref<10240x128xf32, #tpu.memory_space<vmem_shared>> -> memref<10240x128xf32, #tpu.memory_space<vmem_shared>>
        tpu.wait_indirect_dma semaphore(%arg20 : memref<!tpu.dma_semaphore, #tpu.memory_space<semaphore_mem>>) src(%arg11 : memref<64x128xf32, #tpu.memory_space<vmem>>) dst(%dma_wait3A_375 : memref<10240x128xf32, #tpu.memory_space<vmem_shared>>)
        %add3A_376 = arith.constant 3 : i32
        %add3A_377 = arith.addi %add3A_270, %add3A_376 : i32
        %add3A_378 = arith.constant 4 : i32
        %add3A_379 = arith.addi %add3A_377, %add3A_378 : i32
        %dma_start3A_380 = arith.constant 0 : i32
        %dma_start3A_381 = tpu.memref_slice %arg6[%add3A_379, %dma_start3A_380] : memref<40x64xi32, #tpu.memory_space<vmem>> -> memref<1x64xi32, #tpu.memory_space<vmem>>
        %dma_start3A_382 = tpu.memref_squeeze %dma_start3A_381 : memref<1x64xi32, #tpu.memory_space<vmem>> -> memref<64xi32, #tpu.memory_space<vmem>>
        %dma_start3A_383 = arith.constant 0 : i32
        %dma_start3A_384 = arith.constant 0 : i32
        %dma_start3A_385 = tpu.memref_slice %arg2[%dma_start3A_383, %dma_start3A_384] : memref<10240x128xf32, #tpu.memory_space<hbm>> -> memref<10240x128xf32, #tpu.memory_space<hbm>>
        tpu.enqueue_indirect_dma source(%dma_start3A_385 : memref<10240x128xf32, #tpu.memory_space<hbm>>) target(%arg11 : memref<64x128xf32, #tpu.memory_space<vmem>>) offsets(%dma_start3A_382 : memref<64xi32, #tpu.memory_space<vmem>>) semaphore(%arg16 : memref<!tpu.dma_semaphore, #tpu.memory_space<semaphore_mem>>)
      } else {
      }
    }
    %scan3A_39 = arith.constant 10 : i32
    %dma_wait3A = arith.constant 36 : i32
    %dma_wait3A_40 = arith.constant 0 : i32
    %dma_wait3A_41 = tpu.memref_slice %arg7[%dma_wait3A, %dma_wait3A_40] : memref<40x64xi32, #tpu.memory_space<vmem>> -> memref<1x64xi32, #tpu.memory_space<vmem>>
    %dma_wait3A_42 = tpu.memref_squeeze %dma_wait3A_41 : memref<1x64xi32, #tpu.memory_space<vmem>> -> memref<64xi32, #tpu.memory_space<vmem>>
    %dma_wait3A_43 = arith.constant 0 : i32
    %dma_wait3A_44 = arith.constant 0 : i32
    %dma_wait3A_45 = tpu.memref_slice %arg12[%dma_wait3A_43, %dma_wait3A_44] : memref<10240x128xf32, #tpu.memory_space<vmem_shared>> -> memref<10240x128xf32, #tpu.memory_space<vmem_shared>>
    tpu.wait_indirect_dma semaphore(%arg17 : memref<!tpu.dma_semaphore, #tpu.memory_space<semaphore_mem>>) src(%arg8 : memref<64x128xf32, #tpu.memory_space<vmem>>) dst(%dma_wait3A_45 : memref<10240x128xf32, #tpu.memory_space<vmem_shared>>)
    %dma_wait3A_46 = arith.constant 37 : i32
    %dma_wait3A_47 = arith.constant 0 : i32
    %dma_wait3A_48 = tpu.memref_slice %arg7[%dma_wait3A_46, %dma_wait3A_47] : memref<40x64xi32, #tpu.memory_space<vmem>> -> memref<1x64xi32, #tpu.memory_space<vmem>>
    %dma_wait3A_49 = tpu.memref_squeeze %dma_wait3A_48 : memref<1x64xi32, #tpu.memory_space<vmem>> -> memref<64xi32, #tpu.memory_space<vmem>>
    %dma_wait3A_50 = arith.constant 0 : i32
    %dma_wait3A_51 = arith.constant 0 : i32
    %dma_wait3A_52 = tpu.memref_slice %arg12[%dma_wait3A_50, %dma_wait3A_51] : memref<10240x128xf32, #tpu.memory_space<vmem_shared>> -> memref<10240x128xf32, #tpu.memory_space<vmem_shared>>
    tpu.wait_indirect_dma semaphore(%arg18 : memref<!tpu.dma_semaphore, #tpu.memory_space<semaphore_mem>>) src(%arg9 : memref<64x128xf32, #tpu.memory_space<vmem>>) dst(%dma_wait3A_52 : memref<10240x128xf32, #tpu.memory_space<vmem_shared>>)
    %dma_wait3A_53 = arith.constant 38 : i32
    %dma_wait3A_54 = arith.constant 0 : i32
    %dma_wait3A_55 = tpu.memref_slice %arg7[%dma_wait3A_53, %dma_wait3A_54] : memref<40x64xi32, #tpu.memory_space<vmem>> -> memref<1x64xi32, #tpu.memory_space<vmem>>
    %dma_wait3A_56 = tpu.memref_squeeze %dma_wait3A_55 : memref<1x64xi32, #tpu.memory_space<vmem>> -> memref<64xi32, #tpu.memory_space<vmem>>
    %dma_wait3A_57 = arith.constant 0 : i32
    %dma_wait3A_58 = arith.constant 0 : i32
    %dma_wait3A_59 = tpu.memref_slice %arg12[%dma_wait3A_57, %dma_wait3A_58] : memref<10240x128xf32, #tpu.memory_space<vmem_shared>> -> memref<10240x128xf32, #tpu.memory_space<vmem_shared>>
    tpu.wait_indirect_dma semaphore(%arg19 : memref<!tpu.dma_semaphore, #tpu.memory_space<semaphore_mem>>) src(%arg10 : memref<64x128xf32, #tpu.memory_space<vmem>>) dst(%dma_wait3A_59 : memref<10240x128xf32, #tpu.memory_space<vmem_shared>>)
    %dma_wait3A_60 = arith.constant 39 : i32
    %dma_wait3A_61 = arith.constant 0 : i32
    %dma_wait3A_62 = tpu.memref_slice %arg7[%dma_wait3A_60, %dma_wait3A_61] : memref<40x64xi32, #tpu.memory_space<vmem>> -> memref<1x64xi32, #tpu.memory_space<vmem>>
    %dma_wait3A_63 = tpu.memref_squeeze %dma_wait3A_62 : memref<1x64xi32, #tpu.memory_space<vmem>> -> memref<64xi32, #tpu.memory_space<vmem>>
    %dma_wait3A_64 = arith.constant 0 : i32
    %dma_wait3A_65 = arith.constant 0 : i32
    %dma_wait3A_66 = tpu.memref_slice %arg12[%dma_wait3A_64, %dma_wait3A_65] : memref<10240x128xf32, #tpu.memory_space<vmem_shared>> -> memref<10240x128xf32, #tpu.memory_space<vmem_shared>>
    tpu.wait_indirect_dma semaphore(%arg20 : memref<!tpu.dma_semaphore, #tpu.memory_space<semaphore_mem>>) src(%arg11 : memref<64x128xf32, #tpu.memory_space<vmem>>) dst(%dma_wait3A_66 : memref<10240x128xf32, #tpu.memory_space<vmem_shared>>)
    %add3A_67 = arith.constant 40 : i32
    %add3A_68 = arith.addi %mul3A_2, %add3A_67 : i32
    "tpu.region"() ({
      %run_scoped3A = tpu.sem_alloc : memref<!tpu.dma_semaphore, #tpu.memory_space<semaphore_mem>>
      %dma_start3A_266 = arith.constant 0 : i32
      %dma_start3A_267 = tpu.memref_slice %arg3[%add3A_68, %dma_start3A_266] : memref<5120x64xi32, #tpu.memory_space<hbm>> -> memref<40x64xi32, #tpu.memory_space<hbm>>
      %dma_start3A_268 = arith.constant 0 : i32
      %dma_start3A_269 = tpu.memref_slice %arg3[%add3A_68, %dma_start3A_268] : memref<5120x64xi32, #tpu.memory_space<hbm>> -> memref<40x64xi32, #tpu.memory_space<hbm>>
      tpu.enqueue_dma source(%dma_start3A_269 : memref<40x64xi32, #tpu.memory_space<hbm>>) target(%arg6 : memref<40x64xi32, #tpu.memory_space<vmem>>) target_semaphore(%run_scoped3A : memref<!tpu.dma_semaphore, #tpu.memory_space<semaphore_mem>>)
      %dma_wait3A_270 = arith.constant 0 : i32
      %dma_wait3A_271 = tpu.memref_slice %arg3[%add3A_68, %dma_wait3A_270] : memref<5120x64xi32, #tpu.memory_space<hbm>> -> memref<40x64xi32, #tpu.memory_space<hbm>>
      %dma_wait3A_272 = arith.constant 0 : i32
      %dma_wait3A_273 = tpu.memref_slice %arg3[%add3A_68, %dma_wait3A_272] : memref<5120x64xi32, #tpu.memory_space<hbm>> -> memref<40x64xi32, #tpu.memory_space<hbm>>
      tpu.wait_dma2 semaphore(%run_scoped3A : memref<!tpu.dma_semaphore, #tpu.memory_space<semaphore_mem>>) src(%dma_wait3A_273 : memref<40x64xi32, #tpu.memory_space<hbm>>) dst(%arg6 : memref<40x64xi32, #tpu.memory_space<vmem>>)
      tpu.yield
    }) : () -> ()
    %add3A_69 = arith.constant 40 : i32
    %add3A_70 = arith.addi %mul3A_2, %add3A_69 : i32
    "tpu.region"() ({
      %run_scoped3A = tpu.sem_alloc : memref<!tpu.dma_semaphore, #tpu.memory_space<semaphore_mem>>
      %dma_start3A_266 = arith.constant 0 : i32
      %dma_start3A_267 = tpu.memref_slice %arg4[%add3A_70, %dma_start3A_266] : memref<5120x64xi32, #tpu.memory_space<hbm>> -> memref<40x64xi32, #tpu.memory_space<hbm>>
      %dma_start3A_268 = arith.constant 0 : i32
      %dma_start3A_269 = tpu.memref_slice %arg4[%add3A_70, %dma_start3A_268] : memref<5120x64xi32, #tpu.memory_space<hbm>> -> memref<40x64xi32, #tpu.memory_space<hbm>>
      tpu.enqueue_dma source(%dma_start3A_269 : memref<40x64xi32, #tpu.memory_space<hbm>>) target(%arg7 : memref<40x64xi32, #tpu.memory_space<vmem>>) target_semaphore(%run_scoped3A : memref<!tpu.dma_semaphore, #tpu.memory_space<semaphore_mem>>)
      %dma_wait3A_270 = arith.constant 0 : i32
      %dma_wait3A_271 = tpu.memref_slice %arg4[%add3A_70, %dma_wait3A_270] : memref<5120x64xi32, #tpu.memory_space<hbm>> -> memref<40x64xi32, #tpu.memory_space<hbm>>
      %dma_wait3A_272 = arith.constant 0 : i32
      %dma_wait3A_273 = tpu.memref_slice %arg4[%add3A_70, %dma_wait3A_272] : memref<5120x64xi32, #tpu.memory_space<hbm>> -> memref<40x64xi32, #tpu.memory_space<hbm>>
      tpu.wait_dma2 semaphore(%run_scoped3A : memref<!tpu.dma_semaphore, #tpu.memory_space<semaphore_mem>>) src(%dma_wait3A_273 : memref<40x64xi32, #tpu.memory_space<hbm>>) dst(%arg7 : memref<40x64xi32, #tpu.memory_space<vmem>>)
      tpu.yield
    }) : () -> ()
    %dma_start3A_71 = arith.constant 0 : i32
    %dma_start3A_72 = arith.constant 0 : i32
    %dma_start3A_73 = tpu.memref_slice %arg6[%dma_start3A_71, %dma_start3A_72] : memref<40x64xi32, #tpu.memory_space<vmem>> -> memref<1x64xi32, #tpu.memory_space<vmem>>
    %dma_start3A_74 = tpu.memref_squeeze %dma_start3A_73 : memref<1x64xi32, #tpu.memory_space<vmem>> -> memref<64xi32, #tpu.memory_space<vmem>>
    %dma_start3A_75 = arith.constant 0 : i32
    %dma_start3A_76 = arith.constant 0 : i32
    %dma_start3A_77 = tpu.memref_slice %arg2[%dma_start3A_75, %dma_start3A_76] : memref<10240x128xf32, #tpu.memory_space<hbm>> -> memref<10240x128xf32, #tpu.memory_space<hbm>>
    tpu.enqueue_indirect_dma source(%dma_start3A_77 : memref<10240x128xf32, #tpu.memory_space<hbm>>) target(%arg8 : memref<64x128xf32, #tpu.memory_space<vmem>>) offsets(%dma_start3A_74 : memref<64xi32, #tpu.memory_space<vmem>>) semaphore(%arg13 : memref<!tpu.dma_semaphore, #tpu.memory_space<semaphore_mem>>)
    %dma_start3A_78 = arith.constant 1 : i32
    %dma_start3A_79 = arith.constant 0 : i32
    %dma_start3A_80 = tpu.memref_slice %arg6[%dma_start3A_78, %dma_start3A_79] : memref<40x64xi32, #tpu.memory_space<vmem>> -> memref<1x64xi32, #tpu.memory_space<vmem>>
    %dma_start3A_81 = tpu.memref_squeeze %dma_start3A_80 : memref<1x64xi32, #tpu.memory_space<vmem>> -> memref<64xi32, #tpu.memory_space<vmem>>
    %dma_start3A_82 = arith.constant 0 : i32
    %dma_start3A_83 = arith.constant 0 : i32
    %dma_start3A_84 = tpu.memref_slice %arg2[%dma_start3A_82, %dma_start3A_83] : memref<10240x128xf32, #tpu.memory_space<hbm>> -> memref<10240x128xf32, #tpu.memory_space<hbm>>
    tpu.enqueue_indirect_dma source(%dma_start3A_84 : memref<10240x128xf32, #tpu.memory_space<hbm>>) target(%arg9 : memref<64x128xf32, #tpu.memory_space<vmem>>) offsets(%dma_start3A_81 : memref<64xi32, #tpu.memory_space<vmem>>) semaphore(%arg14 : memref<!tpu.dma_semaphore, #tpu.memory_space<semaphore_mem>>)
    %dma_start3A_85 = arith.constant 2 : i32
    %dma_start3A_86 = arith.constant 0 : i32
    %dma_start3A_87 = tpu.memref_slice %arg6[%dma_start3A_85, %dma_start3A_86] : memref<40x64xi32, #tpu.memory_space<vmem>> -> memref<1x64xi32, #tpu.memory_space<vmem>>
    %dma_start3A_88 = tpu.memref_squeeze %dma_start3A_87 : memref<1x64xi32, #tpu.memory_space<vmem>> -> memref<64xi32, #tpu.memory_space<vmem>>
    %dma_start3A_89 = arith.constant 0 : i32
    %dma_start3A_90 = arith.constant 0 : i32
    %dma_start3A_91 = tpu.memref_slice %arg2[%dma_start3A_89, %dma_start3A_90] : memref<10240x128xf32, #tpu.memory_space<hbm>> -> memref<10240x128xf32, #tpu.memory_space<hbm>>
    tpu.enqueue_indirect_dma source(%dma_start3A_91 : memref<10240x128xf32, #tpu.memory_space<hbm>>) target(%arg10 : memref<64x128xf32, #tpu.memory_space<vmem>>) offsets(%dma_start3A_88 : memref<64xi32, #tpu.memory_space<vmem>>) semaphore(%arg15 : memref<!tpu.dma_semaphore, #tpu.memory_space<semaphore_mem>>)
    %dma_start3A_92 = arith.constant 3 : i32
    %dma_start3A_93 = arith.constant 0 : i32
    %dma_start3A_94 = tpu.memref_slice %arg6[%dma_start3A_92, %dma_start3A_93] : memref<40x64xi32, #tpu.memory_space<vmem>> -> memref<1x64xi32, #tpu.memory_space<vmem>>
    %dma_start3A_95 = tpu.memref_squeeze %dma_start3A_94 : memref<1x64xi32, #tpu.memory_space<vmem>> -> memref<64xi32, #tpu.memory_space<vmem>>
    %dma_start3A_96 = arith.constant 0 : i32
    %dma_start3A_97 = arith.constant 0 : i32
    %dma_start3A_98 = tpu.memref_slice %arg2[%dma_start3A_96, %dma_start3A_97] : memref<10240x128xf32, #tpu.memory_space<hbm>> -> memref<10240x128xf32, #tpu.memory_space<hbm>>
    tpu.enqueue_indirect_dma source(%dma_start3A_98 : memref<10240x128xf32, #tpu.memory_space<hbm>>) target(%arg11 : memref<64x128xf32, #tpu.memory_space<vmem>>) offsets(%dma_start3A_95 : memref<64xi32, #tpu.memory_space<vmem>>) semaphore(%arg16 : memref<!tpu.dma_semaphore, #tpu.memory_space<semaphore_mem>>)
    %scan3A_99 = arith.constant 0 : i32
    %scan3A_100 = arith.constant 10 : i32
    %scan3A_101 = arith.addi %scan3A_99, %scan3A_100 : i32
    %scan3A_102 = arith.constant 1 : i32
    scf.for %scan3A_266 = %scan3A_99 to %scan3A_101 step %scan3A_102  : i32 {
      %mul3A_267 = arith.constant 4 : i32
      %mul3A_268 = arith.muli %scan3A_266, %mul3A_267 : i32
      %add3A_269 = arith.constant 0 : i32
      %add3A_270 = arith.addi %add3A_269, %mul3A_268 : i32
      %add3A_271 = arith.constant 0 : i32
      %add3A_272 = arith.addi %add3A_270, %add3A_271 : i32
      %dma_wait3A_273 = arith.constant 0 : i32
      %dma_wait3A_274 = tpu.memref_slice %arg6[%add3A_272, %dma_wait3A_273] : memref<40x64xi32, #tpu.memory_space<vmem>> -> memref<1x64xi32, #tpu.memory_space<vmem>>
      %dma_wait3A_275 = tpu.memref_squeeze %dma_wait3A_274 : memref<1x64xi32, #tpu.memory_space<vmem>> -> memref<64xi32, #tpu.memory_space<vmem>>
      %dma_wait3A_276 = arith.constant 0 : i32
      %dma_wait3A_277 = arith.constant 0 : i32
      %dma_wait3A_278 = tpu.memref_slice %arg2[%dma_wait3A_276, %dma_wait3A_277] : memref<10240x128xf32, #tpu.memory_space<hbm>> -> memref<10240x128xf32, #tpu.memory_space<hbm>>
      tpu.wait_indirect_dma semaphore(%arg13 : memref<!tpu.dma_semaphore, #tpu.memory_space<semaphore_mem>>) src(%dma_wait3A_278 : memref<10240x128xf32, #tpu.memory_space<hbm>>) dst(%arg8 : memref<64x128xf32, #tpu.memory_space<vmem>>)
      %add3A_279 = arith.constant 0 : i32
      %add3A_280 = arith.addi %add3A_270, %add3A_279 : i32
      %dma_start3A_281 = arith.constant 0 : i32
      %dma_start3A_282 = tpu.memref_slice %arg7[%add3A_280, %dma_start3A_281] : memref<40x64xi32, #tpu.memory_space<vmem>> -> memref<1x64xi32, #tpu.memory_space<vmem>>
      %dma_start3A_283 = tpu.memref_squeeze %dma_start3A_282 : memref<1x64xi32, #tpu.memory_space<vmem>> -> memref<64xi32, #tpu.memory_space<vmem>>
      %dma_start3A_284 = arith.constant 0 : i32
      %dma_start3A_285 = arith.constant 0 : i32
      %dma_start3A_286 = tpu.memref_slice %arg12[%dma_start3A_284, %dma_start3A_285] : memref<10240x128xf32, #tpu.memory_space<vmem_shared>> -> memref<10240x128xf32, #tpu.memory_space<vmem_shared>>
      tpu.enqueue_indirect_dma source(%arg8 : memref<64x128xf32, #tpu.memory_space<vmem>>) target(%dma_start3A_286 : memref<10240x128xf32, #tpu.memory_space<vmem_shared>>) offsets(%dma_start3A_283 : memref<64xi32, #tpu.memory_space<vmem>>) semaphore(%arg17 : memref<!tpu.dma_semaphore, #tpu.memory_space<semaphore_mem>>) {add = true}
      %add3A_287 = arith.constant 0 : i32
      %add3A_288 = arith.addi %add3A_270, %add3A_287 : i32
      %add3A_289 = arith.constant 4 : i32
      %add3A_290 = arith.addi %add3A_288, %add3A_289 : i32
      %lt3A = arith.constant 40 : i32
      %lt3A_291 = arith.cmpi slt, %add3A_290, %lt3A : i32
      %convert_element_type3A = arith.extui %lt3A_291 : i1 to i32
      %cond3A = arith.constant 0 : i32
      %cond3A_292 = arith.cmpi ne, %convert_element_type3A, %cond3A : i32
      scf.if %cond3A_292 {
        %add3A_368 = arith.constant 0 : i32
        %add3A_369 = arith.addi %add3A_270, %add3A_368 : i32
        %dma_wait3A_370 = arith.constant 0 : i32
        %dma_wait3A_371 = tpu.memref_slice %arg7[%add3A_369, %dma_wait3A_370] : memref<40x64xi32, #tpu.memory_space<vmem>> -> memref<1x64xi32, #tpu.memory_space<vmem>>
        %dma_wait3A_372 = tpu.memref_squeeze %dma_wait3A_371 : memref<1x64xi32, #tpu.memory_space<vmem>> -> memref<64xi32, #tpu.memory_space<vmem>>
        %dma_wait3A_373 = arith.constant 0 : i32
        %dma_wait3A_374 = arith.constant 0 : i32
        %dma_wait3A_375 = tpu.memref_slice %arg12[%dma_wait3A_373, %dma_wait3A_374] : memref<10240x128xf32, #tpu.memory_space<vmem_shared>> -> memref<10240x128xf32, #tpu.memory_space<vmem_shared>>
        tpu.wait_indirect_dma semaphore(%arg17 : memref<!tpu.dma_semaphore, #tpu.memory_space<semaphore_mem>>) src(%arg8 : memref<64x128xf32, #tpu.memory_space<vmem>>) dst(%dma_wait3A_375 : memref<10240x128xf32, #tpu.memory_space<vmem_shared>>)
        %add3A_376 = arith.constant 0 : i32
        %add3A_377 = arith.addi %add3A_270, %add3A_376 : i32
        %add3A_378 = arith.constant 4 : i32
        %add3A_379 = arith.addi %add3A_377, %add3A_378 : i32
        %dma_start3A_380 = arith.constant 0 : i32
        %dma_start3A_381 = tpu.memref_slice %arg6[%add3A_379, %dma_start3A_380] : memref<40x64xi32, #tpu.memory_space<vmem>> -> memref<1x64xi32, #tpu.memory_space<vmem>>
        %dma_start3A_382 = tpu.memref_squeeze %dma_start3A_381 : memref<1x64xi32, #tpu.memory_space<vmem>> -> memref<64xi32, #tpu.memory_space<vmem>>
        %dma_start3A_383 = arith.constant 0 : i32
        %dma_start3A_384 = arith.constant 0 : i32
        %dma_start3A_385 = tpu.memref_slice %arg2[%dma_start3A_383, %dma_start3A_384] : memref<10240x128xf32, #tpu.memory_space<hbm>> -> memref<10240x128xf32, #tpu.memory_space<hbm>>
        tpu.enqueue_indirect_dma source(%dma_start3A_385 : memref<10240x128xf32, #tpu.memory_space<hbm>>) target(%arg8 : memref<64x128xf32, #tpu.memory_space<vmem>>) offsets(%dma_start3A_382 : memref<64xi32, #tpu.memory_space<vmem>>) semaphore(%arg13 : memref<!tpu.dma_semaphore, #tpu.memory_space<semaphore_mem>>)
      } else {
      }
      %add3A_293 = arith.constant 1 : i32
      %add3A_294 = arith.addi %add3A_270, %add3A_293 : i32
      %dma_wait3A_295 = arith.constant 0 : i32
      %dma_wait3A_296 = tpu.memref_slice %arg6[%add3A_294, %dma_wait3A_295] : memref<40x64xi32, #tpu.memory_space<vmem>> -> memref<1x64xi32, #tpu.memory_space<vmem>>
      %dma_wait3A_297 = tpu.memref_squeeze %dma_wait3A_296 : memref<1x64xi32, #tpu.memory_space<vmem>> -> memref<64xi32, #tpu.memory_space<vmem>>
      %dma_wait3A_298 = arith.constant 0 : i32
      %dma_wait3A_299 = arith.constant 0 : i32
      %dma_wait3A_300 = tpu.memref_slice %arg2[%dma_wait3A_298, %dma_wait3A_299] : memref<10240x128xf32, #tpu.memory_space<hbm>> -> memref<10240x128xf32, #tpu.memory_space<hbm>>
      tpu.wait_indirect_dma semaphore(%arg14 : memref<!tpu.dma_semaphore, #tpu.memory_space<semaphore_mem>>) src(%dma_wait3A_300 : memref<10240x128xf32, #tpu.memory_space<hbm>>) dst(%arg9 : memref<64x128xf32, #tpu.memory_space<vmem>>)
      %add3A_301 = arith.constant 1 : i32
      %add3A_302 = arith.addi %add3A_270, %add3A_301 : i32
      %dma_start3A_303 = arith.constant 0 : i32
      %dma_start3A_304 = tpu.memref_slice %arg7[%add3A_302, %dma_start3A_303] : memref<40x64xi32, #tpu.memory_space<vmem>> -> memref<1x64xi32, #tpu.memory_space<vmem>>
      %dma_start3A_305 = tpu.memref_squeeze %dma_start3A_304 : memref<1x64xi32, #tpu.memory_space<vmem>> -> memref<64xi32, #tpu.memory_space<vmem>>
      %dma_start3A_306 = arith.constant 0 : i32
      %dma_start3A_307 = arith.constant 0 : i32
      %dma_start3A_308 = tpu.memref_slice %arg12[%dma_start3A_306, %dma_start3A_307] : memref<10240x128xf32, #tpu.memory_space<vmem_shared>> -> memref<10240x128xf32, #tpu.memory_space<vmem_shared>>
      tpu.enqueue_indirect_dma source(%arg9 : memref<64x128xf32, #tpu.memory_space<vmem>>) target(%dma_start3A_308 : memref<10240x128xf32, #tpu.memory_space<vmem_shared>>) offsets(%dma_start3A_305 : memref<64xi32, #tpu.memory_space<vmem>>) semaphore(%arg18 : memref<!tpu.dma_semaphore, #tpu.memory_space<semaphore_mem>>) {add = true}
      %add3A_309 = arith.constant 1 : i32
      %add3A_310 = arith.addi %add3A_270, %add3A_309 : i32
      %add3A_311 = arith.constant 4 : i32
      %add3A_312 = arith.addi %add3A_310, %add3A_311 : i32
      %lt3A_313 = arith.constant 40 : i32
      %lt3A_314 = arith.cmpi slt, %add3A_312, %lt3A_313 : i32
      %convert_element_type3A_315 = arith.extui %lt3A_314 : i1 to i32
      %cond3A_316 = arith.constant 0 : i32
      %cond3A_317 = arith.cmpi ne, %convert_element_type3A_315, %cond3A_316 : i32
      scf.if %cond3A_317 {
        %add3A_368 = arith.constant 1 : i32
        %add3A_369 = arith.addi %add3A_270, %add3A_368 : i32
        %dma_wait3A_370 = arith.constant 0 : i32
        %dma_wait3A_371 = tpu.memref_slice %arg7[%add3A_369, %dma_wait3A_370] : memref<40x64xi32, #tpu.memory_space<vmem>> -> memref<1x64xi32, #tpu.memory_space<vmem>>
        %dma_wait3A_372 = tpu.memref_squeeze %dma_wait3A_371 : memref<1x64xi32, #tpu.memory_space<vmem>> -> memref<64xi32, #tpu.memory_space<vmem>>
        %dma_wait3A_373 = arith.constant 0 : i32
        %dma_wait3A_374 = arith.constant 0 : i32
        %dma_wait3A_375 = tpu.memref_slice %arg12[%dma_wait3A_373, %dma_wait3A_374] : memref<10240x128xf32, #tpu.memory_space<vmem_shared>> -> memref<10240x128xf32, #tpu.memory_space<vmem_shared>>
        tpu.wait_indirect_dma semaphore(%arg18 : memref<!tpu.dma_semaphore, #tpu.memory_space<semaphore_mem>>) src(%arg9 : memref<64x128xf32, #tpu.memory_space<vmem>>) dst(%dma_wait3A_375 : memref<10240x128xf32, #tpu.memory_space<vmem_shared>>)
        %add3A_376 = arith.constant 1 : i32
        %add3A_377 = arith.addi %add3A_270, %add3A_376 : i32
        %add3A_378 = arith.constant 4 : i32
        %add3A_379 = arith.addi %add3A_377, %add3A_378 : i32
        %dma_start3A_380 = arith.constant 0 : i32
        %dma_start3A_381 = tpu.memref_slice %arg6[%add3A_379, %dma_start3A_380] : memref<40x64xi32, #tpu.memory_space<vmem>> -> memref<1x64xi32, #tpu.memory_space<vmem>>
        %dma_start3A_382 = tpu.memref_squeeze %dma_start3A_381 : memref<1x64xi32, #tpu.memory_space<vmem>> -> memref<64xi32, #tpu.memory_space<vmem>>
        %dma_start3A_383 = arith.constant 0 : i32
        %dma_start3A_384 = arith.constant 0 : i32
        %dma_start3A_385 = tpu.memref_slice %arg2[%dma_start3A_383, %dma_start3A_384] : memref<10240x128xf32, #tpu.memory_space<hbm>> -> memref<10240x128xf32, #tpu.memory_space<hbm>>
        tpu.enqueue_indirect_dma source(%dma_start3A_385 : memref<10240x128xf32, #tpu.memory_space<hbm>>) target(%arg9 : memref<64x128xf32, #tpu.memory_space<vmem>>) offsets(%dma_start3A_382 : memref<64xi32, #tpu.memory_space<vmem>>) semaphore(%arg14 : memref<!tpu.dma_semaphore, #tpu.memory_space<semaphore_mem>>)
      } else {
      }
      %add3A_318 = arith.constant 2 : i32
      %add3A_319 = arith.addi %add3A_270, %add3A_318 : i32
      %dma_wait3A_320 = arith.constant 0 : i32
      %dma_wait3A_321 = tpu.memref_slice %arg6[%add3A_319, %dma_wait3A_320] : memref<40x64xi32, #tpu.memory_space<vmem>> -> memref<1x64xi32, #tpu.memory_space<vmem>>
      %dma_wait3A_322 = tpu.memref_squeeze %dma_wait3A_321 : memref<1x64xi32, #tpu.memory_space<vmem>> -> memref<64xi32, #tpu.memory_space<vmem>>
      %dma_wait3A_323 = arith.constant 0 : i32
      %dma_wait3A_324 = arith.constant 0 : i32
      %dma_wait3A_325 = tpu.memref_slice %arg2[%dma_wait3A_323, %dma_wait3A_324] : memref<10240x128xf32, #tpu.memory_space<hbm>> -> memref<10240x128xf32, #tpu.memory_space<hbm>>
      tpu.wait_indirect_dma semaphore(%arg15 : memref<!tpu.dma_semaphore, #tpu.memory_space<semaphore_mem>>) src(%dma_wait3A_325 : memref<10240x128xf32, #tpu.memory_space<hbm>>) dst(%arg10 : memref<64x128xf32, #tpu.memory_space<vmem>>)
      %add3A_326 = arith.constant 2 : i32
      %add3A_327 = arith.addi %add3A_270, %add3A_326 : i32
      %dma_start3A_328 = arith.constant 0 : i32
      %dma_start3A_329 = tpu.memref_slice %arg7[%add3A_327, %dma_start3A_328] : memref<40x64xi32, #tpu.memory_space<vmem>> -> memref<1x64xi32, #tpu.memory_space<vmem>>
      %dma_start3A_330 = tpu.memref_squeeze %dma_start3A_329 : memref<1x64xi32, #tpu.memory_space<vmem>> -> memref<64xi32, #tpu.memory_space<vmem>>
      %dma_start3A_331 = arith.constant 0 : i32
      %dma_start3A_332 = arith.constant 0 : i32
      %dma_start3A_333 = tpu.memref_slice %arg12[%dma_start3A_331, %dma_start3A_332] : memref<10240x128xf32, #tpu.memory_space<vmem_shared>> -> memref<10240x128xf32, #tpu.memory_space<vmem_shared>>
      tpu.enqueue_indirect_dma source(%arg10 : memref<64x128xf32, #tpu.memory_space<vmem>>) target(%dma_start3A_333 : memref<10240x128xf32, #tpu.memory_space<vmem_shared>>) offsets(%dma_start3A_330 : memref<64xi32, #tpu.memory_space<vmem>>) semaphore(%arg19 : memref<!tpu.dma_semaphore, #tpu.memory_space<semaphore_mem>>) {add = true}
      %add3A_334 = arith.constant 2 : i32
      %add3A_335 = arith.addi %add3A_270, %add3A_334 : i32
      %add3A_336 = arith.constant 4 : i32
      %add3A_337 = arith.addi %add3A_335, %add3A_336 : i32
      %lt3A_338 = arith.constant 40 : i32
      %lt3A_339 = arith.cmpi slt, %add3A_337, %lt3A_338 : i32
      %convert_element_type3A_340 = arith.extui %lt3A_339 : i1 to i32
      %cond3A_341 = arith.constant 0 : i32
      %cond3A_342 = arith.cmpi ne, %convert_element_type3A_340, %cond3A_341 : i32
      scf.if %cond3A_342 {
        %add3A_368 = arith.constant 2 : i32
        %add3A_369 = arith.addi %add3A_270, %add3A_368 : i32
        %dma_wait3A_370 = arith.constant 0 : i32
        %dma_wait3A_371 = tpu.memref_slice %arg7[%add3A_369, %dma_wait3A_370] : memref<40x64xi32, #tpu.memory_space<vmem>> -> memref<1x64xi32, #tpu.memory_space<vmem>>
        %dma_wait3A_372 = tpu.memref_squeeze %dma_wait3A_371 : memref<1x64xi32, #tpu.memory_space<vmem>> -> memref<64xi32, #tpu.memory_space<vmem>>
        %dma_wait3A_373 = arith.constant 0 : i32
        %dma_wait3A_374 = arith.constant 0 : i32
        %dma_wait3A_375 = tpu.memref_slice %arg12[%dma_wait3A_373, %dma_wait3A_374] : memref<10240x128xf32, #tpu.memory_space<vmem_shared>> -> memref<10240x128xf32, #tpu.memory_space<vmem_shared>>
        tpu.wait_indirect_dma semaphore(%arg19 : memref<!tpu.dma_semaphore, #tpu.memory_space<semaphore_mem>>) src(%arg10 : memref<64x128xf32, #tpu.memory_space<vmem>>) dst(%dma_wait3A_375 : memref<10240x128xf32, #tpu.memory_space<vmem_shared>>)
        %add3A_376 = arith.constant 2 : i32
        %add3A_377 = arith.addi %add3A_270, %add3A_376 : i32
        %add3A_378 = arith.constant 4 : i32
        %add3A_379 = arith.addi %add3A_377, %add3A_378 : i32
        %dma_start3A_380 = arith.constant 0 : i32
        %dma_start3A_381 = tpu.memref_slice %arg6[%add3A_379, %dma_start3A_380] : memref<40x64xi32, #tpu.memory_space<vmem>> -> memref<1x64xi32, #tpu.memory_space<vmem>>
        %dma_start3A_382 = tpu.memref_squeeze %dma_start3A_381 : memref<1x64xi32, #tpu.memory_space<vmem>> -> memref<64xi32, #tpu.memory_space<vmem>>
        %dma_start3A_383 = arith.constant 0 : i32
        %dma_start3A_384 = arith.constant 0 : i32
        %dma_start3A_385 = tpu.memref_slice %arg2[%dma_start3A_383, %dma_start3A_384] : memref<10240x128xf32, #tpu.memory_space<hbm>> -> memref<10240x128xf32, #tpu.memory_space<hbm>>
        tpu.enqueue_indirect_dma source(%dma_start3A_385 : memref<10240x128xf32, #tpu.memory_space<hbm>>) target(%arg10 : memref<64x128xf32, #tpu.memory_space<vmem>>) offsets(%dma_start3A_382 : memref<64xi32, #tpu.memory_space<vmem>>) semaphore(%arg15 : memref<!tpu.dma_semaphore, #tpu.memory_space<semaphore_mem>>)
      } else {
      }
      %add3A_343 = arith.constant 3 : i32
      %add3A_344 = arith.addi %add3A_270, %add3A_343 : i32
      %dma_wait3A_345 = arith.constant 0 : i32
      %dma_wait3A_346 = tpu.memref_slice %arg6[%add3A_344, %dma_wait3A_345] : memref<40x64xi32, #tpu.memory_space<vmem>> -> memref<1x64xi32, #tpu.memory_space<vmem>>
      %dma_wait3A_347 = tpu.memref_squeeze %dma_wait3A_346 : memref<1x64xi32, #tpu.memory_space<vmem>> -> memref<64xi32, #tpu.memory_space<vmem>>
      %dma_wait3A_348 = arith.constant 0 : i32
      %dma_wait3A_349 = arith.constant 0 : i32
      %dma_wait3A_350 = tpu.memref_slice %arg2[%dma_wait3A_348, %dma_wait3A_349] : memref<10240x128xf32, #tpu.memory_space<hbm>> -> memref<10240x128xf32, #tpu.memory_space<hbm>>
      tpu.wait_indirect_dma semaphore(%arg16 : memref<!tpu.dma_semaphore, #tpu.memory_space<semaphore_mem>>) src(%dma_wait3A_350 : memref<10240x128xf32, #tpu.memory_space<hbm>>) dst(%arg11 : memref<64x128xf32, #tpu.memory_space<vmem>>)
      %add3A_351 = arith.constant 3 : i32
      %add3A_352 = arith.addi %add3A_270, %add3A_351 : i32
      %dma_start3A_353 = arith.constant 0 : i32
      %dma_start3A_354 = tpu.memref_slice %arg7[%add3A_352, %dma_start3A_353] : memref<40x64xi32, #tpu.memory_space<vmem>> -> memref<1x64xi32, #tpu.memory_space<vmem>>
      %dma_start3A_355 = tpu.memref_squeeze %dma_start3A_354 : memref<1x64xi32, #tpu.memory_space<vmem>> -> memref<64xi32, #tpu.memory_space<vmem>>
      %dma_start3A_356 = arith.constant 0 : i32
      %dma_start3A_357 = arith.constant 0 : i32
      %dma_start3A_358 = tpu.memref_slice %arg12[%dma_start3A_356, %dma_start3A_357] : memref<10240x128xf32, #tpu.memory_space<vmem_shared>> -> memref<10240x128xf32, #tpu.memory_space<vmem_shared>>
      tpu.enqueue_indirect_dma source(%arg11 : memref<64x128xf32, #tpu.memory_space<vmem>>) target(%dma_start3A_358 : memref<10240x128xf32, #tpu.memory_space<vmem_shared>>) offsets(%dma_start3A_355 : memref<64xi32, #tpu.memory_space<vmem>>) semaphore(%arg20 : memref<!tpu.dma_semaphore, #tpu.memory_space<semaphore_mem>>) {add = true}
      %add3A_359 = arith.constant 3 : i32
      %add3A_360 = arith.addi %add3A_270, %add3A_359 : i32
      %add3A_361 = arith.constant 4 : i32
      %add3A_362 = arith.addi %add3A_360, %add3A_361 : i32
      %lt3A_363 = arith.constant 40 : i32
      %lt3A_364 = arith.cmpi slt, %add3A_362, %lt3A_363 : i32
      %convert_element_type3A_365 = arith.extui %lt3A_364 : i1 to i32
      %cond3A_366 = arith.constant 0 : i32
      %cond3A_367 = arith.cmpi ne, %convert_element_type3A_365, %cond3A_366 : i32
      scf.if %cond3A_367 {
        %add3A_368 = arith.constant 3 : i32
        %add3A_369 = arith.addi %add3A_270, %add3A_368 : i32
        %dma_wait3A_370 = arith.constant 0 : i32
        %dma_wait3A_371 = tpu.memref_slice %arg7[%add3A_369, %dma_wait3A_370] : memref<40x64xi32, #tpu.memory_space<vmem>> -> memref<1x64xi32, #tpu.memory_space<vmem>>
        %dma_wait3A_372 = tpu.memref_squeeze %dma_wait3A_371 : memref<1x64xi32, #tpu.memory_space<vmem>> -> memref<64xi32, #tpu.memory_space<vmem>>
        %dma_wait3A_373 = arith.constant 0 : i32
        %dma_wait3A_374 = arith.constant 0 : i32
        %dma_wait3A_375 = tpu.memref_slice %arg12[%dma_wait3A_373, %dma_wait3A_374] : memref<10240x128xf32, #tpu.memory_space<vmem_shared>> -> memref<10240x128xf32, #tpu.memory_space<vmem_shared>>
        tpu.wait_indirect_dma semaphore(%arg20 : memref<!tpu.dma_semaphore, #tpu.memory_space<semaphore_mem>>) src(%arg11 : memref<64x128xf32, #tpu.memory_space<vmem>>) dst(%dma_wait3A_375 : memref<10240x128xf32, #tpu.memory_space<vmem_shared>>)
        %add3A_376 = arith.constant 3 : i32
        %add3A_377 = arith.addi %add3A_270, %add3A_376 : i32
        %add3A_378 = arith.constant 4 : i32
        %add3A_379 = arith.addi %add3A_377, %add3A_378 : i32
        %dma_start3A_380 = arith.constant 0 : i32
        %dma_start3A_381 = tpu.memref_slice %arg6[%add3A_379, %dma_start3A_380] : memref<40x64xi32, #tpu.memory_space<vmem>> -> memref<1x64xi32, #tpu.memory_space<vmem>>
        %dma_start3A_382 = tpu.memref_squeeze %dma_start3A_381 : memref<1x64xi32, #tpu.memory_space<vmem>> -> memref<64xi32, #tpu.memory_space<vmem>>
        %dma_start3A_383 = arith.constant 0 : i32
        %dma_start3A_384 = arith.constant 0 : i32
        %dma_start3A_385 = tpu.memref_slice %arg2[%dma_start3A_383, %dma_start3A_384] : memref<10240x128xf32, #tpu.memory_space<hbm>> -> memref<10240x128xf32, #tpu.memory_space<hbm>>
        tpu.enqueue_indirect_dma source(%dma_start3A_385 : memref<10240x128xf32, #tpu.memory_space<hbm>>) target(%arg11 : memref<64x128xf32, #tpu.memory_space<vmem>>) offsets(%dma_start3A_382 : memref<64xi32, #tpu.memory_space<vmem>>) semaphore(%arg16 : memref<!tpu.dma_semaphore, #tpu.memory_space<semaphore_mem>>)
      } else {
      }
    }
    %scan3A_103 = arith.constant 10 : i32
    %dma_wait3A_104 = arith.constant 36 : i32
    %dma_wait3A_105 = arith.constant 0 : i32
    %dma_wait3A_106 = tpu.memref_slice %arg7[%dma_wait3A_104, %dma_wait3A_105] : memref<40x64xi32, #tpu.memory_space<vmem>> -> memref<1x64xi32, #tpu.memory_space<vmem>>
    %dma_wait3A_107 = tpu.memref_squeeze %dma_wait3A_106 : memref<1x64xi32, #tpu.memory_space<vmem>> -> memref<64xi32, #tpu.memory_space<vmem>>
    %dma_wait3A_108 = arith.constant 0 : i32
    %dma_wait3A_109 = arith.constant 0 : i32
    %dma_wait3A_110 = tpu.memref_slice %arg12[%dma_wait3A_108, %dma_wait3A_109] : memref<10240x128xf32, #tpu.memory_space<vmem_shared>> -> memref<10240x128xf32, #tpu.memory_space<vmem_shared>>
    tpu.wait_indirect_dma semaphore(%arg17 : memref<!tpu.dma_semaphore, #tpu.memory_space<semaphore_mem>>) src(%arg8 : memref<64x128xf32, #tpu.memory_space<vmem>>) dst(%dma_wait3A_110 : memref<10240x128xf32, #tpu.memory_space<vmem_shared>>)
    %dma_wait3A_111 = arith.constant 37 : i32
    %dma_wait3A_112 = arith.constant 0 : i32
    %dma_wait3A_113 = tpu.memref_slice %arg7[%dma_wait3A_111, %dma_wait3A_112] : memref<40x64xi32, #tpu.memory_space<vmem>> -> memref<1x64xi32, #tpu.memory_space<vmem>>
    %dma_wait3A_114 = tpu.memref_squeeze %dma_wait3A_113 : memref<1x64xi32, #tpu.memory_space<vmem>> -> memref<64xi32, #tpu.memory_space<vmem>>
    %dma_wait3A_115 = arith.constant 0 : i32
    %dma_wait3A_116 = arith.constant 0 : i32
    %dma_wait3A_117 = tpu.memref_slice %arg12[%dma_wait3A_115, %dma_wait3A_116] : memref<10240x128xf32, #tpu.memory_space<vmem_shared>> -> memref<10240x128xf32, #tpu.memory_space<vmem_shared>>
    tpu.wait_indirect_dma semaphore(%arg18 : memref<!tpu.dma_semaphore, #tpu.memory_space<semaphore_mem>>) src(%arg9 : memref<64x128xf32, #tpu.memory_space<vmem>>) dst(%dma_wait3A_117 : memref<10240x128xf32, #tpu.memory_space<vmem_shared>>)
    %dma_wait3A_118 = arith.constant 38 : i32
    %dma_wait3A_119 = arith.constant 0 : i32
    %dma_wait3A_120 = tpu.memref_slice %arg7[%dma_wait3A_118, %dma_wait3A_119] : memref<40x64xi32, #tpu.memory_space<vmem>> -> memref<1x64xi32, #tpu.memory_space<vmem>>
    %dma_wait3A_121 = tpu.memref_squeeze %dma_wait3A_120 : memref<1x64xi32, #tpu.memory_space<vmem>> -> memref<64xi32, #tpu.memory_space<vmem>>
    %dma_wait3A_122 = arith.constant 0 : i32
    %dma_wait3A_123 = arith.constant 0 : i32
    %dma_wait3A_124 = tpu.memref_slice %arg12[%dma_wait3A_122, %dma_wait3A_123] : memref<10240x128xf32, #tpu.memory_space<vmem_shared>> -> memref<10240x128xf32, #tpu.memory_space<vmem_shared>>
    tpu.wait_indirect_dma semaphore(%arg19 : memref<!tpu.dma_semaphore, #tpu.memory_space<semaphore_mem>>) src(%arg10 : memref<64x128xf32, #tpu.memory_space<vmem>>) dst(%dma_wait3A_124 : memref<10240x128xf32, #tpu.memory_space<vmem_shared>>)
    %dma_wait3A_125 = arith.constant 39 : i32
    %dma_wait3A_126 = arith.constant 0 : i32
    %dma_wait3A_127 = tpu.memref_slice %arg7[%dma_wait3A_125, %dma_wait3A_126] : memref<40x64xi32, #tpu.memory_space<vmem>> -> memref<1x64xi32, #tpu.memory_space<vmem>>
    %dma_wait3A_128 = tpu.memref_squeeze %dma_wait3A_127 : memref<1x64xi32, #tpu.memory_space<vmem>> -> memref<64xi32, #tpu.memory_space<vmem>>
    %dma_wait3A_129 = arith.constant 0 : i32
    %dma_wait3A_130 = arith.constant 0 : i32
    %dma_wait3A_131 = tpu.memref_slice %arg12[%dma_wait3A_129, %dma_wait3A_130] : memref<10240x128xf32, #tpu.memory_space<vmem_shared>> -> memref<10240x128xf32, #tpu.memory_space<vmem_shared>>
    tpu.wait_indirect_dma semaphore(%arg20 : memref<!tpu.dma_semaphore, #tpu.memory_space<semaphore_mem>>) src(%arg11 : memref<64x128xf32, #tpu.memory_space<vmem>>) dst(%dma_wait3A_131 : memref<10240x128xf32, #tpu.memory_space<vmem_shared>>)
    %add3A_132 = arith.constant 80 : i32
    %add3A_133 = arith.addi %mul3A_2, %add3A_132 : i32
    "tpu.region"() ({
      %run_scoped3A = tpu.sem_alloc : memref<!tpu.dma_semaphore, #tpu.memory_space<semaphore_mem>>
      %dma_start3A_266 = arith.constant 0 : i32
      %dma_start3A_267 = tpu.memref_slice %arg3[%add3A_133, %dma_start3A_266] : memref<5120x64xi32, #tpu.memory_space<hbm>> -> memref<40x64xi32, #tpu.memory_space<hbm>>
      %dma_start3A_268 = arith.constant 0 : i32
      %dma_start3A_269 = tpu.memref_slice %arg3[%add3A_133, %dma_start3A_268] : memref<5120x64xi32, #tpu.memory_space<hbm>> -> memref<40x64xi32, #tpu.memory_space<hbm>>
      tpu.enqueue_dma source(%dma_start3A_269 : memref<40x64xi32, #tpu.memory_space<hbm>>) target(%arg6 : memref<40x64xi32, #tpu.memory_space<vmem>>) target_semaphore(%run_scoped3A : memref<!tpu.dma_semaphore, #tpu.memory_space<semaphore_mem>>)
      %dma_wait3A_270 = arith.constant 0 : i32
      %dma_wait3A_271 = tpu.memref_slice %arg3[%add3A_133, %dma_wait3A_270] : memref<5120x64xi32, #tpu.memory_space<hbm>> -> memref<40x64xi32, #tpu.memory_space<hbm>>
      %dma_wait3A_272 = arith.constant 0 : i32
      %dma_wait3A_273 = tpu.memref_slice %arg3[%add3A_133, %dma_wait3A_272] : memref<5120x64xi32, #tpu.memory_space<hbm>> -> memref<40x64xi32, #tpu.memory_space<hbm>>
      tpu.wait_dma2 semaphore(%run_scoped3A : memref<!tpu.dma_semaphore, #tpu.memory_space<semaphore_mem>>) src(%dma_wait3A_273 : memref<40x64xi32, #tpu.memory_space<hbm>>) dst(%arg6 : memref<40x64xi32, #tpu.memory_space<vmem>>)
      tpu.yield
    }) : () -> ()
    %add3A_134 = arith.constant 80 : i32
    %add3A_135 = arith.addi %mul3A_2, %add3A_134 : i32
    "tpu.region"() ({
      %run_scoped3A = tpu.sem_alloc : memref<!tpu.dma_semaphore, #tpu.memory_space<semaphore_mem>>
      %dma_start3A_266 = arith.constant 0 : i32
      %dma_start3A_267 = tpu.memref_slice %arg4[%add3A_135, %dma_start3A_266] : memref<5120x64xi32, #tpu.memory_space<hbm>> -> memref<40x64xi32, #tpu.memory_space<hbm>>
      %dma_start3A_268 = arith.constant 0 : i32
      %dma_start3A_269 = tpu.memref_slice %arg4[%add3A_135, %dma_start3A_268] : memref<5120x64xi32, #tpu.memory_space<hbm>> -> memref<40x64xi32, #tpu.memory_space<hbm>>
      tpu.enqueue_dma source(%dma_start3A_269 : memref<40x64xi32, #tpu.memory_space<hbm>>) target(%arg7 : memref<40x64xi32, #tpu.memory_space<vmem>>) target_semaphore(%run_scoped3A : memref<!tpu.dma_semaphore, #tpu.memory_space<semaphore_mem>>)
      %dma_wait3A_270 = arith.constant 0 : i32
      %dma_wait3A_271 = tpu.memref_slice %arg4[%add3A_135, %dma_wait3A_270] : memref<5120x64xi32, #tpu.memory_space<hbm>> -> memref<40x64xi32, #tpu.memory_space<hbm>>
      %dma_wait3A_272 = arith.constant 0 : i32
      %dma_wait3A_273 = tpu.memref_slice %arg4[%add3A_135, %dma_wait3A_272] : memref<5120x64xi32, #tpu.memory_space<hbm>> -> memref<40x64xi32, #tpu.memory_space<hbm>>
      tpu.wait_dma2 semaphore(%run_scoped3A : memref<!tpu.dma_semaphore, #tpu.memory_space<semaphore_mem>>) src(%dma_wait3A_273 : memref<40x64xi32, #tpu.memory_space<hbm>>) dst(%arg7 : memref<40x64xi32, #tpu.memory_space<vmem>>)
      tpu.yield
    }) : () -> ()
    %dma_start3A_136 = arith.constant 0 : i32
    %dma_start3A_137 = arith.constant 0 : i32
    %dma_start3A_138 = tpu.memref_slice %arg6[%dma_start3A_136, %dma_start3A_137] : memref<40x64xi32, #tpu.memory_space<vmem>> -> memref<1x64xi32, #tpu.memory_space<vmem>>
    %dma_start3A_139 = tpu.memref_squeeze %dma_start3A_138 : memref<1x64xi32, #tpu.memory_space<vmem>> -> memref<64xi32, #tpu.memory_space<vmem>>
    %dma_start3A_140 = arith.constant 0 : i32
    %dma_start3A_141 = arith.constant 0 : i32
    %dma_start3A_142 = tpu.memref_slice %arg2[%dma_start3A_140, %dma_start3A_141] : memref<10240x128xf32, #tpu.memory_space<hbm>> -> memref<10240x128xf32, #tpu.memory_space<hbm>>
    tpu.enqueue_indirect_dma source(%dma_start3A_142 : memref<10240x128xf32, #tpu.memory_space<hbm>>) target(%arg8 : memref<64x128xf32, #tpu.memory_space<vmem>>) offsets(%dma_start3A_139 : memref<64xi32, #tpu.memory_space<vmem>>) semaphore(%arg13 : memref<!tpu.dma_semaphore, #tpu.memory_space<semaphore_mem>>)
    %dma_start3A_143 = arith.constant 1 : i32
    %dma_start3A_144 = arith.constant 0 : i32
    %dma_start3A_145 = tpu.memref_slice %arg6[%dma_start3A_143, %dma_start3A_144] : memref<40x64xi32, #tpu.memory_space<vmem>> -> memref<1x64xi32, #tpu.memory_space<vmem>>
    %dma_start3A_146 = tpu.memref_squeeze %dma_start3A_145 : memref<1x64xi32, #tpu.memory_space<vmem>> -> memref<64xi32, #tpu.memory_space<vmem>>
    %dma_start3A_147 = arith.constant 0 : i32
    %dma_start3A_148 = arith.constant 0 : i32
    %dma_start3A_149 = tpu.memref_slice %arg2[%dma_start3A_147, %dma_start3A_148] : memref<10240x128xf32, #tpu.memory_space<hbm>> -> memref<10240x128xf32, #tpu.memory_space<hbm>>
    tpu.enqueue_indirect_dma source(%dma_start3A_149 : memref<10240x128xf32, #tpu.memory_space<hbm>>) target(%arg9 : memref<64x128xf32, #tpu.memory_space<vmem>>) offsets(%dma_start3A_146 : memref<64xi32, #tpu.memory_space<vmem>>) semaphore(%arg14 : memref<!tpu.dma_semaphore, #tpu.memory_space<semaphore_mem>>)
    %dma_start3A_150 = arith.constant 2 : i32
    %dma_start3A_151 = arith.constant 0 : i32
    %dma_start3A_152 = tpu.memref_slice %arg6[%dma_start3A_150, %dma_start3A_151] : memref<40x64xi32, #tpu.memory_space<vmem>> -> memref<1x64xi32, #tpu.memory_space<vmem>>
    %dma_start3A_153 = tpu.memref_squeeze %dma_start3A_152 : memref<1x64xi32, #tpu.memory_space<vmem>> -> memref<64xi32, #tpu.memory_space<vmem>>
    %dma_start3A_154 = arith.constant 0 : i32
    %dma_start3A_155 = arith.constant 0 : i32
    %dma_start3A_156 = tpu.memref_slice %arg2[%dma_start3A_154, %dma_start3A_155] : memref<10240x128xf32, #tpu.memory_space<hbm>> -> memref<10240x128xf32, #tpu.memory_space<hbm>>
    tpu.enqueue_indirect_dma source(%dma_start3A_156 : memref<10240x128xf32, #tpu.memory_space<hbm>>) target(%arg10 : memref<64x128xf32, #tpu.memory_space<vmem>>) offsets(%dma_start3A_153 : memref<64xi32, #tpu.memory_space<vmem>>) semaphore(%arg15 : memref<!tpu.dma_semaphore, #tpu.memory_space<semaphore_mem>>)
    %dma_start3A_157 = arith.constant 3 : i32
    %dma_start3A_158 = arith.constant 0 : i32
    %dma_start3A_159 = tpu.memref_slice %arg6[%dma_start3A_157, %dma_start3A_158] : memref<40x64xi32, #tpu.memory_space<vmem>> -> memref<1x64xi32, #tpu.memory_space<vmem>>
    %dma_start3A_160 = tpu.memref_squeeze %dma_start3A_159 : memref<1x64xi32, #tpu.memory_space<vmem>> -> memref<64xi32, #tpu.memory_space<vmem>>
    %dma_start3A_161 = arith.constant 0 : i32
    %dma_start3A_162 = arith.constant 0 : i32
    %dma_start3A_163 = tpu.memref_slice %arg2[%dma_start3A_161, %dma_start3A_162] : memref<10240x128xf32, #tpu.memory_space<hbm>> -> memref<10240x128xf32, #tpu.memory_space<hbm>>
    tpu.enqueue_indirect_dma source(%dma_start3A_163 : memref<10240x128xf32, #tpu.memory_space<hbm>>) target(%arg11 : memref<64x128xf32, #tpu.memory_space<vmem>>) offsets(%dma_start3A_160 : memref<64xi32, #tpu.memory_space<vmem>>) semaphore(%arg16 : memref<!tpu.dma_semaphore, #tpu.memory_space<semaphore_mem>>)
    %scan3A_164 = arith.constant 0 : i32
    %scan3A_165 = arith.constant 10 : i32
    %scan3A_166 = arith.addi %scan3A_164, %scan3A_165 : i32
    %scan3A_167 = arith.constant 1 : i32
    scf.for %scan3A_266 = %scan3A_164 to %scan3A_166 step %scan3A_167  : i32 {
      %mul3A_267 = arith.constant 4 : i32
      %mul3A_268 = arith.muli %scan3A_266, %mul3A_267 : i32
      %add3A_269 = arith.constant 0 : i32
      %add3A_270 = arith.addi %add3A_269, %mul3A_268 : i32
      %add3A_271 = arith.constant 0 : i32
      %add3A_272 = arith.addi %add3A_270, %add3A_271 : i32
      %dma_wait3A_273 = arith.constant 0 : i32
      %dma_wait3A_274 = tpu.memref_slice %arg6[%add3A_272, %dma_wait3A_273] : memref<40x64xi32, #tpu.memory_space<vmem>> -> memref<1x64xi32, #tpu.memory_space<vmem>>
      %dma_wait3A_275 = tpu.memref_squeeze %dma_wait3A_274 : memref<1x64xi32, #tpu.memory_space<vmem>> -> memref<64xi32, #tpu.memory_space<vmem>>
      %dma_wait3A_276 = arith.constant 0 : i32
      %dma_wait3A_277 = arith.constant 0 : i32
      %dma_wait3A_278 = tpu.memref_slice %arg2[%dma_wait3A_276, %dma_wait3A_277] : memref<10240x128xf32, #tpu.memory_space<hbm>> -> memref<10240x128xf32, #tpu.memory_space<hbm>>
      tpu.wait_indirect_dma semaphore(%arg13 : memref<!tpu.dma_semaphore, #tpu.memory_space<semaphore_mem>>) src(%dma_wait3A_278 : memref<10240x128xf32, #tpu.memory_space<hbm>>) dst(%arg8 : memref<64x128xf32, #tpu.memory_space<vmem>>)
      %add3A_279 = arith.constant 0 : i32
      %add3A_280 = arith.addi %add3A_270, %add3A_279 : i32
      %dma_start3A_281 = arith.constant 0 : i32
      %dma_start3A_282 = tpu.memref_slice %arg7[%add3A_280, %dma_start3A_281] : memref<40x64xi32, #tpu.memory_space<vmem>> -> memref<1x64xi32, #tpu.memory_space<vmem>>
      %dma_start3A_283 = tpu.memref_squeeze %dma_start3A_282 : memref<1x64xi32, #tpu.memory_space<vmem>> -> memref<64xi32, #tpu.memory_space<vmem>>
      %dma_start3A_284 = arith.constant 0 : i32
      %dma_start3A_285 = arith.constant 0 : i32
      %dma_start3A_286 = tpu.memref_slice %arg12[%dma_start3A_284, %dma_start3A_285] : memref<10240x128xf32, #tpu.memory_space<vmem_shared>> -> memref<10240x128xf32, #tpu.memory_space<vmem_shared>>
      tpu.enqueue_indirect_dma source(%arg8 : memref<64x128xf32, #tpu.memory_space<vmem>>) target(%dma_start3A_286 : memref<10240x128xf32, #tpu.memory_space<vmem_shared>>) offsets(%dma_start3A_283 : memref<64xi32, #tpu.memory_space<vmem>>) semaphore(%arg17 : memref<!tpu.dma_semaphore, #tpu.memory_space<semaphore_mem>>) {add = true}
      %add3A_287 = arith.constant 0 : i32
      %add3A_288 = arith.addi %add3A_270, %add3A_287 : i32
      %add3A_289 = arith.constant 4 : i32
      %add3A_290 = arith.addi %add3A_288, %add3A_289 : i32
      %lt3A = arith.constant 40 : i32
      %lt3A_291 = arith.cmpi slt, %add3A_290, %lt3A : i32
      %convert_element_type3A = arith.extui %lt3A_291 : i1 to i32
      %cond3A = arith.constant 0 : i32
      %cond3A_292 = arith.cmpi ne, %convert_element_type3A, %cond3A : i32
      scf.if %cond3A_292 {
        %add3A_368 = arith.constant 0 : i32
        %add3A_369 = arith.addi %add3A_270, %add3A_368 : i32
        %dma_wait3A_370 = arith.constant 0 : i32
        %dma_wait3A_371 = tpu.memref_slice %arg7[%add3A_369, %dma_wait3A_370] : memref<40x64xi32, #tpu.memory_space<vmem>> -> memref<1x64xi32, #tpu.memory_space<vmem>>
        %dma_wait3A_372 = tpu.memref_squeeze %dma_wait3A_371 : memref<1x64xi32, #tpu.memory_space<vmem>> -> memref<64xi32, #tpu.memory_space<vmem>>
        %dma_wait3A_373 = arith.constant 0 : i32
        %dma_wait3A_374 = arith.constant 0 : i32
        %dma_wait3A_375 = tpu.memref_slice %arg12[%dma_wait3A_373, %dma_wait3A_374] : memref<10240x128xf32, #tpu.memory_space<vmem_shared>> -> memref<10240x128xf32, #tpu.memory_space<vmem_shared>>
        tpu.wait_indirect_dma semaphore(%arg17 : memref<!tpu.dma_semaphore, #tpu.memory_space<semaphore_mem>>) src(%arg8 : memref<64x128xf32, #tpu.memory_space<vmem>>) dst(%dma_wait3A_375 : memref<10240x128xf32, #tpu.memory_space<vmem_shared>>)
        %add3A_376 = arith.constant 0 : i32
        %add3A_377 = arith.addi %add3A_270, %add3A_376 : i32
        %add3A_378 = arith.constant 4 : i32
        %add3A_379 = arith.addi %add3A_377, %add3A_378 : i32
        %dma_start3A_380 = arith.constant 0 : i32
        %dma_start3A_381 = tpu.memref_slice %arg6[%add3A_379, %dma_start3A_380] : memref<40x64xi32, #tpu.memory_space<vmem>> -> memref<1x64xi32, #tpu.memory_space<vmem>>
        %dma_start3A_382 = tpu.memref_squeeze %dma_start3A_381 : memref<1x64xi32, #tpu.memory_space<vmem>> -> memref<64xi32, #tpu.memory_space<vmem>>
        %dma_start3A_383 = arith.constant 0 : i32
        %dma_start3A_384 = arith.constant 0 : i32
        %dma_start3A_385 = tpu.memref_slice %arg2[%dma_start3A_383, %dma_start3A_384] : memref<10240x128xf32, #tpu.memory_space<hbm>> -> memref<10240x128xf32, #tpu.memory_space<hbm>>
        tpu.enqueue_indirect_dma source(%dma_start3A_385 : memref<10240x128xf32, #tpu.memory_space<hbm>>) target(%arg8 : memref<64x128xf32, #tpu.memory_space<vmem>>) offsets(%dma_start3A_382 : memref<64xi32, #tpu.memory_space<vmem>>) semaphore(%arg13 : memref<!tpu.dma_semaphore, #tpu.memory_space<semaphore_mem>>)
      } else {
      }
      %add3A_293 = arith.constant 1 : i32
      %add3A_294 = arith.addi %add3A_270, %add3A_293 : i32
      %dma_wait3A_295 = arith.constant 0 : i32
      %dma_wait3A_296 = tpu.memref_slice %arg6[%add3A_294, %dma_wait3A_295] : memref<40x64xi32, #tpu.memory_space<vmem>> -> memref<1x64xi32, #tpu.memory_space<vmem>>
      %dma_wait3A_297 = tpu.memref_squeeze %dma_wait3A_296 : memref<1x64xi32, #tpu.memory_space<vmem>> -> memref<64xi32, #tpu.memory_space<vmem>>
      %dma_wait3A_298 = arith.constant 0 : i32
      %dma_wait3A_299 = arith.constant 0 : i32
      %dma_wait3A_300 = tpu.memref_slice %arg2[%dma_wait3A_298, %dma_wait3A_299] : memref<10240x128xf32, #tpu.memory_space<hbm>> -> memref<10240x128xf32, #tpu.memory_space<hbm>>
      tpu.wait_indirect_dma semaphore(%arg14 : memref<!tpu.dma_semaphore, #tpu.memory_space<semaphore_mem>>) src(%dma_wait3A_300 : memref<10240x128xf32, #tpu.memory_space<hbm>>) dst(%arg9 : memref<64x128xf32, #tpu.memory_space<vmem>>)
      %add3A_301 = arith.constant 1 : i32
      %add3A_302 = arith.addi %add3A_270, %add3A_301 : i32
      %dma_start3A_303 = arith.constant 0 : i32
      %dma_start3A_304 = tpu.memref_slice %arg7[%add3A_302, %dma_start3A_303] : memref<40x64xi32, #tpu.memory_space<vmem>> -> memref<1x64xi32, #tpu.memory_space<vmem>>
      %dma_start3A_305 = tpu.memref_squeeze %dma_start3A_304 : memref<1x64xi32, #tpu.memory_space<vmem>> -> memref<64xi32, #tpu.memory_space<vmem>>
      %dma_start3A_306 = arith.constant 0 : i32
      %dma_start3A_307 = arith.constant 0 : i32
      %dma_start3A_308 = tpu.memref_slice %arg12[%dma_start3A_306, %dma_start3A_307] : memref<10240x128xf32, #tpu.memory_space<vmem_shared>> -> memref<10240x128xf32, #tpu.memory_space<vmem_shared>>
      tpu.enqueue_indirect_dma source(%arg9 : memref<64x128xf32, #tpu.memory_space<vmem>>) target(%dma_start3A_308 : memref<10240x128xf32, #tpu.memory_space<vmem_shared>>) offsets(%dma_start3A_305 : memref<64xi32, #tpu.memory_space<vmem>>) semaphore(%arg18 : memref<!tpu.dma_semaphore, #tpu.memory_space<semaphore_mem>>) {add = true}
      %add3A_309 = arith.constant 1 : i32
      %add3A_310 = arith.addi %add3A_270, %add3A_309 : i32
      %add3A_311 = arith.constant 4 : i32
      %add3A_312 = arith.addi %add3A_310, %add3A_311 : i32
      %lt3A_313 = arith.constant 40 : i32
      %lt3A_314 = arith.cmpi slt, %add3A_312, %lt3A_313 : i32
      %convert_element_type3A_315 = arith.extui %lt3A_314 : i1 to i32
      %cond3A_316 = arith.constant 0 : i32
      %cond3A_317 = arith.cmpi ne, %convert_element_type3A_315, %cond3A_316 : i32
      scf.if %cond3A_317 {
        %add3A_368 = arith.constant 1 : i32
        %add3A_369 = arith.addi %add3A_270, %add3A_368 : i32
        %dma_wait3A_370 = arith.constant 0 : i32
        %dma_wait3A_371 = tpu.memref_slice %arg7[%add3A_369, %dma_wait3A_370] : memref<40x64xi32, #tpu.memory_space<vmem>> -> memref<1x64xi32, #tpu.memory_space<vmem>>
        %dma_wait3A_372 = tpu.memref_squeeze %dma_wait3A_371 : memref<1x64xi32, #tpu.memory_space<vmem>> -> memref<64xi32, #tpu.memory_space<vmem>>
        %dma_wait3A_373 = arith.constant 0 : i32
        %dma_wait3A_374 = arith.constant 0 : i32
        %dma_wait3A_375 = tpu.memref_slice %arg12[%dma_wait3A_373, %dma_wait3A_374] : memref<10240x128xf32, #tpu.memory_space<vmem_shared>> -> memref<10240x128xf32, #tpu.memory_space<vmem_shared>>
        tpu.wait_indirect_dma semaphore(%arg18 : memref<!tpu.dma_semaphore, #tpu.memory_space<semaphore_mem>>) src(%arg9 : memref<64x128xf32, #tpu.memory_space<vmem>>) dst(%dma_wait3A_375 : memref<10240x128xf32, #tpu.memory_space<vmem_shared>>)
        %add3A_376 = arith.constant 1 : i32
        %add3A_377 = arith.addi %add3A_270, %add3A_376 : i32
        %add3A_378 = arith.constant 4 : i32
        %add3A_379 = arith.addi %add3A_377, %add3A_378 : i32
        %dma_start3A_380 = arith.constant 0 : i32
        %dma_start3A_381 = tpu.memref_slice %arg6[%add3A_379, %dma_start3A_380] : memref<40x64xi32, #tpu.memory_space<vmem>> -> memref<1x64xi32, #tpu.memory_space<vmem>>
        %dma_start3A_382 = tpu.memref_squeeze %dma_start3A_381 : memref<1x64xi32, #tpu.memory_space<vmem>> -> memref<64xi32, #tpu.memory_space<vmem>>
        %dma_start3A_383 = arith.constant 0 : i32
        %dma_start3A_384 = arith.constant 0 : i32
        %dma_start3A_385 = tpu.memref_slice %arg2[%dma_start3A_383, %dma_start3A_384] : memref<10240x128xf32, #tpu.memory_space<hbm>> -> memref<10240x128xf32, #tpu.memory_space<hbm>>
        tpu.enqueue_indirect_dma source(%dma_start3A_385 : memref<10240x128xf32, #tpu.memory_space<hbm>>) target(%arg9 : memref<64x128xf32, #tpu.memory_space<vmem>>) offsets(%dma_start3A_382 : memref<64xi32, #tpu.memory_space<vmem>>) semaphore(%arg14 : memref<!tpu.dma_semaphore, #tpu.memory_space<semaphore_mem>>)
      } else {
      }
      %add3A_318 = arith.constant 2 : i32
      %add3A_319 = arith.addi %add3A_270, %add3A_318 : i32
      %dma_wait3A_320 = arith.constant 0 : i32
      %dma_wait3A_321 = tpu.memref_slice %arg6[%add3A_319, %dma_wait3A_320] : memref<40x64xi32, #tpu.memory_space<vmem>> -> memref<1x64xi32, #tpu.memory_space<vmem>>
      %dma_wait3A_322 = tpu.memref_squeeze %dma_wait3A_321 : memref<1x64xi32, #tpu.memory_space<vmem>> -> memref<64xi32, #tpu.memory_space<vmem>>
      %dma_wait3A_323 = arith.constant 0 : i32
      %dma_wait3A_324 = arith.constant 0 : i32
      %dma_wait3A_325 = tpu.memref_slice %arg2[%dma_wait3A_323, %dma_wait3A_324] : memref<10240x128xf32, #tpu.memory_space<hbm>> -> memref<10240x128xf32, #tpu.memory_space<hbm>>
      tpu.wait_indirect_dma semaphore(%arg15 : memref<!tpu.dma_semaphore, #tpu.memory_space<semaphore_mem>>) src(%dma_wait3A_325 : memref<10240x128xf32, #tpu.memory_space<hbm>>) dst(%arg10 : memref<64x128xf32, #tpu.memory_space<vmem>>)
      %add3A_326 = arith.constant 2 : i32
      %add3A_327 = arith.addi %add3A_270, %add3A_326 : i32
      %dma_start3A_328 = arith.constant 0 : i32
      %dma_start3A_329 = tpu.memref_slice %arg7[%add3A_327, %dma_start3A_328] : memref<40x64xi32, #tpu.memory_space<vmem>> -> memref<1x64xi32, #tpu.memory_space<vmem>>
      %dma_start3A_330 = tpu.memref_squeeze %dma_start3A_329 : memref<1x64xi32, #tpu.memory_space<vmem>> -> memref<64xi32, #tpu.memory_space<vmem>>
      %dma_start3A_331 = arith.constant 0 : i32
      %dma_start3A_332 = arith.constant 0 : i32
      %dma_start3A_333 = tpu.memref_slice %arg12[%dma_start3A_331, %dma_start3A_332] : memref<10240x128xf32, #tpu.memory_space<vmem_shared>> -> memref<10240x128xf32, #tpu.memory_space<vmem_shared>>
      tpu.enqueue_indirect_dma source(%arg10 : memref<64x128xf32, #tpu.memory_space<vmem>>) target(%dma_start3A_333 : memref<10240x128xf32, #tpu.memory_space<vmem_shared>>) offsets(%dma_start3A_330 : memref<64xi32, #tpu.memory_space<vmem>>) semaphore(%arg19 : memref<!tpu.dma_semaphore, #tpu.memory_space<semaphore_mem>>) {add = true}
      %add3A_334 = arith.constant 2 : i32
      %add3A_335 = arith.addi %add3A_270, %add3A_334 : i32
      %add3A_336 = arith.constant 4 : i32
      %add3A_337 = arith.addi %add3A_335, %add3A_336 : i32
      %lt3A_338 = arith.constant 40 : i32
      %lt3A_339 = arith.cmpi slt, %add3A_337, %lt3A_338 : i32
      %convert_element_type3A_340 = arith.extui %lt3A_339 : i1 to i32
      %cond3A_341 = arith.constant 0 : i32
      %cond3A_342 = arith.cmpi ne, %convert_element_type3A_340, %cond3A_341 : i32
      scf.if %cond3A_342 {
        %add3A_368 = arith.constant 2 : i32
        %add3A_369 = arith.addi %add3A_270, %add3A_368 : i32
        %dma_wait3A_370 = arith.constant 0 : i32
        %dma_wait3A_371 = tpu.memref_slice %arg7[%add3A_369, %dma_wait3A_370] : memref<40x64xi32, #tpu.memory_space<vmem>> -> memref<1x64xi32, #tpu.memory_space<vmem>>
        %dma_wait3A_372 = tpu.memref_squeeze %dma_wait3A_371 : memref<1x64xi32, #tpu.memory_space<vmem>> -> memref<64xi32, #tpu.memory_space<vmem>>
        %dma_wait3A_373 = arith.constant 0 : i32
        %dma_wait3A_374 = arith.constant 0 : i32
        %dma_wait3A_375 = tpu.memref_slice %arg12[%dma_wait3A_373, %dma_wait3A_374] : memref<10240x128xf32, #tpu.memory_space<vmem_shared>> -> memref<10240x128xf32, #tpu.memory_space<vmem_shared>>
        tpu.wait_indirect_dma semaphore(%arg19 : memref<!tpu.dma_semaphore, #tpu.memory_space<semaphore_mem>>) src(%arg10 : memref<64x128xf32, #tpu.memory_space<vmem>>) dst(%dma_wait3A_375 : memref<10240x128xf32, #tpu.memory_space<vmem_shared>>)
        %add3A_376 = arith.constant 2 : i32
        %add3A_377 = arith.addi %add3A_270, %add3A_376 : i32
        %add3A_378 = arith.constant 4 : i32
        %add3A_379 = arith.addi %add3A_377, %add3A_378 : i32
        %dma_start3A_380 = arith.constant 0 : i32
        %dma_start3A_381 = tpu.memref_slice %arg6[%add3A_379, %dma_start3A_380] : memref<40x64xi32, #tpu.memory_space<vmem>> -> memref<1x64xi32, #tpu.memory_space<vmem>>
        %dma_start3A_382 = tpu.memref_squeeze %dma_start3A_381 : memref<1x64xi32, #tpu.memory_space<vmem>> -> memref<64xi32, #tpu.memory_space<vmem>>
        %dma_start3A_383 = arith.constant 0 : i32
        %dma_start3A_384 = arith.constant 0 : i32
        %dma_start3A_385 = tpu.memref_slice %arg2[%dma_start3A_383, %dma_start3A_384] : memref<10240x128xf32, #tpu.memory_space<hbm>> -> memref<10240x128xf32, #tpu.memory_space<hbm>>
        tpu.enqueue_indirect_dma source(%dma_start3A_385 : memref<10240x128xf32, #tpu.memory_space<hbm>>) target(%arg10 : memref<64x128xf32, #tpu.memory_space<vmem>>) offsets(%dma_start3A_382 : memref<64xi32, #tpu.memory_space<vmem>>) semaphore(%arg15 : memref<!tpu.dma_semaphore, #tpu.memory_space<semaphore_mem>>)
      } else {
      }
      %add3A_343 = arith.constant 3 : i32
      %add3A_344 = arith.addi %add3A_270, %add3A_343 : i32
      %dma_wait3A_345 = arith.constant 0 : i32
      %dma_wait3A_346 = tpu.memref_slice %arg6[%add3A_344, %dma_wait3A_345] : memref<40x64xi32, #tpu.memory_space<vmem>> -> memref<1x64xi32, #tpu.memory_space<vmem>>
      %dma_wait3A_347 = tpu.memref_squeeze %dma_wait3A_346 : memref<1x64xi32, #tpu.memory_space<vmem>> -> memref<64xi32, #tpu.memory_space<vmem>>
      %dma_wait3A_348 = arith.constant 0 : i32
      %dma_wait3A_349 = arith.constant 0 : i32
      %dma_wait3A_350 = tpu.memref_slice %arg2[%dma_wait3A_348, %dma_wait3A_349] : memref<10240x128xf32, #tpu.memory_space<hbm>> -> memref<10240x128xf32, #tpu.memory_space<hbm>>
      tpu.wait_indirect_dma semaphore(%arg16 : memref<!tpu.dma_semaphore, #tpu.memory_space<semaphore_mem>>) src(%dma_wait3A_350 : memref<10240x128xf32, #tpu.memory_space<hbm>>) dst(%arg11 : memref<64x128xf32, #tpu.memory_space<vmem>>)
      %add3A_351 = arith.constant 3 : i32
      %add3A_352 = arith.addi %add3A_270, %add3A_351 : i32
      %dma_start3A_353 = arith.constant 0 : i32
      %dma_start3A_354 = tpu.memref_slice %arg7[%add3A_352, %dma_start3A_353] : memref<40x64xi32, #tpu.memory_space<vmem>> -> memref<1x64xi32, #tpu.memory_space<vmem>>
      %dma_start3A_355 = tpu.memref_squeeze %dma_start3A_354 : memref<1x64xi32, #tpu.memory_space<vmem>> -> memref<64xi32, #tpu.memory_space<vmem>>
      %dma_start3A_356 = arith.constant 0 : i32
      %dma_start3A_357 = arith.constant 0 : i32
      %dma_start3A_358 = tpu.memref_slice %arg12[%dma_start3A_356, %dma_start3A_357] : memref<10240x128xf32, #tpu.memory_space<vmem_shared>> -> memref<10240x128xf32, #tpu.memory_space<vmem_shared>>
      tpu.enqueue_indirect_dma source(%arg11 : memref<64x128xf32, #tpu.memory_space<vmem>>) target(%dma_start3A_358 : memref<10240x128xf32, #tpu.memory_space<vmem_shared>>) offsets(%dma_start3A_355 : memref<64xi32, #tpu.memory_space<vmem>>) semaphore(%arg20 : memref<!tpu.dma_semaphore, #tpu.memory_space<semaphore_mem>>) {add = true}
      %add3A_359 = arith.constant 3 : i32
      %add3A_360 = arith.addi %add3A_270, %add3A_359 : i32
      %add3A_361 = arith.constant 4 : i32
      %add3A_362 = arith.addi %add3A_360, %add3A_361 : i32
      %lt3A_363 = arith.constant 40 : i32
      %lt3A_364 = arith.cmpi slt, %add3A_362, %lt3A_363 : i32
      %convert_element_type3A_365 = arith.extui %lt3A_364 : i1 to i32
      %cond3A_366 = arith.constant 0 : i32
      %cond3A_367 = arith.cmpi ne, %convert_element_type3A_365, %cond3A_366 : i32
      scf.if %cond3A_367 {
        %add3A_368 = arith.constant 3 : i32
        %add3A_369 = arith.addi %add3A_270, %add3A_368 : i32
        %dma_wait3A_370 = arith.constant 0 : i32
        %dma_wait3A_371 = tpu.memref_slice %arg7[%add3A_369, %dma_wait3A_370] : memref<40x64xi32, #tpu.memory_space<vmem>> -> memref<1x64xi32, #tpu.memory_space<vmem>>
        %dma_wait3A_372 = tpu.memref_squeeze %dma_wait3A_371 : memref<1x64xi32, #tpu.memory_space<vmem>> -> memref<64xi32, #tpu.memory_space<vmem>>
        %dma_wait3A_373 = arith.constant 0 : i32
        %dma_wait3A_374 = arith.constant 0 : i32
        %dma_wait3A_375 = tpu.memref_slice %arg12[%dma_wait3A_373, %dma_wait3A_374] : memref<10240x128xf32, #tpu.memory_space<vmem_shared>> -> memref<10240x128xf32, #tpu.memory_space<vmem_shared>>
        tpu.wait_indirect_dma semaphore(%arg20 : memref<!tpu.dma_semaphore, #tpu.memory_space<semaphore_mem>>) src(%arg11 : memref<64x128xf32, #tpu.memory_space<vmem>>) dst(%dma_wait3A_375 : memref<10240x128xf32, #tpu.memory_space<vmem_shared>>)
        %add3A_376 = arith.constant 3 : i32
        %add3A_377 = arith.addi %add3A_270, %add3A_376 : i32
        %add3A_378 = arith.constant 4 : i32
        %add3A_379 = arith.addi %add3A_377, %add3A_378 : i32
        %dma_start3A_380 = arith.constant 0 : i32
        %dma_start3A_381 = tpu.memref_slice %arg6[%add3A_379, %dma_start3A_380] : memref<40x64xi32, #tpu.memory_space<vmem>> -> memref<1x64xi32, #tpu.memory_space<vmem>>
        %dma_start3A_382 = tpu.memref_squeeze %dma_start3A_381 : memref<1x64xi32, #tpu.memory_space<vmem>> -> memref<64xi32, #tpu.memory_space<vmem>>
        %dma_start3A_383 = arith.constant 0 : i32
        %dma_start3A_384 = arith.constant 0 : i32
        %dma_start3A_385 = tpu.memref_slice %arg2[%dma_start3A_383, %dma_start3A_384] : memref<10240x128xf32, #tpu.memory_space<hbm>> -> memref<10240x128xf32, #tpu.memory_space<hbm>>
        tpu.enqueue_indirect_dma source(%dma_start3A_385 : memref<10240x128xf32, #tpu.memory_space<hbm>>) target(%arg11 : memref<64x128xf32, #tpu.memory_space<vmem>>) offsets(%dma_start3A_382 : memref<64xi32, #tpu.memory_space<vmem>>) semaphore(%arg16 : memref<!tpu.dma_semaphore, #tpu.memory_space<semaphore_mem>>)
      } else {
      }
    }
    %scan3A_168 = arith.constant 10 : i32
    %dma_wait3A_169 = arith.constant 36 : i32
    %dma_wait3A_170 = arith.constant 0 : i32
    %dma_wait3A_171 = tpu.memref_slice %arg7[%dma_wait3A_169, %dma_wait3A_170] : memref<40x64xi32, #tpu.memory_space<vmem>> -> memref<1x64xi32, #tpu.memory_space<vmem>>
    %dma_wait3A_172 = tpu.memref_squeeze %dma_wait3A_171 : memref<1x64xi32, #tpu.memory_space<vmem>> -> memref<64xi32, #tpu.memory_space<vmem>>
    %dma_wait3A_173 = arith.constant 0 : i32
    %dma_wait3A_174 = arith.constant 0 : i32
    %dma_wait3A_175 = tpu.memref_slice %arg12[%dma_wait3A_173, %dma_wait3A_174] : memref<10240x128xf32, #tpu.memory_space<vmem_shared>> -> memref<10240x128xf32, #tpu.memory_space<vmem_shared>>
    tpu.wait_indirect_dma semaphore(%arg17 : memref<!tpu.dma_semaphore, #tpu.memory_space<semaphore_mem>>) src(%arg8 : memref<64x128xf32, #tpu.memory_space<vmem>>) dst(%dma_wait3A_175 : memref<10240x128xf32, #tpu.memory_space<vmem_shared>>)
    %dma_wait3A_176 = arith.constant 37 : i32
    %dma_wait3A_177 = arith.constant 0 : i32
    %dma_wait3A_178 = tpu.memref_slice %arg7[%dma_wait3A_176, %dma_wait3A_177] : memref<40x64xi32, #tpu.memory_space<vmem>> -> memref<1x64xi32, #tpu.memory_space<vmem>>
    %dma_wait3A_179 = tpu.memref_squeeze %dma_wait3A_178 : memref<1x64xi32, #tpu.memory_space<vmem>> -> memref<64xi32, #tpu.memory_space<vmem>>
    %dma_wait3A_180 = arith.constant 0 : i32
    %dma_wait3A_181 = arith.constant 0 : i32
    %dma_wait3A_182 = tpu.memref_slice %arg12[%dma_wait3A_180, %dma_wait3A_181] : memref<10240x128xf32, #tpu.memory_space<vmem_shared>> -> memref<10240x128xf32, #tpu.memory_space<vmem_shared>>
    tpu.wait_indirect_dma semaphore(%arg18 : memref<!tpu.dma_semaphore, #tpu.memory_space<semaphore_mem>>) src(%arg9 : memref<64x128xf32, #tpu.memory_space<vmem>>) dst(%dma_wait3A_182 : memref<10240x128xf32, #tpu.memory_space<vmem_shared>>)
    %dma_wait3A_183 = arith.constant 38 : i32
    %dma_wait3A_184 = arith.constant 0 : i32
    %dma_wait3A_185 = tpu.memref_slice %arg7[%dma_wait3A_183, %dma_wait3A_184] : memref<40x64xi32, #tpu.memory_space<vmem>> -> memref<1x64xi32, #tpu.memory_space<vmem>>
    %dma_wait3A_186 = tpu.memref_squeeze %dma_wait3A_185 : memref<1x64xi32, #tpu.memory_space<vmem>> -> memref<64xi32, #tpu.memory_space<vmem>>
    %dma_wait3A_187 = arith.constant 0 : i32
    %dma_wait3A_188 = arith.constant 0 : i32
    %dma_wait3A_189 = tpu.memref_slice %arg12[%dma_wait3A_187, %dma_wait3A_188] : memref<10240x128xf32, #tpu.memory_space<vmem_shared>> -> memref<10240x128xf32, #tpu.memory_space<vmem_shared>>
    tpu.wait_indirect_dma semaphore(%arg19 : memref<!tpu.dma_semaphore, #tpu.memory_space<semaphore_mem>>) src(%arg10 : memref<64x128xf32, #tpu.memory_space<vmem>>) dst(%dma_wait3A_189 : memref<10240x128xf32, #tpu.memory_space<vmem_shared>>)
    %dma_wait3A_190 = arith.constant 39 : i32
    %dma_wait3A_191 = arith.constant 0 : i32
    %dma_wait3A_192 = tpu.memref_slice %arg7[%dma_wait3A_190, %dma_wait3A_191] : memref<40x64xi32, #tpu.memory_space<vmem>> -> memref<1x64xi32, #tpu.memory_space<vmem>>
    %dma_wait3A_193 = tpu.memref_squeeze %dma_wait3A_192 : memref<1x64xi32, #tpu.memory_space<vmem>> -> memref<64xi32, #tpu.memory_space<vmem>>
    %dma_wait3A_194 = arith.constant 0 : i32
    %dma_wait3A_195 = arith.constant 0 : i32
    %dma_wait3A_196 = tpu.memref_slice %arg12[%dma_wait3A_194, %dma_wait3A_195] : memref<10240x128xf32, #tpu.memory_space<vmem_shared>> -> memref<10240x128xf32, #tpu.memory_space<vmem_shared>>
    tpu.wait_indirect_dma semaphore(%arg20 : memref<!tpu.dma_semaphore, #tpu.memory_space<semaphore_mem>>) src(%arg11 : memref<64x128xf32, #tpu.memory_space<vmem>>) dst(%dma_wait3A_196 : memref<10240x128xf32, #tpu.memory_space<vmem_shared>>)
    %add3A_197 = arith.constant 120 : i32
    %add3A_198 = arith.addi %mul3A_2, %add3A_197 : i32
    "tpu.region"() ({
      %run_scoped3A = tpu.sem_alloc : memref<!tpu.dma_semaphore, #tpu.memory_space<semaphore_mem>>
      %dma_start3A_266 = arith.constant 0 : i32
      %dma_start3A_267 = tpu.memref_slice %arg3[%add3A_198, %dma_start3A_266] : memref<5120x64xi32, #tpu.memory_space<hbm>> -> memref<40x64xi32, #tpu.memory_space<hbm>>
      %dma_start3A_268 = arith.constant 0 : i32
      %dma_start3A_269 = tpu.memref_slice %arg3[%add3A_198, %dma_start3A_268] : memref<5120x64xi32, #tpu.memory_space<hbm>> -> memref<40x64xi32, #tpu.memory_space<hbm>>
      tpu.enqueue_dma source(%dma_start3A_269 : memref<40x64xi32, #tpu.memory_space<hbm>>) target(%arg6 : memref<40x64xi32, #tpu.memory_space<vmem>>) target_semaphore(%run_scoped3A : memref<!tpu.dma_semaphore, #tpu.memory_space<semaphore_mem>>)
      %dma_wait3A_270 = arith.constant 0 : i32
      %dma_wait3A_271 = tpu.memref_slice %arg3[%add3A_198, %dma_wait3A_270] : memref<5120x64xi32, #tpu.memory_space<hbm>> -> memref<40x64xi32, #tpu.memory_space<hbm>>
      %dma_wait3A_272 = arith.constant 0 : i32
      %dma_wait3A_273 = tpu.memref_slice %arg3[%add3A_198, %dma_wait3A_272] : memref<5120x64xi32, #tpu.memory_space<hbm>> -> memref<40x64xi32, #tpu.memory_space<hbm>>
      tpu.wait_dma2 semaphore(%run_scoped3A : memref<!tpu.dma_semaphore, #tpu.memory_space<semaphore_mem>>) src(%dma_wait3A_273 : memref<40x64xi32, #tpu.memory_space<hbm>>) dst(%arg6 : memref<40x64xi32, #tpu.memory_space<vmem>>)
      tpu.yield
    }) : () -> ()
    %add3A_199 = arith.constant 120 : i32
    %add3A_200 = arith.addi %mul3A_2, %add3A_199 : i32
    "tpu.region"() ({
      %run_scoped3A = tpu.sem_alloc : memref<!tpu.dma_semaphore, #tpu.memory_space<semaphore_mem>>
      %dma_start3A_266 = arith.constant 0 : i32
      %dma_start3A_267 = tpu.memref_slice %arg4[%add3A_200, %dma_start3A_266] : memref<5120x64xi32, #tpu.memory_space<hbm>> -> memref<40x64xi32, #tpu.memory_space<hbm>>
      %dma_start3A_268 = arith.constant 0 : i32
      %dma_start3A_269 = tpu.memref_slice %arg4[%add3A_200, %dma_start3A_268] : memref<5120x64xi32, #tpu.memory_space<hbm>> -> memref<40x64xi32, #tpu.memory_space<hbm>>
      tpu.enqueue_dma source(%dma_start3A_269 : memref<40x64xi32, #tpu.memory_space<hbm>>) target(%arg7 : memref<40x64xi32, #tpu.memory_space<vmem>>) target_semaphore(%run_scoped3A : memref<!tpu.dma_semaphore, #tpu.memory_space<semaphore_mem>>)
      %dma_wait3A_270 = arith.constant 0 : i32
      %dma_wait3A_271 = tpu.memref_slice %arg4[%add3A_200, %dma_wait3A_270] : memref<5120x64xi32, #tpu.memory_space<hbm>> -> memref<40x64xi32, #tpu.memory_space<hbm>>
      %dma_wait3A_272 = arith.constant 0 : i32
      %dma_wait3A_273 = tpu.memref_slice %arg4[%add3A_200, %dma_wait3A_272] : memref<5120x64xi32, #tpu.memory_space<hbm>> -> memref<40x64xi32, #tpu.memory_space<hbm>>
      tpu.wait_dma2 semaphore(%run_scoped3A : memref<!tpu.dma_semaphore, #tpu.memory_space<semaphore_mem>>) src(%dma_wait3A_273 : memref<40x64xi32, #tpu.memory_space<hbm>>) dst(%arg7 : memref<40x64xi32, #tpu.memory_space<vmem>>)
      tpu.yield
    }) : () -> ()
    %dma_start3A_201 = arith.constant 0 : i32
    %dma_start3A_202 = arith.constant 0 : i32
    %dma_start3A_203 = tpu.memref_slice %arg6[%dma_start3A_201, %dma_start3A_202] : memref<40x64xi32, #tpu.memory_space<vmem>> -> memref<1x64xi32, #tpu.memory_space<vmem>>
    %dma_start3A_204 = tpu.memref_squeeze %dma_start3A_203 : memref<1x64xi32, #tpu.memory_space<vmem>> -> memref<64xi32, #tpu.memory_space<vmem>>
    %dma_start3A_205 = arith.constant 0 : i32
    %dma_start3A_206 = arith.constant 0 : i32
    %dma_start3A_207 = tpu.memref_slice %arg2[%dma_start3A_205, %dma_start3A_206] : memref<10240x128xf32, #tpu.memory_space<hbm>> -> memref<10240x128xf32, #tpu.memory_space<hbm>>
    tpu.enqueue_indirect_dma source(%dma_start3A_207 : memref<10240x128xf32, #tpu.memory_space<hbm>>) target(%arg8 : memref<64x128xf32, #tpu.memory_space<vmem>>) offsets(%dma_start3A_204 : memref<64xi32, #tpu.memory_space<vmem>>) semaphore(%arg13 : memref<!tpu.dma_semaphore, #tpu.memory_space<semaphore_mem>>)
    %dma_start3A_208 = arith.constant 1 : i32
    %dma_start3A_209 = arith.constant 0 : i32
    %dma_start3A_210 = tpu.memref_slice %arg6[%dma_start3A_208, %dma_start3A_209] : memref<40x64xi32, #tpu.memory_space<vmem>> -> memref<1x64xi32, #tpu.memory_space<vmem>>
    %dma_start3A_211 = tpu.memref_squeeze %dma_start3A_210 : memref<1x64xi32, #tpu.memory_space<vmem>> -> memref<64xi32, #tpu.memory_space<vmem>>
    %dma_start3A_212 = arith.constant 0 : i32
    %dma_start3A_213 = arith.constant 0 : i32
    %dma_start3A_214 = tpu.memref_slice %arg2[%dma_start3A_212, %dma_start3A_213] : memref<10240x128xf32, #tpu.memory_space<hbm>> -> memref<10240x128xf32, #tpu.memory_space<hbm>>
    tpu.enqueue_indirect_dma source(%dma_start3A_214 : memref<10240x128xf32, #tpu.memory_space<hbm>>) target(%arg9 : memref<64x128xf32, #tpu.memory_space<vmem>>) offsets(%dma_start3A_211 : memref<64xi32, #tpu.memory_space<vmem>>) semaphore(%arg14 : memref<!tpu.dma_semaphore, #tpu.memory_space<semaphore_mem>>)
    %dma_start3A_215 = arith.constant 2 : i32
    %dma_start3A_216 = arith.constant 0 : i32
    %dma_start3A_217 = tpu.memref_slice %arg6[%dma_start3A_215, %dma_start3A_216] : memref<40x64xi32, #tpu.memory_space<vmem>> -> memref<1x64xi32, #tpu.memory_space<vmem>>
    %dma_start3A_218 = tpu.memref_squeeze %dma_start3A_217 : memref<1x64xi32, #tpu.memory_space<vmem>> -> memref<64xi32, #tpu.memory_space<vmem>>
    %dma_start3A_219 = arith.constant 0 : i32
    %dma_start3A_220 = arith.constant 0 : i32
    %dma_start3A_221 = tpu.memref_slice %arg2[%dma_start3A_219, %dma_start3A_220] : memref<10240x128xf32, #tpu.memory_space<hbm>> -> memref<10240x128xf32, #tpu.memory_space<hbm>>
    tpu.enqueue_indirect_dma source(%dma_start3A_221 : memref<10240x128xf32, #tpu.memory_space<hbm>>) target(%arg10 : memref<64x128xf32, #tpu.memory_space<vmem>>) offsets(%dma_start3A_218 : memref<64xi32, #tpu.memory_space<vmem>>) semaphore(%arg15 : memref<!tpu.dma_semaphore, #tpu.memory_space<semaphore_mem>>)
    %dma_start3A_222 = arith.constant 3 : i32
    %dma_start3A_223 = arith.constant 0 : i32
    %dma_start3A_224 = tpu.memref_slice %arg6[%dma_start3A_222, %dma_start3A_223] : memref<40x64xi32, #tpu.memory_space<vmem>> -> memref<1x64xi32, #tpu.memory_space<vmem>>
    %dma_start3A_225 = tpu.memref_squeeze %dma_start3A_224 : memref<1x64xi32, #tpu.memory_space<vmem>> -> memref<64xi32, #tpu.memory_space<vmem>>
    %dma_start3A_226 = arith.constant 0 : i32
    %dma_start3A_227 = arith.constant 0 : i32
    %dma_start3A_228 = tpu.memref_slice %arg2[%dma_start3A_226, %dma_start3A_227] : memref<10240x128xf32, #tpu.memory_space<hbm>> -> memref<10240x128xf32, #tpu.memory_space<hbm>>
    tpu.enqueue_indirect_dma source(%dma_start3A_228 : memref<10240x128xf32, #tpu.memory_space<hbm>>) target(%arg11 : memref<64x128xf32, #tpu.memory_space<vmem>>) offsets(%dma_start3A_225 : memref<64xi32, #tpu.memory_space<vmem>>) semaphore(%arg16 : memref<!tpu.dma_semaphore, #tpu.memory_space<semaphore_mem>>)
    %scan3A_229 = arith.constant 0 : i32
    %scan3A_230 = arith.constant 10 : i32
    %scan3A_231 = arith.addi %scan3A_229, %scan3A_230 : i32
    %scan3A_232 = arith.constant 1 : i32
    scf.for %scan3A_266 = %scan3A_229 to %scan3A_231 step %scan3A_232  : i32 {
      %mul3A_267 = arith.constant 4 : i32
      %mul3A_268 = arith.muli %scan3A_266, %mul3A_267 : i32
      %add3A_269 = arith.constant 0 : i32
      %add3A_270 = arith.addi %add3A_269, %mul3A_268 : i32
      %add3A_271 = arith.constant 0 : i32
      %add3A_272 = arith.addi %add3A_270, %add3A_271 : i32
      %dma_wait3A_273 = arith.constant 0 : i32
      %dma_wait3A_274 = tpu.memref_slice %arg6[%add3A_272, %dma_wait3A_273] : memref<40x64xi32, #tpu.memory_space<vmem>> -> memref<1x64xi32, #tpu.memory_space<vmem>>
      %dma_wait3A_275 = tpu.memref_squeeze %dma_wait3A_274 : memref<1x64xi32, #tpu.memory_space<vmem>> -> memref<64xi32, #tpu.memory_space<vmem>>
      %dma_wait3A_276 = arith.constant 0 : i32
      %dma_wait3A_277 = arith.constant 0 : i32
      %dma_wait3A_278 = tpu.memref_slice %arg2[%dma_wait3A_276, %dma_wait3A_277] : memref<10240x128xf32, #tpu.memory_space<hbm>> -> memref<10240x128xf32, #tpu.memory_space<hbm>>
      tpu.wait_indirect_dma semaphore(%arg13 : memref<!tpu.dma_semaphore, #tpu.memory_space<semaphore_mem>>) src(%dma_wait3A_278 : memref<10240x128xf32, #tpu.memory_space<hbm>>) dst(%arg8 : memref<64x128xf32, #tpu.memory_space<vmem>>)
      %add3A_279 = arith.constant 0 : i32
      %add3A_280 = arith.addi %add3A_270, %add3A_279 : i32
      %dma_start3A_281 = arith.constant 0 : i32
      %dma_start3A_282 = tpu.memref_slice %arg7[%add3A_280, %dma_start3A_281] : memref<40x64xi32, #tpu.memory_space<vmem>> -> memref<1x64xi32, #tpu.memory_space<vmem>>
      %dma_start3A_283 = tpu.memref_squeeze %dma_start3A_282 : memref<1x64xi32, #tpu.memory_space<vmem>> -> memref<64xi32, #tpu.memory_space<vmem>>
      %dma_start3A_284 = arith.constant 0 : i32
      %dma_start3A_285 = arith.constant 0 : i32
      %dma_start3A_286 = tpu.memref_slice %arg12[%dma_start3A_284, %dma_start3A_285] : memref<10240x128xf32, #tpu.memory_space<vmem_shared>> -> memref<10240x128xf32, #tpu.memory_space<vmem_shared>>
      tpu.enqueue_indirect_dma source(%arg8 : memref<64x128xf32, #tpu.memory_space<vmem>>) target(%dma_start3A_286 : memref<10240x128xf32, #tpu.memory_space<vmem_shared>>) offsets(%dma_start3A_283 : memref<64xi32, #tpu.memory_space<vmem>>) semaphore(%arg17 : memref<!tpu.dma_semaphore, #tpu.memory_space<semaphore_mem>>) {add = true}
      %add3A_287 = arith.constant 0 : i32
      %add3A_288 = arith.addi %add3A_270, %add3A_287 : i32
      %add3A_289 = arith.constant 4 : i32
      %add3A_290 = arith.addi %add3A_288, %add3A_289 : i32
      %lt3A = arith.constant 40 : i32
      %lt3A_291 = arith.cmpi slt, %add3A_290, %lt3A : i32
      %convert_element_type3A = arith.extui %lt3A_291 : i1 to i32
      %cond3A = arith.constant 0 : i32
      %cond3A_292 = arith.cmpi ne, %convert_element_type3A, %cond3A : i32
      scf.if %cond3A_292 {
        %add3A_368 = arith.constant 0 : i32
        %add3A_369 = arith.addi %add3A_270, %add3A_368 : i32
        %dma_wait3A_370 = arith.constant 0 : i32
        %dma_wait3A_371 = tpu.memref_slice %arg7[%add3A_369, %dma_wait3A_370] : memref<40x64xi32, #tpu.memory_space<vmem>> -> memref<1x64xi32, #tpu.memory_space<vmem>>
        %dma_wait3A_372 = tpu.memref_squeeze %dma_wait3A_371 : memref<1x64xi32, #tpu.memory_space<vmem>> -> memref<64xi32, #tpu.memory_space<vmem>>
        %dma_wait3A_373 = arith.constant 0 : i32
        %dma_wait3A_374 = arith.constant 0 : i32
        %dma_wait3A_375 = tpu.memref_slice %arg12[%dma_wait3A_373, %dma_wait3A_374] : memref<10240x128xf32, #tpu.memory_space<vmem_shared>> -> memref<10240x128xf32, #tpu.memory_space<vmem_shared>>
        tpu.wait_indirect_dma semaphore(%arg17 : memref<!tpu.dma_semaphore, #tpu.memory_space<semaphore_mem>>) src(%arg8 : memref<64x128xf32, #tpu.memory_space<vmem>>) dst(%dma_wait3A_375 : memref<10240x128xf32, #tpu.memory_space<vmem_shared>>)
        %add3A_376 = arith.constant 0 : i32
        %add3A_377 = arith.addi %add3A_270, %add3A_376 : i32
        %add3A_378 = arith.constant 4 : i32
        %add3A_379 = arith.addi %add3A_377, %add3A_378 : i32
        %dma_start3A_380 = arith.constant 0 : i32
        %dma_start3A_381 = tpu.memref_slice %arg6[%add3A_379, %dma_start3A_380] : memref<40x64xi32, #tpu.memory_space<vmem>> -> memref<1x64xi32, #tpu.memory_space<vmem>>
        %dma_start3A_382 = tpu.memref_squeeze %dma_start3A_381 : memref<1x64xi32, #tpu.memory_space<vmem>> -> memref<64xi32, #tpu.memory_space<vmem>>
        %dma_start3A_383 = arith.constant 0 : i32
        %dma_start3A_384 = arith.constant 0 : i32
        %dma_start3A_385 = tpu.memref_slice %arg2[%dma_start3A_383, %dma_start3A_384] : memref<10240x128xf32, #tpu.memory_space<hbm>> -> memref<10240x128xf32, #tpu.memory_space<hbm>>
        tpu.enqueue_indirect_dma source(%dma_start3A_385 : memref<10240x128xf32, #tpu.memory_space<hbm>>) target(%arg8 : memref<64x128xf32, #tpu.memory_space<vmem>>) offsets(%dma_start3A_382 : memref<64xi32, #tpu.memory_space<vmem>>) semaphore(%arg13 : memref<!tpu.dma_semaphore, #tpu.memory_space<semaphore_mem>>)
      } else {
      }
      %add3A_293 = arith.constant 1 : i32
      %add3A_294 = arith.addi %add3A_270, %add3A_293 : i32
      %dma_wait3A_295 = arith.constant 0 : i32
      %dma_wait3A_296 = tpu.memref_slice %arg6[%add3A_294, %dma_wait3A_295] : memref<40x64xi32, #tpu.memory_space<vmem>> -> memref<1x64xi32, #tpu.memory_space<vmem>>
      %dma_wait3A_297 = tpu.memref_squeeze %dma_wait3A_296 : memref<1x64xi32, #tpu.memory_space<vmem>> -> memref<64xi32, #tpu.memory_space<vmem>>
      %dma_wait3A_298 = arith.constant 0 : i32
      %dma_wait3A_299 = arith.constant 0 : i32
      %dma_wait3A_300 = tpu.memref_slice %arg2[%dma_wait3A_298, %dma_wait3A_299] : memref<10240x128xf32, #tpu.memory_space<hbm>> -> memref<10240x128xf32, #tpu.memory_space<hbm>>
      tpu.wait_indirect_dma semaphore(%arg14 : memref<!tpu.dma_semaphore, #tpu.memory_space<semaphore_mem>>) src(%dma_wait3A_300 : memref<10240x128xf32, #tpu.memory_space<hbm>>) dst(%arg9 : memref<64x128xf32, #tpu.memory_space<vmem>>)
      %add3A_301 = arith.constant 1 : i32
      %add3A_302 = arith.addi %add3A_270, %add3A_301 : i32
      %dma_start3A_303 = arith.constant 0 : i32
      %dma_start3A_304 = tpu.memref_slice %arg7[%add3A_302, %dma_start3A_303] : memref<40x64xi32, #tpu.memory_space<vmem>> -> memref<1x64xi32, #tpu.memory_space<vmem>>
      %dma_start3A_305 = tpu.memref_squeeze %dma_start3A_304 : memref<1x64xi32, #tpu.memory_space<vmem>> -> memref<64xi32, #tpu.memory_space<vmem>>
      %dma_start3A_306 = arith.constant 0 : i32
      %dma_start3A_307 = arith.constant 0 : i32
      %dma_start3A_308 = tpu.memref_slice %arg12[%dma_start3A_306, %dma_start3A_307] : memref<10240x128xf32, #tpu.memory_space<vmem_shared>> -> memref<10240x128xf32, #tpu.memory_space<vmem_shared>>
      tpu.enqueue_indirect_dma source(%arg9 : memref<64x128xf32, #tpu.memory_space<vmem>>) target(%dma_start3A_308 : memref<10240x128xf32, #tpu.memory_space<vmem_shared>>) offsets(%dma_start3A_305 : memref<64xi32, #tpu.memory_space<vmem>>) semaphore(%arg18 : memref<!tpu.dma_semaphore, #tpu.memory_space<semaphore_mem>>) {add = true}
      %add3A_309 = arith.constant 1 : i32
      %add3A_310 = arith.addi %add3A_270, %add3A_309 : i32
      %add3A_311 = arith.constant 4 : i32
      %add3A_312 = arith.addi %add3A_310, %add3A_311 : i32
      %lt3A_313 = arith.constant 40 : i32
      %lt3A_314 = arith.cmpi slt, %add3A_312, %lt3A_313 : i32
      %convert_element_type3A_315 = arith.extui %lt3A_314 : i1 to i32
      %cond3A_316 = arith.constant 0 : i32
      %cond3A_317 = arith.cmpi ne, %convert_element_type3A_315, %cond3A_316 : i32
      scf.if %cond3A_317 {
        %add3A_368 = arith.constant 1 : i32
        %add3A_369 = arith.addi %add3A_270, %add3A_368 : i32
        %dma_wait3A_370 = arith.constant 0 : i32
        %dma_wait3A_371 = tpu.memref_slice %arg7[%add3A_369, %dma_wait3A_370] : memref<40x64xi32, #tpu.memory_space<vmem>> -> memref<1x64xi32, #tpu.memory_space<vmem>>
        %dma_wait3A_372 = tpu.memref_squeeze %dma_wait3A_371 : memref<1x64xi32, #tpu.memory_space<vmem>> -> memref<64xi32, #tpu.memory_space<vmem>>
        %dma_wait3A_373 = arith.constant 0 : i32
        %dma_wait3A_374 = arith.constant 0 : i32
        %dma_wait3A_375 = tpu.memref_slice %arg12[%dma_wait3A_373, %dma_wait3A_374] : memref<10240x128xf32, #tpu.memory_space<vmem_shared>> -> memref<10240x128xf32, #tpu.memory_space<vmem_shared>>
        tpu.wait_indirect_dma semaphore(%arg18 : memref<!tpu.dma_semaphore, #tpu.memory_space<semaphore_mem>>) src(%arg9 : memref<64x128xf32, #tpu.memory_space<vmem>>) dst(%dma_wait3A_375 : memref<10240x128xf32, #tpu.memory_space<vmem_shared>>)
        %add3A_376 = arith.constant 1 : i32
        %add3A_377 = arith.addi %add3A_270, %add3A_376 : i32
        %add3A_378 = arith.constant 4 : i32
        %add3A_379 = arith.addi %add3A_377, %add3A_378 : i32
        %dma_start3A_380 = arith.constant 0 : i32
        %dma_start3A_381 = tpu.memref_slice %arg6[%add3A_379, %dma_start3A_380] : memref<40x64xi32, #tpu.memory_space<vmem>> -> memref<1x64xi32, #tpu.memory_space<vmem>>
        %dma_start3A_382 = tpu.memref_squeeze %dma_start3A_381 : memref<1x64xi32, #tpu.memory_space<vmem>> -> memref<64xi32, #tpu.memory_space<vmem>>
        %dma_start3A_383 = arith.constant 0 : i32
        %dma_start3A_384 = arith.constant 0 : i32
        %dma_start3A_385 = tpu.memref_slice %arg2[%dma_start3A_383, %dma_start3A_384] : memref<10240x128xf32, #tpu.memory_space<hbm>> -> memref<10240x128xf32, #tpu.memory_space<hbm>>
        tpu.enqueue_indirect_dma source(%dma_start3A_385 : memref<10240x128xf32, #tpu.memory_space<hbm>>) target(%arg9 : memref<64x128xf32, #tpu.memory_space<vmem>>) offsets(%dma_start3A_382 : memref<64xi32, #tpu.memory_space<vmem>>) semaphore(%arg14 : memref<!tpu.dma_semaphore, #tpu.memory_space<semaphore_mem>>)
      } else {
      }
      %add3A_318 = arith.constant 2 : i32
      %add3A_319 = arith.addi %add3A_270, %add3A_318 : i32
      %dma_wait3A_320 = arith.constant 0 : i32
      %dma_wait3A_321 = tpu.memref_slice %arg6[%add3A_319, %dma_wait3A_320] : memref<40x64xi32, #tpu.memory_space<vmem>> -> memref<1x64xi32, #tpu.memory_space<vmem>>
      %dma_wait3A_322 = tpu.memref_squeeze %dma_wait3A_321 : memref<1x64xi32, #tpu.memory_space<vmem>> -> memref<64xi32, #tpu.memory_space<vmem>>
      %dma_wait3A_323 = arith.constant 0 : i32
      %dma_wait3A_324 = arith.constant 0 : i32
      %dma_wait3A_325 = tpu.memref_slice %arg2[%dma_wait3A_323, %dma_wait3A_324] : memref<10240x128xf32, #tpu.memory_space<hbm>> -> memref<10240x128xf32, #tpu.memory_space<hbm>>
      tpu.wait_indirect_dma semaphore(%arg15 : memref<!tpu.dma_semaphore, #tpu.memory_space<semaphore_mem>>) src(%dma_wait3A_325 : memref<10240x128xf32, #tpu.memory_space<hbm>>) dst(%arg10 : memref<64x128xf32, #tpu.memory_space<vmem>>)
      %add3A_326 = arith.constant 2 : i32
      %add3A_327 = arith.addi %add3A_270, %add3A_326 : i32
      %dma_start3A_328 = arith.constant 0 : i32
      %dma_start3A_329 = tpu.memref_slice %arg7[%add3A_327, %dma_start3A_328] : memref<40x64xi32, #tpu.memory_space<vmem>> -> memref<1x64xi32, #tpu.memory_space<vmem>>
      %dma_start3A_330 = tpu.memref_squeeze %dma_start3A_329 : memref<1x64xi32, #tpu.memory_space<vmem>> -> memref<64xi32, #tpu.memory_space<vmem>>
      %dma_start3A_331 = arith.constant 0 : i32
      %dma_start3A_332 = arith.constant 0 : i32
      %dma_start3A_333 = tpu.memref_slice %arg12[%dma_start3A_331, %dma_start3A_332] : memref<10240x128xf32, #tpu.memory_space<vmem_shared>> -> memref<10240x128xf32, #tpu.memory_space<vmem_shared>>
      tpu.enqueue_indirect_dma source(%arg10 : memref<64x128xf32, #tpu.memory_space<vmem>>) target(%dma_start3A_333 : memref<10240x128xf32, #tpu.memory_space<vmem_shared>>) offsets(%dma_start3A_330 : memref<64xi32, #tpu.memory_space<vmem>>) semaphore(%arg19 : memref<!tpu.dma_semaphore, #tpu.memory_space<semaphore_mem>>) {add = true}
      %add3A_334 = arith.constant 2 : i32
      %add3A_335 = arith.addi %add3A_270, %add3A_334 : i32
      %add3A_336 = arith.constant 4 : i32
      %add3A_337 = arith.addi %add3A_335, %add3A_336 : i32
      %lt3A_338 = arith.constant 40 : i32
      %lt3A_339 = arith.cmpi slt, %add3A_337, %lt3A_338 : i32
      %convert_element_type3A_340 = arith.extui %lt3A_339 : i1 to i32
      %cond3A_341 = arith.constant 0 : i32
      %cond3A_342 = arith.cmpi ne, %convert_element_type3A_340, %cond3A_341 : i32
      scf.if %cond3A_342 {
        %add3A_368 = arith.constant 2 : i32
        %add3A_369 = arith.addi %add3A_270, %add3A_368 : i32
        %dma_wait3A_370 = arith.constant 0 : i32
        %dma_wait3A_371 = tpu.memref_slice %arg7[%add3A_369, %dma_wait3A_370] : memref<40x64xi32, #tpu.memory_space<vmem>> -> memref<1x64xi32, #tpu.memory_space<vmem>>
        %dma_wait3A_372 = tpu.memref_squeeze %dma_wait3A_371 : memref<1x64xi32, #tpu.memory_space<vmem>> -> memref<64xi32, #tpu.memory_space<vmem>>
        %dma_wait3A_373 = arith.constant 0 : i32
        %dma_wait3A_374 = arith.constant 0 : i32
        %dma_wait3A_375 = tpu.memref_slice %arg12[%dma_wait3A_373, %dma_wait3A_374] : memref<10240x128xf32, #tpu.memory_space<vmem_shared>> -> memref<10240x128xf32, #tpu.memory_space<vmem_shared>>
        tpu.wait_indirect_dma semaphore(%arg19 : memref<!tpu.dma_semaphore, #tpu.memory_space<semaphore_mem>>) src(%arg10 : memref<64x128xf32, #tpu.memory_space<vmem>>) dst(%dma_wait3A_375 : memref<10240x128xf32, #tpu.memory_space<vmem_shared>>)
        %add3A_376 = arith.constant 2 : i32
        %add3A_377 = arith.addi %add3A_270, %add3A_376 : i32
        %add3A_378 = arith.constant 4 : i32
        %add3A_379 = arith.addi %add3A_377, %add3A_378 : i32
        %dma_start3A_380 = arith.constant 0 : i32
        %dma_start3A_381 = tpu.memref_slice %arg6[%add3A_379, %dma_start3A_380] : memref<40x64xi32, #tpu.memory_space<vmem>> -> memref<1x64xi32, #tpu.memory_space<vmem>>
        %dma_start3A_382 = tpu.memref_squeeze %dma_start3A_381 : memref<1x64xi32, #tpu.memory_space<vmem>> -> memref<64xi32, #tpu.memory_space<vmem>>
        %dma_start3A_383 = arith.constant 0 : i32
        %dma_start3A_384 = arith.constant 0 : i32
        %dma_start3A_385 = tpu.memref_slice %arg2[%dma_start3A_383, %dma_start3A_384] : memref<10240x128xf32, #tpu.memory_space<hbm>> -> memref<10240x128xf32, #tpu.memory_space<hbm>>
        tpu.enqueue_indirect_dma source(%dma_start3A_385 : memref<10240x128xf32, #tpu.memory_space<hbm>>) target(%arg10 : memref<64x128xf32, #tpu.memory_space<vmem>>) offsets(%dma_start3A_382 : memref<64xi32, #tpu.memory_space<vmem>>) semaphore(%arg15 : memref<!tpu.dma_semaphore, #tpu.memory_space<semaphore_mem>>)
      } else {
      }
      %add3A_343 = arith.constant 3 : i32
      %add3A_344 = arith.addi %add3A_270, %add3A_343 : i32
      %dma_wait3A_345 = arith.constant 0 : i32
      %dma_wait3A_346 = tpu.memref_slice %arg6[%add3A_344, %dma_wait3A_345] : memref<40x64xi32, #tpu.memory_space<vmem>> -> memref<1x64xi32, #tpu.memory_space<vmem>>
      %dma_wait3A_347 = tpu.memref_squeeze %dma_wait3A_346 : memref<1x64xi32, #tpu.memory_space<vmem>> -> memref<64xi32, #tpu.memory_space<vmem>>
      %dma_wait3A_348 = arith.constant 0 : i32
      %dma_wait3A_349 = arith.constant 0 : i32
      %dma_wait3A_350 = tpu.memref_slice %arg2[%dma_wait3A_348, %dma_wait3A_349] : memref<10240x128xf32, #tpu.memory_space<hbm>> -> memref<10240x128xf32, #tpu.memory_space<hbm>>
      tpu.wait_indirect_dma semaphore(%arg16 : memref<!tpu.dma_semaphore, #tpu.memory_space<semaphore_mem>>) src(%dma_wait3A_350 : memref<10240x128xf32, #tpu.memory_space<hbm>>) dst(%arg11 : memref<64x128xf32, #tpu.memory_space<vmem>>)
      %add3A_351 = arith.constant 3 : i32
      %add3A_352 = arith.addi %add3A_270, %add3A_351 : i32
      %dma_start3A_353 = arith.constant 0 : i32
      %dma_start3A_354 = tpu.memref_slice %arg7[%add3A_352, %dma_start3A_353] : memref<40x64xi32, #tpu.memory_space<vmem>> -> memref<1x64xi32, #tpu.memory_space<vmem>>
      %dma_start3A_355 = tpu.memref_squeeze %dma_start3A_354 : memref<1x64xi32, #tpu.memory_space<vmem>> -> memref<64xi32, #tpu.memory_space<vmem>>
      %dma_start3A_356 = arith.constant 0 : i32
      %dma_start3A_357 = arith.constant 0 : i32
      %dma_start3A_358 = tpu.memref_slice %arg12[%dma_start3A_356, %dma_start3A_357] : memref<10240x128xf32, #tpu.memory_space<vmem_shared>> -> memref<10240x128xf32, #tpu.memory_space<vmem_shared>>
      tpu.enqueue_indirect_dma source(%arg11 : memref<64x128xf32, #tpu.memory_space<vmem>>) target(%dma_start3A_358 : memref<10240x128xf32, #tpu.memory_space<vmem_shared>>) offsets(%dma_start3A_355 : memref<64xi32, #tpu.memory_space<vmem>>) semaphore(%arg20 : memref<!tpu.dma_semaphore, #tpu.memory_space<semaphore_mem>>) {add = true}
      %add3A_359 = arith.constant 3 : i32
      %add3A_360 = arith.addi %add3A_270, %add3A_359 : i32
      %add3A_361 = arith.constant 4 : i32
      %add3A_362 = arith.addi %add3A_360, %add3A_361 : i32
      %lt3A_363 = arith.constant 40 : i32
      %lt3A_364 = arith.cmpi slt, %add3A_362, %lt3A_363 : i32
      %convert_element_type3A_365 = arith.extui %lt3A_364 : i1 to i32
      %cond3A_366 = arith.constant 0 : i32
      %cond3A_367 = arith.cmpi ne, %convert_element_type3A_365, %cond3A_366 : i32
      scf.if %cond3A_367 {
        %add3A_368 = arith.constant 3 : i32
        %add3A_369 = arith.addi %add3A_270, %add3A_368 : i32
        %dma_wait3A_370 = arith.constant 0 : i32
        %dma_wait3A_371 = tpu.memref_slice %arg7[%add3A_369, %dma_wait3A_370] : memref<40x64xi32, #tpu.memory_space<vmem>> -> memref<1x64xi32, #tpu.memory_space<vmem>>
        %dma_wait3A_372 = tpu.memref_squeeze %dma_wait3A_371 : memref<1x64xi32, #tpu.memory_space<vmem>> -> memref<64xi32, #tpu.memory_space<vmem>>
        %dma_wait3A_373 = arith.constant 0 : i32
        %dma_wait3A_374 = arith.constant 0 : i32
        %dma_wait3A_375 = tpu.memref_slice %arg12[%dma_wait3A_373, %dma_wait3A_374] : memref<10240x128xf32, #tpu.memory_space<vmem_shared>> -> memref<10240x128xf32, #tpu.memory_space<vmem_shared>>
        tpu.wait_indirect_dma semaphore(%arg20 : memref<!tpu.dma_semaphore, #tpu.memory_space<semaphore_mem>>) src(%arg11 : memref<64x128xf32, #tpu.memory_space<vmem>>) dst(%dma_wait3A_375 : memref<10240x128xf32, #tpu.memory_space<vmem_shared>>)
        %add3A_376 = arith.constant 3 : i32
        %add3A_377 = arith.addi %add3A_270, %add3A_376 : i32
        %add3A_378 = arith.constant 4 : i32
        %add3A_379 = arith.addi %add3A_377, %add3A_378 : i32
        %dma_start3A_380 = arith.constant 0 : i32
        %dma_start3A_381 = tpu.memref_slice %arg6[%add3A_379, %dma_start3A_380] : memref<40x64xi32, #tpu.memory_space<vmem>> -> memref<1x64xi32, #tpu.memory_space<vmem>>
        %dma_start3A_382 = tpu.memref_squeeze %dma_start3A_381 : memref<1x64xi32, #tpu.memory_space<vmem>> -> memref<64xi32, #tpu.memory_space<vmem>>
        %dma_start3A_383 = arith.constant 0 : i32
        %dma_start3A_384 = arith.constant 0 : i32
        %dma_start3A_385 = tpu.memref_slice %arg2[%dma_start3A_383, %dma_start3A_384] : memref<10240x128xf32, #tpu.memory_space<hbm>> -> memref<10240x128xf32, #tpu.memory_space<hbm>>
        tpu.enqueue_indirect_dma source(%dma_start3A_385 : memref<10240x128xf32, #tpu.memory_space<hbm>>) target(%arg11 : memref<64x128xf32, #tpu.memory_space<vmem>>) offsets(%dma_start3A_382 : memref<64xi32, #tpu.memory_space<vmem>>) semaphore(%arg16 : memref<!tpu.dma_semaphore, #tpu.memory_space<semaphore_mem>>)
      } else {
      }
    }
    %scan3A_233 = arith.constant 10 : i32
    %dma_wait3A_234 = arith.constant 36 : i32
    %dma_wait3A_235 = arith.constant 0 : i32
    %dma_wait3A_236 = tpu.memref_slice %arg7[%dma_wait3A_234, %dma_wait3A_235] : memref<40x64xi32, #tpu.memory_space<vmem>> -> memref<1x64xi32, #tpu.memory_space<vmem>>
    %dma_wait3A_237 = tpu.memref_squeeze %dma_wait3A_236 : memref<1x64xi32, #tpu.memory_space<vmem>> -> memref<64xi32, #tpu.memory_space<vmem>>
    %dma_wait3A_238 = arith.constant 0 : i32
    %dma_wait3A_239 = arith.constant 0 : i32
    %dma_wait3A_240 = tpu.memref_slice %arg12[%dma_wait3A_238, %dma_wait3A_239] : memref<10240x128xf32, #tpu.memory_space<vmem_shared>> -> memref<10240x128xf32, #tpu.memory_space<vmem_shared>>
    tpu.wait_indirect_dma semaphore(%arg17 : memref<!tpu.dma_semaphore, #tpu.memory_space<semaphore_mem>>) src(%arg8 : memref<64x128xf32, #tpu.memory_space<vmem>>) dst(%dma_wait3A_240 : memref<10240x128xf32, #tpu.memory_space<vmem_shared>>)
    %dma_wait3A_241 = arith.constant 37 : i32
    %dma_wait3A_242 = arith.constant 0 : i32
    %dma_wait3A_243 = tpu.memref_slice %arg7[%dma_wait3A_241, %dma_wait3A_242] : memref<40x64xi32, #tpu.memory_space<vmem>> -> memref<1x64xi32, #tpu.memory_space<vmem>>
    %dma_wait3A_244 = tpu.memref_squeeze %dma_wait3A_243 : memref<1x64xi32, #tpu.memory_space<vmem>> -> memref<64xi32, #tpu.memory_space<vmem>>
    %dma_wait3A_245 = arith.constant 0 : i32
    %dma_wait3A_246 = arith.constant 0 : i32
    %dma_wait3A_247 = tpu.memref_slice %arg12[%dma_wait3A_245, %dma_wait3A_246] : memref<10240x128xf32, #tpu.memory_space<vmem_shared>> -> memref<10240x128xf32, #tpu.memory_space<vmem_shared>>
    tpu.wait_indirect_dma semaphore(%arg18 : memref<!tpu.dma_semaphore, #tpu.memory_space<semaphore_mem>>) src(%arg9 : memref<64x128xf32, #tpu.memory_space<vmem>>) dst(%dma_wait3A_247 : memref<10240x128xf32, #tpu.memory_space<vmem_shared>>)
    %dma_wait3A_248 = arith.constant 38 : i32
    %dma_wait3A_249 = arith.constant 0 : i32
    %dma_wait3A_250 = tpu.memref_slice %arg7[%dma_wait3A_248, %dma_wait3A_249] : memref<40x64xi32, #tpu.memory_space<vmem>> -> memref<1x64xi32, #tpu.memory_space<vmem>>
    %dma_wait3A_251 = tpu.memref_squeeze %dma_wait3A_250 : memref<1x64xi32, #tpu.memory_space<vmem>> -> memref<64xi32, #tpu.memory_space<vmem>>
    %dma_wait3A_252 = arith.constant 0 : i32
    %dma_wait3A_253 = arith.constant 0 : i32
    %dma_wait3A_254 = tpu.memref_slice %arg12[%dma_wait3A_252, %dma_wait3A_253] : memref<10240x128xf32, #tpu.memory_space<vmem_shared>> -> memref<10240x128xf32, #tpu.memory_space<vmem_shared>>
    tpu.wait_indirect_dma semaphore(%arg19 : memref<!tpu.dma_semaphore, #tpu.memory_space<semaphore_mem>>) src(%arg10 : memref<64x128xf32, #tpu.memory_space<vmem>>) dst(%dma_wait3A_254 : memref<10240x128xf32, #tpu.memory_space<vmem_shared>>)
    %dma_wait3A_255 = arith.constant 39 : i32
    %dma_wait3A_256 = arith.constant 0 : i32
    %dma_wait3A_257 = tpu.memref_slice %arg7[%dma_wait3A_255, %dma_wait3A_256] : memref<40x64xi32, #tpu.memory_space<vmem>> -> memref<1x64xi32, #tpu.memory_space<vmem>>
    %dma_wait3A_258 = tpu.memref_squeeze %dma_wait3A_257 : memref<1x64xi32, #tpu.memory_space<vmem>> -> memref<64xi32, #tpu.memory_space<vmem>>
    %dma_wait3A_259 = arith.constant 0 : i32
    %dma_wait3A_260 = arith.constant 0 : i32
    %dma_wait3A_261 = tpu.memref_slice %arg12[%dma_wait3A_259, %dma_wait3A_260] : memref<10240x128xf32, #tpu.memory_space<vmem_shared>> -> memref<10240x128xf32, #tpu.memory_space<vmem_shared>>
    tpu.wait_indirect_dma semaphore(%arg20 : memref<!tpu.dma_semaphore, #tpu.memory_space<semaphore_mem>>) src(%arg11 : memref<64x128xf32, #tpu.memory_space<vmem>>) dst(%dma_wait3A_261 : memref<10240x128xf32, #tpu.memory_space<vmem_shared>>)
    %barrier3A_262 = arith.constant 0 : index
    tpu.barrier barrier_id(%barrier3A_262)
    %mul3A_263 = arith.constant 10240 : i32
    %mul3A_264 = arith.muli %arg0, %mul3A_263 : i32
    %add3A_265 = arith.addi %mul3A_264, %mul3A_4 : i32
    "tpu.region"() ({
      %run_scoped3A = tpu.sem_alloc : memref<!tpu.dma_semaphore, #tpu.memory_space<semaphore_mem>>
      %dma_start3A_266 = arith.constant 0 : i32
      %dma_start3A_267 = tpu.memref_slice %arg5[%add3A_265, %dma_start3A_266] : memref<20480x128xf32, #tpu.memory_space<hbm>> -> memref<640x128xf32, #tpu.memory_space<hbm>>
      %dma_start3A_268 = arith.constant 0 : i32
      %dma_start3A_269 = tpu.memref_slice %arg12[%mul3A_4, %dma_start3A_268] : memref<10240x128xf32, #tpu.memory_space<vmem_shared>> -> memref<640x128xf32, #tpu.memory_space<vmem_shared>>
      tpu.enqueue_dma source(%dma_start3A_269 : memref<640x128xf32, #tpu.memory_space<vmem_shared>>) target(%dma_start3A_267 : memref<640x128xf32, #tpu.memory_space<hbm>>) target_semaphore(%run_scoped3A : memref<!tpu.dma_semaphore, #tpu.memory_space<semaphore_mem>>)
      %dma_wait3A_270 = arith.constant 0 : i32
      %dma_wait3A_271 = tpu.memref_slice %arg5[%add3A_265, %dma_wait3A_270] : memref<20480x128xf32, #tpu.memory_space<hbm>> -> memref<640x128xf32, #tpu.memory_space<hbm>>
      %dma_wait3A_272 = arith.constant 0 : i32
      %dma_wait3A_273 = tpu.memref_slice %arg12[%mul3A_4, %dma_wait3A_272] : memref<10240x128xf32, #tpu.memory_space<vmem_shared>> -> memref<640x128xf32, #tpu.memory_space<vmem_shared>>
      tpu.wait_dma2 semaphore(%run_scoped3A : memref<!tpu.dma_semaphore, #tpu.memory_space<semaphore_mem>>) src(%dma_wait3A_273 : memref<640x128xf32, #tpu.memory_space<vmem_shared>>) dst(%dma_wait3A_271 : memref<640x128xf32, #tpu.memory_space<hbm>>)
      tpu.yield
    }) : () -> ()
    return
  }
}

module attributes {stable_mosaic.version = 14 : i64} {
  func.func @body(%arg0: i32, %arg1: memref<32x1024xf32, #tpu.memory_space<vmem>>, %arg2: memref<1x1024xf32, #tpu.memory_space<vmem>>) attributes {dimension_semantics = [#tpu.dimension_semantics<arbitrary>], iteration_bounds = array<i64: 10>, scalar_prefetch = 0 : i64, scratch_operands = 0 : i64, tpu.core_type = #tpu.core_type<tc>, window_params = [{transform_indices = @transform_0, window_bounds = array<i64: 32, 1024>}, {transform_indices = @transform_1, window_bounds = array<i64: 1, 1024>}]} {
    %get3A = arith.constant 0 : index
    %get3A_0 = arith.constant 0 : index
    %get3A_1 = vector.load %arg1[%get3A, %get3A_0] : memref<32x1024xf32, #tpu.memory_space<vmem>>, vector<32x1024xf32>
    %reduce_sum3A = arith.constant dense<0.000000e+00> : vector<1024xf32>
    %reduce_sum3A_2 = vector.multi_reduction <add>, %get3A_1, %reduce_sum3A [0] : vector<32x1024xf32> to vector<1024xf32>
    %broadcast_in_dim3A = vector.shape_cast %reduce_sum3A_2 : vector<1024xf32> to vector<1x1024xf32>
    %add3A = arith.constant 1.000000e+00 : f32
    %add3A_3 = vector.broadcast %add3A : f32 to vector<1x1024xf32>
    %add3A_4 = arith.addf %broadcast_in_dim3A, %add3A_3 : vector<1x1024xf32>
    %rsqrt3A = math.rsqrt %add3A_4 : vector<1x1024xf32>
    %swap3A = arith.constant 0 : index
    %swap3A_5 = arith.constant 0 : index
    %swap3A_6 = vector.load %arg2[%swap3A, %swap3A_5] : memref<1x1024xf32, #tpu.memory_space<vmem>>, vector<1x1024xf32>
    tpu.vector_store %arg2[%swap3A, %swap3A_5], %rsqrt3A {strides = array<i32>} : memref<1x1024xf32, #tpu.memory_space<vmem>>, vector<1x1024xf32>,
    return
  }
  func.func @transform_0(%arg0: i32) -> (i32, i32) {
    %c0_i32 = arith.constant 0 : i32
    %c0_i32_0 = arith.constant 0 : i32
    return %c0_i32, %arg0 : i32, i32
  }
  func.func @transform_1(%arg0: i32) -> (i32, i32) {
    %c0_i32 = arith.constant 0 : i32
    %c0_i32_0 = arith.constant 0 : i32
    return %c0_i32, %arg0 : i32, i32
  }
}

module attributes {stable_mosaic.version = 14 : i64} {
  func.func @body(%arg0: i32, %arg1: memref<1024x128xf32, #tpu.memory_space<vmem>>, %arg2: memref<128x128xf32, #tpu.memory_space<vmem>>, %arg3: memref<1024x1xf32, #tpu.memory_space<vmem>>, %arg4: memref<1024x128xf32, #tpu.memory_space<vmem>>) attributes {dimension_semantics = [#tpu.dimension_semantics<arbitrary>], iteration_bounds = array<i64: 10>, scalar_prefetch = 0 : i64, scratch_operands = 0 : i64, tpu.core_type = #tpu.core_type<tc>, window_params = [{transform_indices = @transform_0, window_bounds = array<i64: 1024, 128>}, {pipeline_mode = #tpu.pipeline_mode<synchronous>, transform_indices = @transform_1, window_bounds = array<i64: 128, 128>}, {transform_indices = @transform_2, window_bounds = array<i64: 1024, 1>}, {transform_indices = @transform_3, window_bounds = array<i64: 1024, 128>}]} {
    %get3A = arith.constant 0 : index
    %get3A_0 = arith.constant 0 : index
    %get3A_1 = vector.load %arg1[%get3A, %get3A_0] : memref<1024x128xf32, #tpu.memory_space<vmem>>, vector<1024x128xf32>
    %get3A_2 = arith.constant 0 : index
    %get3A_3 = arith.constant 0 : index
    %get3A_4 = vector.load %arg2[%get3A_2, %get3A_3] : memref<128x128xf32, #tpu.memory_space<vmem>>, vector<128x128xf32>
    %dot_general3A = arith.constant dense<0.000000e+00> : vector<1024x128xf32>
    %dot_general3A_5 = tpu.matmul %get3A_1, %get3A_4, %dot_general3A {dimension_numbers = #tpu.dot_dimension_numbers<[1], [0], [0], [1], [0, 0, 1, 1], [], []>, transpose_lhs_hint = false} : vector<1024x128xf32>, vector<128x128xf32>, vector<1024x128xf32> -> vector<1024x128xf32>
    %get3A_6 = arith.constant 0 : index
    %get3A_7 = arith.constant 0 : index
    %get3A_8 = vector.load %arg3[%get3A_6, %get3A_7] : memref<1024x1xf32, #tpu.memory_space<vmem>>, vector<1024x1xf32>
    %mul3A = vector.broadcast %get3A_8 : vector<1024x1xf32> to vector<1024x128xf32>
    %mul3A_9 = arith.mulf %dot_general3A_5, %mul3A : vector<1024x128xf32>
    %swap3A = arith.constant 0 : index
    %swap3A_10 = arith.constant 0 : index
    %swap3A_11 = vector.load %arg4[%swap3A, %swap3A_10] : memref<1024x128xf32, #tpu.memory_space<vmem>>, vector<1024x128xf32>
    tpu.vector_store %arg4[%swap3A, %swap3A_10], %mul3A_9 {strides = array<i32>} : memref<1024x128xf32, #tpu.memory_space<vmem>>, vector<1024x128xf32>,
    return
  }
  func.func @transform_0(%arg0: i32) -> (i32, i32) {
    %c0_i32 = arith.constant 0 : i32
    %c0_i32_0 = arith.constant 0 : i32
    return %arg0, %c0_i32 : i32, i32
  }
  func.func @transform_1(%arg0: i32) -> (i32, i32) {
    %c0_i32 = arith.constant 0 : i32
    %c0_i32_0 = arith.constant 0 : i32
    %c0_i32_1 = arith.constant 0 : i32
    return %c0_i32, %c0_i32_0 : i32, i32
  }
  func.func @transform_2(%arg0: i32) -> (i32, i32) {
    %c0_i32 = arith.constant 0 : i32
    %c0_i32_0 = arith.constant 0 : i32
    return %arg0, %c0_i32 : i32, i32
  }
  func.func @transform_3(%arg0: i32) -> (i32, i32) {
    %c0_i32 = arith.constant 0 : i32
    %c0_i32_0 = arith.constant 0 : i32
    return %arg0, %c0_i32 : i32, i32
  }
}

module attributes {stable_mosaic.version = 14 : i64} {
  func.func @body(%arg0: i32, %arg1: memref<1024x128xf32, #tpu.memory_space<vmem>>, %arg2: memref<1024x128xf32, #tpu.memory_space<vmem>>, %arg3: memref<1024x128xf32, #tpu.memory_space<vmem>>, %arg4: memref<1024x1xf32, #tpu.memory_space<vmem>>, %arg5: memref<1x128xf32, #tpu.memory_space<vmem>>, %arg6: memref<1024x128xf32, #tpu.memory_space<vmem>>, %arg7: memref<2x128xf32, #tpu.memory_space<vmem>>, %arg8: memref<2x128xf32, #tpu.memory_space<vmem>>) attributes {dimension_semantics = [#tpu.dimension_semantics<arbitrary>], iteration_bounds = array<i64: 10>, scalar_prefetch = 0 : i64, scratch_operands = 1 : i64, tpu.core_type = #tpu.core_type<tc>, window_params = [{transform_indices = @transform_0, window_bounds = array<i64: 1024, 128>}, {transform_indices = @transform_1, window_bounds = array<i64: 1024, 128>}, {transform_indices = @transform_2, window_bounds = array<i64: 1024, 128>}, {transform_indices = @transform_3, window_bounds = array<i64: 1024, 1>}, {pipeline_mode = #tpu.pipeline_mode<synchronous>, transform_indices = @transform_4, window_bounds = array<i64: 1, 128>}, {transform_indices = @transform_5, window_bounds = array<i64: 1024, 128>}, {pipeline_mode = #tpu.pipeline_mode<synchronous>, transform_indices = @transform_6, window_bounds = array<i64: 2, 128>}]} {
    %eq3A = arith.constant 0 : i32
    %eq3A_0 = arith.cmpi eq, %arg0, %eq3A : i32
    %convert_element_type3A = arith.extui %eq3A_0 : i1 to i32
    %cond3A = arith.constant 0 : i32
    %cond3A_1 = arith.cmpi ne, %convert_element_type3A, %cond3A : i32
    scf.if %cond3A_1 {
      %broadcast_in_dim3A_54 = arith.constant 0.000000e+00 : f32
      %broadcast_in_dim3A_55 = vector.broadcast %broadcast_in_dim3A_54 : f32 to vector<2x128xf32>
      %swap3A_56 = arith.constant 0 : index
      %swap3A_57 = arith.constant 0 : index
      %swap3A_58 = vector.load %arg8[%swap3A_56, %swap3A_57] : memref<2x128xf32, #tpu.memory_space<vmem>>, vector<2x128xf32>
      tpu.vector_store %arg8[%swap3A_56, %swap3A_57], %broadcast_in_dim3A_55 {strides = array<i32>} : memref<2x128xf32, #tpu.memory_space<vmem>>, vector<2x128xf32>,
    } else {
    }
    %get3A = arith.constant 0 : index
    %get3A_2 = arith.constant 0 : index
    %get3A_3 = vector.load %arg1[%get3A, %get3A_2] : memref<1024x128xf32, #tpu.memory_space<vmem>>, vector<1024x128xf32>
    %get3A_4 = arith.constant 0 : index
    %get3A_5 = arith.constant 0 : index
    %get3A_6 = vector.load %arg2[%get3A_4, %get3A_5] : memref<1024x128xf32, #tpu.memory_space<vmem>>, vector<1024x128xf32>
    %add3A = arith.addf %get3A_3, %get3A_6 : vector<1024x128xf32>
    %get3A_7 = arith.constant 0 : index
    %get3A_8 = arith.constant 0 : index
    %get3A_9 = vector.load %arg3[%get3A_7, %get3A_8] : memref<1024x128xf32, #tpu.memory_space<vmem>>, vector<1024x128xf32>
    %sub3A = arith.subf %add3A, %get3A_9 : vector<1024x128xf32>
    %get3A_10 = arith.constant 0 : index
    %get3A_11 = arith.constant 0 : index
    %get3A_12 = vector.load %arg4[%get3A_10, %get3A_11] : memref<1024x1xf32, #tpu.memory_space<vmem>>, vector<1024x1xf32>
    %mul3A = vector.broadcast %get3A_12 : vector<1024x1xf32> to vector<1024x128xf32>
    %mul3A_13 = arith.mulf %sub3A, %mul3A : vector<1024x128xf32>
    %get3A_14 = arith.constant 0 : index
    %get3A_15 = arith.constant 0 : index
    %get3A_16 = vector.load %arg5[%get3A_14, %get3A_15] : memref<1x128xf32, #tpu.memory_space<vmem>>, vector<1x128xf32>
    %add3A_17 = vector.broadcast %get3A_16 : vector<1x128xf32> to vector<1024x128xf32>
    %add3A_18 = arith.addf %mul3A_13, %add3A_17 : vector<1024x128xf32>
    %swap3A = arith.constant 0 : index
    %swap3A_19 = arith.constant 0 : index
    %swap3A_20 = vector.load %arg6[%swap3A, %swap3A_19] : memref<1024x128xf32, #tpu.memory_space<vmem>>, vector<1024x128xf32>
    tpu.vector_store %arg6[%swap3A, %swap3A_19], %add3A_18 {strides = array<i32>} : memref<1024x128xf32, #tpu.memory_space<vmem>>, vector<1024x128xf32>,
    %mul3A_21 = arith.constant 1024 : i32
    %mul3A_22 = arith.muli %arg0, %mul3A_21 : i32
    %iota3A = tpu.iota {dimensions = array<i32: 0>} : vector<1024x1xi32>
    %add3A_23 = vector.broadcast %mul3A_22 : i32 to vector<1024x1xi32>
    %add3A_24 = arith.addi %add3A_23, %iota3A : vector<1024x1xi32>
    %lt3A = arith.constant 10000 : i32
    %lt3A_25 = vector.broadcast %lt3A : i32 to vector<1024x1xi32>
    %lt3A_26 = arith.cmpi slt, %add3A_24, %lt3A_25 : vector<1024x1xi32>
    %jit3A = arith.constant 0.000000e+00 : f32
    %broadcast_in_dim3A = vector.shape_cast %lt3A_26 : vector<1024x1xi1> to vector<1024x1xi1>
    %broadcast_in_dim3A_27 = vector.broadcast %broadcast_in_dim3A : vector<1024x1xi1> to vector<1024x128xi1>
    %broadcast_in_dim3A_28 = vector.broadcast %jit3A : f32 to vector<1024x128xf32>
    %select_n3A = arith.select %broadcast_in_dim3A_27, %add3A_18, %broadcast_in_dim3A_28 : vector<1024x128xi1>, vector<1024x128xf32>
    %get3A_29 = arith.constant 0 : index
    %get3A_30 = arith.constant 0 : index
    %get3A_31 = vector.load %arg8[%get3A_29, %get3A_30] : memref<2x128xf32, #tpu.memory_space<vmem>>, vector<1x128xf32>
    %reduce_sum3A = arith.constant dense<0.000000e+00> : vector<128xf32>
    %reduce_sum3A_32 = vector.multi_reduction <add>, %select_n3A, %reduce_sum3A [0] : vector<1024x128xf32> to vector<128xf32>
    %broadcast_in_dim3A_33 = vector.shape_cast %reduce_sum3A_32 : vector<128xf32> to vector<1x128xf32>
    %add3A_34 = arith.addf %get3A_31, %broadcast_in_dim3A_33 : vector<1x128xf32>
    %swap3A_35 = arith.constant 0 : index
    %swap3A_36 = arith.constant 0 : index
    %swap3A_37 = vector.load %arg8[%swap3A_35, %swap3A_36] : memref<2x128xf32, #tpu.memory_space<vmem>>, vector<1x128xf32>
    tpu.vector_store %arg8[%swap3A_35, %swap3A_36], %add3A_34 {strides = array<i32>} : memref<2x128xf32, #tpu.memory_space<vmem>>, vector<1x128xf32>,
    %get3A_38 = arith.constant 1 : index
    %get3A_39 = arith.constant 0 : index
    %get3A_40 = vector.load %arg8[%get3A_38, %get3A_39] : memref<2x128xf32, #tpu.memory_space<vmem>>, vector<1x128xf32>
    %mul3A_41 = arith.mulf %select_n3A, %add3A_18 : vector<1024x128xf32>
    %reduce_sum3A_42 = arith.constant dense<0.000000e+00> : vector<128xf32>
    %reduce_sum3A_43 = vector.multi_reduction <add>, %mul3A_41, %reduce_sum3A_42 [0] : vector<1024x128xf32> to vector<128xf32>
    %broadcast_in_dim3A_44 = vector.shape_cast %reduce_sum3A_43 : vector<128xf32> to vector<1x128xf32>
    %add3A_45 = arith.addf %get3A_40, %broadcast_in_dim3A_44 : vector<1x128xf32>
    %swap3A_46 = arith.constant 1 : index
    %swap3A_47 = arith.constant 0 : index
    %swap3A_48 = vector.load %arg8[%swap3A_46, %swap3A_47] : memref<2x128xf32, #tpu.memory_space<vmem>>, vector<1x128xf32>
    tpu.vector_store %arg8[%swap3A_46, %swap3A_47], %add3A_45 {strides = array<i32>} : memref<2x128xf32, #tpu.memory_space<vmem>>, vector<1x128xf32>,
    %eq3A_49 = arith.constant 9 : i32
    %eq3A_50 = arith.cmpi eq, %arg0, %eq3A_49 : i32
    %convert_element_type3A_51 = arith.extui %eq3A_50 : i1 to i32
    %cond3A_52 = arith.constant 0 : i32
    %cond3A_53 = arith.cmpi ne, %convert_element_type3A_51, %cond3A_52 : i32
    scf.if %cond3A_53 {
      %get3A_54 = arith.constant 0 : index
      %get3A_55 = arith.constant 0 : index
      %get3A_56 = vector.load %arg8[%get3A_54, %get3A_55] : memref<2x128xf32, #tpu.memory_space<vmem>>, vector<2x128xf32>
      %swap3A_57 = arith.constant 0 : index
      %swap3A_58 = arith.constant 0 : index
      %swap3A_59 = vector.load %arg7[%swap3A_57, %swap3A_58] : memref<2x128xf32, #tpu.memory_space<vmem>>, vector<2x128xf32>
      tpu.vector_store %arg7[%swap3A_57, %swap3A_58], %get3A_56 {strides = array<i32>} : memref<2x128xf32, #tpu.memory_space<vmem>>, vector<2x128xf32>,
    } else {
    }
    return
  }
  func.func @transform_0(%arg0: i32) -> (i32, i32) {
    %c0_i32 = arith.constant 0 : i32
    %c0_i32_0 = arith.constant 0 : i32
    return %arg0, %c0_i32 : i32, i32
  }
  func.func @transform_1(%arg0: i32) -> (i32, i32) {
    %add3A = arith.constant 10 : i32
    %add3A_0 = arith.addi %arg0, %add3A : i32
    %c0_i32 = arith.constant 0 : i32
    %c0_i32_1 = arith.constant 0 : i32
    return %add3A_0, %c0_i32 : i32, i32
  }
  func.func @transform_2(%arg0: i32) -> (i32, i32) {
    %c0_i32 = arith.constant 0 : i32
    %c0_i32_0 = arith.constant 0 : i32
    return %arg0, %c0_i32 : i32, i32
  }
  func.func @transform_3(%arg0: i32) -> (i32, i32) {
    %c0_i32 = arith.constant 0 : i32
    %c0_i32_0 = arith.constant 0 : i32
    return %arg0, %c0_i32 : i32, i32
  }
  func.func @transform_4(%arg0: i32) -> (i32, i32) {
    %c0_i32 = arith.constant 0 : i32
    %c0_i32_0 = arith.constant 0 : i32
    %c0_i32_1 = arith.constant 0 : i32
    return %c0_i32, %c0_i32_0 : i32, i32
  }
  func.func @transform_5(%arg0: i32) -> (i32, i32) {
    %c0_i32 = arith.constant 0 : i32
    %c0_i32_0 = arith.constant 0 : i32
    return %arg0, %c0_i32 : i32, i32
  }
  func.func @transform_6(%arg0: i32) -> (i32, i32) {
    %c0_i32 = arith.constant 0 : i32
    %c0_i32_0 = arith.constant 0 : i32
    %c0_i32_1 = arith.constant 0 : i32
    return %c0_i32, %c0_i32_0 : i32, i32
  }
}

module attributes {stable_mosaic.version = 14 : i64} {
  func.func @body(%arg0: i32, %arg1: memref<1024x128xf32, #tpu.memory_space<vmem>>, %arg2: memref<2x128xf32, #tpu.memory_space<vmem>>, %arg3: memref<1x128xf32, #tpu.memory_space<vmem>>, %arg4: memref<1x128xf32, #tpu.memory_space<vmem>>, %arg5: memref<128x128xf32, #tpu.memory_space<vmem>>, %arg6: memref<1024x1xf32, #tpu.memory_space<vmem>>, %arg7: memref<1024x128xf32, #tpu.memory_space<vmem>>) attributes {dimension_semantics = [#tpu.dimension_semantics<arbitrary>], iteration_bounds = array<i64: 10>, scalar_prefetch = 0 : i64, scratch_operands = 0 : i64, tpu.core_type = #tpu.core_type<tc>, window_params = [{transform_indices = @transform_0, window_bounds = array<i64: 1024, 128>}, {pipeline_mode = #tpu.pipeline_mode<synchronous>, transform_indices = @transform_1, window_bounds = array<i64: 2, 128>}, {pipeline_mode = #tpu.pipeline_mode<synchronous>, transform_indices = @transform_2, window_bounds = array<i64: 1, 128>}, {pipeline_mode = #tpu.pipeline_mode<synchronous>, transform_indices = @transform_3, window_bounds = array<i64: 1, 128>}, {pipeline_mode = #tpu.pipeline_mode<synchronous>, transform_indices = @transform_4, window_bounds = array<i64: 128, 128>}, {transform_indices = @transform_5, window_bounds = array<i64: 1024, 1>}, {transform_indices = @transform_6, window_bounds = array<i64: 1024, 128>}]} {
    %get3A = arith.constant 0 : index
    %get3A_0 = arith.constant 0 : index
    %get3A_1 = vector.load %arg2[%get3A, %get3A_0] : memref<2x128xf32, #tpu.memory_space<vmem>>, vector<1x128xf32>
    %mul3A = arith.constant 9.99999974E-5 : f32
    %mul3A_2 = vector.broadcast %mul3A : f32 to vector<1x128xf32>
    %mul3A_3 = arith.mulf %get3A_1, %mul3A_2 : vector<1x128xf32>
    %get3A_4 = arith.constant 1 : index
    %get3A_5 = arith.constant 0 : index
    %get3A_6 = vector.load %arg2[%get3A_4, %get3A_5] : memref<2x128xf32, #tpu.memory_space<vmem>>, vector<1x128xf32>
    %mul3A_7 = arith.constant 9.99999974E-5 : f32
    %mul3A_8 = vector.broadcast %mul3A_7 : f32 to vector<1x128xf32>
    %mul3A_9 = arith.mulf %get3A_6, %mul3A_8 : vector<1x128xf32>
    %mul3A_10 = arith.mulf %mul3A_3, %mul3A_3 : vector<1x128xf32>
    %sub3A = arith.subf %mul3A_9, %mul3A_10 : vector<1x128xf32>
    %add3A = arith.constant 9.99999974E-6 : f32
    %add3A_11 = vector.broadcast %add3A : f32 to vector<1x128xf32>
    %add3A_12 = arith.addf %sub3A, %add3A_11 : vector<1x128xf32>
    %rsqrt3A = math.rsqrt %add3A_12 : vector<1x128xf32>
    %get3A_13 = arith.constant 0 : index
    %get3A_14 = arith.constant 0 : index
    %get3A_15 = vector.load %arg1[%get3A_13, %get3A_14] : memref<1024x128xf32, #tpu.memory_space<vmem>>, vector<1024x128xf32>
    %sub3A_16 = vector.broadcast %mul3A_3 : vector<1x128xf32> to vector<1024x128xf32>
    %sub3A_17 = arith.subf %get3A_15, %sub3A_16 : vector<1024x128xf32>
    %get3A_18 = arith.constant 0 : index
    %get3A_19 = arith.constant 0 : index
    %get3A_20 = vector.load %arg3[%get3A_18, %get3A_19] : memref<1x128xf32, #tpu.memory_space<vmem>>, vector<1x128xf32>
    %mul3A_21 = arith.mulf %rsqrt3A, %get3A_20 : vector<1x128xf32>
    %mul3A_22 = vector.broadcast %mul3A_21 : vector<1x128xf32> to vector<1024x128xf32>
    %mul3A_23 = arith.mulf %sub3A_17, %mul3A_22 : vector<1024x128xf32>
    %get3A_24 = arith.constant 0 : index
    %get3A_25 = arith.constant 0 : index
    %get3A_26 = vector.load %arg4[%get3A_24, %get3A_25] : memref<1x128xf32, #tpu.memory_space<vmem>>, vector<1x128xf32>
    %add3A_27 = vector.broadcast %get3A_26 : vector<1x128xf32> to vector<1024x128xf32>
    %add3A_28 = arith.addf %mul3A_23, %add3A_27 : vector<1024x128xf32>
    %max3A = arith.constant 0.000000e+00 : f32
    %max3A_29 = vector.broadcast %max3A : f32 to vector<1024x128xf32>
    %max3A_30 = arith.maximumf %add3A_28, %max3A_29 : vector<1024x128xf32>
    %get3A_31 = arith.constant 0 : index
    %get3A_32 = arith.constant 0 : index
    %get3A_33 = vector.load %arg5[%get3A_31, %get3A_32] : memref<128x128xf32, #tpu.memory_space<vmem>>, vector<128x128xf32>
    %dot_general3A = arith.constant dense<0.000000e+00> : vector<1024x128xf32>
    %dot_general3A_34 = tpu.matmul %max3A_30, %get3A_33, %dot_general3A {dimension_numbers = #tpu.dot_dimension_numbers<[1], [0], [0], [1], [0, 0, 1, 1], [], []>, transpose_lhs_hint = false} : vector<1024x128xf32>, vector<128x128xf32>, vector<1024x128xf32> -> vector<1024x128xf32>
    %get3A_35 = arith.constant 0 : index
    %get3A_36 = arith.constant 0 : index
    %get3A_37 = vector.load %arg6[%get3A_35, %get3A_36] : memref<1024x1xf32, #tpu.memory_space<vmem>>, vector<1024x1xf32>
    %mul3A_38 = vector.broadcast %get3A_37 : vector<1024x1xf32> to vector<1024x128xf32>
    %mul3A_39 = arith.mulf %dot_general3A_34, %mul3A_38 : vector<1024x128xf32>
    %swap3A = arith.constant 0 : index
    %swap3A_40 = arith.constant 0 : index
    %swap3A_41 = vector.load %arg7[%swap3A, %swap3A_40] : memref<1024x128xf32, #tpu.memory_space<vmem>>, vector<1024x128xf32>
    tpu.vector_store %arg7[%swap3A, %swap3A_40], %mul3A_39 {strides = array<i32>} : memref<1024x128xf32, #tpu.memory_space<vmem>>, vector<1024x128xf32>,
    return
  }
  func.func @transform_0(%arg0: i32) -> (i32, i32) {
    %c0_i32 = arith.constant 0 : i32
    %c0_i32_0 = arith.constant 0 : i32
    return %arg0, %c0_i32 : i32, i32
  }
  func.func @transform_1(%arg0: i32) -> (i32, i32) {
    %c0_i32 = arith.constant 0 : i32
    %c0_i32_0 = arith.constant 0 : i32
    %c0_i32_1 = arith.constant 0 : i32
    return %c0_i32, %c0_i32_0 : i32, i32
  }
  func.func @transform_2(%arg0: i32) -> (i32, i32) {
    %c0_i32 = arith.constant 0 : i32
    %c0_i32_0 = arith.constant 0 : i32
    %c0_i32_1 = arith.constant 0 : i32
    return %c0_i32, %c0_i32_0 : i32, i32
  }
  func.func @transform_3(%arg0: i32) -> (i32, i32) {
    %c0_i32 = arith.constant 0 : i32
    %c0_i32_0 = arith.constant 0 : i32
    %c0_i32_1 = arith.constant 0 : i32
    return %c0_i32, %c0_i32_0 : i32, i32
  }
  func.func @transform_4(%arg0: i32) -> (i32, i32) {
    %c0_i32 = arith.constant 0 : i32
    %c0_i32_0 = arith.constant 0 : i32
    %c0_i32_1 = arith.constant 0 : i32
    return %c0_i32, %c0_i32_0 : i32, i32
  }
  func.func @transform_5(%arg0: i32) -> (i32, i32) {
    %c0_i32 = arith.constant 0 : i32
    %c0_i32_0 = arith.constant 0 : i32
    return %arg0, %c0_i32 : i32, i32
  }
  func.func @transform_6(%arg0: i32) -> (i32, i32) {
    %c0_i32 = arith.constant 0 : i32
    %c0_i32_0 = arith.constant 0 : i32
    return %arg0, %c0_i32 : i32, i32
  }
}

module attributes {stable_mosaic.version = 14 : i64} {
  func.func @body(%arg0: i32, %arg1: memref<1024x128xf32, #tpu.memory_space<vmem>>, %arg2: memref<1024x128xf32, #tpu.memory_space<vmem>>, %arg3: memref<1024x128xf32, #tpu.memory_space<vmem>>, %arg4: memref<1024x1xf32, #tpu.memory_space<vmem>>, %arg5: memref<1x128xf32, #tpu.memory_space<vmem>>, %arg6: memref<1024x128xf32, #tpu.memory_space<vmem>>) attributes {dimension_semantics = [#tpu.dimension_semantics<arbitrary>], iteration_bounds = array<i64: 10>, scalar_prefetch = 0 : i64, scratch_operands = 0 : i64, tpu.core_type = #tpu.core_type<tc>, window_params = [{transform_indices = @transform_0, window_bounds = array<i64: 1024, 128>}, {transform_indices = @transform_1, window_bounds = array<i64: 1024, 128>}, {transform_indices = @transform_2, window_bounds = array<i64: 1024, 128>}, {transform_indices = @transform_3, window_bounds = array<i64: 1024, 1>}, {pipeline_mode = #tpu.pipeline_mode<synchronous>, transform_indices = @transform_4, window_bounds = array<i64: 1, 128>}, {transform_indices = @transform_5, window_bounds = array<i64: 1024, 128>}]} {
    %get3A = arith.constant 0 : index
    %get3A_0 = arith.constant 0 : index
    %get3A_1 = vector.load %arg1[%get3A, %get3A_0] : memref<1024x128xf32, #tpu.memory_space<vmem>>, vector<1024x128xf32>
    %get3A_2 = arith.constant 0 : index
    %get3A_3 = arith.constant 0 : index
    %get3A_4 = vector.load %arg2[%get3A_2, %get3A_3] : memref<1024x128xf32, #tpu.memory_space<vmem>>, vector<1024x128xf32>
    %add3A = arith.addf %get3A_1, %get3A_4 : vector<1024x128xf32>
    %get3A_5 = arith.constant 0 : index
    %get3A_6 = arith.constant 0 : index
    %get3A_7 = vector.load %arg3[%get3A_5, %get3A_6] : memref<1024x128xf32, #tpu.memory_space<vmem>>, vector<1024x128xf32>
    %sub3A = arith.subf %add3A, %get3A_7 : vector<1024x128xf32>
    %get3A_8 = arith.constant 0 : index
    %get3A_9 = arith.constant 0 : index
    %get3A_10 = vector.load %arg4[%get3A_8, %get3A_9] : memref<1024x1xf32, #tpu.memory_space<vmem>>, vector<1024x1xf32>
    %mul3A = vector.broadcast %get3A_10 : vector<1024x1xf32> to vector<1024x128xf32>
    %mul3A_11 = arith.mulf %sub3A, %mul3A : vector<1024x128xf32>
    %get3A_12 = arith.constant 0 : index
    %get3A_13 = arith.constant 0 : index
    %get3A_14 = vector.load %arg5[%get3A_12, %get3A_13] : memref<1x128xf32, #tpu.memory_space<vmem>>, vector<1x128xf32>
    %add3A_15 = vector.broadcast %get3A_14 : vector<1x128xf32> to vector<1024x128xf32>
    %add3A_16 = arith.addf %mul3A_11, %add3A_15 : vector<1024x128xf32>
    %swap3A = arith.constant 0 : index
    %swap3A_17 = arith.constant 0 : index
    %swap3A_18 = vector.load %arg6[%swap3A, %swap3A_17] : memref<1024x128xf32, #tpu.memory_space<vmem>>, vector<1024x128xf32>
    tpu.vector_store %arg6[%swap3A, %swap3A_17], %add3A_16 {strides = array<i32>} : memref<1024x128xf32, #tpu.memory_space<vmem>>, vector<1024x128xf32>,
    return
  }
  func.func @transform_0(%arg0: i32) -> (i32, i32) {
    %c0_i32 = arith.constant 0 : i32
    %c0_i32_0 = arith.constant 0 : i32
    return %arg0, %c0_i32 : i32, i32
  }
  func.func @transform_1(%arg0: i32) -> (i32, i32) {
    %add3A = arith.constant 10 : i32
    %add3A_0 = arith.addi %arg0, %add3A : i32
    %c0_i32 = arith.constant 0 : i32
    %c0_i32_1 = arith.constant 0 : i32
    return %add3A_0, %c0_i32 : i32, i32
  }
  func.func @transform_2(%arg0: i32) -> (i32, i32) {
    %c0_i32 = arith.constant 0 : i32
    %c0_i32_0 = arith.constant 0 : i32
    return %arg0, %c0_i32 : i32, i32
  }
  func.func @transform_3(%arg0: i32) -> (i32, i32) {
    %c0_i32 = arith.constant 0 : i32
    %c0_i32_0 = arith.constant 0 : i32
    return %arg0, %c0_i32 : i32, i32
  }
  func.func @transform_4(%arg0: i32) -> (i32, i32) {
    %c0_i32 = arith.constant 0 : i32
    %c0_i32_0 = arith.constant 0 : i32
    %c0_i32_1 = arith.constant 0 : i32
    return %c0_i32, %c0_i32_0 : i32, i32
  }
  func.func @transform_5(%arg0: i32) -> (i32, i32) {
    %c0_i32 = arith.constant 0 : i32
    %c0_i32_0 = arith.constant 0 : i32
    return %arg0, %c0_i32 : i32, i32
  }
}

</mosaic_0001>

<sc_bundles>
// kernel: kernel.10.cloned.1.call-start
scs
__scs_entry_jumppad:
0x0: {  	(pc) =	sbr.rel $0x88, $3  }
0x1: {  	(tag) =	ssettag $0x0;
	lr =	simm.s32 $0x1  }
0x2: {  	[smem:$0x3F99] =	sst lr;
	_ =	strace $0xD0000000  }
0x3: {  	_ = 	snop  }
0x4: {  	_ = 	snop  }
0x5: {  	_ = 	snop  }
0x6: {  	_ = 	snop  }
0x7: {  	_ = 	snop  }
__scs_overlays_trampoline_lowered:
0x8: {  	[smem:$0x3FA8] =	sst s0  }
0x9: {  	[smem:$0x3FA9] =	sst s1  }
0xa: {  	[smem:$0x3FAA] =	sst s2  }
0xb: {  	[smem:$0x3FAB] =	sst s3  }
0xc: {  	[smem:$0x3FAC] =	sst s4  }
0xd: {  	[smem:$0x3FAD] =	sst s5  }
0xe: {  	[smem:$0x3FAE] =	sst s6  }
0xf: {  	[smem:$0x3FAF] =	sst s7  }
0x10: {  	[smem:$0x3FB0] =	sst s8  }
0x11: {  	[smem:$0x3FB1] =	sst s9;
	s0 =	simm.s32 @!p0 $0x0  }
0x12: {  	s1 =	sld [smem:$0x3F97];
	s0 =	simm.s32 @p0 $0x1  }
0x13: {  	[smem:$0x3FB2] =	sst s0;
	s0 =	simm.s32 @!p1 $0x0  }
0x14: {  	s2 =	sld [smem:$0x3F96];
	s0 =	simm.s32 @p1 $0x1  }
0x15: {  	[smem:$0x3FB3] =	sst s0;
	s0 =	simm.s32 @!p2 $0x0  }
0x16: {  	s3 =	sld [smem:$0x3FDB];
	s0 =	simm.s32 @p2 $0x1  }
0x17: {  	s4 =	simm.s32 $0x1BF5;
	[smem:$0x3FB5] =	sst s0  }
0x18: {  	s0 =	sld [smem:$0x3F98];
	_ =	swait.ge [sflag:s4], $0x0  }
0x19: {  	s7 =	sld [smem:$0x3F99]  }
0x1a: {  	s8 =	sadd.s32 $0xFFFFE003, lr  }
0x1b: {  	s9 =	sadd.s32 $0xFFFFFEF7, lr;
	s5 =	simm.s32 $0xFFFFFFFF;
	p2 =	slt.u32 s8, $0xFFFFF086  }
0x1c: {  	p1 =	slt.u32 s9, $0xF7A;
	s5 =	simm.s32 @!p2 $0x0  }
0x1d: {  	s5 =	simm.s32 @p1 $0x1;
	p0 =	seq.s32 s7, s2  }
0x1e: {  	s7 =	smul.u32 @!p0 $0xF7A, s2;
	p2 =	seq.s32 @!p0 s5, $0x0  }
0x1f: {  	s9 =	smul.u32 $0xF7A, s1;
	s8 =	simm.s32 @!p0 $0x1BF5;
	p2 =	por !p2, p0  }
0x20: {  	[sflag:s8] =	ssyncset.s32 @!p0 $0xFFFFF086;
	s6 =	sadd.s32 @!p0 s3, s7;
	s7 =	simm.s32 @!p0 $0x108  }
0x21: {  	s3 =	sadd.s32 s3, s9;
	s6 =	sadd.s32 @!p0 $0x88, s6;
	s7 =	simm.s32 @p2 $0x1082  }
0x22: {  	[simem:s7], [sflag:s8] =	dma.local @!p0 [hbm:s6], $0xF7A  }
0x23: {  	s9 =	sor.u32 $0xD0000000, s2;
	s6 =	simm.s32 $0x108;
	_ =	swait.ge @!p0 [sflag:s8], $0x0  }
0x24: {  	s3 =	sadd.s32 $0x88, s3;
	s6 =	simm.s32 @!p1 $0x1082;
	[sflag:s4] =	ssyncset.s32 $0xFFFFF086  }
0x25: {  	[simem:s6], [sflag:s4] =	dma.local [hbm:s3], $0xF7A  }
0x26: {  	[smem:$0x3F99] =	sst s1;
	(tag) =	ssettag s2;
	_ =	strace s9  }
0x27: {  	s1 =	sld [smem:$0x3FA9]  }
0x28: {  	s2 =	sld [smem:$0x3FAA]  }
0x29: {  	s4 =	sld [smem:$0x3FAC]  }
0x2a: {  	p0 =	seq.s32 s5, $0x0;
	s5 =	sld [smem:$0x3FAD]  }
0x2b: {  	s6 =	sld [smem:$0x3FAE]  }
0x2c: {  	s7 =	sld [smem:$0x3FAF]  }
0x2d: {  	s3 =	simm.s32 $0x108;
	s8 =	sld [smem:$0x3FB0]  }
0x2e: {  	s3 =	simm.s32 @!p0 $0x1082;
	s9 =	sld [smem:$0x3FB1]  }
0x2f: {  	lr =	sadd.s32 s0, s3;
	s0 =	sld [smem:$0x3FA8]  }
0x30: {  	s3 =	sld [smem:$0x3FAB]  }
0x31: {  	[smem:$0x3FB4] =	sst s10  }
0x32: {  	s10 =	sld [smem:$0x3FB2];
	_ =	sdelay $0x3  }
0x33: {  	p0 =	seq.s32 s10, $0x1;
	s10 =	sld [smem:$0x3FB4];
	_ =	sdelay $0x3  }
0x34: {  	[smem:$0x3FB4] =	sst s10  }
0x35: {  	s10 =	sld [smem:$0x3FB3];
	_ =	sdelay $0x3  }
0x36: {  	p1 =	seq.s32 s10, $0x1;
	s10 =	sld [smem:$0x3FB4];
	_ =	sdelay $0x3  }
0x37: {  	[smem:$0x3FB4] =	sst s10  }
0x38: {  	s10 =	sld [smem:$0x3FB5]  }
0x39: {  	_ = 	snop;
	(pc) =	sbr.ind lr, $3  }
0x3a: {  	_ = 	snop  }
0x3b: {  	_ = 	snop  }
0x3c: {  	p2 =	seq.s32 s10, $0x1;
	s10 =	sld [smem:$0x3FB4]  }
0x3d: {  	_ =	shalt  }
0x3e: {  	_ =	shalt  }
0x3f: {  	_ =	shalt  }
0x40: {  	_ =	shalt  }
0x41: {  	_ =	shalt  }
0x42: {  	_ =	shalt  }
0x43: {  	_ =	shalt  }
0x44: {  	_ =	shalt  }
0x45: {  	_ =	shalt  }
0x46: {  	_ =	shalt  }
0x47: {  	_ =	shalt  }
0x48: {  	_ =	shalt  }
0x49: {  	_ =	shalt  }
0x4a: {  	_ =	shalt  }
0x4b: {  	_ =	shalt  }
0x4c: {  	_ =	shalt  }
0x4d: {  	_ =	shalt  }
0x4e: {  	_ =	shalt  }
0x4f: {  	_ =	shalt  }
0x50: {  	_ =	shalt  }
0x51: {  	_ =	shalt  }
0x52: {  	_ =	shalt  }
0x53: {  	_ =	shalt  }
0x54: {  	_ =	shalt  }
0x55: {  	_ =	shalt  }
0x56: {  	_ =	shalt  }
0x57: {  	_ =	shalt  }
0x58: {  	_ =	shalt  }
0x59: {  	_ =	shalt  }
0x5a: {  	_ =	shalt  }
0x5b: {  	_ =	shalt  }
0x5c: {  	_ =	shalt  }
0x5d: {  	_ =	shalt  }
0x5e: {  	_ =	shalt  }
0x5f: {  	_ =	shalt  }
0x60: {  	_ =	shalt  }
0x61: {  	_ =	shalt  }
0x62: {  	_ =	shalt  }
0x63: {  	_ =	shalt  }
0x64: {  	_ =	shalt  }
0x65: {  	_ =	shalt  }
0x66: {  	_ =	shalt  }
0x67: {  	_ =	shalt  }
0x68: {  	_ =	shalt  }
0x69: {  	_ =	shalt  }
0x6a: {  	_ =	shalt  }
0x6b: {  	_ =	shalt  }
0x6c: {  	_ =	shalt  }
0x6d: {  	_ =	shalt  }
0x6e: {  	_ =	shalt  }
0x6f: {  	_ =	shalt  }
0x70: {  	_ =	shalt  }
0x71: {  	_ =	shalt  }
0x72: {  	_ =	shalt  }
0x73: {  	_ =	shalt  }
0x74: {  	_ =	shalt  }
0x75: {  	_ =	shalt  }
0x76: {  	_ =	shalt  }
0x77: {  	_ =	shalt  }
0x78: {  	_ =	shalt  }
0x79: {  	_ =	shalt  }
0x7a: {  	_ =	shalt  }
0x7b: {  	_ =	shalt  }
0x7c: {  	_ =	shalt  }
0x7d: {  	_ =	shalt  }
0x7e: {  	_ =	shalt  }
0x7f: {  	_ =	shalt  }
0x80: {  	_ =	shalt  }
0x81: {  	_ =	shalt  }
0x82: {  	_ =	shalt  }
0x83: {  	_ =	shalt  }
0x84: {  	_ =	shalt  }
0x85: {  	_ =	shalt  }
0x86: {  	_ =	shalt  }
0x87: {  	_ =	shalt  }
.Lfunc_end0:
.L_simem_size_0:
called_computation_lowered:
.L_overlay_start_0:
0x88: {  	s2 =	sld [smem:$0x3FD9]  }
0x89: {  	s3 =	sld [smem:$0x3FFE];
	_ =	sdelay $0x1  }
0x8a: {  	s1 =	srdreg.scid  }
0x8b: {  	s0 =	sand.u32 $0x1, s1  }
0x8c: {  	s17 =	sshll.u32 s0, $0xA;
	s2 =	sadd.s32 s3, s2  }
0x8d: {  	s2 =	sadd.s32 s2, s17  }
0x8e: {  	[smem:$0x3FC0] =	sst s2  }
0x8f: {  	_ = 	snop  }
0x90: {  	s2 =	sld [smem:$0x3FD0];
	(tm) =	ssettm $0x1  }
0x91: {  	s18 =	sld [smem:$0x3FFB];
	_ =	sdelay $0x3  }
0x92: {  	_ =	strace s18  }
0x93: {  	s3 =	sld [smem:$0x3FFC];
	_ =	sdelay $0x3  }
0x94: {  	_ =	strace s3  }
0x95: {  	s3 =	sld [smem:$0x3FFD];
	_ =	sdelay $0x3  }
0x96: {  	_ =	strace s3  }
0x97: {  	_ =	strace $0x8FFFFFFF  }
0x98: {  	s19 =	sld [smem:$0x3FDB];
	_ =	sdelay $0x1  }
0x99: {  	s4 =	simm.s32 $_scs_section_size  }
0x9a: {  	s5 =	simm.s32 $_size__tile_overlayer_lowered;
	s6 =	simm.s32 $_tile_overlayer_lowered  }
0x9b: {  	s22 =	simm.s32 $0x1BFF;
	s21 =	sshll.u32 s6, $0x1;
	s3 =	sadd.s32 s4, s19  }
0x9c: {  	s7 =	simm.s32 $0x0;
	s20 =	sshll.u32 s5, $0x1;
	s5 =	sadd.s32 s21, s3  }
0x9d: {  	[timem:s7], [sflag:s22] =	dma.local [hbm:s5], s20  }
0x9e: {  	_ =	swait.ge [sflag:s22], s20  }
0x9f: {  	s4 =	ssub.s32 $0x0, s20;
	[sflag:s22] =	ssyncset.done $0x0  }
0xa0: {  	[sflag:s22] =	ssyncadd.s32 s4;
	_ =	sdelay $0x1  }
0xa1: {  	s23 =	simm.s32 $0x1B8B  }
0xa2: {  	_ =	swait.ge [sflag:s23], $0x1  }
0xa3: {  	[sflag:s23] =	ssyncset.done $0x0  }
0xa4: {  	s25 =	simm.s32 $0x1B8E;
	s24 =	sld [smem:$0x3FFE];
	[sflag:s23] =	ssyncadd.s32 $0xFFFFFFFF  }
0xa5: {  	s26 =	simm.s32 $execute0_lowered;
	[smem:$0x3FD2] =	sst s25  }
0xa6: {  	s5 =	sshll.u32 s26, $0x1;
	_ =	strace $0x80000046;
	[dreg:$0x1] =	wrdreg $0xFFFFFFFF  }
0xa7: {  	s28 =	simm.s32 $_size_execute0_lowered;
	s3 =	sadd.s32 s3, s5;
	[dreg:$0x0] =	wrdreg $0x0  }
0xa8: {  	s5 =	sshll.u32 s28, $0x1;
	[dreg:$0x2] =	wrdreg s3  }
0xa9: {  	[dreg:$0x3] =	wrdreg s5  }
0xaa: {  	[dreg:$0x4] =	wrdreg $0xC0  }
0xab: {  	_ =	task [dreg:s7], $0x5FFFF  }
0xac: {  	[dreg:$0x1] =	wrdreg $0xFFFFFFFF  }
0xad: {  	[dreg:$0x0] =	wrdreg $0x60  }
0xae: {  	[dreg:$0x2] =	wrdreg s2  }
0xaf: {  	[dreg:$0x3] =	wrdreg s24  }
0xb0: {  	[dreg:$0x4] =	wrdreg $0x9  }
0xb1: {  	_ =	task.clear_ibuf [dreg:s7], $0x5FFFF;
	_ =	strace $0x90000046  }
0xb2: {  	s29 =	simm.s32 $0x9;
	_ =	strace $0x80000048  }
0xb3: {  	_ =	swait.ge [sflag:s29], $0x1  }
0xb4: {  	[sflag:s29] =	ssyncadd.s32 $0xFFFFFFFF  }
0xb5: {  	_ =	strace $0x90000048  }
0xb6: {  	_ =	sfence  }
0xb7: {  	s30 =	sld [smem:$0x0];
	_ =	sdelay $0x2  }
0xb8: {  	s31 =	sshll.u32 s1, $0xD;
	s1 =	sshrl.u32 s1, $0x2  }
0xb9: {  	s3 =	sand.u32 $0x4000, s31;
	s1 =	sadd.s32 s1, s30  }
0xba: {  	s0 =	sor.u32 s3, s0;
	s1 =	sshll.u32 s1, $0x11  }
0xbb: {  	s0 =	sor.u32 s1, s0  }
0xbc: {  	s0 =	sadd.s32 $0x8F2B, s0  }
0xbd: {  	[sflag:s0] =	ssyncadd.remote.s32 $0x1  }
0xbe: {  	_ =	sfence.sel $0xFFFF  }
0xbf: {  	[dreg:$0x0] =	wrdreg $0xFFFFFFFF;
	(pc) =	sbr.abs _section_cstart, $3  }
0xc0: {  	[dreg:$0x1] =	wrdreg $0xFFFFFFFF  }
0xc1: {  	_ =	task.clear_ibuf [dreg:s7], $0x2FFFF;
	_ =	strace $0x9FFFFFFF  }
0xc2: {  	(tm) =	ssettm $0x7FFFFFFF  }
0xc3: {  	_ =	shalt  }
tec
execute0_lowered:
.L_overlay_start_1:
0x0: {  	(tag) =	ssettag $0x1  }
0x1: {  	s0 =	srdreg.scid;
	s5 =	rddreg [dreg:$0x0]  }
0x2: {  	s6 =	rddreg [dreg:$0x1];
	s3 =	sand.u32 $0x1, s0  }
0x3: {  	s2 =	simm.s32 $0x0;
	s0 =	stileid.u32;
	s1 =	sshll.u32 s3, $0x4  }
0x4: {  	s9 =	simm.s32 $0x400;
	s10 =	simm.s32 $0x2;
	s4 =	sor.u32 s0, s1  }
0x5: {  	s11 =	simm.s32 $0x0;
	[smem:$0x7FF] =	sst s2;
	s1 =	sshrl.u32 s4, $0x3  }
0x6: {  	s8 =	sshll.u32 s0, $0x7;
	s3 =	ssub.s32 $0x2, s3;
	s7 =	smul.u32 $0x14000, s1  }
0x7: {  	s8 =	sand.u32 $0x380, s8;
	s30 =	sshrl.u32 s3, $0x1;
	s4 =	smul.u32 $0xA00, s4  }
0x8: {  	s31 =	ssub.s32 s3, s30;
	s1 =	rddreg [dreg:$0x2];
	s7 =	sor.u32 s8, s7  }
0x9: {  	_ =	strace $0x80000047;
	s3 =	sadd.s32 s5, s4;
	s7 =	sshrl.u32 s7, $0x3  }
0xa: {  	s5 =	smax.u32 s31, $0x1;
	s8 =	simm.s32 $0x80;
	s6 =	sadd.s32 s7, s6  }
0xb: {  	v0 =	vimm.f32 $0.0e+00;
	v1 =	vimm.f32 $1.000000000e+00;
	s7 =	simm.s32 $0x5000;
	s4 =	sadd.s32 $0x2600, s6;
	s6 =	simm.s32 $0x1  }
.LBB2_1:
0xc: {  	[tilespmem:s2], [sflag:$0x1] =	stream.linear.gather [hbm4b:s3+s2], $0x5000, $0x38;
	[tilespmem:$0x7800] =	vst v63  }
0xd: {  	_ =	swait.ge [sflag:s6], $0x5000  }
0xe: {  	[sflag:s6] =	ssyncset.done $0x0  }
0xf: {  	s12 =	simm.s32 $0x0;
	[sflag:s6] =	ssyncadd.s32 $0xFFFFB000  }
.LBB2_2:
0x10: {  	p0 =	sne.s32 s12, $0x9FC0  }
.Ltmp0:
0x11: {  	_ = 	snop;
	(pc) =	sbr.rel @p0 .LBB2_2-.Ltmp0, $3  }
0x12: {  	_ =	sdelay $0x1  }
0x13: {  	s13 =	sshra.s32 s12, $0x2  }
0x14: {  	s12 =	sadd.s32 $0x40, s12;
	[tilespmem:s13+$0x5000] =	vst v0  }
0x15: {  	s12 =	simm.s32 $0x0  }
.LBB2_4:
0x16: {  	s13 =	sshra.s32 s12, $0x2  }
0x17: {  	v2 =	vld [tilespmem:s13+$0x0];
	_ =	sdelay $0x7  }
0x18: {  	[tilespmem:v2+s7+$0x0] =	vst.idx.add.f32.msk $0xffff, v1  }
0x19: {  	v2 =	vld [tilespmem:s13+$0x10];
	_ =	sdelay $0x7  }
0x1a: {  	[tilespmem:v2+s7+$0x0] =	vst.idx.add.f32.msk $0xffff, v1  }
0x1b: {  	v2 =	vld [tilespmem:s13+$0x20];
	_ =	sdelay $0x7  }
0x1c: {  	[tilespmem:v2+s7+$0x0] =	vst.idx.add.f32.msk $0xffff, v1  }
0x1d: {  	v2 =	vld [tilespmem:s13+$0x30];
	_ =	sdelay $0x2  }
0x1e: {  	p0 =	sne.s32 s12, $0x13E00  }
.Ltmp1:
0x1f: {  	_ = 	snop;
	(pc) =	sbr.rel @p0 .LBB2_4-.Ltmp1, $2  }
0x20: {  	_ =	sdelay $0x2  }
0x21: {  	s12 =	sadd.s32 $0x200, s12;
	[tilespmem:v2+s7+$0x0] =	vst.idx.add.f32.msk $0xffff, v1  }
0x22: {  	s11 =	sadd.s32 $0x1, s11  }
0x23: {  	p0 =	sne.s32 s11, s5  }
.Ltmp2:
0x24: {  	_ = 	snop;
	(pc) =	sbr.rel @p0 .LBB2_1-.Ltmp2, $4  }
0x25: {  	[hbm4b:s4+s8] =	stream.strided.scatter [tilespmem:s7], [sflag:$0x2], $0x2800, s9, s8, $0x38;
	[tilespmem:$0x7800] =	vst v63  }
0x26: {  	_ =	swait.ge [sflag:s10], $0x2800  }
0x27: {  	[sflag:s10] =	ssyncset.done $0x0  }
0x28: {  	[sflag:s10] =	ssyncadd.s32 $0xFFFFD800  }
0x29: {  	_ =	sfence.sel $0x180000  }
0x2a: {  	[bflag:$0x0] =	sbarrier.arrive $0xFFFF  }
0x2b: {  	p0 =	sne.s32 s0, $0x0;
	_ =	strace $0x90000047  }
0x2c: {  	s0 =	sadd.s32 @!p0 $0x100000, s1;
	[bflag:$0x2] =	sbarrier.arrive $0xFFFF  }
0x2d: {  	[sflag:s0] =	ssyncadd.tile.s32 @!p0 $0x1;
	_ =	shalt  }
.Lfunc_end2:
_tile_overlayer_lowered:
.L_overlay_start_2:
0x2e: {  	(tag) =	ssettag $0x2  }
0x2f: {  	s0 =	rddreg [dreg:$0x0];
	s2 =	stileid.u32  }
0x30: {  	s1 =	rddreg [dreg:$0x1];
	p0 =	sne.s32 s2, $0x0  }
0x31: {  	s3 =	rddreg [dreg:$0x2];
	[bflag:$0x3] =	sbarrier.arrive $0xFFFF;
	s2 =	simm.s32 @!p0 $0x1C03  }
0x32: {  	[timem:s3], [sflag:s2] =	dma.local @!p0 [hbm:s0], s1  }
0x33: {  	s0 =	simm.s32 @!p0 $0x3  }
0x34: {  	_ =	swait.ge @!p0 [sflag:s0], s1  }
0x35: {  	s1 =	ssub.s32 @!p0 $0x0, s1;
	[sflag:s0] =	ssyncset.done @!p0 $0x0  }
0x36: {  	[sflag:s0] =	ssyncadd.s32 @!p0 s1  }
0x37: {  	[bflag:$0x3] =	sbarrier.arrive $0xFFFF  }
0x38: {  	_ =	shalt  }

// kernel: kernel.13.cloned.1.call-start
scs
__scs_entry_jumppad:
0x0: {  	(pc) =	sbr.rel $0x88, $3  }
0x1: {  	(tag) =	ssettag $0x0;
	lr =	simm.s32 $0x1  }
0x2: {  	[smem:$0x3F99] =	sst lr;
	_ =	strace $0xD0000000  }
0x3: {  	_ = 	snop  }
0x4: {  	_ = 	snop  }
0x5: {  	_ = 	snop  }
0x6: {  	_ = 	snop  }
0x7: {  	_ = 	snop  }
__scs_overlays_trampoline_lowered:
0x8: {  	[smem:$0x3FA8] =	sst s0  }
0x9: {  	[smem:$0x3FA9] =	sst s1  }
0xa: {  	[smem:$0x3FAA] =	sst s2  }
0xb: {  	[smem:$0x3FAB] =	sst s3  }
0xc: {  	[smem:$0x3FAC] =	sst s4  }
0xd: {  	[smem:$0x3FAD] =	sst s5  }
0xe: {  	[smem:$0x3FAE] =	sst s6  }
0xf: {  	[smem:$0x3FAF] =	sst s7  }
0x10: {  	[smem:$0x3FB0] =	sst s8  }
0x11: {  	[smem:$0x3FB1] =	sst s9;
	s0 =	simm.s32 @!p0 $0x0  }
0x12: {  	s1 =	sld [smem:$0x3F97];
	s0 =	simm.s32 @p0 $0x1  }
0x13: {  	[smem:$0x3FB2] =	sst s0;
	s0 =	simm.s32 @!p1 $0x0  }
0x14: {  	s2 =	sld [smem:$0x3F96];
	s0 =	simm.s32 @p1 $0x1  }
0x15: {  	[smem:$0x3FB3] =	sst s0;
	s0 =	simm.s32 @!p2 $0x0  }
0x16: {  	s3 =	sld [smem:$0x3FDB];
	s0 =	simm.s32 @p2 $0x1  }
0x17: {  	s4 =	simm.s32 $0x1BF5;
	[smem:$0x3FB5] =	sst s0  }
0x18: {  	s0 =	sld [smem:$0x3F98];
	_ =	swait.ge [sflag:s4], $0x0  }
0x19: {  	s7 =	sld [smem:$0x3F99]  }
0x1a: {  	s8 =	sadd.s32 $0xFFFFE003, lr  }
0x1b: {  	s9 =	sadd.s32 $0xFFFFFEF7, lr;
	s5 =	simm.s32 $0xFFFFFFFF;
	p2 =	slt.u32 s8, $0xFFFFF086  }
0x1c: {  	p1 =	slt.u32 s9, $0xF7A;
	s5 =	simm.s32 @!p2 $0x0  }
0x1d: {  	s5 =	simm.s32 @p1 $0x1;
	p0 =	seq.s32 s7, s2  }
0x1e: {  	s7 =	smul.u32 @!p0 $0xF7A, s2;
	p2 =	seq.s32 @!p0 s5, $0x0  }
0x1f: {  	s9 =	smul.u32 $0xF7A, s1;
	s8 =	simm.s32 @!p0 $0x1BF5;
	p2 =	por !p2, p0  }
0x20: {  	[sflag:s8] =	ssyncset.s32 @!p0 $0xFFFFF086;
	s6 =	sadd.s32 @!p0 s3, s7;
	s7 =	simm.s32 @!p0 $0x108  }
0x21: {  	s3 =	sadd.s32 s3, s9;
	s6 =	sadd.s32 @!p0 $0x88, s6;
	s7 =	simm.s32 @p2 $0x1082  }
0x22: {  	[simem:s7], [sflag:s8] =	dma.local @!p0 [hbm:s6], $0xF7A  }
0x23: {  	s9 =	sor.u32 $0xD0000000, s2;
	s6 =	simm.s32 $0x108;
	_ =	swait.ge @!p0 [sflag:s8], $0x0  }
0x24: {  	s3 =	sadd.s32 $0x88, s3;
	s6 =	simm.s32 @!p1 $0x1082;
	[sflag:s4] =	ssyncset.s32 $0xFFFFF086  }
0x25: {  	[simem:s6], [sflag:s4] =	dma.local [hbm:s3], $0xF7A  }
0x26: {  	[smem:$0x3F99] =	sst s1;
	(tag) =	ssettag s2;
	_ =	strace s9  }
0x27: {  	s1 =	sld [smem:$0x3FA9]  }
0x28: {  	s2 =	sld [smem:$0x3FAA]  }
0x29: {  	s4 =	sld [smem:$0x3FAC]  }
0x2a: {  	p0 =	seq.s32 s5, $0x0;
	s5 =	sld [smem:$0x3FAD]  }
0x2b: {  	s6 =	sld [smem:$0x3FAE]  }
0x2c: {  	s7 =	sld [smem:$0x3FAF]  }
0x2d: {  	s3 =	simm.s32 $0x108;
	s8 =	sld [smem:$0x3FB0]  }
0x2e: {  	s3 =	simm.s32 @!p0 $0x1082;
	s9 =	sld [smem:$0x3FB1]  }
0x2f: {  	lr =	sadd.s32 s0, s3;
	s0 =	sld [smem:$0x3FA8]  }
0x30: {  	s3 =	sld [smem:$0x3FAB]  }
0x31: {  	[smem:$0x3FB4] =	sst s10  }
0x32: {  	s10 =	sld [smem:$0x3FB2];
	_ =	sdelay $0x3  }
0x33: {  	p0 =	seq.s32 s10, $0x1;
	s10 =	sld [smem:$0x3FB4];
	_ =	sdelay $0x3  }
0x34: {  	[smem:$0x3FB4] =	sst s10  }
0x35: {  	s10 =	sld [smem:$0x3FB3];
	_ =	sdelay $0x3  }
0x36: {  	p1 =	seq.s32 s10, $0x1;
	s10 =	sld [smem:$0x3FB4];
	_ =	sdelay $0x3  }
0x37: {  	[smem:$0x3FB4] =	sst s10  }
0x38: {  	s10 =	sld [smem:$0x3FB5]  }
0x39: {  	_ = 	snop;
	(pc) =	sbr.ind lr, $3  }
0x3a: {  	_ = 	snop  }
0x3b: {  	_ = 	snop  }
0x3c: {  	p2 =	seq.s32 s10, $0x1;
	s10 =	sld [smem:$0x3FB4]  }
0x3d: {  	_ =	shalt  }
0x3e: {  	_ =	shalt  }
0x3f: {  	_ =	shalt  }
0x40: {  	_ =	shalt  }
0x41: {  	_ =	shalt  }
0x42: {  	_ =	shalt  }
0x43: {  	_ =	shalt  }
0x44: {  	_ =	shalt  }
0x45: {  	_ =	shalt  }
0x46: {  	_ =	shalt  }
0x47: {  	_ =	shalt  }
0x48: {  	_ =	shalt  }
0x49: {  	_ =	shalt  }
0x4a: {  	_ =	shalt  }
0x4b: {  	_ =	shalt  }
0x4c: {  	_ =	shalt  }
0x4d: {  	_ =	shalt  }
0x4e: {  	_ =	shalt  }
0x4f: {  	_ =	shalt  }
0x50: {  	_ =	shalt  }
0x51: {  	_ =	shalt  }
0x52: {  	_ =	shalt  }
0x53: {  	_ =	shalt  }
0x54: {  	_ =	shalt  }
0x55: {  	_ =	shalt  }
0x56: {  	_ =	shalt  }
0x57: {  	_ =	shalt  }
0x58: {  	_ =	shalt  }
0x59: {  	_ =	shalt  }
0x5a: {  	_ =	shalt  }
0x5b: {  	_ =	shalt  }
0x5c: {  	_ =	shalt  }
0x5d: {  	_ =	shalt  }
0x5e: {  	_ =	shalt  }
0x5f: {  	_ =	shalt  }
0x60: {  	_ =	shalt  }
0x61: {  	_ =	shalt  }
0x62: {  	_ =	shalt  }
0x63: {  	_ =	shalt  }
0x64: {  	_ =	shalt  }
0x65: {  	_ =	shalt  }
0x66: {  	_ =	shalt  }
0x67: {  	_ =	shalt  }
0x68: {  	_ =	shalt  }
0x69: {  	_ =	shalt  }
0x6a: {  	_ =	shalt  }
0x6b: {  	_ =	shalt  }
0x6c: {  	_ =	shalt  }
0x6d: {  	_ =	shalt  }
0x6e: {  	_ =	shalt  }
0x6f: {  	_ =	shalt  }
0x70: {  	_ =	shalt  }
0x71: {  	_ =	shalt  }
0x72: {  	_ =	shalt  }
0x73: {  	_ =	shalt  }
0x74: {  	_ =	shalt  }
0x75: {  	_ =	shalt  }
0x76: {  	_ =	shalt  }
0x77: {  	_ =	shalt  }
0x78: {  	_ =	shalt  }
0x79: {  	_ =	shalt  }
0x7a: {  	_ =	shalt  }
0x7b: {  	_ =	shalt  }
0x7c: {  	_ =	shalt  }
0x7d: {  	_ =	shalt  }
0x7e: {  	_ =	shalt  }
0x7f: {  	_ =	shalt  }
0x80: {  	_ =	shalt  }
0x81: {  	_ =	shalt  }
0x82: {  	_ =	shalt  }
0x83: {  	_ =	shalt  }
0x84: {  	_ =	shalt  }
0x85: {  	_ =	shalt  }
0x86: {  	_ =	shalt  }
0x87: {  	_ =	shalt  }
.Lfunc_end0:
.L_simem_size_0:
called_computation.1_lowered:
.L_overlay_start_0:
0x88: {  	s2 =	sld [smem:$0x3FD9]  }
0x89: {  	s3 =	sld [smem:$0x3FFE];
	_ =	sdelay $0x1  }
0x8a: {  	s1 =	srdreg.scid  }
0x8b: {  	s0 =	sand.u32 $0x1, s1  }
0x8c: {  	s17 =	sshll.u32 s0, $0xA;
	s2 =	sadd.s32 s3, s2  }
0x8d: {  	s2 =	sadd.s32 s2, s17  }
0x8e: {  	[smem:$0x3FC0] =	sst s2  }
0x8f: {  	_ = 	snop  }
0x90: {  	s2 =	sld [smem:$0x3FD0];
	(tm) =	ssettm $0x1  }
0x91: {  	s18 =	sld [smem:$0x3FFB];
	_ =	sdelay $0x3  }
0x92: {  	_ =	strace s18  }
0x93: {  	s3 =	sld [smem:$0x3FFC];
	_ =	sdelay $0x3  }
0x94: {  	_ =	strace s3  }
0x95: {  	s3 =	sld [smem:$0x3FFD];
	_ =	sdelay $0x3  }
0x96: {  	_ =	strace s3  }
0x97: {  	_ =	strace $0x8FFFFFFF  }
0x98: {  	s19 =	sld [smem:$0x3FDB];
	_ =	sdelay $0x1  }
0x99: {  	s4 =	simm.s32 $_scs_section_size  }
0x9a: {  	s5 =	simm.s32 $_size__tile_overlayer_lowered;
	s6 =	simm.s32 $_tile_overlayer_lowered  }
0x9b: {  	s22 =	simm.s32 $0x1BFF;
	s21 =	sshll.u32 s6, $0x1;
	s3 =	sadd.s32 s4, s19  }
0x9c: {  	s7 =	simm.s32 $0x0;
	s20 =	sshll.u32 s5, $0x1;
	s5 =	sadd.s32 s21, s3  }
0x9d: {  	[timem:s7], [sflag:s22] =	dma.local [hbm:s5], s20  }
0x9e: {  	_ =	swait.ge [sflag:s22], s20  }
0x9f: {  	s4 =	ssub.s32 $0x0, s20;
	[sflag:s22] =	ssyncset.done $0x0  }
0xa0: {  	[sflag:s22] =	ssyncadd.s32 s4;
	_ =	sdelay $0x1  }
0xa1: {  	s23 =	simm.s32 $0x1B8B  }
0xa2: {  	_ =	swait.ge [sflag:s23], $0x1  }
0xa3: {  	[sflag:s23] =	ssyncset.done $0x0  }
0xa4: {  	s25 =	simm.s32 $0x1B8E;
	s24 =	sld [smem:$0x3FFE];
	[sflag:s23] =	ssyncadd.s32 $0xFFFFFFFF  }
0xa5: {  	s26 =	simm.s32 $execute0_lowered;
	[smem:$0x3FD2] =	sst s25  }
0xa6: {  	s5 =	sshll.u32 s26, $0x1;
	_ =	strace $0x80000049;
	[dreg:$0x1] =	wrdreg $0xFFFFFFFF  }
0xa7: {  	s28 =	simm.s32 $_size_execute0_lowered;
	s3 =	sadd.s32 s3, s5;
	[dreg:$0x0] =	wrdreg $0x0  }
0xa8: {  	s5 =	sshll.u32 s28, $0x1;
	[dreg:$0x2] =	wrdreg s3  }
0xa9: {  	[dreg:$0x3] =	wrdreg s5  }
0xaa: {  	[dreg:$0x4] =	wrdreg $0xC0  }
0xab: {  	_ =	task [dreg:s7], $0x5FFFF  }
0xac: {  	[dreg:$0x1] =	wrdreg $0xFFFFFFFF  }
0xad: {  	[dreg:$0x0] =	wrdreg $0x60  }
0xae: {  	[dreg:$0x2] =	wrdreg s24  }
0xaf: {  	[dreg:$0x3] =	wrdreg s2  }
0xb0: {  	[dreg:$0x4] =	wrdreg $0xA8000  }
0xb1: {  	[dreg:$0x5] =	wrdreg $0x9  }
0xb2: {  	_ =	task.clear_ibuf [dreg:s7], $0x6FFFF;
	_ =	strace $0x90000049  }
0xb3: {  	s29 =	simm.s32 $0x9;
	_ =	strace $0x8000004B  }
0xb4: {  	_ =	swait.ge [sflag:s29], $0x1  }
0xb5: {  	[sflag:s29] =	ssyncadd.s32 $0xFFFFFFFF  }
0xb6: {  	_ =	strace $0x9000004B  }
0xb7: {  	_ =	sfence  }
0xb8: {  	s30 =	sld [smem:$0x0];
	_ =	sdelay $0x2  }
0xb9: {  	s31 =	sshll.u32 s1, $0xD;
	s1 =	sshrl.u32 s1, $0x2  }
0xba: {  	s3 =	sand.u32 $0x4000, s31;
	s1 =	sadd.s32 s1, s30  }
0xbb: {  	s0 =	sor.u32 s3, s0;
	s1 =	sshll.u32 s1, $0x11  }
0xbc: {  	s0 =	sor.u32 s1, s0  }
0xbd: {  	s0 =	sadd.s32 $0x8F2B, s0  }
0xbe: {  	[sflag:s0] =	ssyncadd.remote.s32 $0x1  }
0xbf: {  	_ =	sfence.sel $0xFFFF  }
0xc0: {  	[dreg:$0x0] =	wrdreg $0xFFFFFFFF;
	(pc) =	sbr.abs _section_cstart, $3  }
0xc1: {  	[dreg:$0x1] =	wrdreg $0xFFFFFFFF  }
0xc2: {  	_ =	task.clear_ibuf [dreg:s7], $0x2FFFF;
	_ =	strace $0x9FFFFFFF  }
0xc3: {  	(tm) =	ssettm $0x7FFFFFFF  }
tec
execute0_lowered:
.L_overlay_start_1:
0x0: {  	(tag) =	ssettag $0x1  }
0x1: {  	s0 =	rddreg [dreg:$0x0]  }
0x2: {  	s1 =	rddreg [dreg:$0x1]  }
0x3: {  	s2 =	rddreg [dreg:$0x2]  }
0x4: {  	s3 =	srdreg.scid;
	s11 =	stileid.u32;
	s28 =	simm.s32 $0x1  }
0x5: {  	s29 =	simm.s32 $0x5;
	s30 =	simm.s32 $0x2;
	s31 =	simm.s32 $0x6  }
0x6: {  	s5 =	sand.u32 $0x1, s3;
	s3 =	simm.s32 $0x0;
	s6 =	smul.u32 $0x2800, s11  }
0x7: {  	s10 =	sadd.s32 $0xC600, s0;
	s4 =	sshll.u32 s5, $0x4;
	[smem:$0x7FF] =	sst s3  }
0x8: {  	s7 =	smul.u32 $0x28000, s5;
	s5 =	ssub.s32 $0x2, s5;
	s8 =	sor.u32 s11, s4  }
0x9: {  	_ =	strace $0x8000004A;
	s4 =	sadd.s32 $0x20600, s0;
	s11 =	smul.u32 $0x50000, s11  }
0xa: {  	s12 =	sshrl.u32 s5, $0x1;
	s9 =	smul.u32 $0xA00, s8;
	s7 =	sadd.s32 s6, s7  }
0xb: {  	s8 =	smul.u32 $0x5000, s8;
	s5 =	ssub.s32 s5, s12;
	s6 =	sadd.s32 s4, s6  }
0xc: {  	s0 =	sadd.s32 s7, s0;
	s19 =	sshrl.u32 s11, $0x2;
	[dreg:$0x7] =	wrdreg s6  }
0xd: {  	s26 =	smax.u32 s5, $0x1;
	s5 =	simm.s32 $0x4;
	s11 =	simm.s32 $0x0  }
0xe: {  	s17 =	sadd.s32 s10, s9;
	s18 =	sadd.s32 s1, s9;
	[dreg:$0xf] =	wrdreg s26  }
0xf: {  	s8 =	sshrl.u32 s8, $0x3;
	s7 =	sadd.s32 s19, s2;
	[dreg:$0x4] =	wrdreg s17  }
0x10: {  	s0 =	sadd.s32 $0x48600, s0;
	s19 =	simm.s32 $0x40;
	[dreg:$0x5] =	wrdreg s18  }
0x11: {  	s26 =	simm.s32 $0x8800;
	s9 =	simm.s32 $0x2700;
	[dreg:$0x6] =	wrdreg s7  }
0x12: {  	s20 =	sadd.s32 $0x280, s8;
	s22 =	sadd.s32 $0x500, s8;
	s24 =	sadd.s32 $0x780, s8  }
0x13: {  	[dreg:$0xe] =	wrdreg s0;
	s17 =	simm.s32 $0x9;
	s18 =	simm.s32 $0x1400  }
0x14: {  	s0 =	simm.s32 $0x3;
	s7 =	simm.s32 $0x2600;
	s21 =	sadd.s32 s10, s20  }
0x15: {  	s8 =	simm.s32 $0x2680;
	s6 =	sadd.s32 s1, s20;
	[dreg:$0x8] =	wrdreg s21  }
0x16: {  	s23 =	sadd.s32 s10, s22;
	s25 =	sadd.s32 s10, s24;
	[dreg:$0x9] =	wrdreg s6  }
0x17: {  	s20 =	simm.s32 $0x2800;
	s10 =	simm.s32 $0x2780;
	[dreg:$0xa] =	wrdreg s23  }
0x18: {  	s6 =	sadd.s32 s1, s22;
	[dreg:$0xc] =	wrdreg s25;
	s1 =	sadd.s32 s1, s24  }
0x19: {  	s21 =	simm.s32 $0x80;
	s22 =	simm.s32 $0x4800;
	s23 =	simm.s32 $0x100  }
0x1a: {  	s24 =	simm.s32 $0x6800;
	s25 =	simm.s32 $0x180;
	[dreg:$0xb] =	wrdreg s6  }
0x1b: {  	[dreg:$0xd] =	wrdreg s1;
	s1 =	simm.s32 $0x7;
	s6 =	simm.s32 $0x8  }
.LBB2_1:
0x1c: {  	s12 =	rddreg [dreg:$0x4]  }
0x1d: {  	[tilespmem:s3], [sflag:$0x9] =	stream.linear.gather [hbm4b:s12+s3], $0x1400, $0x38;
	[tilespmem:$0x1E800] =	vst v63  }
0x1e: {  	_ =	swait.ge [sflag:s17], $0x1400  }
0x1f: {  	[sflag:s17] =	ssyncset.done $0x0  }
0x20: {  	s14 =	rddreg [dreg:$0x5];
	[sflag:s17] =	ssyncadd.s32 $0xFFFFEC00  }
0x21: {  	[tilespmem:s18], [sflag:$0x9] =	stream.linear.gather [hbm4b:s14+s3], $0x1400, $0x38;
	[tilespmem:$0x1E800] =	vst v63  }
0x22: {  	_ =	swait.ge [sflag:s17], $0x1400  }
0x23: {  	[sflag:s17] =	ssyncset.done $0x0  }
0x24: {  	[sflag:s17] =	ssyncadd.s32 $0xFFFFEC00  }
0x25: {  	[tilespmem:s20], [sflag:$0x1] =	stream.indirect.gather [hbm4b:s4+s19], $0x80, s3, s19, $0xb8;
	[tilespmem:$0x1E800] =	vst v63  }
0x26: {  	s15 =	stileid.u32  }
0x27: {  	[tilespmem:s22], [sflag:$0x2] =	stream.indirect.gather [hbm4b:s4+s19], $0x80, s21, s19, $0xb8;
	[tilespmem:$0x1E800] =	vst v63  }
0x28: {  	s12 =	sshll.u32 s15, $0x6;
	s13 =	rddreg [dreg:$0x6]  }
0x29: {  	[tilespmem:s24], [sflag:$0x3] =	stream.indirect.gather [hbm4b:s4+s19], $0x80, s23, s19, $0xb8;
	[tilespmem:$0x1E800] =	vst v63  }
0x2a: {  	s12 =	sor.u32 $0x1C09, s12;
	s14 =	rddreg [dreg:$0x7];
	s13 =	sshrl.u32 s13, $0x3  }
0x2b: {  	[tilespmem:s26], [sflag:$0x4] =	stream.indirect.gather [hbm4b:s4+s19], $0x80, s25, s19, $0xb8;
	[tilespmem:$0x1E800] =	vst v63  }
0x2c: {  	[spmem:s13], [sflag:s12] =	dma.local [hbm:s14], $0x2800  }
0x2d: {  	_ =	swait.ge [sflag:s17], $0x2800  }
0x2e: {  	[sflag:s17] =	ssyncset.done $0x0  }
0x2f: {  	[sflag:s17] =	ssyncadd.s32 $0xFFFFD800  }
0x30: {  	[bflag:$0x0] =	sbarrier.arrive $0xFFFF  }
0x31: {  	_ =	swait.ge [sflag:s28], $0x2000  }
0x32: {  	[sflag:s28] =	ssyncset.done $0x0  }
0x33: {  	s16 =	simm.s32 $0x1400;
	[sflag:s28] =	ssyncadd.s32 $0xFFFFE000  }
0x34: {  	[spmem:s2] =	stream.indirect.scatter.add.f32 [tilespmem:s20], [sflag:$0x5], $0x80, s16, s19, $0xb8;
	[tilespmem:$0x1E800] =	vst v63  }
0x35: {  	_ =	swait.ge [sflag:s29], $0x2000  }
0x36: {  	[sflag:s29] =	ssyncset.done $0x0  }
0x37: {  	s15 =	simm.s32 $0x200;
	[sflag:s29] =	ssyncadd.s32 $0xFFFFE000  }
0x38: {  	[tilespmem:s20], [sflag:$0x1] =	stream.indirect.gather [hbm4b:s4+s19], $0x80, s15, s19, $0xb8;
	[tilespmem:$0x1E800] =	vst v63  }
0x39: {  	_ =	swait.ge [sflag:s30], $0x2000  }
0x3a: {  	[sflag:s30] =	ssyncset.done $0x0  }
0x3b: {  	s16 =	simm.s32 $0x1480;
	[sflag:s30] =	ssyncadd.s32 $0xFFFFE000  }
0x3c: {  	[spmem:s2] =	stream.indirect.scatter.add.f32 [tilespmem:s22], [sflag:$0x6], $0x80, s16, s19, $0xb8;
	[tilespmem:$0x1E800] =	vst v63  }
0x3d: {  	_ =	swait.ge [sflag:s31], $0x2000  }
0x3e: {  	[sflag:s31] =	ssyncset.done $0x0  }
0x3f: {  	s15 =	simm.s32 $0x280;
	[sflag:s31] =	ssyncadd.s32 $0xFFFFE000  }
0x40: {  	[tilespmem:s22], [sflag:$0x2] =	stream.indirect.gather [hbm4b:s4+s19], $0x80, s15, s19, $0xb8;
	[tilespmem:$0x1E800] =	vst v63  }
0x41: {  	_ =	swait.ge [sflag:s0], $0x2000  }
0x42: {  	[sflag:s0] =	ssyncset.done $0x0  }
0x43: {  	s16 =	simm.s32 $0x1500;
	[sflag:s0] =	ssyncadd.s32 $0xFFFFE000  }
0x44: {  	[spmem:s2] =	stream.indirect.scatter.add.f32 [tilespmem:s24], [sflag:$0x7], $0x80, s16, s19, $0xb8;
	[tilespmem:$0x1E800] =	vst v63  }
0x45: {  	_ =	swait.ge [sflag:s1], $0x2000  }
0x46: {  	[sflag:s1] =	ssyncset.done $0x0  }
0x47: {  	s15 =	simm.s32 $0x300;
	[sflag:s1] =	ssyncadd.s32 $0xFFFFE000  }
0x48: {  	[tilespmem:s24], [sflag:$0x3] =	stream.indirect.gather [hbm4b:s4+s19], $0x80, s15, s19, $0xb8;
	[tilespmem:$0x1E800] =	vst v63  }
0x49: {  	_ =	swait.ge [sflag:s5], $0x2000  }
0x4a: {  	[sflag:s5] =	ssyncset.done $0x0  }
0x4b: {  	s16 =	simm.s32 $0x1580;
	[sflag:s5] =	ssyncadd.s32 $0xFFFFE000  }
0x4c: {  	[spmem:s2] =	stream.indirect.scatter.add.f32 [tilespmem:s26], [sflag:$0x8], $0x80, s16, s19, $0xb8;
	[tilespmem:$0x1E800] =	vst v63  }
0x4d: {  	_ =	swait.ge [sflag:s6], $0x2000  }
0x4e: {  	[sflag:s6] =	ssyncset.done $0x0  }
0x4f: {  	s14 =	simm.s32 $0x800;
	s15 =	simm.s32 $0x380;
	[sflag:s6] =	ssyncadd.s32 $0xFFFFE000  }
.LBB2_2:
0x50: {  	[tilespmem:s26], [sflag:$0x4] =	stream.indirect.gather [hbm4b:s4+s19], $0x80, s15, s19, $0xb8;
	[tilespmem:$0x1E800] =	vst v63  }
0x51: {  	s15 =	smov.u32 s14  }
0x52: {  	p0 =	sne.s32 s14, $0x4000;
	s14 =	sadd.s32 $0x800, s14;
	_ =	swait.ge [sflag:s28], $0x2000  }
0x53: {  	s15 =	sshra.s32 s15, $0x2;
	[sflag:s28] =	ssyncset.done $0x0  }
0x54: {  	s16 =	sadd.s32 $0x1400, s15;
	[sflag:s28] =	ssyncadd.s32 $0xFFFFE000  }
0x55: {  	[spmem:s2] =	stream.indirect.scatter.add.f32 [tilespmem:s20], [sflag:$0x5], $0x80, s16, s19, $0xb8;
	[tilespmem:$0x1E800] =	vst v63  }
0x56: {  	_ =	swait.ge [sflag:s29], $0x2000  }
0x57: {  	[sflag:s29] =	ssyncset.done $0x0  }
0x58: {  	s16 =	sadd.s32 $0x200, s15;
	[sflag:s29] =	ssyncadd.s32 $0xFFFFE000  }
0x59: {  	[tilespmem:s20], [sflag:$0x1] =	stream.indirect.gather [hbm4b:s4+s19], $0x80, s16, s19, $0xb8;
	[tilespmem:$0x1E800] =	vst v63  }
0x5a: {  	_ =	swait.ge [sflag:s30], $0x2000  }
0x5b: {  	[sflag:s30] =	ssyncset.done $0x0  }
0x5c: {  	s16 =	sadd.s32 $0x1480, s15;
	[sflag:s30] =	ssyncadd.s32 $0xFFFFE000  }
0x5d: {  	[spmem:s2] =	stream.indirect.scatter.add.f32 [tilespmem:s22], [sflag:$0x6], $0x80, s16, s19, $0xb8;
	[tilespmem:$0x1E800] =	vst v63  }
0x5e: {  	_ =	swait.ge [sflag:s31], $0x2000  }
0x5f: {  	[sflag:s31] =	ssyncset.done $0x0  }
0x60: {  	s16 =	sadd.s32 $0x280, s15;
	[sflag:s31] =	ssyncadd.s32 $0xFFFFE000  }
0x61: {  	[tilespmem:s22], [sflag:$0x2] =	stream.indirect.gather [hbm4b:s4+s19], $0x80, s16, s19, $0xb8;
	[tilespmem:$0x1E800] =	vst v63  }
0x62: {  	_ =	swait.ge [sflag:s0], $0x2000  }
0x63: {  	[sflag:s0] =	ssyncset.done $0x0  }
0x64: {  	s16 =	sadd.s32 $0x1500, s15;
	[sflag:s0] =	ssyncadd.s32 $0xFFFFE000  }
0x65: {  	[spmem:s2] =	stream.indirect.scatter.add.f32 [tilespmem:s24], [sflag:$0x7], $0x80, s16, s19, $0xb8;
	[tilespmem:$0x1E800] =	vst v63  }
0x66: {  	_ =	swait.ge [sflag:s1], $0x2000  }
0x67: {  	[sflag:s1] =	ssyncset.done $0x0  }
0x68: {  	s16 =	sadd.s32 $0x300, s15;
	[sflag:s1] =	ssyncadd.s32 $0xFFFFE000  }
0x69: {  	[tilespmem:s24], [sflag:$0x3] =	stream.indirect.gather [hbm4b:s4+s19], $0x80, s16, s19, $0xb8;
	[tilespmem:$0x1E800] =	vst v63  }
0x6a: {  	_ =	swait.ge [sflag:s5], $0x2000  }
0x6b: {  	[sflag:s5] =	ssyncset.done $0x0  }
.Ltmp0:
0x6c: {  	s16 =	sadd.s32 $0x1580, s15;
	[sflag:s5] =	ssyncadd.s32 $0xFFFFE000;
	(pc) =	sbr.rel @p0 .LBB2_2-.Ltmp0, $4  }
0x6d: {  	[spmem:s2] =	stream.indirect.scatter.add.f32 [tilespmem:s26], [sflag:$0x8], $0x80, s16, s19, $0xb8;
	[tilespmem:$0x1E800] =	vst v63  }
0x6e: {  	_ =	swait.ge [sflag:s6], $0x2000  }
0x6f: {  	[sflag:s6] =	ssyncset.done $0x0  }
0x70: {  	s15 =	sadd.s32 $0x380, s15;
	[sflag:s6] =	ssyncadd.s32 $0xFFFFE000  }
0x71: {  	[tilespmem:s26], [sflag:$0x4] =	stream.indirect.gather [hbm4b:s4+s19], $0x80, s15, s19, $0xb8;
	[tilespmem:$0x1E800] =	vst v63  }
0x72: {  	_ =	swait.ge [sflag:s28], $0x2000  }
0x73: {  	[sflag:s28] =	ssyncset.done $0x0  }
0x74: {  	[sflag:s28] =	ssyncadd.s32 $0xFFFFE000  }
0x75: {  	[spmem:s2] =	stream.indirect.scatter.add.f32 [tilespmem:s20], [sflag:$0x5], $0x80, s7, s19, $0xb8;
	[tilespmem:$0x1E800] =	vst v63  }
0x76: {  	_ =	swait.ge [sflag:s30], $0x2000  }
0x77: {  	[sflag:s30] =	ssyncset.done $0x0  }
0x78: {  	[sflag:s30] =	ssyncadd.s32 $0xFFFFE000  }
0x79: {  	[spmem:s2] =	stream.indirect.scatter.add.f32 [tilespmem:s22], [sflag:$0x6], $0x80, s8, s19, $0xb8;
	[tilespmem:$0x1E800] =	vst v63  }
0x7a: {  	_ =	swait.ge [sflag:s0], $0x2000  }
0x7b: {  	[sflag:s0] =	ssyncset.done $0x0  }
0x7c: {  	[sflag:s0] =	ssyncadd.s32 $0xFFFFE000  }
0x7d: {  	[spmem:s2] =	stream.indirect.scatter.add.f32 [tilespmem:s24], [sflag:$0x7], $0x80, s9, s19, $0xb8;
	[tilespmem:$0x1E800] =	vst v63  }
0x7e: {  	_ =	swait.ge [sflag:s5], $0x2000  }
0x7f: {  	[sflag:s5] =	ssyncset.done $0x0  }
0x80: {  	[sflag:s5] =	ssyncadd.s32 $0xFFFFE000  }
0x81: {  	[spmem:s2] =	stream.indirect.scatter.add.f32 [tilespmem:s26], [sflag:$0x8], $0x80, s10, s19, $0xb8;
	[tilespmem:$0x1E800] =	vst v63  }
0x82: {  	_ =	swait.ge [sflag:s29], $0x2000  }
0x83: {  	[sflag:s29] =	ssyncset.done $0x0  }
0x84: {  	[sflag:s29] =	ssyncadd.s32 $0xFFFFE000  }
0x85: {  	_ =	swait.ge [sflag:s31], $0x2000  }
0x86: {  	[sflag:s31] =	ssyncset.done $0x0  }
0x87: {  	[sflag:s31] =	ssyncadd.s32 $0xFFFFE000  }
0x88: {  	_ =	swait.ge [sflag:s1], $0x2000  }
0x89: {  	[sflag:s1] =	ssyncset.done $0x0  }
0x8a: {  	[sflag:s1] =	ssyncadd.s32 $0xFFFFE000  }
0x8b: {  	_ =	swait.ge [sflag:s6], $0x2000  }
0x8c: {  	[sflag:s6] =	ssyncset.done $0x0  }
0x8d: {  	s14 =	simm.s32 $0x0;
	s16 =	rddreg [dreg:$0x8];
	[sflag:s6] =	ssyncadd.s32 $0xFFFFE000  }
0x8e: {  	[tilespmem:s14], [sflag:$0x9] =	stream.linear.gather [hbm4b:s16+s14], $0x1400, $0x38;
	[tilespmem:$0x1E800] =	vst v63  }
0x8f: {  	_ =	swait.ge [sflag:s17], $0x1400  }
0x90: {  	[sflag:s17] =	ssyncset.done $0x0  }
0x91: {  	s16 =	rddreg [dreg:$0x9];
	[sflag:s17] =	ssyncadd.s32 $0xFFFFEC00  }
0x92: {  	[tilespmem:s18], [sflag:$0x9] =	stream.linear.gather [hbm4b:s16+s14], $0x1400, $0x38;
	[tilespmem:$0x1E800] =	vst v63  }
0x93: {  	_ =	swait.ge [sflag:s17], $0x1400  }
0x94: {  	[sflag:s17] =	ssyncset.done $0x0  }
0x95: {  	[sflag:s17] =	ssyncadd.s32 $0xFFFFEC00  }
0x96: {  	[tilespmem:s20], [sflag:$0x1] =	stream.indirect.gather [hbm4b:s4+s19], $0x80, s14, s19, $0xb8;
	[tilespmem:$0x1E800] =	vst v63  }
0x97: {  	_ = 	snop  }
0x98: {  	[tilespmem:s22], [sflag:$0x2] =	stream.indirect.gather [hbm4b:s4+s19], $0x80, s21, s19, $0xb8;
	[tilespmem:$0x1E800] =	vst v63  }
0x99: {  	_ = 	snop  }
0x9a: {  	[tilespmem:s24], [sflag:$0x3] =	stream.indirect.gather [hbm4b:s4+s19], $0x80, s23, s19, $0xb8;
	[tilespmem:$0x1E800] =	vst v63  }
0x9b: {  	_ = 	snop  }
0x9c: {  	[tilespmem:s26], [sflag:$0x4] =	stream.indirect.gather [hbm4b:s4+s19], $0x80, s25, s19, $0xb8;
	[tilespmem:$0x1E800] =	vst v63  }
0x9d: {  	_ =	swait.ge [sflag:s28], $0x2000  }
0x9e: {  	[sflag:s28] =	ssyncset.done $0x0  }
0x9f: {  	s16 =	simm.s32 $0x1400;
	[sflag:s28] =	ssyncadd.s32 $0xFFFFE000  }
0xa0: {  	[spmem:s2] =	stream.indirect.scatter.add.f32 [tilespmem:s20], [sflag:$0x5], $0x80, s16, s19, $0xb8;
	[tilespmem:$0x1E800] =	vst v63  }
0xa1: {  	_ =	swait.ge [sflag:s29], $0x2000  }
0xa2: {  	[sflag:s29] =	ssyncset.done $0x0  }
0xa3: {  	s15 =	simm.s32 $0x200;
	[sflag:s29] =	ssyncadd.s32 $0xFFFFE000  }
0xa4: {  	[tilespmem:s20], [sflag:$0x1] =	stream.indirect.gather [hbm4b:s4+s19], $0x80, s15, s19, $0xb8;
	[tilespmem:$0x1E800] =	vst v63  }
0xa5: {  	_ =	swait.ge [sflag:s30], $0x2000  }
0xa6: {  	[sflag:s30] =	ssyncset.done $0x0  }
0xa7: {  	s16 =	simm.s32 $0x1480;
	[sflag:s30] =	ssyncadd.s32 $0xFFFFE000  }
0xa8: {  	[spmem:s2] =	stream.indirect.scatter.add.f32 [tilespmem:s22], [sflag:$0x6], $0x80, s16, s19, $0xb8;
	[tilespmem:$0x1E800] =	vst v63  }
0xa9: {  	_ =	swait.ge [sflag:s31], $0x2000  }
0xaa: {  	[sflag:s31] =	ssyncset.done $0x0  }
0xab: {  	s15 =	simm.s32 $0x280;
	[sflag:s31] =	ssyncadd.s32 $0xFFFFE000  }
0xac: {  	[tilespmem:s22], [sflag:$0x2] =	stream.indirect.gather [hbm4b:s4+s19], $0x80, s15, s19, $0xb8;
	[tilespmem:$0x1E800] =	vst v63  }
0xad: {  	_ =	swait.ge [sflag:s0], $0x2000  }
0xae: {  	[sflag:s0] =	ssyncset.done $0x0  }
0xaf: {  	s16 =	simm.s32 $0x1500;
	[sflag:s0] =	ssyncadd.s32 $0xFFFFE000  }
0xb0: {  	[spmem:s2] =	stream.indirect.scatter.add.f32 [tilespmem:s24], [sflag:$0x7], $0x80, s16, s19, $0xb8;
	[tilespmem:$0x1E800] =	vst v63  }
0xb1: {  	_ =	swait.ge [sflag:s1], $0x2000  }
0xb2: {  	[sflag:s1] =	ssyncset.done $0x0  }
0xb3: {  	s15 =	simm.s32 $0x300;
	[sflag:s1] =	ssyncadd.s32 $0xFFFFE000  }
0xb4: {  	[tilespmem:s24], [sflag:$0x3] =	stream.indirect.gather [hbm4b:s4+s19], $0x80, s15, s19, $0xb8;
	[tilespmem:$0x1E800] =	vst v63  }
0xb5: {  	_ =	swait.ge [sflag:s5], $0x2000  }
0xb6: {  	[sflag:s5] =	ssyncset.done $0x0  }
0xb7: {  	s16 =	simm.s32 $0x1580;
	[sflag:s5] =	ssyncadd.s32 $0xFFFFE000  }
0xb8: {  	[spmem:s2] =	stream.indirect.scatter.add.f32 [tilespmem:s26], [sflag:$0x8], $0x80, s16, s19, $0xb8;
	[tilespmem:$0x1E800] =	vst v63  }
0xb9: {  	_ =	swait.ge [sflag:s6], $0x2000  }
0xba: {  	[sflag:s6] =	ssyncset.done $0x0  }
0xbb: {  	s14 =	simm.s32 $0x800;
	s15 =	simm.s32 $0x380;
	[sflag:s6] =	ssyncadd.s32 $0xFFFFE000  }
.LBB2_4:
0xbc: {  	[tilespmem:s26], [sflag:$0x4] =	stream.indirect.gather [hbm4b:s4+s19], $0x80, s15, s19, $0xb8;
	[tilespmem:$0x1E800] =	vst v63  }
0xbd: {  	s15 =	smov.u32 s14  }
0xbe: {  	p0 =	sne.s32 s14, $0x4000;
	s14 =	sadd.s32 $0x800, s14;
	_ =	swait.ge [sflag:s28], $0x2000  }
0xbf: {  	s15 =	sshra.s32 s15, $0x2;
	[sflag:s28] =	ssyncset.done $0x0  }
0xc0: {  	s16 =	sadd.s32 $0x1400, s15;
	[sflag:s28] =	ssyncadd.s32 $0xFFFFE000  }
0xc1: {  	[spmem:s2] =	stream.indirect.scatter.add.f32 [tilespmem:s20], [sflag:$0x5], $0x80, s16, s19, $0xb8;
	[tilespmem:$0x1E800] =	vst v63  }
0xc2: {  	_ =	swait.ge [sflag:s29], $0x2000  }
0xc3: {  	[sflag:s29] =	ssyncset.done $0x0  }
0xc4: {  	s16 =	sadd.s32 $0x200, s15;
	[sflag:s29] =	ssyncadd.s32 $0xFFFFE000  }
0xc5: {  	[tilespmem:s20], [sflag:$0x1] =	stream.indirect.gather [hbm4b:s4+s19], $0x80, s16, s19, $0xb8;
	[tilespmem:$0x1E800] =	vst v63  }
0xc6: {  	_ =	swait.ge [sflag:s30], $0x2000  }
0xc7: {  	[sflag:s30] =	ssyncset.done $0x0  }
0xc8: {  	s16 =	sadd.s32 $0x1480, s15;
	[sflag:s30] =	ssyncadd.s32 $0xFFFFE000  }
0xc9: {  	[spmem:s2] =	stream.indirect.scatter.add.f32 [tilespmem:s22], [sflag:$0x6], $0x80, s16, s19, $0xb8;
	[tilespmem:$0x1E800] =	vst v63  }
0xca: {  	_ =	swait.ge [sflag:s31], $0x2000  }
0xcb: {  	[sflag:s31] =	ssyncset.done $0x0  }
0xcc: {  	s16 =	sadd.s32 $0x280, s15;
	[sflag:s31] =	ssyncadd.s32 $0xFFFFE000  }
0xcd: {  	[tilespmem:s22], [sflag:$0x2] =	stream.indirect.gather [hbm4b:s4+s19], $0x80, s16, s19, $0xb8;
	[tilespmem:$0x1E800] =	vst v63  }
0xce: {  	_ =	swait.ge [sflag:s0], $0x2000  }
0xcf: {  	[sflag:s0] =	ssyncset.done $0x0  }
0xd0: {  	s16 =	sadd.s32 $0x1500, s15;
	[sflag:s0] =	ssyncadd.s32 $0xFFFFE000  }
0xd1: {  	[spmem:s2] =	stream.indirect.scatter.add.f32 [tilespmem:s24], [sflag:$0x7], $0x80, s16, s19, $0xb8;
	[tilespmem:$0x1E800] =	vst v63  }
0xd2: {  	_ =	swait.ge [sflag:s1], $0x2000  }
0xd3: {  	[sflag:s1] =	ssyncset.done $0x0  }
0xd4: {  	s16 =	sadd.s32 $0x300, s15;
	[sflag:s1] =	ssyncadd.s32 $0xFFFFE000  }
0xd5: {  	[tilespmem:s24], [sflag:$0x3] =	stream.indirect.gather [hbm4b:s4+s19], $0x80, s16, s19, $0xb8;
	[tilespmem:$0x1E800] =	vst v63  }
0xd6: {  	_ =	swait.ge [sflag:s5], $0x2000  }
0xd7: {  	[sflag:s5] =	ssyncset.done $0x0  }
.Ltmp1:
0xd8: {  	s16 =	sadd.s32 $0x1580, s15;
	[sflag:s5] =	ssyncadd.s32 $0xFFFFE000;
	(pc) =	sbr.rel @p0 .LBB2_4-.Ltmp1, $4  }
0xd9: {  	[spmem:s2] =	stream.indirect.scatter.add.f32 [tilespmem:s26], [sflag:$0x8], $0x80, s16, s19, $0xb8;
	[tilespmem:$0x1E800] =	vst v63  }
0xda: {  	_ =	swait.ge [sflag:s6], $0x2000  }
0xdb: {  	[sflag:s6] =	ssyncset.done $0x0  }
0xdc: {  	s15 =	sadd.s32 $0x380, s15;
	[sflag:s6] =	ssyncadd.s32 $0xFFFFE000  }
0xdd: {  	[tilespmem:s26], [sflag:$0x4] =	stream.indirect.gather [hbm4b:s4+s19], $0x80, s15, s19, $0xb8;
	[tilespmem:$0x1E800] =	vst v63  }
0xde: {  	_ =	swait.ge [sflag:s28], $0x2000  }
0xdf: {  	[sflag:s28] =	ssyncset.done $0x0  }
0xe0: {  	[sflag:s28] =	ssyncadd.s32 $0xFFFFE000  }
0xe1: {  	[spmem:s2] =	stream.indirect.scatter.add.f32 [tilespmem:s20], [sflag:$0x5], $0x80, s7, s19, $0xb8;
	[tilespmem:$0x1E800] =	vst v63  }
0xe2: {  	_ =	swait.ge [sflag:s30], $0x2000  }
0xe3: {  	[sflag:s30] =	ssyncset.done $0x0  }
0xe4: {  	[sflag:s30] =	ssyncadd.s32 $0xFFFFE000  }
0xe5: {  	[spmem:s2] =	stream.indirect.scatter.add.f32 [tilespmem:s22], [sflag:$0x6], $0x80, s8, s19, $0xb8;
	[tilespmem:$0x1E800] =	vst v63  }
0xe6: {  	_ =	swait.ge [sflag:s0], $0x2000  }
0xe7: {  	[sflag:s0] =	ssyncset.done $0x0  }
0xe8: {  	[sflag:s0] =	ssyncadd.s32 $0xFFFFE000  }
0xe9: {  	[spmem:s2] =	stream.indirect.scatter.add.f32 [tilespmem:s24], [sflag:$0x7], $0x80, s9, s19, $0xb8;
	[tilespmem:$0x1E800] =	vst v63  }
0xea: {  	_ =	swait.ge [sflag:s5], $0x2000  }
0xeb: {  	[sflag:s5] =	ssyncset.done $0x0  }
0xec: {  	[sflag:s5] =	ssyncadd.s32 $0xFFFFE000  }
0xed: {  	[spmem:s2] =	stream.indirect.scatter.add.f32 [tilespmem:s26], [sflag:$0x8], $0x80, s10, s19, $0xb8;
	[tilespmem:$0x1E800] =	vst v63  }
0xee: {  	_ =	swait.ge [sflag:s29], $0x2000  }
0xef: {  	[sflag:s29] =	ssyncset.done $0x0  }
0xf0: {  	[sflag:s29] =	ssyncadd.s32 $0xFFFFE000  }
0xf1: {  	_ =	swait.ge [sflag:s31], $0x2000  }
0xf2: {  	[sflag:s31] =	ssyncset.done $0x0  }
0xf3: {  	[sflag:s31] =	ssyncadd.s32 $0xFFFFE000  }
0xf4: {  	_ =	swait.ge [sflag:s1], $0x2000  }
0xf5: {  	[sflag:s1] =	ssyncset.done $0x0  }
0xf6: {  	[sflag:s1] =	ssyncadd.s32 $0xFFFFE000  }
0xf7: {  	_ =	swait.ge [sflag:s6], $0x2000  }
0xf8: {  	[sflag:s6] =	ssyncset.done $0x0  }
0xf9: {  	s14 =	simm.s32 $0x0;
	s16 =	rddreg [dreg:$0xa];
	[sflag:s6] =	ssyncadd.s32 $0xFFFFE000  }
0xfa: {  	[tilespmem:s14], [sflag:$0x9] =	stream.linear.gather [hbm4b:s16+s14], $0x1400, $0x38;
	[tilespmem:$0x1E800] =	vst v63  }
0xfb: {  	_ =	swait.ge [sflag:s17], $0x1400  }
0xfc: {  	[sflag:s17] =	ssyncset.done $0x0  }
0xfd: {  	s16 =	rddreg [dreg:$0xb];
	[sflag:s17] =	ssyncadd.s32 $0xFFFFEC00  }
0xfe: {  	[tilespmem:s18], [sflag:$0x9] =	stream.linear.gather [hbm4b:s16+s14], $0x1400, $0x38;
	[tilespmem:$0x1E800] =	vst v63  }
0xff: {  	_ =	swait.ge [sflag:s17], $0x1400  }
0x100: {  	[sflag:s17] =	ssyncset.done $0x0  }
0x101: {  	[sflag:s17] =	ssyncadd.s32 $0xFFFFEC00  }
0x102: {  	[tilespmem:s20], [sflag:$0x1] =	stream.indirect.gather [hbm4b:s4+s19], $0x80, s14, s19, $0xb8;
	[tilespmem:$0x1E800] =	vst v63  }
0x103: {  	_ = 	snop  }
0x104: {  	[tilespmem:s22], [sflag:$0x2] =	stream.indirect.gather [hbm4b:s4+s19], $0x80, s21, s19, $0xb8;
	[tilespmem:$0x1E800] =	vst v63  }
0x105: {  	_ = 	snop  }
0x106: {  	[tilespmem:s24], [sflag:$0x3] =	stream.indirect.gather [hbm4b:s4+s19], $0x80, s23, s19, $0xb8;
	[tilespmem:$0x1E800] =	vst v63  }
0x107: {  	_ = 	snop  }
0x108: {  	[tilespmem:s26], [sflag:$0x4] =	stream.indirect.gather [hbm4b:s4+s19], $0x80, s25, s19, $0xb8;
	[tilespmem:$0x1E800] =	vst v63  }
0x109: {  	_ =	swait.ge [sflag:s28], $0x2000  }
0x10a: {  	[sflag:s28] =	ssyncset.done $0x0  }
0x10b: {  	s16 =	simm.s32 $0x1400;
	[sflag:s28] =	ssyncadd.s32 $0xFFFFE000  }
0x10c: {  	[spmem:s2] =	stream.indirect.scatter.add.f32 [tilespmem:s20], [sflag:$0x5], $0x80, s16, s19, $0xb8;
	[tilespmem:$0x1E800] =	vst v63  }
0x10d: {  	_ =	swait.ge [sflag:s29], $0x2000  }
0x10e: {  	[sflag:s29] =	ssyncset.done $0x0  }
0x10f: {  	s15 =	simm.s32 $0x200;
	[sflag:s29] =	ssyncadd.s32 $0xFFFFE000  }
0x110: {  	[tilespmem:s20], [sflag:$0x1] =	stream.indirect.gather [hbm4b:s4+s19], $0x80, s15, s19, $0xb8;
	[tilespmem:$0x1E800] =	vst v63  }
0x111: {  	_ =	swait.ge [sflag:s30], $0x2000  }
0x112: {  	[sflag:s30] =	ssyncset.done $0x0  }
0x113: {  	s16 =	simm.s32 $0x1480;
	[sflag:s30] =	ssyncadd.s32 $0xFFFFE000  }
0x114: {  	[spmem:s2] =	stream.indirect.scatter.add.f32 [tilespmem:s22], [sflag:$0x6], $0x80, s16, s19, $0xb8;
	[tilespmem:$0x1E800] =	vst v63  }
0x115: {  	_ =	swait.ge [sflag:s31], $0x2000  }
0x116: {  	[sflag:s31] =	ssyncset.done $0x0  }
0x117: {  	s15 =	simm.s32 $0x280;
	[sflag:s31] =	ssyncadd.s32 $0xFFFFE000  }
0x118: {  	[tilespmem:s22], [sflag:$0x2] =	stream.indirect.gather [hbm4b:s4+s19], $0x80, s15, s19, $0xb8;
	[tilespmem:$0x1E800] =	vst v63  }
0x119: {  	_ =	swait.ge [sflag:s0], $0x2000  }
0x11a: {  	[sflag:s0] =	ssyncset.done $0x0  }
0x11b: {  	s16 =	simm.s32 $0x1500;
	[sflag:s0] =	ssyncadd.s32 $0xFFFFE000  }
0x11c: {  	[spmem:s2] =	stream.indirect.scatter.add.f32 [tilespmem:s24], [sflag:$0x7], $0x80, s16, s19, $0xb8;
	[tilespmem:$0x1E800] =	vst v63  }
0x11d: {  	_ =	swait.ge [sflag:s1], $0x2000  }
0x11e: {  	[sflag:s1] =	ssyncset.done $0x0  }
0x11f: {  	s15 =	simm.s32 $0x300;
	[sflag:s1] =	ssyncadd.s32 $0xFFFFE000  }
0x120: {  	[tilespmem:s24], [sflag:$0x3] =	stream.indirect.gather [hbm4b:s4+s19], $0x80, s15, s19, $0xb8;
	[tilespmem:$0x1E800] =	vst v63  }
0x121: {  	_ =	swait.ge [sflag:s5], $0x2000  }
0x122: {  	[sflag:s5] =	ssyncset.done $0x0  }
0x123: {  	s16 =	simm.s32 $0x1580;
	[sflag:s5] =	ssyncadd.s32 $0xFFFFE000  }
0x124: {  	[spmem:s2] =	stream.indirect.scatter.add.f32 [tilespmem:s26], [sflag:$0x8], $0x80, s16, s19, $0xb8;
	[tilespmem:$0x1E800] =	vst v63  }
0x125: {  	_ =	swait.ge [sflag:s6], $0x2000  }
0x126: {  	[sflag:s6] =	ssyncset.done $0x0  }
0x127: {  	s14 =	simm.s32 $0x800;
	s15 =	simm.s32 $0x380;
	[sflag:s6] =	ssyncadd.s32 $0xFFFFE000  }
.LBB2_6:
0x128: {  	[tilespmem:s26], [sflag:$0x4] =	stream.indirect.gather [hbm4b:s4+s19], $0x80, s15, s19, $0xb8;
	[tilespmem:$0x1E800] =	vst v63  }
0x129: {  	s15 =	smov.u32 s14  }
0x12a: {  	p0 =	sne.s32 s14, $0x4000;
	s14 =	sadd.s32 $0x800, s14;
	_ =	swait.ge [sflag:s28], $0x2000  }
0x12b: {  	s15 =	sshra.s32 s15, $0x2;
	[sflag:s28] =	ssyncset.done $0x0  }
0x12c: {  	s16 =	sadd.s32 $0x1400, s15;
	[sflag:s28] =	ssyncadd.s32 $0xFFFFE000  }
0x12d: {  	[spmem:s2] =	stream.indirect.scatter.add.f32 [tilespmem:s20], [sflag:$0x5], $0x80, s16, s19, $0xb8;
	[tilespmem:$0x1E800] =	vst v63  }
0x12e: {  	_ =	swait.ge [sflag:s29], $0x2000  }
0x12f: {  	[sflag:s29] =	ssyncset.done $0x0  }
0x130: {  	s16 =	sadd.s32 $0x200, s15;
	[sflag:s29] =	ssyncadd.s32 $0xFFFFE000  }
0x131: {  	[tilespmem:s20], [sflag:$0x1] =	stream.indirect.gather [hbm4b:s4+s19], $0x80, s16, s19, $0xb8;
	[tilespmem:$0x1E800] =	vst v63  }
0x132: {  	_ =	swait.ge [sflag:s30], $0x2000  }
0x133: {  	[sflag:s30] =	ssyncset.done $0x0  }
0x134: {  	s16 =	sadd.s32 $0x1480, s15;
	[sflag:s30] =	ssyncadd.s32 $0xFFFFE000  }
0x135: {  	[spmem:s2] =	stream.indirect.scatter.add.f32 [tilespmem:s22], [sflag:$0x6], $0x80, s16, s19, $0xb8;
	[tilespmem:$0x1E800] =	vst v63  }
0x136: {  	_ =	swait.ge [sflag:s31], $0x2000  }
0x137: {  	[sflag:s31] =	ssyncset.done $0x0  }
0x138: {  	s16 =	sadd.s32 $0x280, s15;
	[sflag:s31] =	ssyncadd.s32 $0xFFFFE000  }
0x139: {  	[tilespmem:s22], [sflag:$0x2] =	stream.indirect.gather [hbm4b:s4+s19], $0x80, s16, s19, $0xb8;
	[tilespmem:$0x1E800] =	vst v63  }
0x13a: {  	_ =	swait.ge [sflag:s0], $0x2000  }
0x13b: {  	[sflag:s0] =	ssyncset.done $0x0  }
0x13c: {  	s16 =	sadd.s32 $0x1500, s15;
	[sflag:s0] =	ssyncadd.s32 $0xFFFFE000  }
0x13d: {  	[spmem:s2] =	stream.indirect.scatter.add.f32 [tilespmem:s24], [sflag:$0x7], $0x80, s16, s19, $0xb8;
	[tilespmem:$0x1E800] =	vst v63  }
0x13e: {  	_ =	swait.ge [sflag:s1], $0x2000  }
0x13f: {  	[sflag:s1] =	ssyncset.done $0x0  }
0x140: {  	s16 =	sadd.s32 $0x300, s15;
	[sflag:s1] =	ssyncadd.s32 $0xFFFFE000  }
0x141: {  	[tilespmem:s24], [sflag:$0x3] =	stream.indirect.gather [hbm4b:s4+s19], $0x80, s16, s19, $0xb8;
	[tilespmem:$0x1E800] =	vst v63  }
0x142: {  	_ =	swait.ge [sflag:s5], $0x2000  }
0x143: {  	[sflag:s5] =	ssyncset.done $0x0  }
.Ltmp2:
0x144: {  	s16 =	sadd.s32 $0x1580, s15;
	[sflag:s5] =	ssyncadd.s32 $0xFFFFE000;
	(pc) =	sbr.rel @p0 .LBB2_6-.Ltmp2, $4  }
0x145: {  	[spmem:s2] =	stream.indirect.scatter.add.f32 [tilespmem:s26], [sflag:$0x8], $0x80, s16, s19, $0xb8;
	[tilespmem:$0x1E800] =	vst v63  }
0x146: {  	_ =	swait.ge [sflag:s6], $0x2000  }
0x147: {  	[sflag:s6] =	ssyncset.done $0x0  }
0x148: {  	s15 =	sadd.s32 $0x380, s15;
	[sflag:s6] =	ssyncadd.s32 $0xFFFFE000  }
0x149: {  	[tilespmem:s26], [sflag:$0x4] =	stream.indirect.gather [hbm4b:s4+s19], $0x80, s15, s19, $0xb8;
	[tilespmem:$0x1E800] =	vst v63  }
0x14a: {  	_ =	swait.ge [sflag:s28], $0x2000  }
0x14b: {  	[sflag:s28] =	ssyncset.done $0x0  }
0x14c: {  	[sflag:s28] =	ssyncadd.s32 $0xFFFFE000  }
0x14d: {  	[spmem:s2] =	stream.indirect.scatter.add.f32 [tilespmem:s20], [sflag:$0x5], $0x80, s7, s19, $0xb8;
	[tilespmem:$0x1E800] =	vst v63  }
0x14e: {  	_ =	swait.ge [sflag:s30], $0x2000  }
0x14f: {  	[sflag:s30] =	ssyncset.done $0x0  }
0x150: {  	[sflag:s30] =	ssyncadd.s32 $0xFFFFE000  }
0x151: {  	[spmem:s2] =	stream.indirect.scatter.add.f32 [tilespmem:s22], [sflag:$0x6], $0x80, s8, s19, $0xb8;
	[tilespmem:$0x1E800] =	vst v63  }
0x152: {  	_ =	swait.ge [sflag:s0], $0x2000  }
0x153: {  	[sflag:s0] =	ssyncset.done $0x0  }
0x154: {  	[sflag:s0] =	ssyncadd.s32 $0xFFFFE000  }
0x155: {  	[spmem:s2] =	stream.indirect.scatter.add.f32 [tilespmem:s24], [sflag:$0x7], $0x80, s9, s19, $0xb8;
	[tilespmem:$0x1E800] =	vst v63  }
0x156: {  	_ =	swait.ge [sflag:s5], $0x2000  }
0x157: {  	[sflag:s5] =	ssyncset.done $0x0  }
0x158: {  	[sflag:s5] =	ssyncadd.s32 $0xFFFFE000  }
0x159: {  	[spmem:s2] =	stream.indirect.scatter.add.f32 [tilespmem:s26], [sflag:$0x8], $0x80, s10, s19, $0xb8;
	[tilespmem:$0x1E800] =	vst v63  }
0x15a: {  	_ =	swait.ge [sflag:s29], $0x2000  }
0x15b: {  	[sflag:s29] =	ssyncset.done $0x0  }
0x15c: {  	[sflag:s29] =	ssyncadd.s32 $0xFFFFE000  }
0x15d: {  	_ =	swait.ge [sflag:s31], $0x2000  }
0x15e: {  	[sflag:s31] =	ssyncset.done $0x0  }
0x15f: {  	[sflag:s31] =	ssyncadd.s32 $0xFFFFE000  }
0x160: {  	_ =	swait.ge [sflag:s1], $0x2000  }
0x161: {  	[sflag:s1] =	ssyncset.done $0x0  }
0x162: {  	[sflag:s1] =	ssyncadd.s32 $0xFFFFE000  }
0x163: {  	_ =	swait.ge [sflag:s6], $0x2000  }
0x164: {  	[sflag:s6] =	ssyncset.done $0x0  }
0x165: {  	s14 =	simm.s32 $0x0;
	s16 =	rddreg [dreg:$0xc];
	[sflag:s6] =	ssyncadd.s32 $0xFFFFE000  }
0x166: {  	[tilespmem:s14], [sflag:$0x9] =	stream.linear.gather [hbm4b:s16+s14], $0x1400, $0x38;
	[tilespmem:$0x1E800] =	vst v63  }
0x167: {  	_ =	swait.ge [sflag:s17], $0x1400  }
0x168: {  	[sflag:s17] =	ssyncset.done $0x0  }
0x169: {  	s16 =	rddreg [dreg:$0xd];
	[sflag:s17] =	ssyncadd.s32 $0xFFFFEC00  }
0x16a: {  	[tilespmem:s18], [sflag:$0x9] =	stream.linear.gather [hbm4b:s16+s14], $0x1400, $0x38;
	[tilespmem:$0x1E800] =	vst v63  }
0x16b: {  	_ =	swait.ge [sflag:s17], $0x1400  }
0x16c: {  	[sflag:s17] =	ssyncset.done $0x0  }
0x16d: {  	[sflag:s17] =	ssyncadd.s32 $0xFFFFEC00  }
0x16e: {  	[tilespmem:s20], [sflag:$0x1] =	stream.indirect.gather [hbm4b:s4+s19], $0x80, s14, s19, $0xb8;
	[tilespmem:$0x1E800] =	vst v63  }
0x16f: {  	_ = 	snop  }
0x170: {  	[tilespmem:s22], [sflag:$0x2] =	stream.indirect.gather [hbm4b:s4+s19], $0x80, s21, s19, $0xb8;
	[tilespmem:$0x1E800] =	vst v63  }
0x171: {  	_ = 	snop  }
0x172: {  	[tilespmem:s24], [sflag:$0x3] =	stream.indirect.gather [hbm4b:s4+s19], $0x80, s23, s19, $0xb8;
	[tilespmem:$0x1E800] =	vst v63  }
0x173: {  	_ = 	snop  }
0x174: {  	[tilespmem:s26], [sflag:$0x4] =	stream.indirect.gather [hbm4b:s4+s19], $0x80, s25, s19, $0xb8;
	[tilespmem:$0x1E800] =	vst v63  }
0x175: {  	_ =	swait.ge [sflag:s28], $0x2000  }
0x176: {  	[sflag:s28] =	ssyncset.done $0x0  }
0x177: {  	s16 =	simm.s32 $0x1400;
	[sflag:s28] =	ssyncadd.s32 $0xFFFFE000  }
0x178: {  	[spmem:s2] =	stream.indirect.scatter.add.f32 [tilespmem:s20], [sflag:$0x5], $0x80, s16, s19, $0xb8;
	[tilespmem:$0x1E800] =	vst v63  }
0x179: {  	_ =	swait.ge [sflag:s29], $0x2000  }
0x17a: {  	[sflag:s29] =	ssyncset.done $0x0  }
0x17b: {  	s15 =	simm.s32 $0x200;
	[sflag:s29] =	ssyncadd.s32 $0xFFFFE000  }
0x17c: {  	[tilespmem:s20], [sflag:$0x1] =	stream.indirect.gather [hbm4b:s4+s19], $0x80, s15, s19, $0xb8;
	[tilespmem:$0x1E800] =	vst v63  }
0x17d: {  	_ =	swait.ge [sflag:s30], $0x2000  }
0x17e: {  	[sflag:s30] =	ssyncset.done $0x0  }
0x17f: {  	s16 =	simm.s32 $0x1480;
	[sflag:s30] =	ssyncadd.s32 $0xFFFFE000  }
0x180: {  	[spmem:s2] =	stream.indirect.scatter.add.f32 [tilespmem:s22], [sflag:$0x6], $0x80, s16, s19, $0xb8;
	[tilespmem:$0x1E800] =	vst v63  }
0x181: {  	_ =	swait.ge [sflag:s31], $0x2000  }
0x182: {  	[sflag:s31] =	ssyncset.done $0x0  }
0x183: {  	s15 =	simm.s32 $0x280;
	[sflag:s31] =	ssyncadd.s32 $0xFFFFE000  }
0x184: {  	[tilespmem:s22], [sflag:$0x2] =	stream.indirect.gather [hbm4b:s4+s19], $0x80, s15, s19, $0xb8;
	[tilespmem:$0x1E800] =	vst v63  }
0x185: {  	_ =	swait.ge [sflag:s0], $0x2000  }
0x186: {  	[sflag:s0] =	ssyncset.done $0x0  }
0x187: {  	s16 =	simm.s32 $0x1500;
	[sflag:s0] =	ssyncadd.s32 $0xFFFFE000  }
0x188: {  	[spmem:s2] =	stream.indirect.scatter.add.f32 [tilespmem:s24], [sflag:$0x7], $0x80, s16, s19, $0xb8;
	[tilespmem:$0x1E800] =	vst v63  }
0x189: {  	_ =	swait.ge [sflag:s1], $0x2000  }
0x18a: {  	[sflag:s1] =	ssyncset.done $0x0  }
0x18b: {  	s15 =	simm.s32 $0x300;
	[sflag:s1] =	ssyncadd.s32 $0xFFFFE000  }
0x18c: {  	[tilespmem:s24], [sflag:$0x3] =	stream.indirect.gather [hbm4b:s4+s19], $0x80, s15, s19, $0xb8;
	[tilespmem:$0x1E800] =	vst v63  }
0x18d: {  	_ =	swait.ge [sflag:s5], $0x2000  }
0x18e: {  	[sflag:s5] =	ssyncset.done $0x0  }
0x18f: {  	s16 =	simm.s32 $0x1580;
	[sflag:s5] =	ssyncadd.s32 $0xFFFFE000  }
0x190: {  	[spmem:s2] =	stream.indirect.scatter.add.f32 [tilespmem:s26], [sflag:$0x8], $0x80, s16, s19, $0xb8;
	[tilespmem:$0x1E800] =	vst v63  }
0x191: {  	_ =	swait.ge [sflag:s6], $0x2000  }
0x192: {  	[sflag:s6] =	ssyncset.done $0x0  }
0x193: {  	s14 =	simm.s32 $0x800;
	s15 =	simm.s32 $0x380;
	[sflag:s6] =	ssyncadd.s32 $0xFFFFE000  }
.LBB2_8:
0x194: {  	[tilespmem:s26], [sflag:$0x4] =	stream.indirect.gather [hbm4b:s4+s19], $0x80, s15, s19, $0xb8;
	[tilespmem:$0x1E800] =	vst v63  }
0x195: {  	s15 =	smov.u32 s14  }
0x196: {  	p0 =	sne.s32 s14, $0x4000;
	s14 =	sadd.s32 $0x800, s14;
	_ =	swait.ge [sflag:s28], $0x2000  }
0x197: {  	s15 =	sshra.s32 s15, $0x2;
	[sflag:s28] =	ssyncset.done $0x0  }
0x198: {  	s16 =	sadd.s32 $0x1400, s15;
	[sflag:s28] =	ssyncadd.s32 $0xFFFFE000  }
0x199: {  	[spmem:s2] =	stream.indirect.scatter.add.f32 [tilespmem:s20], [sflag:$0x5], $0x80, s16, s19, $0xb8;
	[tilespmem:$0x1E800] =	vst v63  }
0x19a: {  	_ =	swait.ge [sflag:s29], $0x2000  }
0x19b: {  	[sflag:s29] =	ssyncset.done $0x0  }
0x19c: {  	s16 =	sadd.s32 $0x200, s15;
	[sflag:s29] =	ssyncadd.s32 $0xFFFFE000  }
0x19d: {  	[tilespmem:s20], [sflag:$0x1] =	stream.indirect.gather [hbm4b:s4+s19], $0x80, s16, s19, $0xb8;
	[tilespmem:$0x1E800] =	vst v63  }
0x19e: {  	_ =	swait.ge [sflag:s30], $0x2000  }
0x19f: {  	[sflag:s30] =	ssyncset.done $0x0  }
0x1a0: {  	s16 =	sadd.s32 $0x1480, s15;
	[sflag:s30] =	ssyncadd.s32 $0xFFFFE000  }
0x1a1: {  	[spmem:s2] =	stream.indirect.scatter.add.f32 [tilespmem:s22], [sflag:$0x6], $0x80, s16, s19, $0xb8;
	[tilespmem:$0x1E800] =	vst v63  }
0x1a2: {  	_ =	swait.ge [sflag:s31], $0x2000  }
0x1a3: {  	[sflag:s31] =	ssyncset.done $0x0  }
0x1a4: {  	s16 =	sadd.s32 $0x280, s15;
	[sflag:s31] =	ssyncadd.s32 $0xFFFFE000  }
0x1a5: {  	[tilespmem:s22], [sflag:$0x2] =	stream.indirect.gather [hbm4b:s4+s19], $0x80, s16, s19, $0xb8;
	[tilespmem:$0x1E800] =	vst v63  }
0x1a6: {  	_ =	swait.ge [sflag:s0], $0x2000  }
0x1a7: {  	[sflag:s0] =	ssyncset.done $0x0  }
0x1a8: {  	s16 =	sadd.s32 $0x1500, s15;
	[sflag:s0] =	ssyncadd.s32 $0xFFFFE000  }
0x1a9: {  	[spmem:s2] =	stream.indirect.scatter.add.f32 [tilespmem:s24], [sflag:$0x7], $0x80, s16, s19, $0xb8;
	[tilespmem:$0x1E800] =	vst v63  }
0x1aa: {  	_ =	swait.ge [sflag:s1], $0x2000  }
0x1ab: {  	[sflag:s1] =	ssyncset.done $0x0  }
0x1ac: {  	s16 =	sadd.s32 $0x300, s15;
	[sflag:s1] =	ssyncadd.s32 $0xFFFFE000  }
0x1ad: {  	[tilespmem:s24], [sflag:$0x3] =	stream.indirect.gather [hbm4b:s4+s19], $0x80, s16, s19, $0xb8;
	[tilespmem:$0x1E800] =	vst v63  }
0x1ae: {  	_ =	swait.ge [sflag:s5], $0x2000  }
0x1af: {  	[sflag:s5] =	ssyncset.done $0x0  }
.Ltmp3:
0x1b0: {  	s16 =	sadd.s32 $0x1580, s15;
	[sflag:s5] =	ssyncadd.s32 $0xFFFFE000;
	(pc) =	sbr.rel @p0 .LBB2_8-.Ltmp3, $4  }
0x1b1: {  	[spmem:s2] =	stream.indirect.scatter.add.f32 [tilespmem:s26], [sflag:$0x8], $0x80, s16, s19, $0xb8;
	[tilespmem:$0x1E800] =	vst v63  }
0x1b2: {  	_ =	swait.ge [sflag:s6], $0x2000  }
0x1b3: {  	[sflag:s6] =	ssyncset.done $0x0  }
0x1b4: {  	s15 =	sadd.s32 $0x380, s15;
	[sflag:s6] =	ssyncadd.s32 $0xFFFFE000  }
0x1b5: {  	[tilespmem:s26], [sflag:$0x4] =	stream.indirect.gather [hbm4b:s4+s19], $0x80, s15, s19, $0xb8;
	[tilespmem:$0x1E800] =	vst v63  }
0x1b6: {  	_ =	swait.ge [sflag:s28], $0x2000  }
0x1b7: {  	[sflag:s28] =	ssyncset.done $0x0  }
0x1b8: {  	[sflag:s28] =	ssyncadd.s32 $0xFFFFE000  }
0x1b9: {  	[spmem:s2] =	stream.indirect.scatter.add.f32 [tilespmem:s20], [sflag:$0x5], $0x80, s7, s19, $0xb8;
	[tilespmem:$0x1E800] =	vst v63  }
0x1ba: {  	_ =	swait.ge [sflag:s30], $0x2000  }
0x1bb: {  	[sflag:s30] =	ssyncset.done $0x0  }
0x1bc: {  	[sflag:s30] =	ssyncadd.s32 $0xFFFFE000  }
0x1bd: {  	[spmem:s2] =	stream.indirect.scatter.add.f32 [tilespmem:s22], [sflag:$0x6], $0x80, s8, s19, $0xb8;
	[tilespmem:$0x1E800] =	vst v63  }
0x1be: {  	_ =	swait.ge [sflag:s0], $0x2000  }
0x1bf: {  	[sflag:s0] =	ssyncset.done $0x0  }
0x1c0: {  	[sflag:s0] =	ssyncadd.s32 $0xFFFFE000  }
0x1c1: {  	[spmem:s2] =	stream.indirect.scatter.add.f32 [tilespmem:s24], [sflag:$0x7], $0x80, s9, s19, $0xb8;
	[tilespmem:$0x1E800] =	vst v63  }
0x1c2: {  	_ =	swait.ge [sflag:s5], $0x2000  }
0x1c3: {  	[sflag:s5] =	ssyncset.done $0x0  }
0x1c4: {  	[sflag:s5] =	ssyncadd.s32 $0xFFFFE000  }
0x1c5: {  	[spmem:s2] =	stream.indirect.scatter.add.f32 [tilespmem:s26], [sflag:$0x8], $0x80, s10, s19, $0xb8;
	[tilespmem:$0x1E800] =	vst v63  }
0x1c6: {  	_ =	swait.ge [sflag:s29], $0x2000  }
0x1c7: {  	[sflag:s29] =	ssyncset.done $0x0  }
0x1c8: {  	[sflag:s29] =	ssyncadd.s32 $0xFFFFE000  }
0x1c9: {  	_ =	swait.ge [sflag:s31], $0x2000  }
0x1ca: {  	[sflag:s31] =	ssyncset.done $0x0  }
0x1cb: {  	[sflag:s31] =	ssyncadd.s32 $0xFFFFE000  }
0x1cc: {  	_ =	swait.ge [sflag:s1], $0x2000  }
0x1cd: {  	[sflag:s1] =	ssyncset.done $0x0  }
0x1ce: {  	[sflag:s1] =	ssyncadd.s32 $0xFFFFE000  }
0x1cf: {  	_ =	swait.ge [sflag:s6], $0x2000  }
0x1d0: {  	[sflag:s6] =	ssyncset.done $0x0  }
0x1d1: {  	[sflag:s6] =	ssyncadd.s32 $0xFFFFE000  }
0x1d2: {  	[bflag:$0x0] =	sbarrier.arrive $0xFFFF  }
0x1d3: {  	s14 =	rddreg [dreg:$0xe]  }
0x1d4: {  	[hbm:s14], [sflag:s12] =	dma.local [spmem:s13], $0x2800  }
0x1d5: {  	_ =	swait.ge [sflag:s17], $0x2800  }
0x1d6: {  	s11 =	sadd.s32 $0x1, s11;
	s16 =	rddreg [dreg:$0xf]  }
0x1d7: {  	p0 =	sne.s32 s11, s16  }
.Ltmp4:
0x1d8: {  	_ = 	snop;
	(pc) =	sbr.rel @p0 .LBB2_1-.Ltmp4, $3  }
0x1d9: {  	_ =	sdelay $0x1  }
0x1da: {  	[sflag:s17] =	ssyncset.done $0x0  }
0x1db: {  	[sflag:s17] =	ssyncadd.s32 $0xFFFFD800  }
0x1dc: {  	_ =	sfence.sel $0x180000  }
0x1dd: {  	[bflag:$0x0] =	sbarrier.arrive $0xFFFF  }
0x1de: {  	_ =	strace $0x9000004A  }
0x1df: {  	s0 =	stileid.u32;
	[bflag:$0x2] =	sbarrier.arrive $0xFFFF  }
0x1e0: {  	p0 =	sne.s32 s0, $0x0;
	s0 =	rddreg [dreg:$0x3]  }
0x1e1: {  	s0 =	sadd.s32 @!p0 $0x100000, s0  }
0x1e2: {  	[sflag:s0] =	ssyncadd.tile.s32 @!p0 $0x1;
	_ =	shalt  }
.Lfunc_end2:
_tile_overlayer_lowered:
.L_overlay_start_2:
0x1e3: {  	(tag) =	ssettag $0x2  }
0x1e4: {  	s0 =	rddreg [dreg:$0x0];
	s2 =	stileid.u32  }
0x1e5: {  	s1 =	rddreg [dreg:$0x1];
	p0 =	sne.s32 s2, $0x0  }
0x1e6: {  	s3 =	rddreg [dreg:$0x2];
	[bflag:$0x3] =	sbarrier.arrive $0xFFFF;
	s2 =	simm.s32 @!p0 $0x1C09  }
0x1e7: {  	[timem:s3], [sflag:s2] =	dma.local @!p0 [hbm:s0], s1  }
0x1e8: {  	s0 =	simm.s32 @!p0 $0x9  }
0x1e9: {  	_ =	swait.ge @!p0 [sflag:s0], s1  }
0x1ea: {  	s1 =	ssub.s32 @!p0 $0x0, s1;
	[sflag:s0] =	ssyncset.done @!p0 $0x0  }
0x1eb: {  	[sflag:s0] =	ssyncadd.s32 @!p0 s1  }
0x1ec: {  	[bflag:$0x3] =	sbarrier.arrive $0xFFFF  }
0x1ed: {  	_ =	shalt  }

// kernel: kernel.16.cloned.1.call-start
scs
__scs_entry_jumppad:
0x0: {  	(pc) =	sbr.rel $0x88, $3  }
0x1: {  	(tag) =	ssettag $0x0;
	lr =	simm.s32 $0x1  }
0x2: {  	[smem:$0x3F99] =	sst lr;
	_ =	strace $0xD0000000  }
0x3: {  	_ = 	snop  }
0x4: {  	_ = 	snop  }
0x5: {  	_ = 	snop  }
0x6: {  	_ = 	snop  }
0x7: {  	_ = 	snop  }
__scs_overlays_trampoline_lowered:
0x8: {  	[smem:$0x3FA8] =	sst s0  }
0x9: {  	[smem:$0x3FA9] =	sst s1  }
0xa: {  	[smem:$0x3FAA] =	sst s2  }
0xb: {  	[smem:$0x3FAB] =	sst s3  }
0xc: {  	[smem:$0x3FAC] =	sst s4  }
0xd: {  	[smem:$0x3FAD] =	sst s5  }
0xe: {  	[smem:$0x3FAE] =	sst s6  }
0xf: {  	[smem:$0x3FAF] =	sst s7  }
0x10: {  	[smem:$0x3FB0] =	sst s8  }
0x11: {  	[smem:$0x3FB1] =	sst s9;
	s0 =	simm.s32 @!p0 $0x0  }
0x12: {  	s1 =	sld [smem:$0x3F97];
	s0 =	simm.s32 @p0 $0x1  }
0x13: {  	[smem:$0x3FB2] =	sst s0;
	s0 =	simm.s32 @!p1 $0x0  }
0x14: {  	s2 =	sld [smem:$0x3F96];
	s0 =	simm.s32 @p1 $0x1  }
0x15: {  	[smem:$0x3FB3] =	sst s0;
	s0 =	simm.s32 @!p2 $0x0  }
0x16: {  	s3 =	sld [smem:$0x3FDB];
	s0 =	simm.s32 @p2 $0x1  }
0x17: {  	s4 =	simm.s32 $0x1BF5;
	[smem:$0x3FB5] =	sst s0  }
0x18: {  	s0 =	sld [smem:$0x3F98];
	_ =	swait.ge [sflag:s4], $0x0  }
0x19: {  	s7 =	sld [smem:$0x3F99]  }
0x1a: {  	s8 =	sadd.s32 $0xFFFFE003, lr  }
0x1b: {  	s9 =	sadd.s32 $0xFFFFFEF7, lr;
	s5 =	simm.s32 $0xFFFFFFFF;
	p2 =	slt.u32 s8, $0xFFFFF086  }
0x1c: {  	p1 =	slt.u32 s9, $0xF7A;
	s5 =	simm.s32 @!p2 $0x0  }
0x1d: {  	s5 =	simm.s32 @p1 $0x1;
	p0 =	seq.s32 s7, s2  }
0x1e: {  	s7 =	smul.u32 @!p0 $0xF7A, s2;
	p2 =	seq.s32 @!p0 s5, $0x0  }
0x1f: {  	s9 =	smul.u32 $0xF7A, s1;
	s8 =	simm.s32 @!p0 $0x1BF5;
	p2 =	por !p2, p0  }
0x20: {  	[sflag:s8] =	ssyncset.s32 @!p0 $0xFFFFF086;
	s6 =	sadd.s32 @!p0 s3, s7;
	s7 =	simm.s32 @!p0 $0x108  }
0x21: {  	s3 =	sadd.s32 s3, s9;
	s6 =	sadd.s32 @!p0 $0x88, s6;
	s7 =	simm.s32 @p2 $0x1082  }
0x22: {  	[simem:s7], [sflag:s8] =	dma.local @!p0 [hbm:s6], $0xF7A  }
0x23: {  	s9 =	sor.u32 $0xD0000000, s2;
	s6 =	simm.s32 $0x108;
	_ =	swait.ge @!p0 [sflag:s8], $0x0  }
0x24: {  	s3 =	sadd.s32 $0x88, s3;
	s6 =	simm.s32 @!p1 $0x1082;
	[sflag:s4] =	ssyncset.s32 $0xFFFFF086  }
0x25: {  	[simem:s6], [sflag:s4] =	dma.local [hbm:s3], $0xF7A  }
0x26: {  	[smem:$0x3F99] =	sst s1;
	(tag) =	ssettag s2;
	_ =	strace s9  }
0x27: {  	s1 =	sld [smem:$0x3FA9]  }
0x28: {  	s2 =	sld [smem:$0x3FAA]  }
0x29: {  	s4 =	sld [smem:$0x3FAC]  }
0x2a: {  	p0 =	seq.s32 s5, $0x0;
	s5 =	sld [smem:$0x3FAD]  }
0x2b: {  	s6 =	sld [smem:$0x3FAE]  }
0x2c: {  	s7 =	sld [smem:$0x3FAF]  }
0x2d: {  	s3 =	simm.s32 $0x108;
	s8 =	sld [smem:$0x3FB0]  }
0x2e: {  	s3 =	simm.s32 @!p0 $0x1082;
	s9 =	sld [smem:$0x3FB1]  }
0x2f: {  	lr =	sadd.s32 s0, s3;
	s0 =	sld [smem:$0x3FA8]  }
0x30: {  	s3 =	sld [smem:$0x3FAB]  }
0x31: {  	[smem:$0x3FB4] =	sst s10  }
0x32: {  	s10 =	sld [smem:$0x3FB2];
	_ =	sdelay $0x3  }
0x33: {  	p0 =	seq.s32 s10, $0x1;
	s10 =	sld [smem:$0x3FB4];
	_ =	sdelay $0x3  }
0x34: {  	[smem:$0x3FB4] =	sst s10  }
0x35: {  	s10 =	sld [smem:$0x3FB3];
	_ =	sdelay $0x3  }
0x36: {  	p1 =	seq.s32 s10, $0x1;
	s10 =	sld [smem:$0x3FB4];
	_ =	sdelay $0x3  }
0x37: {  	[smem:$0x3FB4] =	sst s10  }
0x38: {  	s10 =	sld [smem:$0x3FB5]  }
0x39: {  	_ = 	snop;
	(pc) =	sbr.ind lr, $3  }
0x3a: {  	_ = 	snop  }
0x3b: {  	_ = 	snop  }
0x3c: {  	p2 =	seq.s32 s10, $0x1;
	s10 =	sld [smem:$0x3FB4]  }
0x3d: {  	_ =	shalt  }
0x3e: {  	_ =	shalt  }
0x3f: {  	_ =	shalt  }
0x40: {  	_ =	shalt  }
0x41: {  	_ =	shalt  }
0x42: {  	_ =	shalt  }
0x43: {  	_ =	shalt  }
0x44: {  	_ =	shalt  }
0x45: {  	_ =	shalt  }
0x46: {  	_ =	shalt  }
0x47: {  	_ =	shalt  }
0x48: {  	_ =	shalt  }
0x49: {  	_ =	shalt  }
0x4a: {  	_ =	shalt  }
0x4b: {  	_ =	shalt  }
0x4c: {  	_ =	shalt  }
0x4d: {  	_ =	shalt  }
0x4e: {  	_ =	shalt  }
0x4f: {  	_ =	shalt  }
0x50: {  	_ =	shalt  }
0x51: {  	_ =	shalt  }
0x52: {  	_ =	shalt  }
0x53: {  	_ =	shalt  }
0x54: {  	_ =	shalt  }
0x55: {  	_ =	shalt  }
0x56: {  	_ =	shalt  }
0x57: {  	_ =	shalt  }
0x58: {  	_ =	shalt  }
0x59: {  	_ =	shalt  }
0x5a: {  	_ =	shalt  }
0x5b: {  	_ =	shalt  }
0x5c: {  	_ =	shalt  }
0x5d: {  	_ =	shalt  }
0x5e: {  	_ =	shalt  }
0x5f: {  	_ =	shalt  }
0x60: {  	_ =	shalt  }
0x61: {  	_ =	shalt  }
0x62: {  	_ =	shalt  }
0x63: {  	_ =	shalt  }
0x64: {  	_ =	shalt  }
0x65: {  	_ =	shalt  }
0x66: {  	_ =	shalt  }
0x67: {  	_ =	shalt  }
0x68: {  	_ =	shalt  }
0x69: {  	_ =	shalt  }
0x6a: {  	_ =	shalt  }
0x6b: {  	_ =	shalt  }
0x6c: {  	_ =	shalt  }
0x6d: {  	_ =	shalt  }
0x6e: {  	_ =	shalt  }
0x6f: {  	_ =	shalt  }
0x70: {  	_ =	shalt  }
0x71: {  	_ =	shalt  }
0x72: {  	_ =	shalt  }
0x73: {  	_ =	shalt  }
0x74: {  	_ =	shalt  }
0x75: {  	_ =	shalt  }
0x76: {  	_ =	shalt  }
0x77: {  	_ =	shalt  }
0x78: {  	_ =	shalt  }
0x79: {  	_ =	shalt  }
0x7a: {  	_ =	shalt  }
0x7b: {  	_ =	shalt  }
0x7c: {  	_ =	shalt  }
0x7d: {  	_ =	shalt  }
0x7e: {  	_ =	shalt  }
0x7f: {  	_ =	shalt  }
0x80: {  	_ =	shalt  }
0x81: {  	_ =	shalt  }
0x82: {  	_ =	shalt  }
0x83: {  	_ =	shalt  }
0x84: {  	_ =	shalt  }
0x85: {  	_ =	shalt  }
0x86: {  	_ =	shalt  }
0x87: {  	_ =	shalt  }
.Lfunc_end0:
.L_simem_size_0:
called_computation.2_lowered:
.L_overlay_start_0:
0x88: {  	s2 =	sld [smem:$0x3FD9]  }
0x89: {  	s3 =	sld [smem:$0x3FFE];
	_ =	sdelay $0x1  }
0x8a: {  	s1 =	srdreg.scid  }
0x8b: {  	s0 =	sand.u32 $0x1, s1  }
0x8c: {  	s17 =	sshll.u32 s0, $0xA;
	s2 =	sadd.s32 s3, s2  }
0x8d: {  	s2 =	sadd.s32 s2, s17  }
0x8e: {  	[smem:$0x3FC0] =	sst s2  }
0x8f: {  	_ = 	snop  }
0x90: {  	s2 =	sld [smem:$0x3FD0];
	(tm) =	ssettm $0x1  }
0x91: {  	s18 =	sld [smem:$0x3FFB];
	_ =	sdelay $0x3  }
0x92: {  	_ =	strace s18  }
0x93: {  	s3 =	sld [smem:$0x3FFC];
	_ =	sdelay $0x3  }
0x94: {  	_ =	strace s3  }
0x95: {  	s3 =	sld [smem:$0x3FFD];
	_ =	sdelay $0x3  }
0x96: {  	_ =	strace s3  }
0x97: {  	_ =	strace $0x8FFFFFFF  }
0x98: {  	s19 =	sld [smem:$0x3FDB];
	_ =	sdelay $0x1  }
0x99: {  	s4 =	simm.s32 $_scs_section_size  }
0x9a: {  	s5 =	simm.s32 $_size__tile_overlayer_lowered;
	s6 =	simm.s32 $_tile_overlayer_lowered  }
0x9b: {  	s22 =	simm.s32 $0x1BFF;
	s21 =	sshll.u32 s6, $0x1;
	s3 =	sadd.s32 s4, s19  }
0x9c: {  	s7 =	simm.s32 $0x0;
	s20 =	sshll.u32 s5, $0x1;
	s5 =	sadd.s32 s21, s3  }
0x9d: {  	[timem:s7], [sflag:s22] =	dma.local [hbm:s5], s20  }
0x9e: {  	_ =	swait.ge [sflag:s22], s20  }
0x9f: {  	s4 =	ssub.s32 $0x0, s20;
	[sflag:s22] =	ssyncset.done $0x0  }
0xa0: {  	[sflag:s22] =	ssyncadd.s32 s4;
	_ =	sdelay $0x1  }
0xa1: {  	s23 =	simm.s32 $0x1B8B  }
0xa2: {  	_ =	swait.ge [sflag:s23], $0x1  }
0xa3: {  	[sflag:s23] =	ssyncset.done $0x0  }
0xa4: {  	s25 =	simm.s32 $0x1B8E;
	s24 =	sld [smem:$0x3FFE];
	[sflag:s23] =	ssyncadd.s32 $0xFFFFFFFF  }
0xa5: {  	s26 =	simm.s32 $execute0_lowered;
	[smem:$0x3FD2] =	sst s25  }
0xa6: {  	s5 =	sshll.u32 s26, $0x1;
	_ =	strace $0x8000004C;
	[dreg:$0x1] =	wrdreg $0xFFFFFFFF  }
0xa7: {  	s28 =	simm.s32 $_size_execute0_lowered;
	s3 =	sadd.s32 s3, s5;
	[dreg:$0x0] =	wrdreg $0x0  }
0xa8: {  	s5 =	sshll.u32 s28, $0x1;
	[dreg:$0x2] =	wrdreg s3  }
0xa9: {  	[dreg:$0x3] =	wrdreg s5  }
0xaa: {  	[dreg:$0x4] =	wrdreg $0xC0  }
0xab: {  	_ =	task [dreg:s7], $0x5FFFF  }
0xac: {  	[dreg:$0x1] =	wrdreg $0xFFFFFFFF  }
0xad: {  	[dreg:$0x0] =	wrdreg $0x60  }
0xae: {  	[dreg:$0x2] =	wrdreg s24  }
0xaf: {  	[dreg:$0x3] =	wrdreg s2  }
0xb0: {  	[dreg:$0x4] =	wrdreg $0xA8000  }
0xb1: {  	[dreg:$0x5] =	wrdreg $0x9  }
0xb2: {  	_ =	task.clear_ibuf [dreg:s7], $0x6FFFF;
	_ =	strace $0x9000004C  }
0xb3: {  	s29 =	simm.s32 $0x9;
	_ =	strace $0x8000004E  }
0xb4: {  	_ =	swait.ge [sflag:s29], $0x1  }
0xb5: {  	[sflag:s29] =	ssyncadd.s32 $0xFFFFFFFF  }
0xb6: {  	_ =	strace $0x9000004E  }
0xb7: {  	_ =	sfence  }
0xb8: {  	s30 =	sld [smem:$0x0];
	_ =	sdelay $0x2  }
0xb9: {  	s31 =	sshll.u32 s1, $0xD;
	s1 =	sshrl.u32 s1, $0x2  }
0xba: {  	s3 =	sand.u32 $0x4000, s31;
	s1 =	sadd.s32 s1, s30  }
0xbb: {  	s0 =	sor.u32 s3, s0;
	s1 =	sshll.u32 s1, $0x11  }
0xbc: {  	s0 =	sor.u32 s1, s0  }
0xbd: {  	s0 =	sadd.s32 $0x8F2B, s0  }
0xbe: {  	[sflag:s0] =	ssyncadd.remote.s32 $0x1  }
0xbf: {  	_ =	sfence.sel $0xFFFF  }
0xc0: {  	[dreg:$0x0] =	wrdreg $0xFFFFFFFF;
	(pc) =	sbr.abs _section_cstart, $3  }
0xc1: {  	[dreg:$0x1] =	wrdreg $0xFFFFFFFF  }
0xc2: {  	_ =	task.clear_ibuf [dreg:s7], $0x2FFFF;
	_ =	strace $0x9FFFFFFF  }
0xc3: {  	(tm) =	ssettm $0x7FFFFFFF  }
tec
execute0_lowered:
.L_overlay_start_1:
0x0: {  	(tag) =	ssettag $0x1  }
0x1: {  	s0 =	rddreg [dreg:$0x0]  }
0x2: {  	s1 =	rddreg [dreg:$0x1]  }
0x3: {  	s2 =	rddreg [dreg:$0x2]  }
0x4: {  	s3 =	srdreg.scid;
	s11 =	stileid.u32;
	s28 =	simm.s32 $0x1  }
0x5: {  	s29 =	simm.s32 $0x5;
	s30 =	simm.s32 $0x2;
	s31 =	simm.s32 $0x6  }
0x6: {  	s5 =	sand.u32 $0x1, s3;
	s3 =	simm.s32 $0x0;
	s6 =	smul.u32 $0x2800, s11  }
0x7: {  	s10 =	sadd.s32 $0xC600, s0;
	s4 =	sshll.u32 s5, $0x4;
	[smem:$0x7FF] =	sst s3  }
0x8: {  	s7 =	smul.u32 $0x28000, s5;
	s5 =	ssub.s32 $0x2, s5;
	s8 =	sor.u32 s11, s4  }
0x9: {  	_ =	strace $0x8000004D;
	s4 =	sadd.s32 $0x20600, s0;
	s11 =	smul.u32 $0x50000, s11  }
0xa: {  	s12 =	sshrl.u32 s5, $0x1;
	s9 =	smul.u32 $0xA00, s8;
	s7 =	sadd.s32 s6, s7  }
0xb: {  	s8 =	smul.u32 $0x5000, s8;
	s5 =	ssub.s32 s5, s12;
	s6 =	sadd.s32 s4, s6  }
0xc: {  	s0 =	sadd.s32 s7, s0;
	s19 =	sshrl.u32 s11, $0x2;
	[dreg:$0x7] =	wrdreg s6  }
0xd: {  	s26 =	smax.u32 s5, $0x1;
	s5 =	simm.s32 $0x4;
	s11 =	simm.s32 $0x0  }
0xe: {  	s17 =	sadd.s32 s10, s9;
	s18 =	sadd.s32 s1, s9;
	[dreg:$0xf] =	wrdreg s26  }
0xf: {  	s8 =	sshrl.u32 s8, $0x3;
	s7 =	sadd.s32 s19, s2;
	[dreg:$0x4] =	wrdreg s17  }
0x10: {  	s0 =	sadd.s32 $0x48600, s0;
	s19 =	simm.s32 $0x40;
	[dreg:$0x5] =	wrdreg s18  }
0x11: {  	s26 =	simm.s32 $0x8800;
	s9 =	simm.s32 $0x2700;
	[dreg:$0x6] =	wrdreg s7  }
0x12: {  	s20 =	sadd.s32 $0x280, s8;
	s22 =	sadd.s32 $0x500, s8;
	s24 =	sadd.s32 $0x780, s8  }
0x13: {  	[dreg:$0xe] =	wrdreg s0;
	s17 =	simm.s32 $0x9;
	s18 =	simm.s32 $0x1400  }
0x14: {  	s0 =	simm.s32 $0x3;
	s7 =	simm.s32 $0x2600;
	s21 =	sadd.s32 s10, s20  }
0x15: {  	s8 =	simm.s32 $0x2680;
	s6 =	sadd.s32 s1, s20;
	[dreg:$0x8] =	wrdreg s21  }
0x16: {  	s23 =	sadd.s32 s10, s22;
	s25 =	sadd.s32 s10, s24;
	[dreg:$0x9] =	wrdreg s6  }
0x17: {  	s20 =	simm.s32 $0x2800;
	s10 =	simm.s32 $0x2780;
	[dreg:$0xa] =	wrdreg s23  }
0x18: {  	s6 =	sadd.s32 s1, s22;
	[dreg:$0xc] =	wrdreg s25;
	s1 =	sadd.s32 s1, s24  }
0x19: {  	s21 =	simm.s32 $0x80;
	s22 =	simm.s32 $0x4800;
	s23 =	simm.s32 $0x100  }
0x1a: {  	s24 =	simm.s32 $0x6800;
	s25 =	simm.s32 $0x180;
	[dreg:$0xb] =	wrdreg s6  }
0x1b: {  	[dreg:$0xd] =	wrdreg s1;
	s1 =	simm.s32 $0x7;
	s6 =	simm.s32 $0x8  }
.LBB2_1:
0x1c: {  	s12 =	rddreg [dreg:$0x4]  }
0x1d: {  	[tilespmem:s3], [sflag:$0x9] =	stream.linear.gather [hbm4b:s12+s3], $0x1400, $0x38;
	[tilespmem:$0x1E800] =	vst v63  }
0x1e: {  	_ =	swait.ge [sflag:s17], $0x1400  }
0x1f: {  	[sflag:s17] =	ssyncset.done $0x0  }
0x20: {  	s14 =	rddreg [dreg:$0x5];
	[sflag:s17] =	ssyncadd.s32 $0xFFFFEC00  }
0x21: {  	[tilespmem:s18], [sflag:$0x9] =	stream.linear.gather [hbm4b:s14+s3], $0x1400, $0x38;
	[tilespmem:$0x1E800] =	vst v63  }
0x22: {  	_ =	swait.ge [sflag:s17], $0x1400  }
0x23: {  	[sflag:s17] =	ssyncset.done $0x0  }
0x24: {  	[sflag:s17] =	ssyncadd.s32 $0xFFFFEC00  }
0x25: {  	[tilespmem:s20], [sflag:$0x1] =	stream.indirect.gather [hbm4b:s4+s19], $0x80, s3, s19, $0xb8;
	[tilespmem:$0x1E800] =	vst v63  }
0x26: {  	s15 =	stileid.u32  }
0x27: {  	[tilespmem:s22], [sflag:$0x2] =	stream.indirect.gather [hbm4b:s4+s19], $0x80, s21, s19, $0xb8;
	[tilespmem:$0x1E800] =	vst v63  }
0x28: {  	s12 =	sshll.u32 s15, $0x6;
	s13 =	rddreg [dreg:$0x6]  }
0x29: {  	[tilespmem:s24], [sflag:$0x3] =	stream.indirect.gather [hbm4b:s4+s19], $0x80, s23, s19, $0xb8;
	[tilespmem:$0x1E800] =	vst v63  }
0x2a: {  	s12 =	sor.u32 $0x1C09, s12;
	s14 =	rddreg [dreg:$0x7];
	s13 =	sshrl.u32 s13, $0x3  }
0x2b: {  	[tilespmem:s26], [sflag:$0x4] =	stream.indirect.gather [hbm4b:s4+s19], $0x80, s25, s19, $0xb8;
	[tilespmem:$0x1E800] =	vst v63  }
0x2c: {  	[spmem:s13], [sflag:s12] =	dma.local [hbm:s14], $0x2800  }
0x2d: {  	_ =	swait.ge [sflag:s17], $0x2800  }
0x2e: {  	[sflag:s17] =	ssyncset.done $0x0  }
0x2f: {  	[sflag:s17] =	ssyncadd.s32 $0xFFFFD800  }
0x30: {  	[bflag:$0x0] =	sbarrier.arrive $0xFFFF  }
0x31: {  	_ =	swait.ge [sflag:s28], $0x2000  }
0x32: {  	[sflag:s28] =	ssyncset.done $0x0  }
0x33: {  	s16 =	simm.s32 $0x1400;
	[sflag:s28] =	ssyncadd.s32 $0xFFFFE000  }
0x34: {  	[spmem:s2] =	stream.indirect.scatter.add.f32 [tilespmem:s20], [sflag:$0x5], $0x80, s16, s19, $0xb8;
	[tilespmem:$0x1E800] =	vst v63  }
0x35: {  	_ =	swait.ge [sflag:s29], $0x2000  }
0x36: {  	[sflag:s29] =	ssyncset.done $0x0  }
0x37: {  	s15 =	simm.s32 $0x200;
	[sflag:s29] =	ssyncadd.s32 $0xFFFFE000  }
0x38: {  	[tilespmem:s20], [sflag:$0x1] =	stream.indirect.gather [hbm4b:s4+s19], $0x80, s15, s19, $0xb8;
	[tilespmem:$0x1E800] =	vst v63  }
0x39: {  	_ =	swait.ge [sflag:s30], $0x2000  }
0x3a: {  	[sflag:s30] =	ssyncset.done $0x0  }
0x3b: {  	s16 =	simm.s32 $0x1480;
	[sflag:s30] =	ssyncadd.s32 $0xFFFFE000  }
0x3c: {  	[spmem:s2] =	stream.indirect.scatter.add.f32 [tilespmem:s22], [sflag:$0x6], $0x80, s16, s19, $0xb8;
	[tilespmem:$0x1E800] =	vst v63  }
0x3d: {  	_ =	swait.ge [sflag:s31], $0x2000  }
0x3e: {  	[sflag:s31] =	ssyncset.done $0x0  }
0x3f: {  	s15 =	simm.s32 $0x280;
	[sflag:s31] =	ssyncadd.s32 $0xFFFFE000  }
0x40: {  	[tilespmem:s22], [sflag:$0x2] =	stream.indirect.gather [hbm4b:s4+s19], $0x80, s15, s19, $0xb8;
	[tilespmem:$0x1E800] =	vst v63  }
0x41: {  	_ =	swait.ge [sflag:s0], $0x2000  }
0x42: {  	[sflag:s0] =	ssyncset.done $0x0  }
0x43: {  	s16 =	simm.s32 $0x1500;
	[sflag:s0] =	ssyncadd.s32 $0xFFFFE000  }
0x44: {  	[spmem:s2] =	stream.indirect.scatter.add.f32 [tilespmem:s24], [sflag:$0x7], $0x80, s16, s19, $0xb8;
	[tilespmem:$0x1E800] =	vst v63  }
0x45: {  	_ =	swait.ge [sflag:s1], $0x2000  }
0x46: {  	[sflag:s1] =	ssyncset.done $0x0  }
0x47: {  	s15 =	simm.s32 $0x300;
	[sflag:s1] =	ssyncadd.s32 $0xFFFFE000  }
0x48: {  	[tilespmem:s24], [sflag:$0x3] =	stream.indirect.gather [hbm4b:s4+s19], $0x80, s15, s19, $0xb8;
	[tilespmem:$0x1E800] =	vst v63  }
0x49: {  	_ =	swait.ge [sflag:s5], $0x2000  }
0x4a: {  	[sflag:s5] =	ssyncset.done $0x0  }
0x4b: {  	s16 =	simm.s32 $0x1580;
	[sflag:s5] =	ssyncadd.s32 $0xFFFFE000  }
0x4c: {  	[spmem:s2] =	stream.indirect.scatter.add.f32 [tilespmem:s26], [sflag:$0x8], $0x80, s16, s19, $0xb8;
	[tilespmem:$0x1E800] =	vst v63  }
0x4d: {  	_ =	swait.ge [sflag:s6], $0x2000  }
0x4e: {  	[sflag:s6] =	ssyncset.done $0x0  }
0x4f: {  	s14 =	simm.s32 $0x800;
	s15 =	simm.s32 $0x380;
	[sflag:s6] =	ssyncadd.s32 $0xFFFFE000  }
.LBB2_2:
0x50: {  	[tilespmem:s26], [sflag:$0x4] =	stream.indirect.gather [hbm4b:s4+s19], $0x80, s15, s19, $0xb8;
	[tilespmem:$0x1E800] =	vst v63  }
0x51: {  	s15 =	smov.u32 s14  }
0x52: {  	p0 =	sne.s32 s14, $0x4000;
	s14 =	sadd.s32 $0x800, s14;
	_ =	swait.ge [sflag:s28], $0x2000  }
0x53: {  	s15 =	sshra.s32 s15, $0x2;
	[sflag:s28] =	ssyncset.done $0x0  }
0x54: {  	s16 =	sadd.s32 $0x1400, s15;
	[sflag:s28] =	ssyncadd.s32 $0xFFFFE000  }
0x55: {  	[spmem:s2] =	stream.indirect.scatter.add.f32 [tilespmem:s20], [sflag:$0x5], $0x80, s16, s19, $0xb8;
	[tilespmem:$0x1E800] =	vst v63  }
0x56: {  	_ =	swait.ge [sflag:s29], $0x2000  }
0x57: {  	[sflag:s29] =	ssyncset.done $0x0  }
0x58: {  	s16 =	sadd.s32 $0x200, s15;
	[sflag:s29] =	ssyncadd.s32 $0xFFFFE000  }
0x59: {  	[tilespmem:s20], [sflag:$0x1] =	stream.indirect.gather [hbm4b:s4+s19], $0x80, s16, s19, $0xb8;
	[tilespmem:$0x1E800] =	vst v63  }
0x5a: {  	_ =	swait.ge [sflag:s30], $0x2000  }
0x5b: {  	[sflag:s30] =	ssyncset.done $0x0  }
0x5c: {  	s16 =	sadd.s32 $0x1480, s15;
	[sflag:s30] =	ssyncadd.s32 $0xFFFFE000  }
0x5d: {  	[spmem:s2] =	stream.indirect.scatter.add.f32 [tilespmem:s22], [sflag:$0x6], $0x80, s16, s19, $0xb8;
	[tilespmem:$0x1E800] =	vst v63  }
0x5e: {  	_ =	swait.ge [sflag:s31], $0x2000  }
0x5f: {  	[sflag:s31] =	ssyncset.done $0x0  }
0x60: {  	s16 =	sadd.s32 $0x280, s15;
	[sflag:s31] =	ssyncadd.s32 $0xFFFFE000  }
0x61: {  	[tilespmem:s22], [sflag:$0x2] =	stream.indirect.gather [hbm4b:s4+s19], $0x80, s16, s19, $0xb8;
	[tilespmem:$0x1E800] =	vst v63  }
0x62: {  	_ =	swait.ge [sflag:s0], $0x2000  }
0x63: {  	[sflag:s0] =	ssyncset.done $0x0  }
0x64: {  	s16 =	sadd.s32 $0x1500, s15;
	[sflag:s0] =	ssyncadd.s32 $0xFFFFE000  }
0x65: {  	[spmem:s2] =	stream.indirect.scatter.add.f32 [tilespmem:s24], [sflag:$0x7], $0x80, s16, s19, $0xb8;
	[tilespmem:$0x1E800] =	vst v63  }
0x66: {  	_ =	swait.ge [sflag:s1], $0x2000  }
0x67: {  	[sflag:s1] =	ssyncset.done $0x0  }
0x68: {  	s16 =	sadd.s32 $0x300, s15;
	[sflag:s1] =	ssyncadd.s32 $0xFFFFE000  }
0x69: {  	[tilespmem:s24], [sflag:$0x3] =	stream.indirect.gather [hbm4b:s4+s19], $0x80, s16, s19, $0xb8;
	[tilespmem:$0x1E800] =	vst v63  }
0x6a: {  	_ =	swait.ge [sflag:s5], $0x2000  }
0x6b: {  	[sflag:s5] =	ssyncset.done $0x0  }
.Ltmp0:
0x6c: {  	s16 =	sadd.s32 $0x1580, s15;
	[sflag:s5] =	ssyncadd.s32 $0xFFFFE000;
	(pc) =	sbr.rel @p0 .LBB2_2-.Ltmp0, $4  }
0x6d: {  	[spmem:s2] =	stream.indirect.scatter.add.f32 [tilespmem:s26], [sflag:$0x8], $0x80, s16, s19, $0xb8;
	[tilespmem:$0x1E800] =	vst v63  }
0x6e: {  	_ =	swait.ge [sflag:s6], $0x2000  }
0x6f: {  	[sflag:s6] =	ssyncset.done $0x0  }
0x70: {  	s15 =	sadd.s32 $0x380, s15;
	[sflag:s6] =	ssyncadd.s32 $0xFFFFE000  }
0x71: {  	[tilespmem:s26], [sflag:$0x4] =	stream.indirect.gather [hbm4b:s4+s19], $0x80, s15, s19, $0xb8;
	[tilespmem:$0x1E800] =	vst v63  }
0x72: {  	_ =	swait.ge [sflag:s28], $0x2000  }
0x73: {  	[sflag:s28] =	ssyncset.done $0x0  }
0x74: {  	[sflag:s28] =	ssyncadd.s32 $0xFFFFE000  }
0x75: {  	[spmem:s2] =	stream.indirect.scatter.add.f32 [tilespmem:s20], [sflag:$0x5], $0x80, s7, s19, $0xb8;
	[tilespmem:$0x1E800] =	vst v63  }
0x76: {  	_ =	swait.ge [sflag:s30], $0x2000  }
0x77: {  	[sflag:s30] =	ssyncset.done $0x0  }
0x78: {  	[sflag:s30] =	ssyncadd.s32 $0xFFFFE000  }
0x79: {  	[spmem:s2] =	stream.indirect.scatter.add.f32 [tilespmem:s22], [sflag:$0x6], $0x80, s8, s19, $0xb8;
	[tilespmem:$0x1E800] =	vst v63  }
0x7a: {  	_ =	swait.ge [sflag:s0], $0x2000  }
0x7b: {  	[sflag:s0] =	ssyncset.done $0x0  }
0x7c: {  	[sflag:s0] =	ssyncadd.s32 $0xFFFFE000  }
0x7d: {  	[spmem:s2] =	stream.indirect.scatter.add.f32 [tilespmem:s24], [sflag:$0x7], $0x80, s9, s19, $0xb8;
	[tilespmem:$0x1E800] =	vst v63  }
0x7e: {  	_ =	swait.ge [sflag:s5], $0x2000  }
0x7f: {  	[sflag:s5] =	ssyncset.done $0x0  }
0x80: {  	[sflag:s5] =	ssyncadd.s32 $0xFFFFE000  }
0x81: {  	[spmem:s2] =	stream.indirect.scatter.add.f32 [tilespmem:s26], [sflag:$0x8], $0x80, s10, s19, $0xb8;
	[tilespmem:$0x1E800] =	vst v63  }
0x82: {  	_ =	swait.ge [sflag:s29], $0x2000  }
0x83: {  	[sflag:s29] =	ssyncset.done $0x0  }
0x84: {  	[sflag:s29] =	ssyncadd.s32 $0xFFFFE000  }
0x85: {  	_ =	swait.ge [sflag:s31], $0x2000  }
0x86: {  	[sflag:s31] =	ssyncset.done $0x0  }
0x87: {  	[sflag:s31] =	ssyncadd.s32 $0xFFFFE000  }
0x88: {  	_ =	swait.ge [sflag:s1], $0x2000  }
0x89: {  	[sflag:s1] =	ssyncset.done $0x0  }
0x8a: {  	[sflag:s1] =	ssyncadd.s32 $0xFFFFE000  }
0x8b: {  	_ =	swait.ge [sflag:s6], $0x2000  }
0x8c: {  	[sflag:s6] =	ssyncset.done $0x0  }
0x8d: {  	s14 =	simm.s32 $0x0;
	s16 =	rddreg [dreg:$0x8];
	[sflag:s6] =	ssyncadd.s32 $0xFFFFE000  }
0x8e: {  	[tilespmem:s14], [sflag:$0x9] =	stream.linear.gather [hbm4b:s16+s14], $0x1400, $0x38;
	[tilespmem:$0x1E800] =	vst v63  }
0x8f: {  	_ =	swait.ge [sflag:s17], $0x1400  }
0x90: {  	[sflag:s17] =	ssyncset.done $0x0  }
0x91: {  	s16 =	rddreg [dreg:$0x9];
	[sflag:s17] =	ssyncadd.s32 $0xFFFFEC00  }
0x92: {  	[tilespmem:s18], [sflag:$0x9] =	stream.linear.gather [hbm4b:s16+s14], $0x1400, $0x38;
	[tilespmem:$0x1E800] =	vst v63  }
0x93: {  	_ =	swait.ge [sflag:s17], $0x1400  }
0x94: {  	[sflag:s17] =	ssyncset.done $0x0  }
0x95: {  	[sflag:s17] =	ssyncadd.s32 $0xFFFFEC00  }
0x96: {  	[tilespmem:s20], [sflag:$0x1] =	stream.indirect.gather [hbm4b:s4+s19], $0x80, s14, s19, $0xb8;
	[tilespmem:$0x1E800] =	vst v63  }
0x97: {  	_ = 	snop  }
0x98: {  	[tilespmem:s22], [sflag:$0x2] =	stream.indirect.gather [hbm4b:s4+s19], $0x80, s21, s19, $0xb8;
	[tilespmem:$0x1E800] =	vst v63  }
0x99: {  	_ = 	snop  }
0x9a: {  	[tilespmem:s24], [sflag:$0x3] =	stream.indirect.gather [hbm4b:s4+s19], $0x80, s23, s19, $0xb8;
	[tilespmem:$0x1E800] =	vst v63  }
0x9b: {  	_ = 	snop  }
0x9c: {  	[tilespmem:s26], [sflag:$0x4] =	stream.indirect.gather [hbm4b:s4+s19], $0x80, s25, s19, $0xb8;
	[tilespmem:$0x1E800] =	vst v63  }
0x9d: {  	_ =	swait.ge [sflag:s28], $0x2000  }
0x9e: {  	[sflag:s28] =	ssyncset.done $0x0  }
0x9f: {  	s16 =	simm.s32 $0x1400;
	[sflag:s28] =	ssyncadd.s32 $0xFFFFE000  }
0xa0: {  	[spmem:s2] =	stream.indirect.scatter.add.f32 [tilespmem:s20], [sflag:$0x5], $0x80, s16, s19, $0xb8;
	[tilespmem:$0x1E800] =	vst v63  }
0xa1: {  	_ =	swait.ge [sflag:s29], $0x2000  }
0xa2: {  	[sflag:s29] =	ssyncset.done $0x0  }
0xa3: {  	s15 =	simm.s32 $0x200;
	[sflag:s29] =	ssyncadd.s32 $0xFFFFE000  }
0xa4: {  	[tilespmem:s20], [sflag:$0x1] =	stream.indirect.gather [hbm4b:s4+s19], $0x80, s15, s19, $0xb8;
	[tilespmem:$0x1E800] =	vst v63  }
0xa5: {  	_ =	swait.ge [sflag:s30], $0x2000  }
0xa6: {  	[sflag:s30] =	ssyncset.done $0x0  }
0xa7: {  	s16 =	simm.s32 $0x1480;
	[sflag:s30] =	ssyncadd.s32 $0xFFFFE000  }
0xa8: {  	[spmem:s2] =	stream.indirect.scatter.add.f32 [tilespmem:s22], [sflag:$0x6], $0x80, s16, s19, $0xb8;
	[tilespmem:$0x1E800] =	vst v63  }
0xa9: {  	_ =	swait.ge [sflag:s31], $0x2000  }
0xaa: {  	[sflag:s31] =	ssyncset.done $0x0  }
0xab: {  	s15 =	simm.s32 $0x280;
	[sflag:s31] =	ssyncadd.s32 $0xFFFFE000  }
0xac: {  	[tilespmem:s22], [sflag:$0x2] =	stream.indirect.gather [hbm4b:s4+s19], $0x80, s15, s19, $0xb8;
	[tilespmem:$0x1E800] =	vst v63  }
0xad: {  	_ =	swait.ge [sflag:s0], $0x2000  }
0xae: {  	[sflag:s0] =	ssyncset.done $0x0  }
0xaf: {  	s16 =	simm.s32 $0x1500;
	[sflag:s0] =	ssyncadd.s32 $0xFFFFE000  }
0xb0: {  	[spmem:s2] =	stream.indirect.scatter.add.f32 [tilespmem:s24], [sflag:$0x7], $0x80, s16, s19, $0xb8;
	[tilespmem:$0x1E800] =	vst v63  }
0xb1: {  	_ =	swait.ge [sflag:s1], $0x2000  }
0xb2: {  	[sflag:s1] =	ssyncset.done $0x0  }
0xb3: {  	s15 =	simm.s32 $0x300;
	[sflag:s1] =	ssyncadd.s32 $0xFFFFE000  }
0xb4: {  	[tilespmem:s24], [sflag:$0x3] =	stream.indirect.gather [hbm4b:s4+s19], $0x80, s15, s19, $0xb8;
	[tilespmem:$0x1E800] =	vst v63  }
0xb5: {  	_ =	swait.ge [sflag:s5], $0x2000  }
0xb6: {  	[sflag:s5] =	ssyncset.done $0x0  }
0xb7: {  	s16 =	simm.s32 $0x1580;
	[sflag:s5] =	ssyncadd.s32 $0xFFFFE000  }
0xb8: {  	[spmem:s2] =	stream.indirect.scatter.add.f32 [tilespmem:s26], [sflag:$0x8], $0x80, s16, s19, $0xb8;
	[tilespmem:$0x1E800] =	vst v63  }
0xb9: {  	_ =	swait.ge [sflag:s6], $0x2000  }
0xba: {  	[sflag:s6] =	ssyncset.done $0x0  }
0xbb: {  	s14 =	simm.s32 $0x800;
	s15 =	simm.s32 $0x380;
	[sflag:s6] =	ssyncadd.s32 $0xFFFFE000  }
.LBB2_4:
0xbc: {  	[tilespmem:s26], [sflag:$0x4] =	stream.indirect.gather [hbm4b:s4+s19], $0x80, s15, s19, $0xb8;
	[tilespmem:$0x1E800] =	vst v63  }
0xbd: {  	s15 =	smov.u32 s14  }
0xbe: {  	p0 =	sne.s32 s14, $0x4000;
	s14 =	sadd.s32 $0x800, s14;
	_ =	swait.ge [sflag:s28], $0x2000  }
0xbf: {  	s15 =	sshra.s32 s15, $0x2;
	[sflag:s28] =	ssyncset.done $0x0  }
0xc0: {  	s16 =	sadd.s32 $0x1400, s15;
	[sflag:s28] =	ssyncadd.s32 $0xFFFFE000  }
0xc1: {  	[spmem:s2] =	stream.indirect.scatter.add.f32 [tilespmem:s20], [sflag:$0x5], $0x80, s16, s19, $0xb8;
	[tilespmem:$0x1E800] =	vst v63  }
0xc2: {  	_ =	swait.ge [sflag:s29], $0x2000  }
0xc3: {  	[sflag:s29] =	ssyncset.done $0x0  }
0xc4: {  	s16 =	sadd.s32 $0x200, s15;
	[sflag:s29] =	ssyncadd.s32 $0xFFFFE000  }
0xc5: {  	[tilespmem:s20], [sflag:$0x1] =	stream.indirect.gather [hbm4b:s4+s19], $0x80, s16, s19, $0xb8;
	[tilespmem:$0x1E800] =	vst v63  }
0xc6: {  	_ =	swait.ge [sflag:s30], $0x2000  }
0xc7: {  	[sflag:s30] =	ssyncset.done $0x0  }
0xc8: {  	s16 =	sadd.s32 $0x1480, s15;
	[sflag:s30] =	ssyncadd.s32 $0xFFFFE000  }
0xc9: {  	[spmem:s2] =	stream.indirect.scatter.add.f32 [tilespmem:s22], [sflag:$0x6], $0x80, s16, s19, $0xb8;
	[tilespmem:$0x1E800] =	vst v63  }
0xca: {  	_ =	swait.ge [sflag:s31], $0x2000  }
0xcb: {  	[sflag:s31] =	ssyncset.done $0x0  }
0xcc: {  	s16 =	sadd.s32 $0x280, s15;
	[sflag:s31] =	ssyncadd.s32 $0xFFFFE000  }
0xcd: {  	[tilespmem:s22], [sflag:$0x2] =	stream.indirect.gather [hbm4b:s4+s19], $0x80, s16, s19, $0xb8;
	[tilespmem:$0x1E800] =	vst v63  }
0xce: {  	_ =	swait.ge [sflag:s0], $0x2000  }
0xcf: {  	[sflag:s0] =	ssyncset.done $0x0  }
0xd0: {  	s16 =	sadd.s32 $0x1500, s15;
	[sflag:s0] =	ssyncadd.s32 $0xFFFFE000  }
0xd1: {  	[spmem:s2] =	stream.indirect.scatter.add.f32 [tilespmem:s24], [sflag:$0x7], $0x80, s16, s19, $0xb8;
	[tilespmem:$0x1E800] =	vst v63  }
0xd2: {  	_ =	swait.ge [sflag:s1], $0x2000  }
0xd3: {  	[sflag:s1] =	ssyncset.done $0x0  }
0xd4: {  	s16 =	sadd.s32 $0x300, s15;
	[sflag:s1] =	ssyncadd.s32 $0xFFFFE000  }
0xd5: {  	[tilespmem:s24], [sflag:$0x3] =	stream.indirect.gather [hbm4b:s4+s19], $0x80, s16, s19, $0xb8;
	[tilespmem:$0x1E800] =	vst v63  }
0xd6: {  	_ =	swait.ge [sflag:s5], $0x2000  }
0xd7: {  	[sflag:s5] =	ssyncset.done $0x0  }
.Ltmp1:
0xd8: {  	s16 =	sadd.s32 $0x1580, s15;
	[sflag:s5] =	ssyncadd.s32 $0xFFFFE000;
	(pc) =	sbr.rel @p0 .LBB2_4-.Ltmp1, $4  }
0xd9: {  	[spmem:s2] =	stream.indirect.scatter.add.f32 [tilespmem:s26], [sflag:$0x8], $0x80, s16, s19, $0xb8;
	[tilespmem:$0x1E800] =	vst v63  }
0xda: {  	_ =	swait.ge [sflag:s6], $0x2000  }
0xdb: {  	[sflag:s6] =	ssyncset.done $0x0  }
0xdc: {  	s15 =	sadd.s32 $0x380, s15;
	[sflag:s6] =	ssyncadd.s32 $0xFFFFE000  }
0xdd: {  	[tilespmem:s26], [sflag:$0x4] =	stream.indirect.gather [hbm4b:s4+s19], $0x80, s15, s19, $0xb8;
	[tilespmem:$0x1E800] =	vst v63  }
0xde: {  	_ =	swait.ge [sflag:s28], $0x2000  }
0xdf: {  	[sflag:s28] =	ssyncset.done $0x0  }
0xe0: {  	[sflag:s28] =	ssyncadd.s32 $0xFFFFE000  }
0xe1: {  	[spmem:s2] =	stream.indirect.scatter.add.f32 [tilespmem:s20], [sflag:$0x5], $0x80, s7, s19, $0xb8;
	[tilespmem:$0x1E800] =	vst v63  }
0xe2: {  	_ =	swait.ge [sflag:s30], $0x2000  }
0xe3: {  	[sflag:s30] =	ssyncset.done $0x0  }
0xe4: {  	[sflag:s30] =	ssyncadd.s32 $0xFFFFE000  }
0xe5: {  	[spmem:s2] =	stream.indirect.scatter.add.f32 [tilespmem:s22], [sflag:$0x6], $0x80, s8, s19, $0xb8;
	[tilespmem:$0x1E800] =	vst v63  }
0xe6: {  	_ =	swait.ge [sflag:s0], $0x2000  }
0xe7: {  	[sflag:s0] =	ssyncset.done $0x0  }
0xe8: {  	[sflag:s0] =	ssyncadd.s32 $0xFFFFE000  }
0xe9: {  	[spmem:s2] =	stream.indirect.scatter.add.f32 [tilespmem:s24], [sflag:$0x7], $0x80, s9, s19, $0xb8;
	[tilespmem:$0x1E800] =	vst v63  }
0xea: {  	_ =	swait.ge [sflag:s5], $0x2000  }
0xeb: {  	[sflag:s5] =	ssyncset.done $0x0  }
0xec: {  	[sflag:s5] =	ssyncadd.s32 $0xFFFFE000  }
0xed: {  	[spmem:s2] =	stream.indirect.scatter.add.f32 [tilespmem:s26], [sflag:$0x8], $0x80, s10, s19, $0xb8;
	[tilespmem:$0x1E800] =	vst v63  }
0xee: {  	_ =	swait.ge [sflag:s29], $0x2000  }
0xef: {  	[sflag:s29] =	ssyncset.done $0x0  }
0xf0: {  	[sflag:s29] =	ssyncadd.s32 $0xFFFFE000  }
0xf1: {  	_ =	swait.ge [sflag:s31], $0x2000  }
0xf2: {  	[sflag:s31] =	ssyncset.done $0x0  }
0xf3: {  	[sflag:s31] =	ssyncadd.s32 $0xFFFFE000  }
0xf4: {  	_ =	swait.ge [sflag:s1], $0x2000  }
0xf5: {  	[sflag:s1] =	ssyncset.done $0x0  }
0xf6: {  	[sflag:s1] =	ssyncadd.s32 $0xFFFFE000  }
0xf7: {  	_ =	swait.ge [sflag:s6], $0x2000  }
0xf8: {  	[sflag:s6] =	ssyncset.done $0x0  }
0xf9: {  	s14 =	simm.s32 $0x0;
	s16 =	rddreg [dreg:$0xa];
	[sflag:s6] =	ssyncadd.s32 $0xFFFFE000  }
0xfa: {  	[tilespmem:s14], [sflag:$0x9] =	stream.linear.gather [hbm4b:s16+s14], $0x1400, $0x38;
	[tilespmem:$0x1E800] =	vst v63  }
0xfb: {  	_ =	swait.ge [sflag:s17], $0x1400  }
0xfc: {  	[sflag:s17] =	ssyncset.done $0x0  }
0xfd: {  	s16 =	rddreg [dreg:$0xb];
	[sflag:s17] =	ssyncadd.s32 $0xFFFFEC00  }
0xfe: {  	[tilespmem:s18], [sflag:$0x9] =	stream.linear.gather [hbm4b:s16+s14], $0x1400, $0x38;
	[tilespmem:$0x1E800] =	vst v63  }
0xff: {  	_ =	swait.ge [sflag:s17], $0x1400  }
0x100: {  	[sflag:s17] =	ssyncset.done $0x0  }
0x101: {  	[sflag:s17] =	ssyncadd.s32 $0xFFFFEC00  }
0x102: {  	[tilespmem:s20], [sflag:$0x1] =	stream.indirect.gather [hbm4b:s4+s19], $0x80, s14, s19, $0xb8;
	[tilespmem:$0x1E800] =	vst v63  }
0x103: {  	_ = 	snop  }
0x104: {  	[tilespmem:s22], [sflag:$0x2] =	stream.indirect.gather [hbm4b:s4+s19], $0x80, s21, s19, $0xb8;
	[tilespmem:$0x1E800] =	vst v63  }
0x105: {  	_ = 	snop  }
0x106: {  	[tilespmem:s24], [sflag:$0x3] =	stream.indirect.gather [hbm4b:s4+s19], $0x80, s23, s19, $0xb8;
	[tilespmem:$0x1E800] =	vst v63  }
0x107: {  	_ = 	snop  }
0x108: {  	[tilespmem:s26], [sflag:$0x4] =	stream.indirect.gather [hbm4b:s4+s19], $0x80, s25, s19, $0xb8;
	[tilespmem:$0x1E800] =	vst v63  }
0x109: {  	_ =	swait.ge [sflag:s28], $0x2000  }
0x10a: {  	[sflag:s28] =	ssyncset.done $0x0  }
0x10b: {  	s16 =	simm.s32 $0x1400;
	[sflag:s28] =	ssyncadd.s32 $0xFFFFE000  }
0x10c: {  	[spmem:s2] =	stream.indirect.scatter.add.f32 [tilespmem:s20], [sflag:$0x5], $0x80, s16, s19, $0xb8;
	[tilespmem:$0x1E800] =	vst v63  }
0x10d: {  	_ =	swait.ge [sflag:s29], $0x2000  }
0x10e: {  	[sflag:s29] =	ssyncset.done $0x0  }
0x10f: {  	s15 =	simm.s32 $0x200;
	[sflag:s29] =	ssyncadd.s32 $0xFFFFE000  }
0x110: {  	[tilespmem:s20], [sflag:$0x1] =	stream.indirect.gather [hbm4b:s4+s19], $0x80, s15, s19, $0xb8;
	[tilespmem:$0x1E800] =	vst v63  }
0x111: {  	_ =	swait.ge [sflag:s30], $0x2000  }
0x112: {  	[sflag:s30] =	ssyncset.done $0x0  }
0x113: {  	s16 =	simm.s32 $0x1480;
	[sflag:s30] =	ssyncadd.s32 $0xFFFFE000  }
0x114: {  	[spmem:s2] =	stream.indirect.scatter.add.f32 [tilespmem:s22], [sflag:$0x6], $0x80, s16, s19, $0xb8;
	[tilespmem:$0x1E800] =	vst v63  }
0x115: {  	_ =	swait.ge [sflag:s31], $0x2000  }
0x116: {  	[sflag:s31] =	ssyncset.done $0x0  }
0x117: {  	s15 =	simm.s32 $0x280;
	[sflag:s31] =	ssyncadd.s32 $0xFFFFE000  }
0x118: {  	[tilespmem:s22], [sflag:$0x2] =	stream.indirect.gather [hbm4b:s4+s19], $0x80, s15, s19, $0xb8;
	[tilespmem:$0x1E800] =	vst v63  }
0x119: {  	_ =	swait.ge [sflag:s0], $0x2000  }
0x11a: {  	[sflag:s0] =	ssyncset.done $0x0  }
0x11b: {  	s16 =	simm.s32 $0x1500;
	[sflag:s0] =	ssyncadd.s32 $0xFFFFE000  }
0x11c: {  	[spmem:s2] =	stream.indirect.scatter.add.f32 [tilespmem:s24], [sflag:$0x7], $0x80, s16, s19, $0xb8;
	[tilespmem:$0x1E800] =	vst v63  }
0x11d: {  	_ =	swait.ge [sflag:s1], $0x2000  }
0x11e: {  	[sflag:s1] =	ssyncset.done $0x0  }
0x11f: {  	s15 =	simm.s32 $0x300;
	[sflag:s1] =	ssyncadd.s32 $0xFFFFE000  }
0x120: {  	[tilespmem:s24], [sflag:$0x3] =	stream.indirect.gather [hbm4b:s4+s19], $0x80, s15, s19, $0xb8;
	[tilespmem:$0x1E800] =	vst v63  }
0x121: {  	_ =	swait.ge [sflag:s5], $0x2000  }
0x122: {  	[sflag:s5] =	ssyncset.done $0x0  }
0x123: {  	s16 =	simm.s32 $0x1580;
	[sflag:s5] =	ssyncadd.s32 $0xFFFFE000  }
0x124: {  	[spmem:s2] =	stream.indirect.scatter.add.f32 [tilespmem:s26], [sflag:$0x8], $0x80, s16, s19, $0xb8;
	[tilespmem:$0x1E800] =	vst v63  }
0x125: {  	_ =	swait.ge [sflag:s6], $0x2000  }
0x126: {  	[sflag:s6] =	ssyncset.done $0x0  }
0x127: {  	s14 =	simm.s32 $0x800;
	s15 =	simm.s32 $0x380;
	[sflag:s6] =	ssyncadd.s32 $0xFFFFE000  }
.LBB2_6:
0x128: {  	[tilespmem:s26], [sflag:$0x4] =	stream.indirect.gather [hbm4b:s4+s19], $0x80, s15, s19, $0xb8;
	[tilespmem:$0x1E800] =	vst v63  }
0x129: {  	s15 =	smov.u32 s14  }
0x12a: {  	p0 =	sne.s32 s14, $0x4000;
	s14 =	sadd.s32 $0x800, s14;
	_ =	swait.ge [sflag:s28], $0x2000  }
0x12b: {  	s15 =	sshra.s32 s15, $0x2;
	[sflag:s28] =	ssyncset.done $0x0  }
0x12c: {  	s16 =	sadd.s32 $0x1400, s15;
	[sflag:s28] =	ssyncadd.s32 $0xFFFFE000  }
0x12d: {  	[spmem:s2] =	stream.indirect.scatter.add.f32 [tilespmem:s20], [sflag:$0x5], $0x80, s16, s19, $0xb8;
	[tilespmem:$0x1E800] =	vst v63  }
0x12e: {  	_ =	swait.ge [sflag:s29], $0x2000  }
0x12f: {  	[sflag:s29] =	ssyncset.done $0x0  }
0x130: {  	s16 =	sadd.s32 $0x200, s15;
	[sflag:s29] =	ssyncadd.s32 $0xFFFFE000  }
0x131: {  	[tilespmem:s20], [sflag:$0x1] =	stream.indirect.gather [hbm4b:s4+s19], $0x80, s16, s19, $0xb8;
	[tilespmem:$0x1E800] =	vst v63  }
0x132: {  	_ =	swait.ge [sflag:s30], $0x2000  }
0x133: {  	[sflag:s30] =	ssyncset.done $0x0  }
0x134: {  	s16 =	sadd.s32 $0x1480, s15;
	[sflag:s30] =	ssyncadd.s32 $0xFFFFE000  }
0x135: {  	[spmem:s2] =	stream.indirect.scatter.add.f32 [tilespmem:s22], [sflag:$0x6], $0x80, s16, s19, $0xb8;
	[tilespmem:$0x1E800] =	vst v63  }
0x136: {  	_ =	swait.ge [sflag:s31], $0x2000  }
0x137: {  	[sflag:s31] =	ssyncset.done $0x0  }
0x138: {  	s16 =	sadd.s32 $0x280, s15;
	[sflag:s31] =	ssyncadd.s32 $0xFFFFE000  }
0x139: {  	[tilespmem:s22], [sflag:$0x2] =	stream.indirect.gather [hbm4b:s4+s19], $0x80, s16, s19, $0xb8;
	[tilespmem:$0x1E800] =	vst v63  }
0x13a: {  	_ =	swait.ge [sflag:s0], $0x2000  }
0x13b: {  	[sflag:s0] =	ssyncset.done $0x0  }
0x13c: {  	s16 =	sadd.s32 $0x1500, s15;
	[sflag:s0] =	ssyncadd.s32 $0xFFFFE000  }
0x13d: {  	[spmem:s2] =	stream.indirect.scatter.add.f32 [tilespmem:s24], [sflag:$0x7], $0x80, s16, s19, $0xb8;
	[tilespmem:$0x1E800] =	vst v63  }
0x13e: {  	_ =	swait.ge [sflag:s1], $0x2000  }
0x13f: {  	[sflag:s1] =	ssyncset.done $0x0  }
0x140: {  	s16 =	sadd.s32 $0x300, s15;
	[sflag:s1] =	ssyncadd.s32 $0xFFFFE000  }
0x141: {  	[tilespmem:s24], [sflag:$0x3] =	stream.indirect.gather [hbm4b:s4+s19], $0x80, s16, s19, $0xb8;
	[tilespmem:$0x1E800] =	vst v63  }
0x142: {  	_ =	swait.ge [sflag:s5], $0x2000  }
0x143: {  	[sflag:s5] =	ssyncset.done $0x0  }
.Ltmp2:
0x144: {  	s16 =	sadd.s32 $0x1580, s15;
	[sflag:s5] =	ssyncadd.s32 $0xFFFFE000;
	(pc) =	sbr.rel @p0 .LBB2_6-.Ltmp2, $4  }
0x145: {  	[spmem:s2] =	stream.indirect.scatter.add.f32 [tilespmem:s26], [sflag:$0x8], $0x80, s16, s19, $0xb8;
	[tilespmem:$0x1E800] =	vst v63  }
0x146: {  	_ =	swait.ge [sflag:s6], $0x2000  }
0x147: {  	[sflag:s6] =	ssyncset.done $0x0  }
0x148: {  	s15 =	sadd.s32 $0x380, s15;
	[sflag:s6] =	ssyncadd.s32 $0xFFFFE000  }
0x149: {  	[tilespmem:s26], [sflag:$0x4] =	stream.indirect.gather [hbm4b:s4+s19], $0x80, s15, s19, $0xb8;
	[tilespmem:$0x1E800] =	vst v63  }
0x14a: {  	_ =	swait.ge [sflag:s28], $0x2000  }
0x14b: {  	[sflag:s28] =	ssyncset.done $0x0  }
0x14c: {  	[sflag:s28] =	ssyncadd.s32 $0xFFFFE000  }
0x14d: {  	[spmem:s2] =	stream.indirect.scatter.add.f32 [tilespmem:s20], [sflag:$0x5], $0x80, s7, s19, $0xb8;
	[tilespmem:$0x1E800] =	vst v63  }
0x14e: {  	_ =	swait.ge [sflag:s30], $0x2000  }
0x14f: {  	[sflag:s30] =	ssyncset.done $0x0  }
0x150: {  	[sflag:s30] =	ssyncadd.s32 $0xFFFFE000  }
0x151: {  	[spmem:s2] =	stream.indirect.scatter.add.f32 [tilespmem:s22], [sflag:$0x6], $0x80, s8, s19, $0xb8;
	[tilespmem:$0x1E800] =	vst v63  }
0x152: {  	_ =	swait.ge [sflag:s0], $0x2000  }
0x153: {  	[sflag:s0] =	ssyncset.done $0x0  }
0x154: {  	[sflag:s0] =	ssyncadd.s32 $0xFFFFE000  }
0x155: {  	[spmem:s2] =	stream.indirect.scatter.add.f32 [tilespmem:s24], [sflag:$0x7], $0x80, s9, s19, $0xb8;
	[tilespmem:$0x1E800] =	vst v63  }
0x156: {  	_ =	swait.ge [sflag:s5], $0x2000  }
0x157: {  	[sflag:s5] =	ssyncset.done $0x0  }
0x158: {  	[sflag:s5] =	ssyncadd.s32 $0xFFFFE000  }
0x159: {  	[spmem:s2] =	stream.indirect.scatter.add.f32 [tilespmem:s26], [sflag:$0x8], $0x80, s10, s19, $0xb8;
	[tilespmem:$0x1E800] =	vst v63  }
0x15a: {  	_ =	swait.ge [sflag:s29], $0x2000  }
0x15b: {  	[sflag:s29] =	ssyncset.done $0x0  }
0x15c: {  	[sflag:s29] =	ssyncadd.s32 $0xFFFFE000  }
0x15d: {  	_ =	swait.ge [sflag:s31], $0x2000  }
0x15e: {  	[sflag:s31] =	ssyncset.done $0x0  }
0x15f: {  	[sflag:s31] =	ssyncadd.s32 $0xFFFFE000  }
0x160: {  	_ =	swait.ge [sflag:s1], $0x2000  }
0x161: {  	[sflag:s1] =	ssyncset.done $0x0  }
0x162: {  	[sflag:s1] =	ssyncadd.s32 $0xFFFFE000  }
0x163: {  	_ =	swait.ge [sflag:s6], $0x2000  }
0x164: {  	[sflag:s6] =	ssyncset.done $0x0  }
0x165: {  	s14 =	simm.s32 $0x0;
	s16 =	rddreg [dreg:$0xc];
	[sflag:s6] =	ssyncadd.s32 $0xFFFFE000  }
0x166: {  	[tilespmem:s14], [sflag:$0x9] =	stream.linear.gather [hbm4b:s16+s14], $0x1400, $0x38;
	[tilespmem:$0x1E800] =	vst v63  }
0x167: {  	_ =	swait.ge [sflag:s17], $0x1400  }
0x168: {  	[sflag:s17] =	ssyncset.done $0x0  }
0x169: {  	s16 =	rddreg [dreg:$0xd];
	[sflag:s17] =	ssyncadd.s32 $0xFFFFEC00  }
0x16a: {  	[tilespmem:s18], [sflag:$0x9] =	stream.linear.gather [hbm4b:s16+s14], $0x1400, $0x38;
	[tilespmem:$0x1E800] =	vst v63  }
0x16b: {  	_ =	swait.ge [sflag:s17], $0x1400  }
0x16c: {  	[sflag:s17] =	ssyncset.done $0x0  }
0x16d: {  	[sflag:s17] =	ssyncadd.s32 $0xFFFFEC00  }
0x16e: {  	[tilespmem:s20], [sflag:$0x1] =	stream.indirect.gather [hbm4b:s4+s19], $0x80, s14, s19, $0xb8;
	[tilespmem:$0x1E800] =	vst v63  }
0x16f: {  	_ = 	snop  }
0x170: {  	[tilespmem:s22], [sflag:$0x2] =	stream.indirect.gather [hbm4b:s4+s19], $0x80, s21, s19, $0xb8;
	[tilespmem:$0x1E800] =	vst v63  }
0x171: {  	_ = 	snop  }
0x172: {  	[tilespmem:s24], [sflag:$0x3] =	stream.indirect.gather [hbm4b:s4+s19], $0x80, s23, s19, $0xb8;
	[tilespmem:$0x1E800] =	vst v63  }
0x173: {  	_ = 	snop  }
0x174: {  	[tilespmem:s26], [sflag:$0x4] =	stream.indirect.gather [hbm4b:s4+s19], $0x80, s25, s19, $0xb8;
	[tilespmem:$0x1E800] =	vst v63  }
0x175: {  	_ =	swait.ge [sflag:s28], $0x2000  }
0x176: {  	[sflag:s28] =	ssyncset.done $0x0  }
0x177: {  	s16 =	simm.s32 $0x1400;
	[sflag:s28] =	ssyncadd.s32 $0xFFFFE000  }
0x178: {  	[spmem:s2] =	stream.indirect.scatter.add.f32 [tilespmem:s20], [sflag:$0x5], $0x80, s16, s19, $0xb8;
	[tilespmem:$0x1E800] =	vst v63  }
0x179: {  	_ =	swait.ge [sflag:s29], $0x2000  }
0x17a: {  	[sflag:s29] =	ssyncset.done $0x0  }
0x17b: {  	s15 =	simm.s32 $0x200;
	[sflag:s29] =	ssyncadd.s32 $0xFFFFE000  }
0x17c: {  	[tilespmem:s20], [sflag:$0x1] =	stream.indirect.gather [hbm4b:s4+s19], $0x80, s15, s19, $0xb8;
	[tilespmem:$0x1E800] =	vst v63  }
0x17d: {  	_ =	swait.ge [sflag:s30], $0x2000  }
0x17e: {  	[sflag:s30] =	ssyncset.done $0x0  }
0x17f: {  	s16 =	simm.s32 $0x1480;
	[sflag:s30] =	ssyncadd.s32 $0xFFFFE000  }
0x180: {  	[spmem:s2] =	stream.indirect.scatter.add.f32 [tilespmem:s22], [sflag:$0x6], $0x80, s16, s19, $0xb8;
	[tilespmem:$0x1E800] =	vst v63  }
0x181: {  	_ =	swait.ge [sflag:s31], $0x2000  }
0x182: {  	[sflag:s31] =	ssyncset.done $0x0  }
0x183: {  	s15 =	simm.s32 $0x280;
	[sflag:s31] =	ssyncadd.s32 $0xFFFFE000  }
0x184: {  	[tilespmem:s22], [sflag:$0x2] =	stream.indirect.gather [hbm4b:s4+s19], $0x80, s15, s19, $0xb8;
	[tilespmem:$0x1E800] =	vst v63  }
0x185: {  	_ =	swait.ge [sflag:s0], $0x2000  }
0x186: {  	[sflag:s0] =	ssyncset.done $0x0  }
0x187: {  	s16 =	simm.s32 $0x1500;
	[sflag:s0] =	ssyncadd.s32 $0xFFFFE000  }
0x188: {  	[spmem:s2] =	stream.indirect.scatter.add.f32 [tilespmem:s24], [sflag:$0x7], $0x80, s16, s19, $0xb8;
	[tilespmem:$0x1E800] =	vst v63  }
0x189: {  	_ =	swait.ge [sflag:s1], $0x2000  }
0x18a: {  	[sflag:s1] =	ssyncset.done $0x0  }
0x18b: {  	s15 =	simm.s32 $0x300;
	[sflag:s1] =	ssyncadd.s32 $0xFFFFE000  }
0x18c: {  	[tilespmem:s24], [sflag:$0x3] =	stream.indirect.gather [hbm4b:s4+s19], $0x80, s15, s19, $0xb8;
	[tilespmem:$0x1E800] =	vst v63  }
0x18d: {  	_ =	swait.ge [sflag:s5], $0x2000  }
0x18e: {  	[sflag:s5] =	ssyncset.done $0x0  }
0x18f: {  	s16 =	simm.s32 $0x1580;
	[sflag:s5] =	ssyncadd.s32 $0xFFFFE000  }
0x190: {  	[spmem:s2] =	stream.indirect.scatter.add.f32 [tilespmem:s26], [sflag:$0x8], $0x80, s16, s19, $0xb8;
	[tilespmem:$0x1E800] =	vst v63  }
0x191: {  	_ =	swait.ge [sflag:s6], $0x2000  }
0x192: {  	[sflag:s6] =	ssyncset.done $0x0  }
0x193: {  	s14 =	simm.s32 $0x800;
	s15 =	simm.s32 $0x380;
	[sflag:s6] =	ssyncadd.s32 $0xFFFFE000  }
.LBB2_8:
0x194: {  	[tilespmem:s26], [sflag:$0x4] =	stream.indirect.gather [hbm4b:s4+s19], $0x80, s15, s19, $0xb8;
	[tilespmem:$0x1E800] =	vst v63  }
0x195: {  	s15 =	smov.u32 s14  }
0x196: {  	p0 =	sne.s32 s14, $0x4000;
	s14 =	sadd.s32 $0x800, s14;
	_ =	swait.ge [sflag:s28], $0x2000  }
0x197: {  	s15 =	sshra.s32 s15, $0x2;
	[sflag:s28] =	ssyncset.done $0x0  }
0x198: {  	s16 =	sadd.s32 $0x1400, s15;
	[sflag:s28] =	ssyncadd.s32 $0xFFFFE000  }
0x199: {  	[spmem:s2] =	stream.indirect.scatter.add.f32 [tilespmem:s20], [sflag:$0x5], $0x80, s16, s19, $0xb8;
	[tilespmem:$0x1E800] =	vst v63  }
0x19a: {  	_ =	swait.ge [sflag:s29], $0x2000  }
0x19b: {  	[sflag:s29] =	ssyncset.done $0x0  }
0x19c: {  	s16 =	sadd.s32 $0x200, s15;
	[sflag:s29] =	ssyncadd.s32 $0xFFFFE000  }
0x19d: {  	[tilespmem:s20], [sflag:$0x1] =	stream.indirect.gather [hbm4b:s4+s19], $0x80, s16, s19, $0xb8;
	[tilespmem:$0x1E800] =	vst v63  }
0x19e: {  	_ =	swait.ge [sflag:s30], $0x2000  }
0x19f: {  	[sflag:s30] =	ssyncset.done $0x0  }
0x1a0: {  	s16 =	sadd.s32 $0x1480, s15;
	[sflag:s30] =	ssyncadd.s32 $0xFFFFE000  }
0x1a1: {  	[spmem:s2] =	stream.indirect.scatter.add.f32 [tilespmem:s22], [sflag:$0x6], $0x80, s16, s19, $0xb8;
	[tilespmem:$0x1E800] =	vst v63  }
0x1a2: {  	_ =	swait.ge [sflag:s31], $0x2000  }
0x1a3: {  	[sflag:s31] =	ssyncset.done $0x0  }
0x1a4: {  	s16 =	sadd.s32 $0x280, s15;
	[sflag:s31] =	ssyncadd.s32 $0xFFFFE000  }
0x1a5: {  	[tilespmem:s22], [sflag:$0x2] =	stream.indirect.gather [hbm4b:s4+s19], $0x80, s16, s19, $0xb8;
	[tilespmem:$0x1E800] =	vst v63  }
0x1a6: {  	_ =	swait.ge [sflag:s0], $0x2000  }
0x1a7: {  	[sflag:s0] =	ssyncset.done $0x0  }
0x1a8: {  	s16 =	sadd.s32 $0x1500, s15;
	[sflag:s0] =	ssyncadd.s32 $0xFFFFE000  }
0x1a9: {  	[spmem:s2] =	stream.indirect.scatter.add.f32 [tilespmem:s24], [sflag:$0x7], $0x80, s16, s19, $0xb8;
	[tilespmem:$0x1E800] =	vst v63  }
0x1aa: {  	_ =	swait.ge [sflag:s1], $0x2000  }
0x1ab: {  	[sflag:s1] =	ssyncset.done $0x0  }
0x1ac: {  	s16 =	sadd.s32 $0x300, s15;
	[sflag:s1] =	ssyncadd.s32 $0xFFFFE000  }
0x1ad: {  	[tilespmem:s24], [sflag:$0x3] =	stream.indirect.gather [hbm4b:s4+s19], $0x80, s16, s19, $0xb8;
	[tilespmem:$0x1E800] =	vst v63  }
0x1ae: {  	_ =	swait.ge [sflag:s5], $0x2000  }
0x1af: {  	[sflag:s5] =	ssyncset.done $0x0  }
.Ltmp3:
0x1b0: {  	s16 =	sadd.s32 $0x1580, s15;
	[sflag:s5] =	ssyncadd.s32 $0xFFFFE000;
	(pc) =	sbr.rel @p0 .LBB2_8-.Ltmp3, $4  }
0x1b1: {  	[spmem:s2] =	stream.indirect.scatter.add.f32 [tilespmem:s26], [sflag:$0x8], $0x80, s16, s19, $0xb8;
	[tilespmem:$0x1E800] =	vst v63  }
0x1b2: {  	_ =	swait.ge [sflag:s6], $0x2000  }
0x1b3: {  	[sflag:s6] =	ssyncset.done $0x0  }
0x1b4: {  	s15 =	sadd.s32 $0x380, s15;
	[sflag:s6] =	ssyncadd.s32 $0xFFFFE000  }
0x1b5: {  	[tilespmem:s26], [sflag:$0x4] =	stream.indirect.gather [hbm4b:s4+s19], $0x80, s15, s19, $0xb8;
	[tilespmem:$0x1E800] =	vst v63  }
0x1b6: {  	_ =	swait.ge [sflag:s28], $0x2000  }
0x1b7: {  	[sflag:s28] =	ssyncset.done $0x0  }
0x1b8: {  	[sflag:s28] =	ssyncadd.s32 $0xFFFFE000  }
0x1b9: {  	[spmem:s2] =	stream.indirect.scatter.add.f32 [tilespmem:s20], [sflag:$0x5], $0x80, s7, s19, $0xb8;
	[tilespmem:$0x1E800] =	vst v63  }
0x1ba: {  	_ =	swait.ge [sflag:s30], $0x2000  }
0x1bb: {  	[sflag:s30] =	ssyncset.done $0x0  }
0x1bc: {  	[sflag:s30] =	ssyncadd.s32 $0xFFFFE000  }
0x1bd: {  	[spmem:s2] =	stream.indirect.scatter.add.f32 [tilespmem:s22], [sflag:$0x6], $0x80, s8, s19, $0xb8;
	[tilespmem:$0x1E800] =	vst v63  }
0x1be: {  	_ =	swait.ge [sflag:s0], $0x2000  }
0x1bf: {  	[sflag:s0] =	ssyncset.done $0x0  }
0x1c0: {  	[sflag:s0] =	ssyncadd.s32 $0xFFFFE000  }
0x1c1: {  	[spmem:s2] =	stream.indirect.scatter.add.f32 [tilespmem:s24], [sflag:$0x7], $0x80, s9, s19, $0xb8;
	[tilespmem:$0x1E800] =	vst v63  }
0x1c2: {  	_ =	swait.ge [sflag:s5], $0x2000  }
0x1c3: {  	[sflag:s5] =	ssyncset.done $0x0  }
0x1c4: {  	[sflag:s5] =	ssyncadd.s32 $0xFFFFE000  }
0x1c5: {  	[spmem:s2] =	stream.indirect.scatter.add.f32 [tilespmem:s26], [sflag:$0x8], $0x80, s10, s19, $0xb8;
	[tilespmem:$0x1E800] =	vst v63  }
0x1c6: {  	_ =	swait.ge [sflag:s29], $0x2000  }
0x1c7: {  	[sflag:s29] =	ssyncset.done $0x0  }
0x1c8: {  	[sflag:s29] =	ssyncadd.s32 $0xFFFFE000  }
0x1c9: {  	_ =	swait.ge [sflag:s31], $0x2000  }
0x1ca: {  	[sflag:s31] =	ssyncset.done $0x0  }
0x1cb: {  	[sflag:s31] =	ssyncadd.s32 $0xFFFFE000  }
0x1cc: {  	_ =	swait.ge [sflag:s1], $0x2000  }
0x1cd: {  	[sflag:s1] =	ssyncset.done $0x0  }
0x1ce: {  	[sflag:s1] =	ssyncadd.s32 $0xFFFFE000  }
0x1cf: {  	_ =	swait.ge [sflag:s6], $0x2000  }
0x1d0: {  	[sflag:s6] =	ssyncset.done $0x0  }
0x1d1: {  	[sflag:s6] =	ssyncadd.s32 $0xFFFFE000  }
0x1d2: {  	[bflag:$0x0] =	sbarrier.arrive $0xFFFF  }
0x1d3: {  	s14 =	rddreg [dreg:$0xe]  }
0x1d4: {  	[hbm:s14], [sflag:s12] =	dma.local [spmem:s13], $0x2800  }
0x1d5: {  	_ =	swait.ge [sflag:s17], $0x2800  }
0x1d6: {  	s11 =	sadd.s32 $0x1, s11;
	s16 =	rddreg [dreg:$0xf]  }
0x1d7: {  	p0 =	sne.s32 s11, s16  }
.Ltmp4:
0x1d8: {  	_ = 	snop;
	(pc) =	sbr.rel @p0 .LBB2_1-.Ltmp4, $3  }
0x1d9: {  	_ =	sdelay $0x1  }
0x1da: {  	[sflag:s17] =	ssyncset.done $0x0  }
0x1db: {  	[sflag:s17] =	ssyncadd.s32 $0xFFFFD800  }
0x1dc: {  	_ =	sfence.sel $0x180000  }
0x1dd: {  	[bflag:$0x0] =	sbarrier.arrive $0xFFFF  }
0x1de: {  	_ =	strace $0x9000004D  }
0x1df: {  	s0 =	stileid.u32;
	[bflag:$0x2] =	sbarrier.arrive $0xFFFF  }
0x1e0: {  	p0 =	sne.s32 s0, $0x0;
	s0 =	rddreg [dreg:$0x3]  }
0x1e1: {  	s0 =	sadd.s32 @!p0 $0x100000, s0  }
0x1e2: {  	[sflag:s0] =	ssyncadd.tile.s32 @!p0 $0x1;
	_ =	shalt  }
.Lfunc_end2:
_tile_overlayer_lowered:
.L_overlay_start_2:
0x1e3: {  	(tag) =	ssettag $0x2  }
0x1e4: {  	s0 =	rddreg [dreg:$0x0];
	s2 =	stileid.u32  }
0x1e5: {  	s1 =	rddreg [dreg:$0x1];
	p0 =	sne.s32 s2, $0x0  }
0x1e6: {  	s3 =	rddreg [dreg:$0x2];
	[bflag:$0x3] =	sbarrier.arrive $0xFFFF;
	s2 =	simm.s32 @!p0 $0x1C09  }
0x1e7: {  	[timem:s3], [sflag:s2] =	dma.local @!p0 [hbm:s0], s1  }
0x1e8: {  	s0 =	simm.s32 @!p0 $0x9  }
0x1e9: {  	_ =	swait.ge @!p0 [sflag:s0], s1  }
0x1ea: {  	s1 =	ssub.s32 @!p0 $0x0, s1;
	[sflag:s0] =	ssyncset.done @!p0 $0x0  }
0x1eb: {  	[sflag:s0] =	ssyncadd.s32 @!p0 s1  }
0x1ec: {  	[bflag:$0x3] =	sbarrier.arrive $0xFFFF  }
0x1ed: {  	_ =	shalt  }

</sc_bundles>
